<compile_context>
chip_gen: v7x
topology: tpu7x:2x2x1
jax: 0.10.2.dev20260603
libtpu: 0.0.44.dev20260713+nightly
codegen_flags: <defaults>
</compile_context>

<pallas_src>
import functools

import jax
import jax.numpy as jnp
from jax import lax
from jax.experimental import pallas as pl
from jax.experimental.pallas import tpu as pltpu
from jax.experimental.pallas import tpu_sc as plsc

_N = 10000
_D = 128
_E = 320000
_NC = 2
_NS = 16
_SLAB = 128
_GROUP = 8
_N_ACC = 10240
_EROWS = 2560
_E_PAD = _EROWS * _SLAB


def _sc_mesh():
    return plsc.VectorSubcoreMesh(core_axis_name="c", subcore_axis_name="s",
                                  num_cores=_NC, num_subcores=_NS)


def _sc_spmm_wide(xs, src2, dst, z128):
    @functools.partial(
        pl.kernel,
        out_type=jax.ShapeDtypeStruct((_NC * _N_ACC, _D), jnp.float32),
        mesh=_sc_mesh(),
        scratch_types=[
            pltpu.VMEM((_GROUP, _SLAB), jnp.int32),
            pltpu.VMEM((_GROUP, _SLAB), jnp.int32),
            pltpu.VMEM((_SLAB, _D), jnp.float32),
            pltpu.VMEM((80, _D), jnp.float32),
            pltpu.VMEM_SHARED((_N_ACC, _D), jnp.float32),
            pltpu.SemaphoreType.DMA,
        ],
    )
    def k(xs_hbm, src_hbm, dst_hbm, z_hbm, out_hbm,
          src_v, dst_v, rows_v, bnc_v, acc_sh, sem):
        c = lax.axis_index("c")
        s = lax.axis_index("s")
        pltpu.sync_copy(z_hbm, bnc_v)
        for k8 in range(8):
            pltpu.sync_copy(bnc_v, acc_sh.at[pl.ds(s * 640 + k8 * 80, 80)])
        plsc.subcore_barrier()

        slabs_per_tile = _EROWS // _NS

        def group(g, carry):
            r0 = s * slabs_per_tile + g * _GROUP
            pltpu.sync_copy(src_hbm.at[pl.ds(c * _EROWS + r0, _GROUP)], src_v)
            pltpu.sync_copy(dst_hbm.at[pl.ds(r0, _GROUP)], dst_v)
            for j in range(_GROUP):
                pltpu.async_copy(xs_hbm.at[src_v.at[j]], rows_v, sem).wait()
                pltpu.sync_copy(rows_v, acc_sh.at[dst_v.at[j]], add=True)
            return carry

        lax.fori_loop(0, slabs_per_tile // _GROUP, group, 0)
        plsc.subcore_barrier()
        r0 = s * 640
        pltpu.sync_copy(acc_sh.at[pl.ds(r0, 640)],
                        out_hbm.at[pl.ds(c * _N_ACC + r0, 640)])

    return k(xs, src2, dst, z128)


def _sc_spmm_narrow(tbl3, src, dst, z640):
    @functools.partial(
        pl.kernel,
        out_type=jax.ShapeDtypeStruct((_NC * 3 * _N_ACC,), jnp.float32),
        mesh=_sc_mesh(),
        scratch_types=[
            pltpu.VMEM((_GROUP, _SLAB), jnp.int32),
            pltpu.VMEM((_GROUP, _SLAB), jnp.int32),
            pltpu.VMEM((_SLAB,), jnp.float32),
            pltpu.VMEM((640,), jnp.float32),
            pltpu.VMEM_SHARED((3 * _N_ACC,), jnp.float32),
            pltpu.SemaphoreType.DMA,
        ],
    )
    def k(tbl_hbm, src_hbm, dst_hbm, z_hbm, out_hbm,
          src_v, dst_v, vals_v, bnc_v, acc_sh, sem):
        c = lax.axis_index("c")
        s = lax.axis_index("s")
        pltpu.sync_copy(z_hbm, bnc_v)
        for kk in range(3):
            pltpu.sync_copy(bnc_v, acc_sh.at[pl.ds(kk * _N_ACC + s * 640, 640)])
        plsc.subcore_barrier()

        rows_per_core = _EROWS // _NC
        rows_per_tile = rows_per_core // _NS

        def group(g, carry):
            r0 = c * rows_per_core + s * rows_per_tile + g * _GROUP
            pltpu.sync_copy(src_hbm.at[pl.ds(r0, _GROUP)], src_v)
            pltpu.sync_copy(dst_hbm.at[pl.ds(r0, _GROUP)], dst_v)
            for j in range(_GROUP):
                for kk in range(3):
                    pltpu.async_copy(
                        tbl_hbm.at[pl.ds(kk * _N, _N)].at[src_v.at[j]],
                        vals_v, sem).wait()
                    pltpu.sync_copy(
                        vals_v,
                        acc_sh.at[pl.ds(kk * _N_ACC, _N_ACC)].at[dst_v.at[j]],
                        add=True)
            return carry

        lax.fori_loop(0, rows_per_tile // _GROUP, group, 0)
        plsc.subcore_barrier()
        for kk in range(3):
            r0 = kk * _N_ACC + s * 640
            pltpu.sync_copy(acc_sh.at[pl.ds(r0, 640)],
                            out_hbm.at[pl.ds(c * 3 * _N_ACC + r0, 640)])

    return k(tbl3, src, dst, z640)


def _dot(a, b):
    return jnp.dot(a, b, preferred_element_type=jnp.float32)


def _dot_hi(a, b):
    return jnp.dot(a, b, precision=jax.lax.Precision.HIGHEST,
                   preferred_element_type=jnp.float32)


def _tc_encode(xs, we_stacked):
    nb, br = 20, _N // 10

    def body(x_r, w_r, o_r):
        o_r[...] = _dot(x_r[...], w_r[0])

    return pl.pallas_call(
        body,
        grid=(nb,),
        in_specs=[pl.BlockSpec((br, _D), lambda i: (i, 0)),
                  pl.BlockSpec((1, _D, _D), lambda i: (i // 10, 0, 0))],
        out_specs=pl.BlockSpec((br, _D), lambda i: (i, 0)),
        out_shape=jax.ShapeDtypeStruct((2 * _N, _D), jnp.float32),
    )(xs, we_stacked)


def _tc_dense(h1, h2, m1w, m1b, l1w, l1b, m2w, m2b, l2w, l2b,
              muw, mub, fw16, fb16):
    nb, br = 10, _N // 10

    def body(h1_r, h2_r, m1w_r, m1b_r, l1w_r, l1b_r,
             m2w_r, m2b_r, l2w_r, l2b_r, muw_r, mub_r, fw_r, fb_r,
             mu1_o, lv1_o, mu2_o, lv2_o, o16_o):
        g1 = h1_r[...]
        g2 = h2_r[...]
        mu1 = _dot(g1, m1w_r[...]) + m1b_r[...]
        lv1 = _dot(g1, l1w_r[...]) + l1b_r[...]
        mu2 = _dot(g2, m2w_r[...]) + m2b_r[...]
        lv2 = _dot(g2, l2w_r[...]) + l2b_r[...]
        v1 = jnp.exp(lv1)
        v2 = jnp.exp(lv2)
        m = jnp.maximum(v1, v2)
        e1 = jnp.exp(v1 - m)
        e2 = jnp.exp(v2 - m)
        ef = 0.5 * (mu1 * e1 + mu2 * e2) / (e1 + e2)
        mu_f = _dot(ef, muw_r[...]) + mub_r[...]
        o16 = _dot(mu_f, fw_r[...]) + fb_r[...]
        mu1_o[...] = mu1
        lv1_o[...] = lv1
        mu2_o[...] = mu2
        lv2_o[...] = lv2
        o16_o[...] = o16

    blk = lambda r, cdim: pl.BlockSpec((r, cdim), lambda i: (i, 0))
    wblk = lambda r, cdim: pl.BlockSpec((r, cdim), lambda i: (0, 0))
    return pl.pallas_call(
        body,
        grid=(nb,),
        in_specs=[blk(br, _D), blk(br, _D),
                  wblk(_D, _D), wblk(1, _D), wblk(_D, _D), wblk(1, _D),
                  wblk(_D, _D), wblk(1, _D), wblk(_D, _D), wblk(1, _D),
                  wblk(_D, _D), wblk(1, _D), wblk(_D, 16), wblk(1, 16)],
        out_specs=[blk(br, _D), blk(br, _D), blk(br, _D), blk(br, _D),
                   blk(br, 16)],
        out_shape=[jax.ShapeDtypeStruct((_N, _D), jnp.float32)] * 4
        + [jax.ShapeDtypeStruct((_N, 16), jnp.float32)],
    )(h1, h2, m1w, m1b, l1w, l1b, m2w, m2b, l2w, l2b,
      muw, mub, fw16, fb16)


def _tc_recon(s0, s1, wd1p, wd2p):
    nb, br = 10, _N // 10

    def body(s0_r, s1_r, wd1_r, wd2_r, r1_o, r2_o):
        sp = s0_r[...] + s1_r[...]
        r1_o[...] = _dot_hi(sp, wd1_r[...])
        r2_o[...] = _dot_hi(sp, wd2_r[...])

    blk = lambda r, cdim: pl.BlockSpec((r, cdim), lambda i: (i, 0))
    wblk = lambda r, cdim: pl.BlockSpec((r, cdim), lambda i: (0, 0))
    return pl.pallas_call(
        body,
        grid=(nb,),
        in_specs=[blk(br, 16), blk(br, 16), wblk(16, _D), wblk(16, _D)],
        out_specs=[blk(br, _D), blk(br, _D)],
        out_shape=[jax.ShapeDtypeStruct((_N, _D), jnp.float32)] * 2,
    )(s0, s1, wd1p, wd2p)


def kernel(features_omics1, features_omics2, adj_spatial, adj_feature_omics1,
           adj_feature_omics2, W_enc1, W_enc2, fc_mu1_w, fc_mu1_b,
           fc_logvar1_w, fc_logvar1_b, fc_mu2_w, fc_mu2_b, fc_logvar2_w,
           fc_logvar2_b, mu_w, mu_b, logvar_w, logvar_b, ib_w, ib_b,
           fus_w, fus_b, W_dec1, W_dec2):
    f32 = jnp.float32
    src = adj_spatial[0].astype(jnp.int32)
    dst = adj_spatial[1].astype(jnp.int32)
    npad = _E_PAD - _E
    ar = jnp.arange(npad, dtype=jnp.int32)
    src_p = jnp.concatenate([src, ar % _N])
    dst_p = jnp.concatenate([dst, _N + ar % (_N_ACC - _N)])
    src_r = src_p.reshape(_EROWS, _SLAB)
    dst_r = dst_p.reshape(_EROWS, _SLAB)
    src2 = jnp.concatenate([src_r, src_r + _N], axis=0)
    xs = jnp.concatenate([features_omics1, features_omics2], axis=0)
    we = jnp.stack([W_enc1, W_enc2])
    xw = _tc_encode(xs, we)
    z128 = jnp.zeros((80, _D), f32)

    hs = _sc_spmm_wide(xw, src2, dst_r, z128)
    h1 = hs[:_N]
    h2 = hs[_N_ACC:_N_ACC + _N]

    fw16 = jnp.pad(fus_w, ((0, 0), (0, 13)))
    fb16 = jnp.pad(fus_b, (0, 13)).reshape(1, 16)
    mu1, lv1, mu2, lv2, o16 = _tc_dense(
        h1, h2,
        fc_mu1_w, fc_mu1_b.reshape(1, -1), fc_logvar1_w, fc_logvar1_b.reshape(1, -1),
        fc_mu2_w, fc_mu2_b.reshape(1, -1), fc_logvar2_w, fc_logvar2_b.reshape(1, -1),
        mu_w, mu_b.reshape(1, -1), fw16, fb16)

    tbl3 = o16[:, :3].T.reshape(3 * _N)
    z640 = jnp.zeros((640,), f32)
    sparts = _sc_spmm_narrow(tbl3, src_r, dst_r, z640)
    sp = sparts.reshape(_NC, 3, _N_ACC)
    s0 = jnp.pad(sp[0, :, :_N].T, ((0, 0), (0, 13)))
    s1 = jnp.pad(sp[1, :, :_N].T, ((0, 0), (0, 13)))

    wd1p = jnp.pad(W_dec1, ((0, 13), (0, 0)))
    wd2p = jnp.pad(W_dec2, ((0, 13), (0, 0)))
    r1, r2 = _tc_recon(s0, s1, wd1p, wd2p)
    return (mu1, lv1, mu2, lv2, r1, r2)

# --- scband reference (transcript-rebuilt; emitter-appended) ---
"""Pipeline reference for scband-encoder-overall-45208825757915 (READ-ONLY COPY).

The authoritative reference and input builder live on the scoring server;
editing this copy changes nothing except your own understanding.
"""

import jax, jax.numpy as jnp
import numpy as np

N = 10000
E = 320000
D_IN1 = 128
D_IN2 = 128
D_OUT = 128
SAMPLE_TIMES = 10

def spmm(edge_index, x):
    src = edge_index[0]
    dst = edge_index[1]
    return jax.ops.segment_sum(x[src], dst, num_segments=N)

def linear(x, w, b):
    return x @ w + b

def reparameterize(key, mu, var):
    eps = jax.random.normal(key, mu.shape, dtype=mu.dtype)
    return mu + jnp.sqrt(var) * eps

def channel_gate_fusion(feature):
    # ChannelGate(3, 3, 'avg') stand-in: avg-pool fusion over the channel axis
    return jnp.mean(feature, axis=1)

def setup_inputs(seed: int = 0):
    key = jax.random.key(seed)
    ks = jax.random.split(key, 32)
    def xavier(k, shape):
        limit = np.sqrt(6.0 / (shape[0] + shape[1]))
        return jax.random.uniform(k, shape, dtype=jnp.float32, minval=-limit, maxval=limit)
    inp = {}
    inp['features_omics1'] = jax.random.normal(ks[0], (N, D_IN1), dtype=jnp.float32)
    inp['features_omics2'] = jax.random.normal(ks[1], (N, D_IN2), dtype=jnp.float32)
    inp['adj_spatial'] = jax.random.randint(ks[2], (2, E), 0, N)
    inp['adj_feature_omics1'] = jax.random.randint(ks[3], (2, E), 0, N)
    inp['adj_feature_omics2'] = jax.random.randint(ks[4], (2, E), 0, N)
    inp['W_enc1'] = xavier(ks[5], (D_IN1, D_OUT))
    inp['W_enc2'] = xavier(ks[6], (D_IN2, D_OUT))
    inp['fc_mu1_w'] = xavier(ks[7], (D_OUT, D_OUT)); inp['fc_mu1_b'] = jnp.zeros((D_OUT,), jnp.float32)
    inp['fc_logvar1_w'] = xavier(ks[8], (D_OUT, D_OUT)); inp['fc_logvar1_b'] = jnp.zeros((D_OUT,), jnp.float32)
    inp['fc_mu2_w'] = xavier(ks[9], (D_OUT, D_OUT)); inp['fc_mu2_b'] = jnp.zeros((D_OUT,), jnp.float32)
    inp['fc_logvar2_w'] = xavier(ks[10], (D_OUT, D_OUT)); inp['fc_logvar2_b'] = jnp.zeros((D_OUT,), jnp.float32)
    inp['mu_w'] = xavier(ks[11], (128, 128)); inp['mu_b'] = jnp.zeros((128,), jnp.float32)
    inp['logvar_w'] = xavier(ks[12], (128, 128)); inp['logvar_b'] = jnp.zeros((128,), jnp.float32)
    inp['ib_w'] = xavier(ks[13], (128, 3)); inp['ib_b'] = jnp.zeros((3,), jnp.float32)
    inp['fus_w'] = xavier(ks[14], (128, 3)); inp['fus_b'] = jnp.zeros((3,), jnp.float32)
    inp['W_dec1'] = xavier(ks[15], (3, D_IN1))
    inp['W_dec2'] = xavier(ks[16], (3, D_IN2))
    return inp

def reference(features_omics1, features_omics2, adj_spatial, adj_feature_omics1, adj_feature_omics2, W_enc1, W_enc2, fc_mu1_w, fc_mu1_b, fc_logvar1_w, fc_logvar1_b, fc_mu2_w, fc_mu2_b, fc_logvar2_w, fc_logvar2_b, mu_w, mu_b, logvar_w, logvar_b, ib_w, ib_b, fus_w, fus_b, W_dec1, W_dec2):
    h1 = spmm(adj_spatial, features_omics1 @ W_enc1)
    h2 = spmm(adj_spatial, features_omics2 @ W_enc2)
    mu1 = linear(h1, fc_mu1_w, fc_mu1_b)
    logvar1 = linear(h1, fc_logvar1_w, fc_logvar1_b)
    mu2 = linear(h2, fc_mu2_w, fc_mu2_b)
    logvar2 = linear(h2, fc_logvar2_w, fc_logvar2_b)
    var1 = jnp.exp(logvar1)
    var2 = jnp.exp(logvar2)
    rks = jax.random.split(jax.random.key(123), 8)
    l_sample = mu1[:, None, :] + jnp.sqrt(var1)[:, None, :] * jax.random.normal(rks[0], (N, SAMPLE_TIMES, D_OUT), jnp.float32)
    v_sample = mu2[:, None, :] + jnp.sqrt(var2)[:, None, :] * jax.random.normal(rks[1], (N, SAMPLE_TIMES, D_OUT), jnp.float32)
    cog = {}
    for i, (name, sample, supp) in enumerate((('l', l_sample, mu1), ('v', v_sample, mu2))):
        st = sample.reshape(N * SAMPLE_TIMES, 1, D_OUT)
        sm = jnp.broadcast_to(supp[:, None, None, :], (N, SAMPLE_TIMES, 1, D_OUT)).reshape(N * SAMPLE_TIMES, 1, D_OUT)
        feature = jnp.concatenate([sm, st], axis=1)
        ff = channel_gate_fusion(feature)
        mu_s = linear(ff, mu_w, mu_b)
        lv_s = linear(ff, logvar_w, logvar_b)
        z_s = reparameterize(rks[2 + i], mu_s, jnp.exp(lv_s))
        z_s = linear(z_s, ib_w, ib_b)
        out_s = linear(mu_s, fus_w, fus_b)
        cog[name] = jax.lax.stop_gradient(jnp.var(out_s, axis=-1))
    cog = {k: (v - v.min()) / (v.max() - v.min() + 1e-8) for k, v in cog.items()}
    weight = jax.nn.softmax(jnp.stack([var1, var2]), axis=0)
    emb1 = mu1 * weight[0]
    emb2 = mu2 * weight[1]
    emb = jnp.stack([emb1, emb2], axis=1)
    emb_fusion = channel_gate_fusion(emb)
    mu_f = linear(emb_fusion, mu_w, mu_b)
    logvar_f = linear(emb_fusion, logvar_w, logvar_b)
    z = reparameterize(rks[4], mu_f, jnp.exp(logvar_f))
    z = linear(z, ib_w, ib_b)
    out = linear(mu_f, fus_w, fus_b)
    emb_recon_omics1 = spmm(adj_spatial, out @ W_dec1)
    emb_recon_omics2 = spmm(adj_spatial, out @ W_dec2)
    return (mu1, logvar1, mu2, logvar2, emb_recon_omics1, emb_recon_omics2)

if __name__ == "__main__":
    import jax
    _d = setup_inputs()
    print(jax.jit(kernel)(*tuple(_d.values())))

</pallas_src>

<mosaic_0001>
#map = affine_map<(d0, d1) -> (0, 0)>
module attributes {stable_mosaic.version = 14 : i64} {
  func.func @k(%arg0: i32, %arg1: i32, %arg2: memref<20000x128xf32, #tpu.memory_space<hbm>>, %arg3: memref<5120x128xi32, #tpu.memory_space<hbm>>, %arg4: memref<2560x128xi32, #tpu.memory_space<hbm>>, %arg5: memref<80x128xf32, #tpu.memory_space<hbm>>, %arg6: memref<20480x128xf32, #tpu.memory_space<hbm>>, %arg7: memref<8x128xi32, #tpu.memory_space<vmem>>, %arg8: memref<8x128xi32, #tpu.memory_space<vmem>>, %arg9: memref<128x128xf32, #tpu.memory_space<vmem>>, %arg10: memref<80x128xf32, #tpu.memory_space<vmem>>, %arg11: memref<10240x128xf32, #tpu.memory_space<vmem_shared>>, %arg12: memref<!tpu.dma_semaphore, #tpu.memory_space<semaphore_mem>>) attributes {dimension_semantics = [#tpu.dimension_semantics<core_parallel>, #tpu.dimension_semantics<subcore_parallel>], iteration_bounds = array<i64: 2, 16>, scalar_prefetch = 0 : i64, scratch_operands = 6 : i64, tpu.core_type = #tpu.core_type<sc_vector_subcore>, window_params = [{transform_indices = #map}, {transform_indices = #map}, {transform_indices = #map}, {transform_indices = #map}, {transform_indices = #map}]} {
    "tpu.region"() ({
      %run_scoped3A = tpu.sem_alloc : memref<!tpu.dma_semaphore, #tpu.memory_space<semaphore_mem>>
      tpu.enqueue_dma source(%arg5 : memref<80x128xf32, #tpu.memory_space<hbm>>) target(%arg10 : memref<80x128xf32, #tpu.memory_space<vmem>>) target_semaphore(%run_scoped3A : memref<!tpu.dma_semaphore, #tpu.memory_space<semaphore_mem>>)
      tpu.wait_dma2 semaphore(%run_scoped3A : memref<!tpu.dma_semaphore, #tpu.memory_space<semaphore_mem>>) src(%arg5 : memref<80x128xf32, #tpu.memory_space<hbm>>) dst(%arg10 : memref<80x128xf32, #tpu.memory_space<vmem>>)
      tpu.yield
    }) : () -> ()
    %mul3A = arith.constant 640 : i32
    %mul3A_0 = arith.muli %arg1, %mul3A : i32
    %add3A = arith.constant 0 : i32
    %add3A_1 = arith.addi %mul3A_0, %add3A : i32
    "tpu.region"() ({
      %run_scoped3A = tpu.sem_alloc : memref<!tpu.dma_semaphore, #tpu.memory_space<semaphore_mem>>
      %dma_start3A = arith.constant 0 : i32
      %dma_start3A_41 = tpu.memref_slice %arg11[%add3A_1, %dma_start3A] : memref<10240x128xf32, #tpu.memory_space<vmem_shared>> -> memref<80x128xf32, #tpu.memory_space<vmem_shared>>
      %dma_start3A_42 = arith.constant 0 : i32
      %dma_start3A_43 = tpu.memref_slice %arg11[%add3A_1, %dma_start3A_42] : memref<10240x128xf32, #tpu.memory_space<vmem_shared>> -> memref<80x128xf32, #tpu.memory_space<vmem_shared>>
      tpu.enqueue_dma source(%arg10 : memref<80x128xf32, #tpu.memory_space<vmem>>) target(%dma_start3A_43 : memref<80x128xf32, #tpu.memory_space<vmem_shared>>) target_semaphore(%run_scoped3A : memref<!tpu.dma_semaphore, #tpu.memory_space<semaphore_mem>>)
      %dma_wait3A = arith.constant 0 : i32
      %dma_wait3A_44 = tpu.memref_slice %arg11[%add3A_1, %dma_wait3A] : memref<10240x128xf32, #tpu.memory_space<vmem_shared>> -> memref<80x128xf32, #tpu.memory_space<vmem_shared>>
      %dma_wait3A_45 = arith.constant 0 : i32
      %dma_wait3A_46 = tpu.memref_slice %arg11[%add3A_1, %dma_wait3A_45] : memref<10240x128xf32, #tpu.memory_space<vmem_shared>> -> memref<80x128xf32, #tpu.memory_space<vmem_shared>>
      tpu.wait_dma2 semaphore(%run_scoped3A : memref<!tpu.dma_semaphore, #tpu.memory_space<semaphore_mem>>) src(%arg10 : memref<80x128xf32, #tpu.memory_space<vmem>>) dst(%dma_wait3A_46 : memref<80x128xf32, #tpu.memory_space<vmem_shared>>)
      tpu.yield
    }) : () -> ()
    %mul3A_2 = arith.constant 640 : i32
    %mul3A_3 = arith.muli %arg1, %mul3A_2 : i32
    %add3A_4 = arith.constant 80 : i32
    %add3A_5 = arith.addi %mul3A_3, %add3A_4 : i32
    "tpu.region"() ({
      %run_scoped3A = tpu.sem_alloc : memref<!tpu.dma_semaphore, #tpu.memory_space<semaphore_mem>>
      %dma_start3A = arith.constant 0 : i32
      %dma_start3A_41 = tpu.memref_slice %arg11[%add3A_5, %dma_start3A] : memref<10240x128xf32, #tpu.memory_space<vmem_shared>> -> memref<80x128xf32, #tpu.memory_space<vmem_shared>>
      %dma_start3A_42 = arith.constant 0 : i32
      %dma_start3A_43 = tpu.memref_slice %arg11[%add3A_5, %dma_start3A_42] : memref<10240x128xf32, #tpu.memory_space<vmem_shared>> -> memref<80x128xf32, #tpu.memory_space<vmem_shared>>
      tpu.enqueue_dma source(%arg10 : memref<80x128xf32, #tpu.memory_space<vmem>>) target(%dma_start3A_43 : memref<80x128xf32, #tpu.memory_space<vmem_shared>>) target_semaphore(%run_scoped3A : memref<!tpu.dma_semaphore, #tpu.memory_space<semaphore_mem>>)
      %dma_wait3A = arith.constant 0 : i32
      %dma_wait3A_44 = tpu.memref_slice %arg11[%add3A_5, %dma_wait3A] : memref<10240x128xf32, #tpu.memory_space<vmem_shared>> -> memref<80x128xf32, #tpu.memory_space<vmem_shared>>
      %dma_wait3A_45 = arith.constant 0 : i32
      %dma_wait3A_46 = tpu.memref_slice %arg11[%add3A_5, %dma_wait3A_45] : memref<10240x128xf32, #tpu.memory_space<vmem_shared>> -> memref<80x128xf32, #tpu.memory_space<vmem_shared>>
      tpu.wait_dma2 semaphore(%run_scoped3A : memref<!tpu.dma_semaphore, #tpu.memory_space<semaphore_mem>>) src(%arg10 : memref<80x128xf32, #tpu.memory_space<vmem>>) dst(%dma_wait3A_46 : memref<80x128xf32, #tpu.memory_space<vmem_shared>>)
      tpu.yield
    }) : () -> ()
    %mul3A_6 = arith.constant 640 : i32
    %mul3A_7 = arith.muli %arg1, %mul3A_6 : i32
    %add3A_8 = arith.constant 160 : i32
    %add3A_9 = arith.addi %mul3A_7, %add3A_8 : i32
    "tpu.region"() ({
      %run_scoped3A = tpu.sem_alloc : memref<!tpu.dma_semaphore, #tpu.memory_space<semaphore_mem>>
      %dma_start3A = arith.constant 0 : i32
      %dma_start3A_41 = tpu.memref_slice %arg11[%add3A_9, %dma_start3A] : memref<10240x128xf32, #tpu.memory_space<vmem_shared>> -> memref<80x128xf32, #tpu.memory_space<vmem_shared>>
      %dma_start3A_42 = arith.constant 0 : i32
      %dma_start3A_43 = tpu.memref_slice %arg11[%add3A_9, %dma_start3A_42] : memref<10240x128xf32, #tpu.memory_space<vmem_shared>> -> memref<80x128xf32, #tpu.memory_space<vmem_shared>>
      tpu.enqueue_dma source(%arg10 : memref<80x128xf32, #tpu.memory_space<vmem>>) target(%dma_start3A_43 : memref<80x128xf32, #tpu.memory_space<vmem_shared>>) target_semaphore(%run_scoped3A : memref<!tpu.dma_semaphore, #tpu.memory_space<semaphore_mem>>)
      %dma_wait3A = arith.constant 0 : i32
      %dma_wait3A_44 = tpu.memref_slice %arg11[%add3A_9, %dma_wait3A] : memref<10240x128xf32, #tpu.memory_space<vmem_shared>> -> memref<80x128xf32, #tpu.memory_space<vmem_shared>>
      %dma_wait3A_45 = arith.constant 0 : i32
      %dma_wait3A_46 = tpu.memref_slice %arg11[%add3A_9, %dma_wait3A_45] : memref<10240x128xf32, #tpu.memory_space<vmem_shared>> -> memref<80x128xf32, #tpu.memory_space<vmem_shared>>
      tpu.wait_dma2 semaphore(%run_scoped3A : memref<!tpu.dma_semaphore, #tpu.memory_space<semaphore_mem>>) src(%arg10 : memref<80x128xf32, #tpu.memory_space<vmem>>) dst(%dma_wait3A_46 : memref<80x128xf32, #tpu.memory_space<vmem_shared>>)
      tpu.yield
    }) : () -> ()
    %mul3A_10 = arith.constant 640 : i32
    %mul3A_11 = arith.muli %arg1, %mul3A_10 : i32
    %add3A_12 = arith.constant 240 : i32
    %add3A_13 = arith.addi %mul3A_11, %add3A_12 : i32
    "tpu.region"() ({
      %run_scoped3A = tpu.sem_alloc : memref<!tpu.dma_semaphore, #tpu.memory_space<semaphore_mem>>
      %dma_start3A = arith.constant 0 : i32
      %dma_start3A_41 = tpu.memref_slice %arg11[%add3A_13, %dma_start3A] : memref<10240x128xf32, #tpu.memory_space<vmem_shared>> -> memref<80x128xf32, #tpu.memory_space<vmem_shared>>
      %dma_start3A_42 = arith.constant 0 : i32
      %dma_start3A_43 = tpu.memref_slice %arg11[%add3A_13, %dma_start3A_42] : memref<10240x128xf32, #tpu.memory_space<vmem_shared>> -> memref<80x128xf32, #tpu.memory_space<vmem_shared>>
      tpu.enqueue_dma source(%arg10 : memref<80x128xf32, #tpu.memory_space<vmem>>) target(%dma_start3A_43 : memref<80x128xf32, #tpu.memory_space<vmem_shared>>) target_semaphore(%run_scoped3A : memref<!tpu.dma_semaphore, #tpu.memory_space<semaphore_mem>>)
      %dma_wait3A = arith.constant 0 : i32
      %dma_wait3A_44 = tpu.memref_slice %arg11[%add3A_13, %dma_wait3A] : memref<10240x128xf32, #tpu.memory_space<vmem_shared>> -> memref<80x128xf32, #tpu.memory_space<vmem_shared>>
      %dma_wait3A_45 = arith.constant 0 : i32
      %dma_wait3A_46 = tpu.memref_slice %arg11[%add3A_13, %dma_wait3A_45] : memref<10240x128xf32, #tpu.memory_space<vmem_shared>> -> memref<80x128xf32, #tpu.memory_space<vmem_shared>>
      tpu.wait_dma2 semaphore(%run_scoped3A : memref<!tpu.dma_semaphore, #tpu.memory_space<semaphore_mem>>) src(%arg10 : memref<80x128xf32, #tpu.memory_space<vmem>>) dst(%dma_wait3A_46 : memref<80x128xf32, #tpu.memory_space<vmem_shared>>)
      tpu.yield
    }) : () -> ()
    %mul3A_14 = arith.constant 640 : i32
    %mul3A_15 = arith.muli %arg1, %mul3A_14 : i32
    %add3A_16 = arith.constant 320 : i32
    %add3A_17 = arith.addi %mul3A_15, %add3A_16 : i32
    "tpu.region"() ({
      %run_scoped3A = tpu.sem_alloc : memref<!tpu.dma_semaphore, #tpu.memory_space<semaphore_mem>>
      %dma_start3A = arith.constant 0 : i32
      %dma_start3A_41 = tpu.memref_slice %arg11[%add3A_17, %dma_start3A] : memref<10240x128xf32, #tpu.memory_space<vmem_shared>> -> memref<80x128xf32, #tpu.memory_space<vmem_shared>>
      %dma_start3A_42 = arith.constant 0 : i32
      %dma_start3A_43 = tpu.memref_slice %arg11[%add3A_17, %dma_start3A_42] : memref<10240x128xf32, #tpu.memory_space<vmem_shared>> -> memref<80x128xf32, #tpu.memory_space<vmem_shared>>
      tpu.enqueue_dma source(%arg10 : memref<80x128xf32, #tpu.memory_space<vmem>>) target(%dma_start3A_43 : memref<80x128xf32, #tpu.memory_space<vmem_shared>>) target_semaphore(%run_scoped3A : memref<!tpu.dma_semaphore, #tpu.memory_space<semaphore_mem>>)
      %dma_wait3A = arith.constant 0 : i32
      %dma_wait3A_44 = tpu.memref_slice %arg11[%add3A_17, %dma_wait3A] : memref<10240x128xf32, #tpu.memory_space<vmem_shared>> -> memref<80x128xf32, #tpu.memory_space<vmem_shared>>
      %dma_wait3A_45 = arith.constant 0 : i32
      %dma_wait3A_46 = tpu.memref_slice %arg11[%add3A_17, %dma_wait3A_45] : memref<10240x128xf32, #tpu.memory_space<vmem_shared>> -> memref<80x128xf32, #tpu.memory_space<vmem_shared>>
      tpu.wait_dma2 semaphore(%run_scoped3A : memref<!tpu.dma_semaphore, #tpu.memory_space<semaphore_mem>>) src(%arg10 : memref<80x128xf32, #tpu.memory_space<vmem>>) dst(%dma_wait3A_46 : memref<80x128xf32, #tpu.memory_space<vmem_shared>>)
      tpu.yield
    }) : () -> ()
    %mul3A_18 = arith.constant 640 : i32
    %mul3A_19 = arith.muli %arg1, %mul3A_18 : i32
    %add3A_20 = arith.constant 400 : i32
    %add3A_21 = arith.addi %mul3A_19, %add3A_20 : i32
    "tpu.region"() ({
      %run_scoped3A = tpu.sem_alloc : memref<!tpu.dma_semaphore, #tpu.memory_space<semaphore_mem>>
      %dma_start3A = arith.constant 0 : i32
      %dma_start3A_41 = tpu.memref_slice %arg11[%add3A_21, %dma_start3A] : memref<10240x128xf32, #tpu.memory_space<vmem_shared>> -> memref<80x128xf32, #tpu.memory_space<vmem_shared>>
      %dma_start3A_42 = arith.constant 0 : i32
      %dma_start3A_43 = tpu.memref_slice %arg11[%add3A_21, %dma_start3A_42] : memref<10240x128xf32, #tpu.memory_space<vmem_shared>> -> memref<80x128xf32, #tpu.memory_space<vmem_shared>>
      tpu.enqueue_dma source(%arg10 : memref<80x128xf32, #tpu.memory_space<vmem>>) target(%dma_start3A_43 : memref<80x128xf32, #tpu.memory_space<vmem_shared>>) target_semaphore(%run_scoped3A : memref<!tpu.dma_semaphore, #tpu.memory_space<semaphore_mem>>)
      %dma_wait3A = arith.constant 0 : i32
      %dma_wait3A_44 = tpu.memref_slice %arg11[%add3A_21, %dma_wait3A] : memref<10240x128xf32, #tpu.memory_space<vmem_shared>> -> memref<80x128xf32, #tpu.memory_space<vmem_shared>>
      %dma_wait3A_45 = arith.constant 0 : i32
      %dma_wait3A_46 = tpu.memref_slice %arg11[%add3A_21, %dma_wait3A_45] : memref<10240x128xf32, #tpu.memory_space<vmem_shared>> -> memref<80x128xf32, #tpu.memory_space<vmem_shared>>
      tpu.wait_dma2 semaphore(%run_scoped3A : memref<!tpu.dma_semaphore, #tpu.memory_space<semaphore_mem>>) src(%arg10 : memref<80x128xf32, #tpu.memory_space<vmem>>) dst(%dma_wait3A_46 : memref<80x128xf32, #tpu.memory_space<vmem_shared>>)
      tpu.yield
    }) : () -> ()
    %mul3A_22 = arith.constant 640 : i32
    %mul3A_23 = arith.muli %arg1, %mul3A_22 : i32
    %add3A_24 = arith.constant 480 : i32
    %add3A_25 = arith.addi %mul3A_23, %add3A_24 : i32
    "tpu.region"() ({
      %run_scoped3A = tpu.sem_alloc : memref<!tpu.dma_semaphore, #tpu.memory_space<semaphore_mem>>
      %dma_start3A = arith.constant 0 : i32
      %dma_start3A_41 = tpu.memref_slice %arg11[%add3A_25, %dma_start3A] : memref<10240x128xf32, #tpu.memory_space<vmem_shared>> -> memref<80x128xf32, #tpu.memory_space<vmem_shared>>
      %dma_start3A_42 = arith.constant 0 : i32
      %dma_start3A_43 = tpu.memref_slice %arg11[%add3A_25, %dma_start3A_42] : memref<10240x128xf32, #tpu.memory_space<vmem_shared>> -> memref<80x128xf32, #tpu.memory_space<vmem_shared>>
      tpu.enqueue_dma source(%arg10 : memref<80x128xf32, #tpu.memory_space<vmem>>) target(%dma_start3A_43 : memref<80x128xf32, #tpu.memory_space<vmem_shared>>) target_semaphore(%run_scoped3A : memref<!tpu.dma_semaphore, #tpu.memory_space<semaphore_mem>>)
      %dma_wait3A = arith.constant 0 : i32
      %dma_wait3A_44 = tpu.memref_slice %arg11[%add3A_25, %dma_wait3A] : memref<10240x128xf32, #tpu.memory_space<vmem_shared>> -> memref<80x128xf32, #tpu.memory_space<vmem_shared>>
      %dma_wait3A_45 = arith.constant 0 : i32
      %dma_wait3A_46 = tpu.memref_slice %arg11[%add3A_25, %dma_wait3A_45] : memref<10240x128xf32, #tpu.memory_space<vmem_shared>> -> memref<80x128xf32, #tpu.memory_space<vmem_shared>>
      tpu.wait_dma2 semaphore(%run_scoped3A : memref<!tpu.dma_semaphore, #tpu.memory_space<semaphore_mem>>) src(%arg10 : memref<80x128xf32, #tpu.memory_space<vmem>>) dst(%dma_wait3A_46 : memref<80x128xf32, #tpu.memory_space<vmem_shared>>)
      tpu.yield
    }) : () -> ()
    %mul3A_26 = arith.constant 640 : i32
    %mul3A_27 = arith.muli %arg1, %mul3A_26 : i32
    %add3A_28 = arith.constant 560 : i32
    %add3A_29 = arith.addi %mul3A_27, %add3A_28 : i32
    "tpu.region"() ({
      %run_scoped3A = tpu.sem_alloc : memref<!tpu.dma_semaphore, #tpu.memory_space<semaphore_mem>>
      %dma_start3A = arith.constant 0 : i32
      %dma_start3A_41 = tpu.memref_slice %arg11[%add3A_29, %dma_start3A] : memref<10240x128xf32, #tpu.memory_space<vmem_shared>> -> memref<80x128xf32, #tpu.memory_space<vmem_shared>>
      %dma_start3A_42 = arith.constant 0 : i32
      %dma_start3A_43 = tpu.memref_slice %arg11[%add3A_29, %dma_start3A_42] : memref<10240x128xf32, #tpu.memory_space<vmem_shared>> -> memref<80x128xf32, #tpu.memory_space<vmem_shared>>
      tpu.enqueue_dma source(%arg10 : memref<80x128xf32, #tpu.memory_space<vmem>>) target(%dma_start3A_43 : memref<80x128xf32, #tpu.memory_space<vmem_shared>>) target_semaphore(%run_scoped3A : memref<!tpu.dma_semaphore, #tpu.memory_space<semaphore_mem>>)
      %dma_wait3A = arith.constant 0 : i32
      %dma_wait3A_44 = tpu.memref_slice %arg11[%add3A_29, %dma_wait3A] : memref<10240x128xf32, #tpu.memory_space<vmem_shared>> -> memref<80x128xf32, #tpu.memory_space<vmem_shared>>
      %dma_wait3A_45 = arith.constant 0 : i32
      %dma_wait3A_46 = tpu.memref_slice %arg11[%add3A_29, %dma_wait3A_45] : memref<10240x128xf32, #tpu.memory_space<vmem_shared>> -> memref<80x128xf32, #tpu.memory_space<vmem_shared>>
      tpu.wait_dma2 semaphore(%run_scoped3A : memref<!tpu.dma_semaphore, #tpu.memory_space<semaphore_mem>>) src(%arg10 : memref<80x128xf32, #tpu.memory_space<vmem>>) dst(%dma_wait3A_46 : memref<80x128xf32, #tpu.memory_space<vmem_shared>>)
      tpu.yield
    }) : () -> ()
    %barrier3A = arith.constant 0 : index
    tpu.barrier barrier_id(%barrier3A)
    %scan3A = arith.constant 0 : i32
    %scan3A_30 = arith.constant 0 : i32
    %scan3A_31 = arith.constant 20 : i32
    %scan3A_32 = arith.addi %scan3A_30, %scan3A_31 : i32
    %scan3A_33 = arith.constant 1 : i32
    scf.for %scan3A_41 = %scan3A_30 to %scan3A_32 step %scan3A_33  : i32 {
      %mul3A_42 = arith.constant 160 : i32
      %mul3A_43 = arith.muli %arg1, %mul3A_42 : i32
      %mul3A_44 = arith.constant 8 : i32
      %mul3A_45 = arith.muli %scan3A_41, %mul3A_44 : i32
      %add3A_46 = arith.addi %mul3A_43, %mul3A_45 : i32
      %mul3A_47 = arith.constant 2560 : i32
      %mul3A_48 = arith.muli %arg0, %mul3A_47 : i32
      %add3A_49 = arith.addi %mul3A_48, %add3A_46 : i32
      "tpu.region"() ({
        %run_scoped3A_167 = tpu.sem_alloc : memref<!tpu.dma_semaphore, #tpu.memory_space<semaphore_mem>>
        %dma_start3A_168 = arith.constant 0 : i32
        %dma_start3A_169 = tpu.memref_slice %arg3[%add3A_49, %dma_start3A_168] : memref<5120x128xi32, #tpu.memory_space<hbm>> -> memref<8x128xi32, #tpu.memory_space<hbm>>
        %dma_start3A_170 = arith.constant 0 : i32
        %dma_start3A_171 = tpu.memref_slice %arg3[%add3A_49, %dma_start3A_170] : memref<5120x128xi32, #tpu.memory_space<hbm>> -> memref<8x128xi32, #tpu.memory_space<hbm>>
        tpu.enqueue_dma source(%dma_start3A_171 : memref<8x128xi32, #tpu.memory_space<hbm>>) target(%arg7 : memref<8x128xi32, #tpu.memory_space<vmem>>) target_semaphore(%run_scoped3A_167 : memref<!tpu.dma_semaphore, #tpu.memory_space<semaphore_mem>>)
        %dma_wait3A_172 = arith.constant 0 : i32
        %dma_wait3A_173 = tpu.memref_slice %arg3[%add3A_49, %dma_wait3A_172] : memref<5120x128xi32, #tpu.memory_space<hbm>> -> memref<8x128xi32, #tpu.memory_space<hbm>>
        %dma_wait3A_174 = arith.constant 0 : i32
        %dma_wait3A_175 = tpu.memref_slice %arg3[%add3A_49, %dma_wait3A_174] : memref<5120x128xi32, #tpu.memory_space<hbm>> -> memref<8x128xi32, #tpu.memory_space<hbm>>
        tpu.wait_dma2 semaphore(%run_scoped3A_167 : memref<!tpu.dma_semaphore, #tpu.memory_space<semaphore_mem>>) src(%dma_wait3A_175 : memref<8x128xi32, #tpu.memory_space<hbm>>) dst(%arg7 : memref<8x128xi32, #tpu.memory_space<vmem>>)
        tpu.yield
      }) : () -> ()
      "tpu.region"() ({
        %run_scoped3A_167 = tpu.sem_alloc : memref<!tpu.dma_semaphore, #tpu.memory_space<semaphore_mem>>
        %dma_start3A_168 = arith.constant 0 : i32
        %dma_start3A_169 = tpu.memref_slice %arg4[%add3A_46, %dma_start3A_168] : memref<2560x128xi32, #tpu.memory_space<hbm>> -> memref<8x128xi32, #tpu.memory_space<hbm>>
        %dma_start3A_170 = arith.constant 0 : i32
        %dma_start3A_171 = tpu.memref_slice %arg4[%add3A_46, %dma_start3A_170] : memref<2560x128xi32, #tpu.memory_space<hbm>> -> memref<8x128xi32, #tpu.memory_space<hbm>>
        tpu.enqueue_dma source(%dma_start3A_171 : memref<8x128xi32, #tpu.memory_space<hbm>>) target(%arg8 : memref<8x128xi32, #tpu.memory_space<vmem>>) target_semaphore(%run_scoped3A_167 : memref<!tpu.dma_semaphore, #tpu.memory_space<semaphore_mem>>)
        %dma_wait3A_172 = arith.constant 0 : i32
        %dma_wait3A_173 = tpu.memref_slice %arg4[%add3A_46, %dma_wait3A_172] : memref<2560x128xi32, #tpu.memory_space<hbm>> -> memref<8x128xi32, #tpu.memory_space<hbm>>
        %dma_wait3A_174 = arith.constant 0 : i32
        %dma_wait3A_175 = tpu.memref_slice %arg4[%add3A_46, %dma_wait3A_174] : memref<2560x128xi32, #tpu.memory_space<hbm>> -> memref<8x128xi32, #tpu.memory_space<hbm>>
        tpu.wait_dma2 semaphore(%run_scoped3A_167 : memref<!tpu.dma_semaphore, #tpu.memory_space<semaphore_mem>>) src(%dma_wait3A_175 : memref<8x128xi32, #tpu.memory_space<hbm>>) dst(%arg8 : memref<8x128xi32, #tpu.memory_space<vmem>>)
        tpu.yield
      }) : () -> ()
      %dma_start3A = arith.constant 0 : i32
      %dma_start3A_50 = arith.constant 0 : i32
      %dma_start3A_51 = tpu.memref_slice %arg7[%dma_start3A, %dma_start3A_50] : memref<8x128xi32, #tpu.memory_space<vmem>> -> memref<1x128xi32, #tpu.memory_space<vmem>>
      %dma_start3A_52 = tpu.memref_squeeze %dma_start3A_51 : memref<1x128xi32, #tpu.memory_space<vmem>> -> memref<128xi32, #tpu.memory_space<vmem>>
      %dma_start3A_53 = arith.constant 0 : i32
      %dma_start3A_54 = arith.constant 0 : i32
      %dma_start3A_55 = tpu.memref_slice %arg2[%dma_start3A_53, %dma_start3A_54] : memref<20000x128xf32, #tpu.memory_space<hbm>> -> memref<20000x128xf32, #tpu.memory_space<hbm>>
      tpu.enqueue_indirect_dma source(%dma_start3A_55 : memref<20000x128xf32, #tpu.memory_space<hbm>>) target(%arg9 : memref<128x128xf32, #tpu.memory_space<vmem>>) offsets(%dma_start3A_52 : memref<128xi32, #tpu.memory_space<vmem>>) semaphore(%arg12 : memref<!tpu.dma_semaphore, #tpu.memory_space<semaphore_mem>>)
      %dma_wait3A = arith.constant 0 : i32
      %dma_wait3A_56 = arith.constant 0 : i32
      %dma_wait3A_57 = tpu.memref_slice %arg7[%dma_wait3A, %dma_wait3A_56] : memref<8x128xi32, #tpu.memory_space<vmem>> -> memref<1x128xi32, #tpu.memory_space<vmem>>
      %dma_wait3A_58 = tpu.memref_squeeze %dma_wait3A_57 : memref<1x128xi32, #tpu.memory_space<vmem>> -> memref<128xi32, #tpu.memory_space<vmem>>
      %dma_wait3A_59 = arith.constant 0 : i32
      %dma_wait3A_60 = arith.constant 0 : i32
      %dma_wait3A_61 = tpu.memref_slice %arg2[%dma_wait3A_59, %dma_wait3A_60] : memref<20000x128xf32, #tpu.memory_space<hbm>> -> memref<20000x128xf32, #tpu.memory_space<hbm>>
      tpu.wait_indirect_dma semaphore(%arg12 : memref<!tpu.dma_semaphore, #tpu.memory_space<semaphore_mem>>) src(%dma_wait3A_61 : memref<20000x128xf32, #tpu.memory_space<hbm>>) dst(%arg9 : memref<128x128xf32, #tpu.memory_space<vmem>>)
      %run_scoped3A = arith.constant 0 : i32
      "tpu.region"() ({
        %run_scoped3A_167 = tpu.sem_alloc : memref<!tpu.dma_semaphore, #tpu.memory_space<semaphore_mem>>
        %dma_start3A_168 = arith.constant 0 : i32
        %dma_start3A_169 = tpu.memref_slice %arg8[%run_scoped3A, %dma_start3A_168] : memref<8x128xi32, #tpu.memory_space<vmem>> -> memref<1x128xi32, #tpu.memory_space<vmem>>
        %dma_start3A_170 = tpu.memref_squeeze %dma_start3A_169 : memref<1x128xi32, #tpu.memory_space<vmem>> -> memref<128xi32, #tpu.memory_space<vmem>>
        %dma_start3A_171 = arith.constant 0 : i32
        %dma_start3A_172 = arith.constant 0 : i32
        %dma_start3A_173 = tpu.memref_slice %arg11[%dma_start3A_171, %dma_start3A_172] : memref<10240x128xf32, #tpu.memory_space<vmem_shared>> -> memref<10240x128xf32, #tpu.memory_space<vmem_shared>>
        tpu.enqueue_indirect_dma source(%arg9 : memref<128x128xf32, #tpu.memory_space<vmem>>) target(%dma_start3A_173 : memref<10240x128xf32, #tpu.memory_space<vmem_shared>>) offsets(%dma_start3A_170 : memref<128xi32, #tpu.memory_space<vmem>>) semaphore(%run_scoped3A_167 : memref<!tpu.dma_semaphore, #tpu.memory_space<semaphore_mem>>) {add = true}
        %dma_wait3A_174 = arith.constant 0 : i32
        %dma_wait3A_175 = tpu.memref_slice %arg8[%run_scoped3A, %dma_wait3A_174] : memref<8x128xi32, #tpu.memory_space<vmem>> -> memref<1x128xi32, #tpu.memory_space<vmem>>
        %dma_wait3A_176 = tpu.memref_squeeze %dma_wait3A_175 : memref<1x128xi32, #tpu.memory_space<vmem>> -> memref<128xi32, #tpu.memory_space<vmem>>
        %dma_wait3A_177 = arith.constant 0 : i32
        %dma_wait3A_178 = arith.constant 0 : i32
        %dma_wait3A_179 = tpu.memref_slice %arg11[%dma_wait3A_177, %dma_wait3A_178] : memref<10240x128xf32, #tpu.memory_space<vmem_shared>> -> memref<10240x128xf32, #tpu.memory_space<vmem_shared>>
        tpu.wait_indirect_dma semaphore(%run_scoped3A_167 : memref<!tpu.dma_semaphore, #tpu.memory_space<semaphore_mem>>) src(%arg9 : memref<128x128xf32, #tpu.memory_space<vmem>>) dst(%dma_wait3A_179 : memref<10240x128xf32, #tpu.memory_space<vmem_shared>>)
        tpu.yield
      }) : () -> ()
      %dma_start3A_62 = arith.constant 1 : i32
      %dma_start3A_63 = arith.constant 0 : i32
      %dma_start3A_64 = tpu.memref_slice %arg7[%dma_start3A_62, %dma_start3A_63] : memref<8x128xi32, #tpu.memory_space<vmem>> -> memref<1x128xi32, #tpu.memory_space<vmem>>
      %dma_start3A_65 = tpu.memref_squeeze %dma_start3A_64 : memref<1x128xi32, #tpu.memory_space<vmem>> -> memref<128xi32, #tpu.memory_space<vmem>>
      %dma_start3A_66 = arith.constant 0 : i32
      %dma_start3A_67 = arith.constant 0 : i32
      %dma_start3A_68 = tpu.memref_slice %arg2[%dma_start3A_66, %dma_start3A_67] : memref<20000x128xf32, #tpu.memory_space<hbm>> -> memref<20000x128xf32, #tpu.memory_space<hbm>>
      tpu.enqueue_indirect_dma source(%dma_start3A_68 : memref<20000x128xf32, #tpu.memory_space<hbm>>) target(%arg9 : memref<128x128xf32, #tpu.memory_space<vmem>>) offsets(%dma_start3A_65 : memref<128xi32, #tpu.memory_space<vmem>>) semaphore(%arg12 : memref<!tpu.dma_semaphore, #tpu.memory_space<semaphore_mem>>)
      %dma_wait3A_69 = arith.constant 1 : i32
      %dma_wait3A_70 = arith.constant 0 : i32
      %dma_wait3A_71 = tpu.memref_slice %arg7[%dma_wait3A_69, %dma_wait3A_70] : memref<8x128xi32, #tpu.memory_space<vmem>> -> memref<1x128xi32, #tpu.memory_space<vmem>>
      %dma_wait3A_72 = tpu.memref_squeeze %dma_wait3A_71 : memref<1x128xi32, #tpu.memory_space<vmem>> -> memref<128xi32, #tpu.memory_space<vmem>>
      %dma_wait3A_73 = arith.constant 0 : i32
      %dma_wait3A_74 = arith.constant 0 : i32
      %dma_wait3A_75 = tpu.memref_slice %arg2[%dma_wait3A_73, %dma_wait3A_74] : memref<20000x128xf32, #tpu.memory_space<hbm>> -> memref<20000x128xf32, #tpu.memory_space<hbm>>
      tpu.wait_indirect_dma semaphore(%arg12 : memref<!tpu.dma_semaphore, #tpu.memory_space<semaphore_mem>>) src(%dma_wait3A_75 : memref<20000x128xf32, #tpu.memory_space<hbm>>) dst(%arg9 : memref<128x128xf32, #tpu.memory_space<vmem>>)
      %run_scoped3A_76 = arith.constant 1 : i32
      "tpu.region"() ({
        %run_scoped3A_167 = tpu.sem_alloc : memref<!tpu.dma_semaphore, #tpu.memory_space<semaphore_mem>>
        %dma_start3A_168 = arith.constant 0 : i32
        %dma_start3A_169 = tpu.memref_slice %arg8[%run_scoped3A_76, %dma_start3A_168] : memref<8x128xi32, #tpu.memory_space<vmem>> -> memref<1x128xi32, #tpu.memory_space<vmem>>
        %dma_start3A_170 = tpu.memref_squeeze %dma_start3A_169 : memref<1x128xi32, #tpu.memory_space<vmem>> -> memref<128xi32, #tpu.memory_space<vmem>>
        %dma_start3A_171 = arith.constant 0 : i32
        %dma_start3A_172 = arith.constant 0 : i32
        %dma_start3A_173 = tpu.memref_slice %arg11[%dma_start3A_171, %dma_start3A_172] : memref<10240x128xf32, #tpu.memory_space<vmem_shared>> -> memref<10240x128xf32, #tpu.memory_space<vmem_shared>>
        tpu.enqueue_indirect_dma source(%arg9 : memref<128x128xf32, #tpu.memory_space<vmem>>) target(%dma_start3A_173 : memref<10240x128xf32, #tpu.memory_space<vmem_shared>>) offsets(%dma_start3A_170 : memref<128xi32, #tpu.memory_space<vmem>>) semaphore(%run_scoped3A_167 : memref<!tpu.dma_semaphore, #tpu.memory_space<semaphore_mem>>) {add = true}
        %dma_wait3A_174 = arith.constant 0 : i32
        %dma_wait3A_175 = tpu.memref_slice %arg8[%run_scoped3A_76, %dma_wait3A_174] : memref<8x128xi32, #tpu.memory_space<vmem>> -> memref<1x128xi32, #tpu.memory_space<vmem>>
        %dma_wait3A_176 = tpu.memref_squeeze %dma_wait3A_175 : memref<1x128xi32, #tpu.memory_space<vmem>> -> memref<128xi32, #tpu.memory_space<vmem>>
        %dma_wait3A_177 = arith.constant 0 : i32
        %dma_wait3A_178 = arith.constant 0 : i32
        %dma_wait3A_179 = tpu.memref_slice %arg11[%dma_wait3A_177, %dma_wait3A_178] : memref<10240x128xf32, #tpu.memory_space<vmem_shared>> -> memref<10240x128xf32, #tpu.memory_space<vmem_shared>>
        tpu.wait_indirect_dma semaphore(%run_scoped3A_167 : memref<!tpu.dma_semaphore, #tpu.memory_space<semaphore_mem>>) src(%arg9 : memref<128x128xf32, #tpu.memory_space<vmem>>) dst(%dma_wait3A_179 : memref<10240x128xf32, #tpu.memory_space<vmem_shared>>)
        tpu.yield
      }) : () -> ()
      %dma_start3A_77 = arith.constant 2 : i32
      %dma_start3A_78 = arith.constant 0 : i32
      %dma_start3A_79 = tpu.memref_slice %arg7[%dma_start3A_77, %dma_start3A_78] : memref<8x128xi32, #tpu.memory_space<vmem>> -> memref<1x128xi32, #tpu.memory_space<vmem>>
      %dma_start3A_80 = tpu.memref_squeeze %dma_start3A_79 : memref<1x128xi32, #tpu.memory_space<vmem>> -> memref<128xi32, #tpu.memory_space<vmem>>
      %dma_start3A_81 = arith.constant 0 : i32
      %dma_start3A_82 = arith.constant 0 : i32
      %dma_start3A_83 = tpu.memref_slice %arg2[%dma_start3A_81, %dma_start3A_82] : memref<20000x128xf32, #tpu.memory_space<hbm>> -> memref<20000x128xf32, #tpu.memory_space<hbm>>
      tpu.enqueue_indirect_dma source(%dma_start3A_83 : memref<20000x128xf32, #tpu.memory_space<hbm>>) target(%arg9 : memref<128x128xf32, #tpu.memory_space<vmem>>) offsets(%dma_start3A_80 : memref<128xi32, #tpu.memory_space<vmem>>) semaphore(%arg12 : memref<!tpu.dma_semaphore, #tpu.memory_space<semaphore_mem>>)
      %dma_wait3A_84 = arith.constant 2 : i32
      %dma_wait3A_85 = arith.constant 0 : i32
      %dma_wait3A_86 = tpu.memref_slice %arg7[%dma_wait3A_84, %dma_wait3A_85] : memref<8x128xi32, #tpu.memory_space<vmem>> -> memref<1x128xi32, #tpu.memory_space<vmem>>
      %dma_wait3A_87 = tpu.memref_squeeze %dma_wait3A_86 : memref<1x128xi32, #tpu.memory_space<vmem>> -> memref<128xi32, #tpu.memory_space<vmem>>
      %dma_wait3A_88 = arith.constant 0 : i32
      %dma_wait3A_89 = arith.constant 0 : i32
      %dma_wait3A_90 = tpu.memref_slice %arg2[%dma_wait3A_88, %dma_wait3A_89] : memref<20000x128xf32, #tpu.memory_space<hbm>> -> memref<20000x128xf32, #tpu.memory_space<hbm>>
      tpu.wait_indirect_dma semaphore(%arg12 : memref<!tpu.dma_semaphore, #tpu.memory_space<semaphore_mem>>) src(%dma_wait3A_90 : memref<20000x128xf32, #tpu.memory_space<hbm>>) dst(%arg9 : memref<128x128xf32, #tpu.memory_space<vmem>>)
      %run_scoped3A_91 = arith.constant 2 : i32
      "tpu.region"() ({
        %run_scoped3A_167 = tpu.sem_alloc : memref<!tpu.dma_semaphore, #tpu.memory_space<semaphore_mem>>
        %dma_start3A_168 = arith.constant 0 : i32
        %dma_start3A_169 = tpu.memref_slice %arg8[%run_scoped3A_91, %dma_start3A_168] : memref<8x128xi32, #tpu.memory_space<vmem>> -> memref<1x128xi32, #tpu.memory_space<vmem>>
        %dma_start3A_170 = tpu.memref_squeeze %dma_start3A_169 : memref<1x128xi32, #tpu.memory_space<vmem>> -> memref<128xi32, #tpu.memory_space<vmem>>
        %dma_start3A_171 = arith.constant 0 : i32
        %dma_start3A_172 = arith.constant 0 : i32
        %dma_start3A_173 = tpu.memref_slice %arg11[%dma_start3A_171, %dma_start3A_172] : memref<10240x128xf32, #tpu.memory_space<vmem_shared>> -> memref<10240x128xf32, #tpu.memory_space<vmem_shared>>
        tpu.enqueue_indirect_dma source(%arg9 : memref<128x128xf32, #tpu.memory_space<vmem>>) target(%dma_start3A_173 : memref<10240x128xf32, #tpu.memory_space<vmem_shared>>) offsets(%dma_start3A_170 : memref<128xi32, #tpu.memory_space<vmem>>) semaphore(%run_scoped3A_167 : memref<!tpu.dma_semaphore, #tpu.memory_space<semaphore_mem>>) {add = true}
        %dma_wait3A_174 = arith.constant 0 : i32
        %dma_wait3A_175 = tpu.memref_slice %arg8[%run_scoped3A_91, %dma_wait3A_174] : memref<8x128xi32, #tpu.memory_space<vmem>> -> memref<1x128xi32, #tpu.memory_space<vmem>>
        %dma_wait3A_176 = tpu.memref_squeeze %dma_wait3A_175 : memref<1x128xi32, #tpu.memory_space<vmem>> -> memref<128xi32, #tpu.memory_space<vmem>>
        %dma_wait3A_177 = arith.constant 0 : i32
        %dma_wait3A_178 = arith.constant 0 : i32
        %dma_wait3A_179 = tpu.memref_slice %arg11[%dma_wait3A_177, %dma_wait3A_178] : memref<10240x128xf32, #tpu.memory_space<vmem_shared>> -> memref<10240x128xf32, #tpu.memory_space<vmem_shared>>
        tpu.wait_indirect_dma semaphore(%run_scoped3A_167 : memref<!tpu.dma_semaphore, #tpu.memory_space<semaphore_mem>>) src(%arg9 : memref<128x128xf32, #tpu.memory_space<vmem>>) dst(%dma_wait3A_179 : memref<10240x128xf32, #tpu.memory_space<vmem_shared>>)
        tpu.yield
      }) : () -> ()
      %dma_start3A_92 = arith.constant 3 : i32
      %dma_start3A_93 = arith.constant 0 : i32
      %dma_start3A_94 = tpu.memref_slice %arg7[%dma_start3A_92, %dma_start3A_93] : memref<8x128xi32, #tpu.memory_space<vmem>> -> memref<1x128xi32, #tpu.memory_space<vmem>>
      %dma_start3A_95 = tpu.memref_squeeze %dma_start3A_94 : memref<1x128xi32, #tpu.memory_space<vmem>> -> memref<128xi32, #tpu.memory_space<vmem>>
      %dma_start3A_96 = arith.constant 0 : i32
      %dma_start3A_97 = arith.constant 0 : i32
      %dma_start3A_98 = tpu.memref_slice %arg2[%dma_start3A_96, %dma_start3A_97] : memref<20000x128xf32, #tpu.memory_space<hbm>> -> memref<20000x128xf32, #tpu.memory_space<hbm>>
      tpu.enqueue_indirect_dma source(%dma_start3A_98 : memref<20000x128xf32, #tpu.memory_space<hbm>>) target(%arg9 : memref<128x128xf32, #tpu.memory_space<vmem>>) offsets(%dma_start3A_95 : memref<128xi32, #tpu.memory_space<vmem>>) semaphore(%arg12 : memref<!tpu.dma_semaphore, #tpu.memory_space<semaphore_mem>>)
      %dma_wait3A_99 = arith.constant 3 : i32
      %dma_wait3A_100 = arith.constant 0 : i32
      %dma_wait3A_101 = tpu.memref_slice %arg7[%dma_wait3A_99, %dma_wait3A_100] : memref<8x128xi32, #tpu.memory_space<vmem>> -> memref<1x128xi32, #tpu.memory_space<vmem>>
      %dma_wait3A_102 = tpu.memref_squeeze %dma_wait3A_101 : memref<1x128xi32, #tpu.memory_space<vmem>> -> memref<128xi32, #tpu.memory_space<vmem>>
      %dma_wait3A_103 = arith.constant 0 : i32
      %dma_wait3A_104 = arith.constant 0 : i32
      %dma_wait3A_105 = tpu.memref_slice %arg2[%dma_wait3A_103, %dma_wait3A_104] : memref<20000x128xf32, #tpu.memory_space<hbm>> -> memref<20000x128xf32, #tpu.memory_space<hbm>>
      tpu.wait_indirect_dma semaphore(%arg12 : memref<!tpu.dma_semaphore, #tpu.memory_space<semaphore_mem>>) src(%dma_wait3A_105 : memref<20000x128xf32, #tpu.memory_space<hbm>>) dst(%arg9 : memref<128x128xf32, #tpu.memory_space<vmem>>)
      %run_scoped3A_106 = arith.constant 3 : i32
      "tpu.region"() ({
        %run_scoped3A_167 = tpu.sem_alloc : memref<!tpu.dma_semaphore, #tpu.memory_space<semaphore_mem>>
        %dma_start3A_168 = arith.constant 0 : i32
        %dma_start3A_169 = tpu.memref_slice %arg8[%run_scoped3A_106, %dma_start3A_168] : memref<8x128xi32, #tpu.memory_space<vmem>> -> memref<1x128xi32, #tpu.memory_space<vmem>>
        %dma_start3A_170 = tpu.memref_squeeze %dma_start3A_169 : memref<1x128xi32, #tpu.memory_space<vmem>> -> memref<128xi32, #tpu.memory_space<vmem>>
        %dma_start3A_171 = arith.constant 0 : i32
        %dma_start3A_172 = arith.constant 0 : i32
        %dma_start3A_173 = tpu.memref_slice %arg11[%dma_start3A_171, %dma_start3A_172] : memref<10240x128xf32, #tpu.memory_space<vmem_shared>> -> memref<10240x128xf32, #tpu.memory_space<vmem_shared>>
        tpu.enqueue_indirect_dma source(%arg9 : memref<128x128xf32, #tpu.memory_space<vmem>>) target(%dma_start3A_173 : memref<10240x128xf32, #tpu.memory_space<vmem_shared>>) offsets(%dma_start3A_170 : memref<128xi32, #tpu.memory_space<vmem>>) semaphore(%run_scoped3A_167 : memref<!tpu.dma_semaphore, #tpu.memory_space<semaphore_mem>>) {add = true}
        %dma_wait3A_174 = arith.constant 0 : i32
        %dma_wait3A_175 = tpu.memref_slice %arg8[%run_scoped3A_106, %dma_wait3A_174] : memref<8x128xi32, #tpu.memory_space<vmem>> -> memref<1x128xi32, #tpu.memory_space<vmem>>
        %dma_wait3A_176 = tpu.memref_squeeze %dma_wait3A_175 : memref<1x128xi32, #tpu.memory_space<vmem>> -> memref<128xi32, #tpu.memory_space<vmem>>
        %dma_wait3A_177 = arith.constant 0 : i32
        %dma_wait3A_178 = arith.constant 0 : i32
        %dma_wait3A_179 = tpu.memref_slice %arg11[%dma_wait3A_177, %dma_wait3A_178] : memref<10240x128xf32, #tpu.memory_space<vmem_shared>> -> memref<10240x128xf32, #tpu.memory_space<vmem_shared>>
        tpu.wait_indirect_dma semaphore(%run_scoped3A_167 : memref<!tpu.dma_semaphore, #tpu.memory_space<semaphore_mem>>) src(%arg9 : memref<128x128xf32, #tpu.memory_space<vmem>>) dst(%dma_wait3A_179 : memref<10240x128xf32, #tpu.memory_space<vmem_shared>>)
        tpu.yield
      }) : () -> ()
      %dma_start3A_107 = arith.constant 4 : i32
      %dma_start3A_108 = arith.constant 0 : i32
      %dma_start3A_109 = tpu.memref_slice %arg7[%dma_start3A_107, %dma_start3A_108] : memref<8x128xi32, #tpu.memory_space<vmem>> -> memref<1x128xi32, #tpu.memory_space<vmem>>
      %dma_start3A_110 = tpu.memref_squeeze %dma_start3A_109 : memref<1x128xi32, #tpu.memory_space<vmem>> -> memref<128xi32, #tpu.memory_space<vmem>>
      %dma_start3A_111 = arith.constant 0 : i32
      %dma_start3A_112 = arith.constant 0 : i32
      %dma_start3A_113 = tpu.memref_slice %arg2[%dma_start3A_111, %dma_start3A_112] : memref<20000x128xf32, #tpu.memory_space<hbm>> -> memref<20000x128xf32, #tpu.memory_space<hbm>>
      tpu.enqueue_indirect_dma source(%dma_start3A_113 : memref<20000x128xf32, #tpu.memory_space<hbm>>) target(%arg9 : memref<128x128xf32, #tpu.memory_space<vmem>>) offsets(%dma_start3A_110 : memref<128xi32, #tpu.memory_space<vmem>>) semaphore(%arg12 : memref<!tpu.dma_semaphore, #tpu.memory_space<semaphore_mem>>)
      %dma_wait3A_114 = arith.constant 4 : i32
      %dma_wait3A_115 = arith.constant 0 : i32
      %dma_wait3A_116 = tpu.memref_slice %arg7[%dma_wait3A_114, %dma_wait3A_115] : memref<8x128xi32, #tpu.memory_space<vmem>> -> memref<1x128xi32, #tpu.memory_space<vmem>>
      %dma_wait3A_117 = tpu.memref_squeeze %dma_wait3A_116 : memref<1x128xi32, #tpu.memory_space<vmem>> -> memref<128xi32, #tpu.memory_space<vmem>>
      %dma_wait3A_118 = arith.constant 0 : i32
      %dma_wait3A_119 = arith.constant 0 : i32
      %dma_wait3A_120 = tpu.memref_slice %arg2[%dma_wait3A_118, %dma_wait3A_119] : memref<20000x128xf32, #tpu.memory_space<hbm>> -> memref<20000x128xf32, #tpu.memory_space<hbm>>
      tpu.wait_indirect_dma semaphore(%arg12 : memref<!tpu.dma_semaphore, #tpu.memory_space<semaphore_mem>>) src(%dma_wait3A_120 : memref<20000x128xf32, #tpu.memory_space<hbm>>) dst(%arg9 : memref<128x128xf32, #tpu.memory_space<vmem>>)
      %run_scoped3A_121 = arith.constant 4 : i32
      "tpu.region"() ({
        %run_scoped3A_167 = tpu.sem_alloc : memref<!tpu.dma_semaphore, #tpu.memory_space<semaphore_mem>>
        %dma_start3A_168 = arith.constant 0 : i32
        %dma_start3A_169 = tpu.memref_slice %arg8[%run_scoped3A_121, %dma_start3A_168] : memref<8x128xi32, #tpu.memory_space<vmem>> -> memref<1x128xi32, #tpu.memory_space<vmem>>
        %dma_start3A_170 = tpu.memref_squeeze %dma_start3A_169 : memref<1x128xi32, #tpu.memory_space<vmem>> -> memref<128xi32, #tpu.memory_space<vmem>>
        %dma_start3A_171 = arith.constant 0 : i32
        %dma_start3A_172 = arith.constant 0 : i32
        %dma_start3A_173 = tpu.memref_slice %arg11[%dma_start3A_171, %dma_start3A_172] : memref<10240x128xf32, #tpu.memory_space<vmem_shared>> -> memref<10240x128xf32, #tpu.memory_space<vmem_shared>>
        tpu.enqueue_indirect_dma source(%arg9 : memref<128x128xf32, #tpu.memory_space<vmem>>) target(%dma_start3A_173 : memref<10240x128xf32, #tpu.memory_space<vmem_shared>>) offsets(%dma_start3A_170 : memref<128xi32, #tpu.memory_space<vmem>>) semaphore(%run_scoped3A_167 : memref<!tpu.dma_semaphore, #tpu.memory_space<semaphore_mem>>) {add = true}
        %dma_wait3A_174 = arith.constant 0 : i32
        %dma_wait3A_175 = tpu.memref_slice %arg8[%run_scoped3A_121, %dma_wait3A_174] : memref<8x128xi32, #tpu.memory_space<vmem>> -> memref<1x128xi32, #tpu.memory_space<vmem>>
        %dma_wait3A_176 = tpu.memref_squeeze %dma_wait3A_175 : memref<1x128xi32, #tpu.memory_space<vmem>> -> memref<128xi32, #tpu.memory_space<vmem>>
        %dma_wait3A_177 = arith.constant 0 : i32
        %dma_wait3A_178 = arith.constant 0 : i32
        %dma_wait3A_179 = tpu.memref_slice %arg11[%dma_wait3A_177, %dma_wait3A_178] : memref<10240x128xf32, #tpu.memory_space<vmem_shared>> -> memref<10240x128xf32, #tpu.memory_space<vmem_shared>>
        tpu.wait_indirect_dma semaphore(%run_scoped3A_167 : memref<!tpu.dma_semaphore, #tpu.memory_space<semaphore_mem>>) src(%arg9 : memref<128x128xf32, #tpu.memory_space<vmem>>) dst(%dma_wait3A_179 : memref<10240x128xf32, #tpu.memory_space<vmem_shared>>)
        tpu.yield
      }) : () -> ()
      %dma_start3A_122 = arith.constant 5 : i32
      %dma_start3A_123 = arith.constant 0 : i32
      %dma_start3A_124 = tpu.memref_slice %arg7[%dma_start3A_122, %dma_start3A_123] : memref<8x128xi32, #tpu.memory_space<vmem>> -> memref<1x128xi32, #tpu.memory_space<vmem>>
      %dma_start3A_125 = tpu.memref_squeeze %dma_start3A_124 : memref<1x128xi32, #tpu.memory_space<vmem>> -> memref<128xi32, #tpu.memory_space<vmem>>
      %dma_start3A_126 = arith.constant 0 : i32
      %dma_start3A_127 = arith.constant 0 : i32
      %dma_start3A_128 = tpu.memref_slice %arg2[%dma_start3A_126, %dma_start3A_127] : memref<20000x128xf32, #tpu.memory_space<hbm>> -> memref<20000x128xf32, #tpu.memory_space<hbm>>
      tpu.enqueue_indirect_dma source(%dma_start3A_128 : memref<20000x128xf32, #tpu.memory_space<hbm>>) target(%arg9 : memref<128x128xf32, #tpu.memory_space<vmem>>) offsets(%dma_start3A_125 : memref<128xi32, #tpu.memory_space<vmem>>) semaphore(%arg12 : memref<!tpu.dma_semaphore, #tpu.memory_space<semaphore_mem>>)
      %dma_wait3A_129 = arith.constant 5 : i32
      %dma_wait3A_130 = arith.constant 0 : i32
      %dma_wait3A_131 = tpu.memref_slice %arg7[%dma_wait3A_129, %dma_wait3A_130] : memref<8x128xi32, #tpu.memory_space<vmem>> -> memref<1x128xi32, #tpu.memory_space<vmem>>
      %dma_wait3A_132 = tpu.memref_squeeze %dma_wait3A_131 : memref<1x128xi32, #tpu.memory_space<vmem>> -> memref<128xi32, #tpu.memory_space<vmem>>
      %dma_wait3A_133 = arith.constant 0 : i32
      %dma_wait3A_134 = arith.constant 0 : i32
      %dma_wait3A_135 = tpu.memref_slice %arg2[%dma_wait3A_133, %dma_wait3A_134] : memref<20000x128xf32, #tpu.memory_space<hbm>> -> memref<20000x128xf32, #tpu.memory_space<hbm>>
      tpu.wait_indirect_dma semaphore(%arg12 : memref<!tpu.dma_semaphore, #tpu.memory_space<semaphore_mem>>) src(%dma_wait3A_135 : memref<20000x128xf32, #tpu.memory_space<hbm>>) dst(%arg9 : memref<128x128xf32, #tpu.memory_space<vmem>>)
      %run_scoped3A_136 = arith.constant 5 : i32
      "tpu.region"() ({
        %run_scoped3A_167 = tpu.sem_alloc : memref<!tpu.dma_semaphore, #tpu.memory_space<semaphore_mem>>
        %dma_start3A_168 = arith.constant 0 : i32
        %dma_start3A_169 = tpu.memref_slice %arg8[%run_scoped3A_136, %dma_start3A_168] : memref<8x128xi32, #tpu.memory_space<vmem>> -> memref<1x128xi32, #tpu.memory_space<vmem>>
        %dma_start3A_170 = tpu.memref_squeeze %dma_start3A_169 : memref<1x128xi32, #tpu.memory_space<vmem>> -> memref<128xi32, #tpu.memory_space<vmem>>
        %dma_start3A_171 = arith.constant 0 : i32
        %dma_start3A_172 = arith.constant 0 : i32
        %dma_start3A_173 = tpu.memref_slice %arg11[%dma_start3A_171, %dma_start3A_172] : memref<10240x128xf32, #tpu.memory_space<vmem_shared>> -> memref<10240x128xf32, #tpu.memory_space<vmem_shared>>
        tpu.enqueue_indirect_dma source(%arg9 : memref<128x128xf32, #tpu.memory_space<vmem>>) target(%dma_start3A_173 : memref<10240x128xf32, #tpu.memory_space<vmem_shared>>) offsets(%dma_start3A_170 : memref<128xi32, #tpu.memory_space<vmem>>) semaphore(%run_scoped3A_167 : memref<!tpu.dma_semaphore, #tpu.memory_space<semaphore_mem>>) {add = true}
        %dma_wait3A_174 = arith.constant 0 : i32
        %dma_wait3A_175 = tpu.memref_slice %arg8[%run_scoped3A_136, %dma_wait3A_174] : memref<8x128xi32, #tpu.memory_space<vmem>> -> memref<1x128xi32, #tpu.memory_space<vmem>>
        %dma_wait3A_176 = tpu.memref_squeeze %dma_wait3A_175 : memref<1x128xi32, #tpu.memory_space<vmem>> -> memref<128xi32, #tpu.memory_space<vmem>>
        %dma_wait3A_177 = arith.constant 0 : i32
        %dma_wait3A_178 = arith.constant 0 : i32
        %dma_wait3A_179 = tpu.memref_slice %arg11[%dma_wait3A_177, %dma_wait3A_178] : memref<10240x128xf32, #tpu.memory_space<vmem_shared>> -> memref<10240x128xf32, #tpu.memory_space<vmem_shared>>
        tpu.wait_indirect_dma semaphore(%run_scoped3A_167 : memref<!tpu.dma_semaphore, #tpu.memory_space<semaphore_mem>>) src(%arg9 : memref<128x128xf32, #tpu.memory_space<vmem>>) dst(%dma_wait3A_179 : memref<10240x128xf32, #tpu.memory_space<vmem_shared>>)
        tpu.yield
      }) : () -> ()
      %dma_start3A_137 = arith.constant 6 : i32
      %dma_start3A_138 = arith.constant 0 : i32
      %dma_start3A_139 = tpu.memref_slice %arg7[%dma_start3A_137, %dma_start3A_138] : memref<8x128xi32, #tpu.memory_space<vmem>> -> memref<1x128xi32, #tpu.memory_space<vmem>>
      %dma_start3A_140 = tpu.memref_squeeze %dma_start3A_139 : memref<1x128xi32, #tpu.memory_space<vmem>> -> memref<128xi32, #tpu.memory_space<vmem>>
      %dma_start3A_141 = arith.constant 0 : i32
      %dma_start3A_142 = arith.constant 0 : i32
      %dma_start3A_143 = tpu.memref_slice %arg2[%dma_start3A_141, %dma_start3A_142] : memref<20000x128xf32, #tpu.memory_space<hbm>> -> memref<20000x128xf32, #tpu.memory_space<hbm>>
      tpu.enqueue_indirect_dma source(%dma_start3A_143 : memref<20000x128xf32, #tpu.memory_space<hbm>>) target(%arg9 : memref<128x128xf32, #tpu.memory_space<vmem>>) offsets(%dma_start3A_140 : memref<128xi32, #tpu.memory_space<vmem>>) semaphore(%arg12 : memref<!tpu.dma_semaphore, #tpu.memory_space<semaphore_mem>>)
      %dma_wait3A_144 = arith.constant 6 : i32
      %dma_wait3A_145 = arith.constant 0 : i32
      %dma_wait3A_146 = tpu.memref_slice %arg7[%dma_wait3A_144, %dma_wait3A_145] : memref<8x128xi32, #tpu.memory_space<vmem>> -> memref<1x128xi32, #tpu.memory_space<vmem>>
      %dma_wait3A_147 = tpu.memref_squeeze %dma_wait3A_146 : memref<1x128xi32, #tpu.memory_space<vmem>> -> memref<128xi32, #tpu.memory_space<vmem>>
      %dma_wait3A_148 = arith.constant 0 : i32
      %dma_wait3A_149 = arith.constant 0 : i32
      %dma_wait3A_150 = tpu.memref_slice %arg2[%dma_wait3A_148, %dma_wait3A_149] : memref<20000x128xf32, #tpu.memory_space<hbm>> -> memref<20000x128xf32, #tpu.memory_space<hbm>>
      tpu.wait_indirect_dma semaphore(%arg12 : memref<!tpu.dma_semaphore, #tpu.memory_space<semaphore_mem>>) src(%dma_wait3A_150 : memref<20000x128xf32, #tpu.memory_space<hbm>>) dst(%arg9 : memref<128x128xf32, #tpu.memory_space<vmem>>)
      %run_scoped3A_151 = arith.constant 6 : i32
      "tpu.region"() ({
        %run_scoped3A_167 = tpu.sem_alloc : memref<!tpu.dma_semaphore, #tpu.memory_space<semaphore_mem>>
        %dma_start3A_168 = arith.constant 0 : i32
        %dma_start3A_169 = tpu.memref_slice %arg8[%run_scoped3A_151, %dma_start3A_168] : memref<8x128xi32, #tpu.memory_space<vmem>> -> memref<1x128xi32, #tpu.memory_space<vmem>>
        %dma_start3A_170 = tpu.memref_squeeze %dma_start3A_169 : memref<1x128xi32, #tpu.memory_space<vmem>> -> memref<128xi32, #tpu.memory_space<vmem>>
        %dma_start3A_171 = arith.constant 0 : i32
        %dma_start3A_172 = arith.constant 0 : i32
        %dma_start3A_173 = tpu.memref_slice %arg11[%dma_start3A_171, %dma_start3A_172] : memref<10240x128xf32, #tpu.memory_space<vmem_shared>> -> memref<10240x128xf32, #tpu.memory_space<vmem_shared>>
        tpu.enqueue_indirect_dma source(%arg9 : memref<128x128xf32, #tpu.memory_space<vmem>>) target(%dma_start3A_173 : memref<10240x128xf32, #tpu.memory_space<vmem_shared>>) offsets(%dma_start3A_170 : memref<128xi32, #tpu.memory_space<vmem>>) semaphore(%run_scoped3A_167 : memref<!tpu.dma_semaphore, #tpu.memory_space<semaphore_mem>>) {add = true}
        %dma_wait3A_174 = arith.constant 0 : i32
        %dma_wait3A_175 = tpu.memref_slice %arg8[%run_scoped3A_151, %dma_wait3A_174] : memref<8x128xi32, #tpu.memory_space<vmem>> -> memref<1x128xi32, #tpu.memory_space<vmem>>
        %dma_wait3A_176 = tpu.memref_squeeze %dma_wait3A_175 : memref<1x128xi32, #tpu.memory_space<vmem>> -> memref<128xi32, #tpu.memory_space<vmem>>
        %dma_wait3A_177 = arith.constant 0 : i32
        %dma_wait3A_178 = arith.constant 0 : i32
        %dma_wait3A_179 = tpu.memref_slice %arg11[%dma_wait3A_177, %dma_wait3A_178] : memref<10240x128xf32, #tpu.memory_space<vmem_shared>> -> memref<10240x128xf32, #tpu.memory_space<vmem_shared>>
        tpu.wait_indirect_dma semaphore(%run_scoped3A_167 : memref<!tpu.dma_semaphore, #tpu.memory_space<semaphore_mem>>) src(%arg9 : memref<128x128xf32, #tpu.memory_space<vmem>>) dst(%dma_wait3A_179 : memref<10240x128xf32, #tpu.memory_space<vmem_shared>>)
        tpu.yield
      }) : () -> ()
      %dma_start3A_152 = arith.constant 7 : i32
      %dma_start3A_153 = arith.constant 0 : i32
      %dma_start3A_154 = tpu.memref_slice %arg7[%dma_start3A_152, %dma_start3A_153] : memref<8x128xi32, #tpu.memory_space<vmem>> -> memref<1x128xi32, #tpu.memory_space<vmem>>
      %dma_start3A_155 = tpu.memref_squeeze %dma_start3A_154 : memref<1x128xi32, #tpu.memory_space<vmem>> -> memref<128xi32, #tpu.memory_space<vmem>>
      %dma_start3A_156 = arith.constant 0 : i32
      %dma_start3A_157 = arith.constant 0 : i32
      %dma_start3A_158 = tpu.memref_slice %arg2[%dma_start3A_156, %dma_start3A_157] : memref<20000x128xf32, #tpu.memory_space<hbm>> -> memref<20000x128xf32, #tpu.memory_space<hbm>>
      tpu.enqueue_indirect_dma source(%dma_start3A_158 : memref<20000x128xf32, #tpu.memory_space<hbm>>) target(%arg9 : memref<128x128xf32, #tpu.memory_space<vmem>>) offsets(%dma_start3A_155 : memref<128xi32, #tpu.memory_space<vmem>>) semaphore(%arg12 : memref<!tpu.dma_semaphore, #tpu.memory_space<semaphore_mem>>)
      %dma_wait3A_159 = arith.constant 7 : i32
      %dma_wait3A_160 = arith.constant 0 : i32
      %dma_wait3A_161 = tpu.memref_slice %arg7[%dma_wait3A_159, %dma_wait3A_160] : memref<8x128xi32, #tpu.memory_space<vmem>> -> memref<1x128xi32, #tpu.memory_space<vmem>>
      %dma_wait3A_162 = tpu.memref_squeeze %dma_wait3A_161 : memref<1x128xi32, #tpu.memory_space<vmem>> -> memref<128xi32, #tpu.memory_space<vmem>>
      %dma_wait3A_163 = arith.constant 0 : i32
      %dma_wait3A_164 = arith.constant 0 : i32
      %dma_wait3A_165 = tpu.memref_slice %arg2[%dma_wait3A_163, %dma_wait3A_164] : memref<20000x128xf32, #tpu.memory_space<hbm>> -> memref<20000x128xf32, #tpu.memory_space<hbm>>
      tpu.wait_indirect_dma semaphore(%arg12 : memref<!tpu.dma_semaphore, #tpu.memory_space<semaphore_mem>>) src(%dma_wait3A_165 : memref<20000x128xf32, #tpu.memory_space<hbm>>) dst(%arg9 : memref<128x128xf32, #tpu.memory_space<vmem>>)
      %run_scoped3A_166 = arith.constant 7 : i32
      "tpu.region"() ({
        %run_scoped3A_167 = tpu.sem_alloc : memref<!tpu.dma_semaphore, #tpu.memory_space<semaphore_mem>>
        %dma_start3A_168 = arith.constant 0 : i32
        %dma_start3A_169 = tpu.memref_slice %arg8[%run_scoped3A_166, %dma_start3A_168] : memref<8x128xi32, #tpu.memory_space<vmem>> -> memref<1x128xi32, #tpu.memory_space<vmem>>
        %dma_start3A_170 = tpu.memref_squeeze %dma_start3A_169 : memref<1x128xi32, #tpu.memory_space<vmem>> -> memref<128xi32, #tpu.memory_space<vmem>>
        %dma_start3A_171 = arith.constant 0 : i32
        %dma_start3A_172 = arith.constant 0 : i32
        %dma_start3A_173 = tpu.memref_slice %arg11[%dma_start3A_171, %dma_start3A_172] : memref<10240x128xf32, #tpu.memory_space<vmem_shared>> -> memref<10240x128xf32, #tpu.memory_space<vmem_shared>>
        tpu.enqueue_indirect_dma source(%arg9 : memref<128x128xf32, #tpu.memory_space<vmem>>) target(%dma_start3A_173 : memref<10240x128xf32, #tpu.memory_space<vmem_shared>>) offsets(%dma_start3A_170 : memref<128xi32, #tpu.memory_space<vmem>>) semaphore(%run_scoped3A_167 : memref<!tpu.dma_semaphore, #tpu.memory_space<semaphore_mem>>) {add = true}
        %dma_wait3A_174 = arith.constant 0 : i32
        %dma_wait3A_175 = tpu.memref_slice %arg8[%run_scoped3A_166, %dma_wait3A_174] : memref<8x128xi32, #tpu.memory_space<vmem>> -> memref<1x128xi32, #tpu.memory_space<vmem>>
        %dma_wait3A_176 = tpu.memref_squeeze %dma_wait3A_175 : memref<1x128xi32, #tpu.memory_space<vmem>> -> memref<128xi32, #tpu.memory_space<vmem>>
        %dma_wait3A_177 = arith.constant 0 : i32
        %dma_wait3A_178 = arith.constant 0 : i32
        %dma_wait3A_179 = tpu.memref_slice %arg11[%dma_wait3A_177, %dma_wait3A_178] : memref<10240x128xf32, #tpu.memory_space<vmem_shared>> -> memref<10240x128xf32, #tpu.memory_space<vmem_shared>>
        tpu.wait_indirect_dma semaphore(%run_scoped3A_167 : memref<!tpu.dma_semaphore, #tpu.memory_space<semaphore_mem>>) src(%arg9 : memref<128x128xf32, #tpu.memory_space<vmem>>) dst(%dma_wait3A_179 : memref<10240x128xf32, #tpu.memory_space<vmem_shared>>)
        tpu.yield
      }) : () -> ()
    }
    %scan3A_34 = arith.constant 20 : i32
    %barrier3A_35 = arith.constant 0 : index
    tpu.barrier barrier_id(%barrier3A_35)
    %mul3A_36 = arith.constant 640 : i32
    %mul3A_37 = arith.muli %arg1, %mul3A_36 : i32
    %mul3A_38 = arith.constant 10240 : i32
    %mul3A_39 = arith.muli %arg0, %mul3A_38 : i32
    %add3A_40 = arith.addi %mul3A_39, %mul3A_37 : i32
    "tpu.region"() ({
      %run_scoped3A = tpu.sem_alloc : memref<!tpu.dma_semaphore, #tpu.memory_space<semaphore_mem>>
      %dma_start3A = arith.constant 0 : i32
      %dma_start3A_41 = tpu.memref_slice %arg6[%add3A_40, %dma_start3A] : memref<20480x128xf32, #tpu.memory_space<hbm>> -> memref<640x128xf32, #tpu.memory_space<hbm>>
      %dma_start3A_42 = arith.constant 0 : i32
      %dma_start3A_43 = tpu.memref_slice %arg11[%mul3A_37, %dma_start3A_42] : memref<10240x128xf32, #tpu.memory_space<vmem_shared>> -> memref<640x128xf32, #tpu.memory_space<vmem_shared>>
      tpu.enqueue_dma source(%dma_start3A_43 : memref<640x128xf32, #tpu.memory_space<vmem_shared>>) target(%dma_start3A_41 : memref<640x128xf32, #tpu.memory_space<hbm>>) target_semaphore(%run_scoped3A : memref<!tpu.dma_semaphore, #tpu.memory_space<semaphore_mem>>)
      %dma_wait3A = arith.constant 0 : i32
      %dma_wait3A_44 = tpu.memref_slice %arg6[%add3A_40, %dma_wait3A] : memref<20480x128xf32, #tpu.memory_space<hbm>> -> memref<640x128xf32, #tpu.memory_space<hbm>>
      %dma_wait3A_45 = arith.constant 0 : i32
      %dma_wait3A_46 = tpu.memref_slice %arg11[%mul3A_37, %dma_wait3A_45] : memref<10240x128xf32, #tpu.memory_space<vmem_shared>> -> memref<640x128xf32, #tpu.memory_space<vmem_shared>>
      tpu.wait_dma2 semaphore(%run_scoped3A : memref<!tpu.dma_semaphore, #tpu.memory_space<semaphore_mem>>) src(%dma_wait3A_46 : memref<640x128xf32, #tpu.memory_space<vmem_shared>>) dst(%dma_wait3A_44 : memref<640x128xf32, #tpu.memory_space<hbm>>)
      tpu.yield
    }) : () -> ()
    return
  }
}

#map = affine_map<(d0, d1) -> (0)>
#map1 = affine_map<(d0, d1) -> (0, 0)>
module attributes {stable_mosaic.version = 14 : i64} {
  func.func @k(%arg0: i32, %arg1: i32, %arg2: memref<30000xf32, #tpu.memory_space<hbm>>, %arg3: memref<2560x128xi32, #tpu.memory_space<hbm>>, %arg4: memref<2560x128xi32, #tpu.memory_space<hbm>>, %arg5: memref<640xf32, #tpu.memory_space<hbm>>, %arg6: memref<61440xf32, #tpu.memory_space<hbm>>, %arg7: memref<8x128xi32, #tpu.memory_space<vmem>>, %arg8: memref<8x128xi32, #tpu.memory_space<vmem>>, %arg9: memref<128xf32, #tpu.memory_space<vmem>>, %arg10: memref<640xf32, #tpu.memory_space<vmem>>, %arg11: memref<30720xf32, #tpu.memory_space<vmem_shared>>, %arg12: memref<!tpu.dma_semaphore, #tpu.memory_space<semaphore_mem>>) attributes {dimension_semantics = [#tpu.dimension_semantics<core_parallel>, #tpu.dimension_semantics<subcore_parallel>], iteration_bounds = array<i64: 2, 16>, scalar_prefetch = 0 : i64, scratch_operands = 6 : i64, tpu.core_type = #tpu.core_type<sc_vector_subcore>, window_params = [{transform_indices = #map}, {transform_indices = #map1}, {transform_indices = #map1}, {transform_indices = #map}, {transform_indices = #map}]} {
    "tpu.region"() ({
      %run_scoped3A = tpu.sem_alloc : memref<!tpu.dma_semaphore, #tpu.memory_space<semaphore_mem>>
      tpu.enqueue_dma source(%arg5 : memref<640xf32, #tpu.memory_space<hbm>>) target(%arg10 : memref<640xf32, #tpu.memory_space<vmem>>) target_semaphore(%run_scoped3A : memref<!tpu.dma_semaphore, #tpu.memory_space<semaphore_mem>>)
      tpu.wait_dma2 semaphore(%run_scoped3A : memref<!tpu.dma_semaphore, #tpu.memory_space<semaphore_mem>>) src(%arg5 : memref<640xf32, #tpu.memory_space<hbm>>) dst(%arg10 : memref<640xf32, #tpu.memory_space<vmem>>)
      tpu.yield
    }) : () -> ()
    %mul3A = arith.constant 640 : i32
    %mul3A_0 = arith.muli %arg1, %mul3A : i32
    %add3A = arith.constant 0 : i32
    %add3A_1 = arith.addi %add3A, %mul3A_0 : i32
    "tpu.region"() ({
      %run_scoped3A = tpu.sem_alloc : memref<!tpu.dma_semaphore, #tpu.memory_space<semaphore_mem>>
      %dma_start3A = tpu.memref_slice %arg11[%add3A_1] : memref<30720xf32, #tpu.memory_space<vmem_shared>> -> memref<640xf32, #tpu.memory_space<vmem_shared>>
      %dma_start3A_43 = tpu.memref_slice %arg11[%add3A_1] : memref<30720xf32, #tpu.memory_space<vmem_shared>> -> memref<640xf32, #tpu.memory_space<vmem_shared>>
      tpu.enqueue_dma source(%arg10 : memref<640xf32, #tpu.memory_space<vmem>>) target(%dma_start3A_43 : memref<640xf32, #tpu.memory_space<vmem_shared>>) target_semaphore(%run_scoped3A : memref<!tpu.dma_semaphore, #tpu.memory_space<semaphore_mem>>)
      %dma_wait3A = tpu.memref_slice %arg11[%add3A_1] : memref<30720xf32, #tpu.memory_space<vmem_shared>> -> memref<640xf32, #tpu.memory_space<vmem_shared>>
      %dma_wait3A_44 = tpu.memref_slice %arg11[%add3A_1] : memref<30720xf32, #tpu.memory_space<vmem_shared>> -> memref<640xf32, #tpu.memory_space<vmem_shared>>
      tpu.wait_dma2 semaphore(%run_scoped3A : memref<!tpu.dma_semaphore, #tpu.memory_space<semaphore_mem>>) src(%arg10 : memref<640xf32, #tpu.memory_space<vmem>>) dst(%dma_wait3A_44 : memref<640xf32, #tpu.memory_space<vmem_shared>>)
      tpu.yield
    }) : () -> ()
    %mul3A_2 = arith.constant 640 : i32
    %mul3A_3 = arith.muli %arg1, %mul3A_2 : i32
    %add3A_4 = arith.constant 10240 : i32
    %add3A_5 = arith.addi %add3A_4, %mul3A_3 : i32
    "tpu.region"() ({
      %run_scoped3A = tpu.sem_alloc : memref<!tpu.dma_semaphore, #tpu.memory_space<semaphore_mem>>
      %dma_start3A = tpu.memref_slice %arg11[%add3A_5] : memref<30720xf32, #tpu.memory_space<vmem_shared>> -> memref<640xf32, #tpu.memory_space<vmem_shared>>
      %dma_start3A_43 = tpu.memref_slice %arg11[%add3A_5] : memref<30720xf32, #tpu.memory_space<vmem_shared>> -> memref<640xf32, #tpu.memory_space<vmem_shared>>
      tpu.enqueue_dma source(%arg10 : memref<640xf32, #tpu.memory_space<vmem>>) target(%dma_start3A_43 : memref<640xf32, #tpu.memory_space<vmem_shared>>) target_semaphore(%run_scoped3A : memref<!tpu.dma_semaphore, #tpu.memory_space<semaphore_mem>>)
      %dma_wait3A = tpu.memref_slice %arg11[%add3A_5] : memref<30720xf32, #tpu.memory_space<vmem_shared>> -> memref<640xf32, #tpu.memory_space<vmem_shared>>
      %dma_wait3A_44 = tpu.memref_slice %arg11[%add3A_5] : memref<30720xf32, #tpu.memory_space<vmem_shared>> -> memref<640xf32, #tpu.memory_space<vmem_shared>>
      tpu.wait_dma2 semaphore(%run_scoped3A : memref<!tpu.dma_semaphore, #tpu.memory_space<semaphore_mem>>) src(%arg10 : memref<640xf32, #tpu.memory_space<vmem>>) dst(%dma_wait3A_44 : memref<640xf32, #tpu.memory_space<vmem_shared>>)
      tpu.yield
    }) : () -> ()
    %mul3A_6 = arith.constant 640 : i32
    %mul3A_7 = arith.muli %arg1, %mul3A_6 : i32
    %add3A_8 = arith.constant 20480 : i32
    %add3A_9 = arith.addi %add3A_8, %mul3A_7 : i32
    "tpu.region"() ({
      %run_scoped3A = tpu.sem_alloc : memref<!tpu.dma_semaphore, #tpu.memory_space<semaphore_mem>>
      %dma_start3A = tpu.memref_slice %arg11[%add3A_9] : memref<30720xf32, #tpu.memory_space<vmem_shared>> -> memref<640xf32, #tpu.memory_space<vmem_shared>>
      %dma_start3A_43 = tpu.memref_slice %arg11[%add3A_9] : memref<30720xf32, #tpu.memory_space<vmem_shared>> -> memref<640xf32, #tpu.memory_space<vmem_shared>>
      tpu.enqueue_dma source(%arg10 : memref<640xf32, #tpu.memory_space<vmem>>) target(%dma_start3A_43 : memref<640xf32, #tpu.memory_space<vmem_shared>>) target_semaphore(%run_scoped3A : memref<!tpu.dma_semaphore, #tpu.memory_space<semaphore_mem>>)
      %dma_wait3A = tpu.memref_slice %arg11[%add3A_9] : memref<30720xf32, #tpu.memory_space<vmem_shared>> -> memref<640xf32, #tpu.memory_space<vmem_shared>>
      %dma_wait3A_44 = tpu.memref_slice %arg11[%add3A_9] : memref<30720xf32, #tpu.memory_space<vmem_shared>> -> memref<640xf32, #tpu.memory_space<vmem_shared>>
      tpu.wait_dma2 semaphore(%run_scoped3A : memref<!tpu.dma_semaphore, #tpu.memory_space<semaphore_mem>>) src(%arg10 : memref<640xf32, #tpu.memory_space<vmem>>) dst(%dma_wait3A_44 : memref<640xf32, #tpu.memory_space<vmem_shared>>)
      tpu.yield
    }) : () -> ()
    %barrier3A = arith.constant 0 : index
    tpu.barrier barrier_id(%barrier3A)
    %scan3A = arith.constant 0 : i32
    %scan3A_10 = arith.constant 0 : i32
    %scan3A_11 = arith.constant 10 : i32
    %scan3A_12 = arith.addi %scan3A_10, %scan3A_11 : i32
    %scan3A_13 = arith.constant 1 : i32
    scf.for %scan3A_43 = %scan3A_10 to %scan3A_12 step %scan3A_13  : i32 {
      %mul3A_44 = arith.constant 1280 : i32
      %mul3A_45 = arith.muli %arg0, %mul3A_44 : i32
      %mul3A_46 = arith.constant 80 : i32
      %mul3A_47 = arith.muli %arg1, %mul3A_46 : i32
      %add3A_48 = arith.addi %mul3A_45, %mul3A_47 : i32
      %mul3A_49 = arith.constant 8 : i32
      %mul3A_50 = arith.muli %scan3A_43, %mul3A_49 : i32
      %add3A_51 = arith.addi %add3A_48, %mul3A_50 : i32
      "tpu.region"() ({
        %run_scoped3A_457 = tpu.sem_alloc : memref<!tpu.dma_semaphore, #tpu.memory_space<semaphore_mem>>
        %dma_start3A_458 = arith.constant 0 : i32
        %dma_start3A_459 = tpu.memref_slice %arg3[%add3A_51, %dma_start3A_458] : memref<2560x128xi32, #tpu.memory_space<hbm>> -> memref<8x128xi32, #tpu.memory_space<hbm>>
        %dma_start3A_460 = arith.constant 0 : i32
        %dma_start3A_461 = tpu.memref_slice %arg3[%add3A_51, %dma_start3A_460] : memref<2560x128xi32, #tpu.memory_space<hbm>> -> memref<8x128xi32, #tpu.memory_space<hbm>>
        tpu.enqueue_dma source(%dma_start3A_461 : memref<8x128xi32, #tpu.memory_space<hbm>>) target(%arg7 : memref<8x128xi32, #tpu.memory_space<vmem>>) target_semaphore(%run_scoped3A_457 : memref<!tpu.dma_semaphore, #tpu.memory_space<semaphore_mem>>)
        %dma_wait3A_462 = arith.constant 0 : i32
        %dma_wait3A_463 = tpu.memref_slice %arg3[%add3A_51, %dma_wait3A_462] : memref<2560x128xi32, #tpu.memory_space<hbm>> -> memref<8x128xi32, #tpu.memory_space<hbm>>
        %dma_wait3A_464 = arith.constant 0 : i32
        %dma_wait3A_465 = tpu.memref_slice %arg3[%add3A_51, %dma_wait3A_464] : memref<2560x128xi32, #tpu.memory_space<hbm>> -> memref<8x128xi32, #tpu.memory_space<hbm>>
        tpu.wait_dma2 semaphore(%run_scoped3A_457 : memref<!tpu.dma_semaphore, #tpu.memory_space<semaphore_mem>>) src(%dma_wait3A_465 : memref<8x128xi32, #tpu.memory_space<hbm>>) dst(%arg7 : memref<8x128xi32, #tpu.memory_space<vmem>>)
        tpu.yield
      }) : () -> ()
      "tpu.region"() ({
        %run_scoped3A_457 = tpu.sem_alloc : memref<!tpu.dma_semaphore, #tpu.memory_space<semaphore_mem>>
        %dma_start3A_458 = arith.constant 0 : i32
        %dma_start3A_459 = tpu.memref_slice %arg4[%add3A_51, %dma_start3A_458] : memref<2560x128xi32, #tpu.memory_space<hbm>> -> memref<8x128xi32, #tpu.memory_space<hbm>>
        %dma_start3A_460 = arith.constant 0 : i32
        %dma_start3A_461 = tpu.memref_slice %arg4[%add3A_51, %dma_start3A_460] : memref<2560x128xi32, #tpu.memory_space<hbm>> -> memref<8x128xi32, #tpu.memory_space<hbm>>
        tpu.enqueue_dma source(%dma_start3A_461 : memref<8x128xi32, #tpu.memory_space<hbm>>) target(%arg8 : memref<8x128xi32, #tpu.memory_space<vmem>>) target_semaphore(%run_scoped3A_457 : memref<!tpu.dma_semaphore, #tpu.memory_space<semaphore_mem>>)
        %dma_wait3A_462 = arith.constant 0 : i32
        %dma_wait3A_463 = tpu.memref_slice %arg4[%add3A_51, %dma_wait3A_462] : memref<2560x128xi32, #tpu.memory_space<hbm>> -> memref<8x128xi32, #tpu.memory_space<hbm>>
        %dma_wait3A_464 = arith.constant 0 : i32
        %dma_wait3A_465 = tpu.memref_slice %arg4[%add3A_51, %dma_wait3A_464] : memref<2560x128xi32, #tpu.memory_space<hbm>> -> memref<8x128xi32, #tpu.memory_space<hbm>>
        tpu.wait_dma2 semaphore(%run_scoped3A_457 : memref<!tpu.dma_semaphore, #tpu.memory_space<semaphore_mem>>) src(%dma_wait3A_465 : memref<8x128xi32, #tpu.memory_space<hbm>>) dst(%arg8 : memref<8x128xi32, #tpu.memory_space<vmem>>)
        tpu.yield
      }) : () -> ()
      %dma_start3A = arith.constant 0 : i32
      %dma_start3A_52 = arith.constant 0 : i32
      %dma_start3A_53 = tpu.memref_slice %arg7[%dma_start3A, %dma_start3A_52] : memref<8x128xi32, #tpu.memory_space<vmem>> -> memref<1x128xi32, #tpu.memory_space<vmem>>
      %dma_start3A_54 = tpu.memref_squeeze %dma_start3A_53 : memref<1x128xi32, #tpu.memory_space<vmem>> -> memref<128xi32, #tpu.memory_space<vmem>>
      %dma_start3A_55 = arith.constant 0 : i32
      %dma_start3A_56 = tpu.memref_slice %arg2[%dma_start3A_55] : memref<30000xf32, #tpu.memory_space<hbm>> -> memref<10000xf32, #tpu.memory_space<hbm>>
      %dma_start3A_57 = arith.constant 0 : i32
      %dma_start3A_58 = tpu.memref_slice %dma_start3A_56[%dma_start3A_57] : memref<10000xf32, #tpu.memory_space<hbm>> -> memref<10000xf32, #tpu.memory_space<hbm>>
      tpu.enqueue_indirect_dma source(%dma_start3A_58 : memref<10000xf32, #tpu.memory_space<hbm>>) target(%arg9 : memref<128xf32, #tpu.memory_space<vmem>>) offsets(%dma_start3A_54 : memref<128xi32, #tpu.memory_space<vmem>>) semaphore(%arg12 : memref<!tpu.dma_semaphore, #tpu.memory_space<semaphore_mem>>)
      %dma_wait3A = arith.constant 0 : i32
      %dma_wait3A_59 = arith.constant 0 : i32
      %dma_wait3A_60 = tpu.memref_slice %arg7[%dma_wait3A, %dma_wait3A_59] : memref<8x128xi32, #tpu.memory_space<vmem>> -> memref<1x128xi32, #tpu.memory_space<vmem>>
      %dma_wait3A_61 = tpu.memref_squeeze %dma_wait3A_60 : memref<1x128xi32, #tpu.memory_space<vmem>> -> memref<128xi32, #tpu.memory_space<vmem>>
      %dma_wait3A_62 = arith.constant 0 : i32
      %dma_wait3A_63 = tpu.memref_slice %arg2[%dma_wait3A_62] : memref<30000xf32, #tpu.memory_space<hbm>> -> memref<10000xf32, #tpu.memory_space<hbm>>
      %dma_wait3A_64 = arith.constant 0 : i32
      %dma_wait3A_65 = tpu.memref_slice %dma_wait3A_63[%dma_wait3A_64] : memref<10000xf32, #tpu.memory_space<hbm>> -> memref<10000xf32, #tpu.memory_space<hbm>>
      tpu.wait_indirect_dma semaphore(%arg12 : memref<!tpu.dma_semaphore, #tpu.memory_space<semaphore_mem>>) src(%dma_wait3A_65 : memref<10000xf32, #tpu.memory_space<hbm>>) dst(%arg9 : memref<128xf32, #tpu.memory_space<vmem>>)
      %run_scoped3A = arith.constant 0 : i32
      "tpu.region"() ({
        %run_scoped3A_457 = tpu.sem_alloc : memref<!tpu.dma_semaphore, #tpu.memory_space<semaphore_mem>>
        %dma_start3A_458 = arith.constant 0 : i32
        %dma_start3A_459 = tpu.memref_slice %arg8[%run_scoped3A, %dma_start3A_458] : memref<8x128xi32, #tpu.memory_space<vmem>> -> memref<1x128xi32, #tpu.memory_space<vmem>>
        %dma_start3A_460 = tpu.memref_squeeze %dma_start3A_459 : memref<1x128xi32, #tpu.memory_space<vmem>> -> memref<128xi32, #tpu.memory_space<vmem>>
        %dma_start3A_461 = arith.constant 0 : i32
        %dma_start3A_462 = tpu.memref_slice %arg11[%dma_start3A_461] : memref<30720xf32, #tpu.memory_space<vmem_shared>> -> memref<10240xf32, #tpu.memory_space<vmem_shared>>
        %dma_start3A_463 = arith.constant 0 : i32
        %dma_start3A_464 = tpu.memref_slice %dma_start3A_462[%dma_start3A_463] : memref<10240xf32, #tpu.memory_space<vmem_shared>> -> memref<10240xf32, #tpu.memory_space<vmem_shared>>
        tpu.enqueue_indirect_dma source(%arg9 : memref<128xf32, #tpu.memory_space<vmem>>) target(%dma_start3A_464 : memref<10240xf32, #tpu.memory_space<vmem_shared>>) offsets(%dma_start3A_460 : memref<128xi32, #tpu.memory_space<vmem>>) semaphore(%run_scoped3A_457 : memref<!tpu.dma_semaphore, #tpu.memory_space<semaphore_mem>>) {add = true}
        %dma_wait3A_465 = arith.constant 0 : i32
        %dma_wait3A_466 = tpu.memref_slice %arg8[%run_scoped3A, %dma_wait3A_465] : memref<8x128xi32, #tpu.memory_space<vmem>> -> memref<1x128xi32, #tpu.memory_space<vmem>>
        %dma_wait3A_467 = tpu.memref_squeeze %dma_wait3A_466 : memref<1x128xi32, #tpu.memory_space<vmem>> -> memref<128xi32, #tpu.memory_space<vmem>>
        %dma_wait3A_468 = arith.constant 0 : i32
        %dma_wait3A_469 = tpu.memref_slice %arg11[%dma_wait3A_468] : memref<30720xf32, #tpu.memory_space<vmem_shared>> -> memref<10240xf32, #tpu.memory_space<vmem_shared>>
        %dma_wait3A_470 = arith.constant 0 : i32
        %dma_wait3A_471 = tpu.memref_slice %dma_wait3A_469[%dma_wait3A_470] : memref<10240xf32, #tpu.memory_space<vmem_shared>> -> memref<10240xf32, #tpu.memory_space<vmem_shared>>
        tpu.wait_indirect_dma semaphore(%run_scoped3A_457 : memref<!tpu.dma_semaphore, #tpu.memory_space<semaphore_mem>>) src(%arg9 : memref<128xf32, #tpu.memory_space<vmem>>) dst(%dma_wait3A_471 : memref<10240xf32, #tpu.memory_space<vmem_shared>>)
        tpu.yield
      }) : () -> ()
      %dma_start3A_66 = arith.constant 0 : i32
      %dma_start3A_67 = arith.constant 0 : i32
      %dma_start3A_68 = tpu.memref_slice %arg7[%dma_start3A_66, %dma_start3A_67] : memref<8x128xi32, #tpu.memory_space<vmem>> -> memref<1x128xi32, #tpu.memory_space<vmem>>
      %dma_start3A_69 = tpu.memref_squeeze %dma_start3A_68 : memref<1x128xi32, #tpu.memory_space<vmem>> -> memref<128xi32, #tpu.memory_space<vmem>>
      %dma_start3A_70 = arith.constant 10000 : i32
      %dma_start3A_71 = tpu.memref_slice %arg2[%dma_start3A_70] : memref<30000xf32, #tpu.memory_space<hbm>> -> memref<10000xf32, #tpu.memory_space<hbm>>
      %dma_start3A_72 = arith.constant 0 : i32
      %dma_start3A_73 = tpu.memref_slice %dma_start3A_71[%dma_start3A_72] : memref<10000xf32, #tpu.memory_space<hbm>> -> memref<10000xf32, #tpu.memory_space<hbm>>
      tpu.enqueue_indirect_dma source(%dma_start3A_73 : memref<10000xf32, #tpu.memory_space<hbm>>) target(%arg9 : memref<128xf32, #tpu.memory_space<vmem>>) offsets(%dma_start3A_69 : memref<128xi32, #tpu.memory_space<vmem>>) semaphore(%arg12 : memref<!tpu.dma_semaphore, #tpu.memory_space<semaphore_mem>>)
      %dma_wait3A_74 = arith.constant 0 : i32
      %dma_wait3A_75 = arith.constant 0 : i32
      %dma_wait3A_76 = tpu.memref_slice %arg7[%dma_wait3A_74, %dma_wait3A_75] : memref<8x128xi32, #tpu.memory_space<vmem>> -> memref<1x128xi32, #tpu.memory_space<vmem>>
      %dma_wait3A_77 = tpu.memref_squeeze %dma_wait3A_76 : memref<1x128xi32, #tpu.memory_space<vmem>> -> memref<128xi32, #tpu.memory_space<vmem>>
      %dma_wait3A_78 = arith.constant 10000 : i32
      %dma_wait3A_79 = tpu.memref_slice %arg2[%dma_wait3A_78] : memref<30000xf32, #tpu.memory_space<hbm>> -> memref<10000xf32, #tpu.memory_space<hbm>>
      %dma_wait3A_80 = arith.constant 0 : i32
      %dma_wait3A_81 = tpu.memref_slice %dma_wait3A_79[%dma_wait3A_80] : memref<10000xf32, #tpu.memory_space<hbm>> -> memref<10000xf32, #tpu.memory_space<hbm>>
      tpu.wait_indirect_dma semaphore(%arg12 : memref<!tpu.dma_semaphore, #tpu.memory_space<semaphore_mem>>) src(%dma_wait3A_81 : memref<10000xf32, #tpu.memory_space<hbm>>) dst(%arg9 : memref<128xf32, #tpu.memory_space<vmem>>)
      %run_scoped3A_82 = arith.constant 0 : i32
      "tpu.region"() ({
        %run_scoped3A_457 = tpu.sem_alloc : memref<!tpu.dma_semaphore, #tpu.memory_space<semaphore_mem>>
        %dma_start3A_458 = arith.constant 0 : i32
        %dma_start3A_459 = tpu.memref_slice %arg8[%run_scoped3A_82, %dma_start3A_458] : memref<8x128xi32, #tpu.memory_space<vmem>> -> memref<1x128xi32, #tpu.memory_space<vmem>>
        %dma_start3A_460 = tpu.memref_squeeze %dma_start3A_459 : memref<1x128xi32, #tpu.memory_space<vmem>> -> memref<128xi32, #tpu.memory_space<vmem>>
        %dma_start3A_461 = arith.constant 10240 : i32
        %dma_start3A_462 = tpu.memref_slice %arg11[%dma_start3A_461] : memref<30720xf32, #tpu.memory_space<vmem_shared>> -> memref<10240xf32, #tpu.memory_space<vmem_shared>>
        %dma_start3A_463 = arith.constant 0 : i32
        %dma_start3A_464 = tpu.memref_slice %dma_start3A_462[%dma_start3A_463] : memref<10240xf32, #tpu.memory_space<vmem_shared>> -> memref<10240xf32, #tpu.memory_space<vmem_shared>>
        tpu.enqueue_indirect_dma source(%arg9 : memref<128xf32, #tpu.memory_space<vmem>>) target(%dma_start3A_464 : memref<10240xf32, #tpu.memory_space<vmem_shared>>) offsets(%dma_start3A_460 : memref<128xi32, #tpu.memory_space<vmem>>) semaphore(%run_scoped3A_457 : memref<!tpu.dma_semaphore, #tpu.memory_space<semaphore_mem>>) {add = true}
        %dma_wait3A_465 = arith.constant 0 : i32
        %dma_wait3A_466 = tpu.memref_slice %arg8[%run_scoped3A_82, %dma_wait3A_465] : memref<8x128xi32, #tpu.memory_space<vmem>> -> memref<1x128xi32, #tpu.memory_space<vmem>>
        %dma_wait3A_467 = tpu.memref_squeeze %dma_wait3A_466 : memref<1x128xi32, #tpu.memory_space<vmem>> -> memref<128xi32, #tpu.memory_space<vmem>>
        %dma_wait3A_468 = arith.constant 10240 : i32
        %dma_wait3A_469 = tpu.memref_slice %arg11[%dma_wait3A_468] : memref<30720xf32, #tpu.memory_space<vmem_shared>> -> memref<10240xf32, #tpu.memory_space<vmem_shared>>
        %dma_wait3A_470 = arith.constant 0 : i32
        %dma_wait3A_471 = tpu.memref_slice %dma_wait3A_469[%dma_wait3A_470] : memref<10240xf32, #tpu.memory_space<vmem_shared>> -> memref<10240xf32, #tpu.memory_space<vmem_shared>>
        tpu.wait_indirect_dma semaphore(%run_scoped3A_457 : memref<!tpu.dma_semaphore, #tpu.memory_space<semaphore_mem>>) src(%arg9 : memref<128xf32, #tpu.memory_space<vmem>>) dst(%dma_wait3A_471 : memref<10240xf32, #tpu.memory_space<vmem_shared>>)
        tpu.yield
      }) : () -> ()
      %dma_start3A_83 = arith.constant 0 : i32
      %dma_start3A_84 = arith.constant 0 : i32
      %dma_start3A_85 = tpu.memref_slice %arg7[%dma_start3A_83, %dma_start3A_84] : memref<8x128xi32, #tpu.memory_space<vmem>> -> memref<1x128xi32, #tpu.memory_space<vmem>>
      %dma_start3A_86 = tpu.memref_squeeze %dma_start3A_85 : memref<1x128xi32, #tpu.memory_space<vmem>> -> memref<128xi32, #tpu.memory_space<vmem>>
      %dma_start3A_87 = arith.constant 20000 : i32
      %dma_start3A_88 = tpu.memref_slice %arg2[%dma_start3A_87] : memref<30000xf32, #tpu.memory_space<hbm>> -> memref<10000xf32, #tpu.memory_space<hbm>>
      %dma_start3A_89 = arith.constant 0 : i32
      %dma_start3A_90 = tpu.memref_slice %dma_start3A_88[%dma_start3A_89] : memref<10000xf32, #tpu.memory_space<hbm>> -> memref<10000xf32, #tpu.memory_space<hbm>>
      tpu.enqueue_indirect_dma source(%dma_start3A_90 : memref<10000xf32, #tpu.memory_space<hbm>>) target(%arg9 : memref<128xf32, #tpu.memory_space<vmem>>) offsets(%dma_start3A_86 : memref<128xi32, #tpu.memory_space<vmem>>) semaphore(%arg12 : memref<!tpu.dma_semaphore, #tpu.memory_space<semaphore_mem>>)
      %dma_wait3A_91 = arith.constant 0 : i32
      %dma_wait3A_92 = arith.constant 0 : i32
      %dma_wait3A_93 = tpu.memref_slice %arg7[%dma_wait3A_91, %dma_wait3A_92] : memref<8x128xi32, #tpu.memory_space<vmem>> -> memref<1x128xi32, #tpu.memory_space<vmem>>
      %dma_wait3A_94 = tpu.memref_squeeze %dma_wait3A_93 : memref<1x128xi32, #tpu.memory_space<vmem>> -> memref<128xi32, #tpu.memory_space<vmem>>
      %dma_wait3A_95 = arith.constant 20000 : i32
      %dma_wait3A_96 = tpu.memref_slice %arg2[%dma_wait3A_95] : memref<30000xf32, #tpu.memory_space<hbm>> -> memref<10000xf32, #tpu.memory_space<hbm>>
      %dma_wait3A_97 = arith.constant 0 : i32
      %dma_wait3A_98 = tpu.memref_slice %dma_wait3A_96[%dma_wait3A_97] : memref<10000xf32, #tpu.memory_space<hbm>> -> memref<10000xf32, #tpu.memory_space<hbm>>
      tpu.wait_indirect_dma semaphore(%arg12 : memref<!tpu.dma_semaphore, #tpu.memory_space<semaphore_mem>>) src(%dma_wait3A_98 : memref<10000xf32, #tpu.memory_space<hbm>>) dst(%arg9 : memref<128xf32, #tpu.memory_space<vmem>>)
      %run_scoped3A_99 = arith.constant 0 : i32
      "tpu.region"() ({
        %run_scoped3A_457 = tpu.sem_alloc : memref<!tpu.dma_semaphore, #tpu.memory_space<semaphore_mem>>
        %dma_start3A_458 = arith.constant 0 : i32
        %dma_start3A_459 = tpu.memref_slice %arg8[%run_scoped3A_99, %dma_start3A_458] : memref<8x128xi32, #tpu.memory_space<vmem>> -> memref<1x128xi32, #tpu.memory_space<vmem>>
        %dma_start3A_460 = tpu.memref_squeeze %dma_start3A_459 : memref<1x128xi32, #tpu.memory_space<vmem>> -> memref<128xi32, #tpu.memory_space<vmem>>
        %dma_start3A_461 = arith.constant 20480 : i32
        %dma_start3A_462 = tpu.memref_slice %arg11[%dma_start3A_461] : memref<30720xf32, #tpu.memory_space<vmem_shared>> -> memref<10240xf32, #tpu.memory_space<vmem_shared>>
        %dma_start3A_463 = arith.constant 0 : i32
        %dma_start3A_464 = tpu.memref_slice %dma_start3A_462[%dma_start3A_463] : memref<10240xf32, #tpu.memory_space<vmem_shared>> -> memref<10240xf32, #tpu.memory_space<vmem_shared>>
        tpu.enqueue_indirect_dma source(%arg9 : memref<128xf32, #tpu.memory_space<vmem>>) target(%dma_start3A_464 : memref<10240xf32, #tpu.memory_space<vmem_shared>>) offsets(%dma_start3A_460 : memref<128xi32, #tpu.memory_space<vmem>>) semaphore(%run_scoped3A_457 : memref<!tpu.dma_semaphore, #tpu.memory_space<semaphore_mem>>) {add = true}
        %dma_wait3A_465 = arith.constant 0 : i32
        %dma_wait3A_466 = tpu.memref_slice %arg8[%run_scoped3A_99, %dma_wait3A_465] : memref<8x128xi32, #tpu.memory_space<vmem>> -> memref<1x128xi32, #tpu.memory_space<vmem>>
        %dma_wait3A_467 = tpu.memref_squeeze %dma_wait3A_466 : memref<1x128xi32, #tpu.memory_space<vmem>> -> memref<128xi32, #tpu.memory_space<vmem>>
        %dma_wait3A_468 = arith.constant 20480 : i32
        %dma_wait3A_469 = tpu.memref_slice %arg11[%dma_wait3A_468] : memref<30720xf32, #tpu.memory_space<vmem_shared>> -> memref<10240xf32, #tpu.memory_space<vmem_shared>>
        %dma_wait3A_470 = arith.constant 0 : i32
        %dma_wait3A_471 = tpu.memref_slice %dma_wait3A_469[%dma_wait3A_470] : memref<10240xf32, #tpu.memory_space<vmem_shared>> -> memref<10240xf32, #tpu.memory_space<vmem_shared>>
        tpu.wait_indirect_dma semaphore(%run_scoped3A_457 : memref<!tpu.dma_semaphore, #tpu.memory_space<semaphore_mem>>) src(%arg9 : memref<128xf32, #tpu.memory_space<vmem>>) dst(%dma_wait3A_471 : memref<10240xf32, #tpu.memory_space<vmem_shared>>)
        tpu.yield
      }) : () -> ()
      %dma_start3A_100 = arith.constant 1 : i32
      %dma_start3A_101 = arith.constant 0 : i32
      %dma_start3A_102 = tpu.memref_slice %arg7[%dma_start3A_100, %dma_start3A_101] : memref<8x128xi32, #tpu.memory_space<vmem>> -> memref<1x128xi32, #tpu.memory_space<vmem>>
      %dma_start3A_103 = tpu.memref_squeeze %dma_start3A_102 : memref<1x128xi32, #tpu.memory_space<vmem>> -> memref<128xi32, #tpu.memory_space<vmem>>
      %dma_start3A_104 = arith.constant 0 : i32
      %dma_start3A_105 = tpu.memref_slice %arg2[%dma_start3A_104] : memref<30000xf32, #tpu.memory_space<hbm>> -> memref<10000xf32, #tpu.memory_space<hbm>>
      %dma_start3A_106 = arith.constant 0 : i32
      %dma_start3A_107 = tpu.memref_slice %dma_start3A_105[%dma_start3A_106] : memref<10000xf32, #tpu.memory_space<hbm>> -> memref<10000xf32, #tpu.memory_space<hbm>>
      tpu.enqueue_indirect_dma source(%dma_start3A_107 : memref<10000xf32, #tpu.memory_space<hbm>>) target(%arg9 : memref<128xf32, #tpu.memory_space<vmem>>) offsets(%dma_start3A_103 : memref<128xi32, #tpu.memory_space<vmem>>) semaphore(%arg12 : memref<!tpu.dma_semaphore, #tpu.memory_space<semaphore_mem>>)
      %dma_wait3A_108 = arith.constant 1 : i32
      %dma_wait3A_109 = arith.constant 0 : i32
      %dma_wait3A_110 = tpu.memref_slice %arg7[%dma_wait3A_108, %dma_wait3A_109] : memref<8x128xi32, #tpu.memory_space<vmem>> -> memref<1x128xi32, #tpu.memory_space<vmem>>
      %dma_wait3A_111 = tpu.memref_squeeze %dma_wait3A_110 : memref<1x128xi32, #tpu.memory_space<vmem>> -> memref<128xi32, #tpu.memory_space<vmem>>
      %dma_wait3A_112 = arith.constant 0 : i32
      %dma_wait3A_113 = tpu.memref_slice %arg2[%dma_wait3A_112] : memref<30000xf32, #tpu.memory_space<hbm>> -> memref<10000xf32, #tpu.memory_space<hbm>>
      %dma_wait3A_114 = arith.constant 0 : i32
      %dma_wait3A_115 = tpu.memref_slice %dma_wait3A_113[%dma_wait3A_114] : memref<10000xf32, #tpu.memory_space<hbm>> -> memref<10000xf32, #tpu.memory_space<hbm>>
      tpu.wait_indirect_dma semaphore(%arg12 : memref<!tpu.dma_semaphore, #tpu.memory_space<semaphore_mem>>) src(%dma_wait3A_115 : memref<10000xf32, #tpu.memory_space<hbm>>) dst(%arg9 : memref<128xf32, #tpu.memory_space<vmem>>)
      %run_scoped3A_116 = arith.constant 1 : i32
      "tpu.region"() ({
        %run_scoped3A_457 = tpu.sem_alloc : memref<!tpu.dma_semaphore, #tpu.memory_space<semaphore_mem>>
        %dma_start3A_458 = arith.constant 0 : i32
        %dma_start3A_459 = tpu.memref_slice %arg8[%run_scoped3A_116, %dma_start3A_458] : memref<8x128xi32, #tpu.memory_space<vmem>> -> memref<1x128xi32, #tpu.memory_space<vmem>>
        %dma_start3A_460 = tpu.memref_squeeze %dma_start3A_459 : memref<1x128xi32, #tpu.memory_space<vmem>> -> memref<128xi32, #tpu.memory_space<vmem>>
        %dma_start3A_461 = arith.constant 0 : i32
        %dma_start3A_462 = tpu.memref_slice %arg11[%dma_start3A_461] : memref<30720xf32, #tpu.memory_space<vmem_shared>> -> memref<10240xf32, #tpu.memory_space<vmem_shared>>
        %dma_start3A_463 = arith.constant 0 : i32
        %dma_start3A_464 = tpu.memref_slice %dma_start3A_462[%dma_start3A_463] : memref<10240xf32, #tpu.memory_space<vmem_shared>> -> memref<10240xf32, #tpu.memory_space<vmem_shared>>
        tpu.enqueue_indirect_dma source(%arg9 : memref<128xf32, #tpu.memory_space<vmem>>) target(%dma_start3A_464 : memref<10240xf32, #tpu.memory_space<vmem_shared>>) offsets(%dma_start3A_460 : memref<128xi32, #tpu.memory_space<vmem>>) semaphore(%run_scoped3A_457 : memref<!tpu.dma_semaphore, #tpu.memory_space<semaphore_mem>>) {add = true}
        %dma_wait3A_465 = arith.constant 0 : i32
        %dma_wait3A_466 = tpu.memref_slice %arg8[%run_scoped3A_116, %dma_wait3A_465] : memref<8x128xi32, #tpu.memory_space<vmem>> -> memref<1x128xi32, #tpu.memory_space<vmem>>
        %dma_wait3A_467 = tpu.memref_squeeze %dma_wait3A_466 : memref<1x128xi32, #tpu.memory_space<vmem>> -> memref<128xi32, #tpu.memory_space<vmem>>
        %dma_wait3A_468 = arith.constant 0 : i32
        %dma_wait3A_469 = tpu.memref_slice %arg11[%dma_wait3A_468] : memref<30720xf32, #tpu.memory_space<vmem_shared>> -> memref<10240xf32, #tpu.memory_space<vmem_shared>>
        %dma_wait3A_470 = arith.constant 0 : i32
        %dma_wait3A_471 = tpu.memref_slice %dma_wait3A_469[%dma_wait3A_470] : memref<10240xf32, #tpu.memory_space<vmem_shared>> -> memref<10240xf32, #tpu.memory_space<vmem_shared>>
        tpu.wait_indirect_dma semaphore(%run_scoped3A_457 : memref<!tpu.dma_semaphore, #tpu.memory_space<semaphore_mem>>) src(%arg9 : memref<128xf32, #tpu.memory_space<vmem>>) dst(%dma_wait3A_471 : memref<10240xf32, #tpu.memory_space<vmem_shared>>)
        tpu.yield
      }) : () -> ()
      %dma_start3A_117 = arith.constant 1 : i32
      %dma_start3A_118 = arith.constant 0 : i32
      %dma_start3A_119 = tpu.memref_slice %arg7[%dma_start3A_117, %dma_start3A_118] : memref<8x128xi32, #tpu.memory_space<vmem>> -> memref<1x128xi32, #tpu.memory_space<vmem>>
      %dma_start3A_120 = tpu.memref_squeeze %dma_start3A_119 : memref<1x128xi32, #tpu.memory_space<vmem>> -> memref<128xi32, #tpu.memory_space<vmem>>
      %dma_start3A_121 = arith.constant 10000 : i32
      %dma_start3A_122 = tpu.memref_slice %arg2[%dma_start3A_121] : memref<30000xf32, #tpu.memory_space<hbm>> -> memref<10000xf32, #tpu.memory_space<hbm>>
      %dma_start3A_123 = arith.constant 0 : i32
      %dma_start3A_124 = tpu.memref_slice %dma_start3A_122[%dma_start3A_123] : memref<10000xf32, #tpu.memory_space<hbm>> -> memref<10000xf32, #tpu.memory_space<hbm>>
      tpu.enqueue_indirect_dma source(%dma_start3A_124 : memref<10000xf32, #tpu.memory_space<hbm>>) target(%arg9 : memref<128xf32, #tpu.memory_space<vmem>>) offsets(%dma_start3A_120 : memref<128xi32, #tpu.memory_space<vmem>>) semaphore(%arg12 : memref<!tpu.dma_semaphore, #tpu.memory_space<semaphore_mem>>)
      %dma_wait3A_125 = arith.constant 1 : i32
      %dma_wait3A_126 = arith.constant 0 : i32
      %dma_wait3A_127 = tpu.memref_slice %arg7[%dma_wait3A_125, %dma_wait3A_126] : memref<8x128xi32, #tpu.memory_space<vmem>> -> memref<1x128xi32, #tpu.memory_space<vmem>>
      %dma_wait3A_128 = tpu.memref_squeeze %dma_wait3A_127 : memref<1x128xi32, #tpu.memory_space<vmem>> -> memref<128xi32, #tpu.memory_space<vmem>>
      %dma_wait3A_129 = arith.constant 10000 : i32
      %dma_wait3A_130 = tpu.memref_slice %arg2[%dma_wait3A_129] : memref<30000xf32, #tpu.memory_space<hbm>> -> memref<10000xf32, #tpu.memory_space<hbm>>
      %dma_wait3A_131 = arith.constant 0 : i32
      %dma_wait3A_132 = tpu.memref_slice %dma_wait3A_130[%dma_wait3A_131] : memref<10000xf32, #tpu.memory_space<hbm>> -> memref<10000xf32, #tpu.memory_space<hbm>>
      tpu.wait_indirect_dma semaphore(%arg12 : memref<!tpu.dma_semaphore, #tpu.memory_space<semaphore_mem>>) src(%dma_wait3A_132 : memref<10000xf32, #tpu.memory_space<hbm>>) dst(%arg9 : memref<128xf32, #tpu.memory_space<vmem>>)
      %run_scoped3A_133 = arith.constant 1 : i32
      "tpu.region"() ({
        %run_scoped3A_457 = tpu.sem_alloc : memref<!tpu.dma_semaphore, #tpu.memory_space<semaphore_mem>>
        %dma_start3A_458 = arith.constant 0 : i32
        %dma_start3A_459 = tpu.memref_slice %arg8[%run_scoped3A_133, %dma_start3A_458] : memref<8x128xi32, #tpu.memory_space<vmem>> -> memref<1x128xi32, #tpu.memory_space<vmem>>
        %dma_start3A_460 = tpu.memref_squeeze %dma_start3A_459 : memref<1x128xi32, #tpu.memory_space<vmem>> -> memref<128xi32, #tpu.memory_space<vmem>>
        %dma_start3A_461 = arith.constant 10240 : i32
        %dma_start3A_462 = tpu.memref_slice %arg11[%dma_start3A_461] : memref<30720xf32, #tpu.memory_space<vmem_shared>> -> memref<10240xf32, #tpu.memory_space<vmem_shared>>
        %dma_start3A_463 = arith.constant 0 : i32
        %dma_start3A_464 = tpu.memref_slice %dma_start3A_462[%dma_start3A_463] : memref<10240xf32, #tpu.memory_space<vmem_shared>> -> memref<10240xf32, #tpu.memory_space<vmem_shared>>
        tpu.enqueue_indirect_dma source(%arg9 : memref<128xf32, #tpu.memory_space<vmem>>) target(%dma_start3A_464 : memref<10240xf32, #tpu.memory_space<vmem_shared>>) offsets(%dma_start3A_460 : memref<128xi32, #tpu.memory_space<vmem>>) semaphore(%run_scoped3A_457 : memref<!tpu.dma_semaphore, #tpu.memory_space<semaphore_mem>>) {add = true}
        %dma_wait3A_465 = arith.constant 0 : i32
        %dma_wait3A_466 = tpu.memref_slice %arg8[%run_scoped3A_133, %dma_wait3A_465] : memref<8x128xi32, #tpu.memory_space<vmem>> -> memref<1x128xi32, #tpu.memory_space<vmem>>
        %dma_wait3A_467 = tpu.memref_squeeze %dma_wait3A_466 : memref<1x128xi32, #tpu.memory_space<vmem>> -> memref<128xi32, #tpu.memory_space<vmem>>
        %dma_wait3A_468 = arith.constant 10240 : i32
        %dma_wait3A_469 = tpu.memref_slice %arg11[%dma_wait3A_468] : memref<30720xf32, #tpu.memory_space<vmem_shared>> -> memref<10240xf32, #tpu.memory_space<vmem_shared>>
        %dma_wait3A_470 = arith.constant 0 : i32
        %dma_wait3A_471 = tpu.memref_slice %dma_wait3A_469[%dma_wait3A_470] : memref<10240xf32, #tpu.memory_space<vmem_shared>> -> memref<10240xf32, #tpu.memory_space<vmem_shared>>
        tpu.wait_indirect_dma semaphore(%run_scoped3A_457 : memref<!tpu.dma_semaphore, #tpu.memory_space<semaphore_mem>>) src(%arg9 : memref<128xf32, #tpu.memory_space<vmem>>) dst(%dma_wait3A_471 : memref<10240xf32, #tpu.memory_space<vmem_shared>>)
        tpu.yield
      }) : () -> ()
      %dma_start3A_134 = arith.constant 1 : i32
      %dma_start3A_135 = arith.constant 0 : i32
      %dma_start3A_136 = tpu.memref_slice %arg7[%dma_start3A_134, %dma_start3A_135] : memref<8x128xi32, #tpu.memory_space<vmem>> -> memref<1x128xi32, #tpu.memory_space<vmem>>
      %dma_start3A_137 = tpu.memref_squeeze %dma_start3A_136 : memref<1x128xi32, #tpu.memory_space<vmem>> -> memref<128xi32, #tpu.memory_space<vmem>>
      %dma_start3A_138 = arith.constant 20000 : i32
      %dma_start3A_139 = tpu.memref_slice %arg2[%dma_start3A_138] : memref<30000xf32, #tpu.memory_space<hbm>> -> memref<10000xf32, #tpu.memory_space<hbm>>
      %dma_start3A_140 = arith.constant 0 : i32
      %dma_start3A_141 = tpu.memref_slice %dma_start3A_139[%dma_start3A_140] : memref<10000xf32, #tpu.memory_space<hbm>> -> memref<10000xf32, #tpu.memory_space<hbm>>
      tpu.enqueue_indirect_dma source(%dma_start3A_141 : memref<10000xf32, #tpu.memory_space<hbm>>) target(%arg9 : memref<128xf32, #tpu.memory_space<vmem>>) offsets(%dma_start3A_137 : memref<128xi32, #tpu.memory_space<vmem>>) semaphore(%arg12 : memref<!tpu.dma_semaphore, #tpu.memory_space<semaphore_mem>>)
      %dma_wait3A_142 = arith.constant 1 : i32
      %dma_wait3A_143 = arith.constant 0 : i32
      %dma_wait3A_144 = tpu.memref_slice %arg7[%dma_wait3A_142, %dma_wait3A_143] : memref<8x128xi32, #tpu.memory_space<vmem>> -> memref<1x128xi32, #tpu.memory_space<vmem>>
      %dma_wait3A_145 = tpu.memref_squeeze %dma_wait3A_144 : memref<1x128xi32, #tpu.memory_space<vmem>> -> memref<128xi32, #tpu.memory_space<vmem>>
      %dma_wait3A_146 = arith.constant 20000 : i32
      %dma_wait3A_147 = tpu.memref_slice %arg2[%dma_wait3A_146] : memref<30000xf32, #tpu.memory_space<hbm>> -> memref<10000xf32, #tpu.memory_space<hbm>>
      %dma_wait3A_148 = arith.constant 0 : i32
      %dma_wait3A_149 = tpu.memref_slice %dma_wait3A_147[%dma_wait3A_148] : memref<10000xf32, #tpu.memory_space<hbm>> -> memref<10000xf32, #tpu.memory_space<hbm>>
      tpu.wait_indirect_dma semaphore(%arg12 : memref<!tpu.dma_semaphore, #tpu.memory_space<semaphore_mem>>) src(%dma_wait3A_149 : memref<10000xf32, #tpu.memory_space<hbm>>) dst(%arg9 : memref<128xf32, #tpu.memory_space<vmem>>)
      %run_scoped3A_150 = arith.constant 1 : i32
      "tpu.region"() ({
        %run_scoped3A_457 = tpu.sem_alloc : memref<!tpu.dma_semaphore, #tpu.memory_space<semaphore_mem>>
        %dma_start3A_458 = arith.constant 0 : i32
        %dma_start3A_459 = tpu.memref_slice %arg8[%run_scoped3A_150, %dma_start3A_458] : memref<8x128xi32, #tpu.memory_space<vmem>> -> memref<1x128xi32, #tpu.memory_space<vmem>>
        %dma_start3A_460 = tpu.memref_squeeze %dma_start3A_459 : memref<1x128xi32, #tpu.memory_space<vmem>> -> memref<128xi32, #tpu.memory_space<vmem>>
        %dma_start3A_461 = arith.constant 20480 : i32
        %dma_start3A_462 = tpu.memref_slice %arg11[%dma_start3A_461] : memref<30720xf32, #tpu.memory_space<vmem_shared>> -> memref<10240xf32, #tpu.memory_space<vmem_shared>>
        %dma_start3A_463 = arith.constant 0 : i32
        %dma_start3A_464 = tpu.memref_slice %dma_start3A_462[%dma_start3A_463] : memref<10240xf32, #tpu.memory_space<vmem_shared>> -> memref<10240xf32, #tpu.memory_space<vmem_shared>>
        tpu.enqueue_indirect_dma source(%arg9 : memref<128xf32, #tpu.memory_space<vmem>>) target(%dma_start3A_464 : memref<10240xf32, #tpu.memory_space<vmem_shared>>) offsets(%dma_start3A_460 : memref<128xi32, #tpu.memory_space<vmem>>) semaphore(%run_scoped3A_457 : memref<!tpu.dma_semaphore, #tpu.memory_space<semaphore_mem>>) {add = true}
        %dma_wait3A_465 = arith.constant 0 : i32
        %dma_wait3A_466 = tpu.memref_slice %arg8[%run_scoped3A_150, %dma_wait3A_465] : memref<8x128xi32, #tpu.memory_space<vmem>> -> memref<1x128xi32, #tpu.memory_space<vmem>>
        %dma_wait3A_467 = tpu.memref_squeeze %dma_wait3A_466 : memref<1x128xi32, #tpu.memory_space<vmem>> -> memref<128xi32, #tpu.memory_space<vmem>>
        %dma_wait3A_468 = arith.constant 20480 : i32
        %dma_wait3A_469 = tpu.memref_slice %arg11[%dma_wait3A_468] : memref<30720xf32, #tpu.memory_space<vmem_shared>> -> memref<10240xf32, #tpu.memory_space<vmem_shared>>
        %dma_wait3A_470 = arith.constant 0 : i32
        %dma_wait3A_471 = tpu.memref_slice %dma_wait3A_469[%dma_wait3A_470] : memref<10240xf32, #tpu.memory_space<vmem_shared>> -> memref<10240xf32, #tpu.memory_space<vmem_shared>>
        tpu.wait_indirect_dma semaphore(%run_scoped3A_457 : memref<!tpu.dma_semaphore, #tpu.memory_space<semaphore_mem>>) src(%arg9 : memref<128xf32, #tpu.memory_space<vmem>>) dst(%dma_wait3A_471 : memref<10240xf32, #tpu.memory_space<vmem_shared>>)
        tpu.yield
      }) : () -> ()
      %dma_start3A_151 = arith.constant 2 : i32
      %dma_start3A_152 = arith.constant 0 : i32
      %dma_start3A_153 = tpu.memref_slice %arg7[%dma_start3A_151, %dma_start3A_152] : memref<8x128xi32, #tpu.memory_space<vmem>> -> memref<1x128xi32, #tpu.memory_space<vmem>>
      %dma_start3A_154 = tpu.memref_squeeze %dma_start3A_153 : memref<1x128xi32, #tpu.memory_space<vmem>> -> memref<128xi32, #tpu.memory_space<vmem>>
      %dma_start3A_155 = arith.constant 0 : i32
      %dma_start3A_156 = tpu.memref_slice %arg2[%dma_start3A_155] : memref<30000xf32, #tpu.memory_space<hbm>> -> memref<10000xf32, #tpu.memory_space<hbm>>
      %dma_start3A_157 = arith.constant 0 : i32
      %dma_start3A_158 = tpu.memref_slice %dma_start3A_156[%dma_start3A_157] : memref<10000xf32, #tpu.memory_space<hbm>> -> memref<10000xf32, #tpu.memory_space<hbm>>
      tpu.enqueue_indirect_dma source(%dma_start3A_158 : memref<10000xf32, #tpu.memory_space<hbm>>) target(%arg9 : memref<128xf32, #tpu.memory_space<vmem>>) offsets(%dma_start3A_154 : memref<128xi32, #tpu.memory_space<vmem>>) semaphore(%arg12 : memref<!tpu.dma_semaphore, #tpu.memory_space<semaphore_mem>>)
      %dma_wait3A_159 = arith.constant 2 : i32
      %dma_wait3A_160 = arith.constant 0 : i32
      %dma_wait3A_161 = tpu.memref_slice %arg7[%dma_wait3A_159, %dma_wait3A_160] : memref<8x128xi32, #tpu.memory_space<vmem>> -> memref<1x128xi32, #tpu.memory_space<vmem>>
      %dma_wait3A_162 = tpu.memref_squeeze %dma_wait3A_161 : memref<1x128xi32, #tpu.memory_space<vmem>> -> memref<128xi32, #tpu.memory_space<vmem>>
      %dma_wait3A_163 = arith.constant 0 : i32
      %dma_wait3A_164 = tpu.memref_slice %arg2[%dma_wait3A_163] : memref<30000xf32, #tpu.memory_space<hbm>> -> memref<10000xf32, #tpu.memory_space<hbm>>
      %dma_wait3A_165 = arith.constant 0 : i32
      %dma_wait3A_166 = tpu.memref_slice %dma_wait3A_164[%dma_wait3A_165] : memref<10000xf32, #tpu.memory_space<hbm>> -> memref<10000xf32, #tpu.memory_space<hbm>>
      tpu.wait_indirect_dma semaphore(%arg12 : memref<!tpu.dma_semaphore, #tpu.memory_space<semaphore_mem>>) src(%dma_wait3A_166 : memref<10000xf32, #tpu.memory_space<hbm>>) dst(%arg9 : memref<128xf32, #tpu.memory_space<vmem>>)
      %run_scoped3A_167 = arith.constant 2 : i32
      "tpu.region"() ({
        %run_scoped3A_457 = tpu.sem_alloc : memref<!tpu.dma_semaphore, #tpu.memory_space<semaphore_mem>>
        %dma_start3A_458 = arith.constant 0 : i32
        %dma_start3A_459 = tpu.memref_slice %arg8[%run_scoped3A_167, %dma_start3A_458] : memref<8x128xi32, #tpu.memory_space<vmem>> -> memref<1x128xi32, #tpu.memory_space<vmem>>
        %dma_start3A_460 = tpu.memref_squeeze %dma_start3A_459 : memref<1x128xi32, #tpu.memory_space<vmem>> -> memref<128xi32, #tpu.memory_space<vmem>>
        %dma_start3A_461 = arith.constant 0 : i32
        %dma_start3A_462 = tpu.memref_slice %arg11[%dma_start3A_461] : memref<30720xf32, #tpu.memory_space<vmem_shared>> -> memref<10240xf32, #tpu.memory_space<vmem_shared>>
        %dma_start3A_463 = arith.constant 0 : i32
        %dma_start3A_464 = tpu.memref_slice %dma_start3A_462[%dma_start3A_463] : memref<10240xf32, #tpu.memory_space<vmem_shared>> -> memref<10240xf32, #tpu.memory_space<vmem_shared>>
        tpu.enqueue_indirect_dma source(%arg9 : memref<128xf32, #tpu.memory_space<vmem>>) target(%dma_start3A_464 : memref<10240xf32, #tpu.memory_space<vmem_shared>>) offsets(%dma_start3A_460 : memref<128xi32, #tpu.memory_space<vmem>>) semaphore(%run_scoped3A_457 : memref<!tpu.dma_semaphore, #tpu.memory_space<semaphore_mem>>) {add = true}
        %dma_wait3A_465 = arith.constant 0 : i32
        %dma_wait3A_466 = tpu.memref_slice %arg8[%run_scoped3A_167, %dma_wait3A_465] : memref<8x128xi32, #tpu.memory_space<vmem>> -> memref<1x128xi32, #tpu.memory_space<vmem>>
        %dma_wait3A_467 = tpu.memref_squeeze %dma_wait3A_466 : memref<1x128xi32, #tpu.memory_space<vmem>> -> memref<128xi32, #tpu.memory_space<vmem>>
        %dma_wait3A_468 = arith.constant 0 : i32
        %dma_wait3A_469 = tpu.memref_slice %arg11[%dma_wait3A_468] : memref<30720xf32, #tpu.memory_space<vmem_shared>> -> memref<10240xf32, #tpu.memory_space<vmem_shared>>
        %dma_wait3A_470 = arith.constant 0 : i32
        %dma_wait3A_471 = tpu.memref_slice %dma_wait3A_469[%dma_wait3A_470] : memref<10240xf32, #tpu.memory_space<vmem_shared>> -> memref<10240xf32, #tpu.memory_space<vmem_shared>>
        tpu.wait_indirect_dma semaphore(%run_scoped3A_457 : memref<!tpu.dma_semaphore, #tpu.memory_space<semaphore_mem>>) src(%arg9 : memref<128xf32, #tpu.memory_space<vmem>>) dst(%dma_wait3A_471 : memref<10240xf32, #tpu.memory_space<vmem_shared>>)
        tpu.yield
      }) : () -> ()
      %dma_start3A_168 = arith.constant 2 : i32
      %dma_start3A_169 = arith.constant 0 : i32
      %dma_start3A_170 = tpu.memref_slice %arg7[%dma_start3A_168, %dma_start3A_169] : memref<8x128xi32, #tpu.memory_space<vmem>> -> memref<1x128xi32, #tpu.memory_space<vmem>>
      %dma_start3A_171 = tpu.memref_squeeze %dma_start3A_170 : memref<1x128xi32, #tpu.memory_space<vmem>> -> memref<128xi32, #tpu.memory_space<vmem>>
      %dma_start3A_172 = arith.constant 10000 : i32
      %dma_start3A_173 = tpu.memref_slice %arg2[%dma_start3A_172] : memref<30000xf32, #tpu.memory_space<hbm>> -> memref<10000xf32, #tpu.memory_space<hbm>>
      %dma_start3A_174 = arith.constant 0 : i32
      %dma_start3A_175 = tpu.memref_slice %dma_start3A_173[%dma_start3A_174] : memref<10000xf32, #tpu.memory_space<hbm>> -> memref<10000xf32, #tpu.memory_space<hbm>>
      tpu.enqueue_indirect_dma source(%dma_start3A_175 : memref<10000xf32, #tpu.memory_space<hbm>>) target(%arg9 : memref<128xf32, #tpu.memory_space<vmem>>) offsets(%dma_start3A_171 : memref<128xi32, #tpu.memory_space<vmem>>) semaphore(%arg12 : memref<!tpu.dma_semaphore, #tpu.memory_space<semaphore_mem>>)
      %dma_wait3A_176 = arith.constant 2 : i32
      %dma_wait3A_177 = arith.constant 0 : i32
      %dma_wait3A_178 = tpu.memref_slice %arg7[%dma_wait3A_176, %dma_wait3A_177] : memref<8x128xi32, #tpu.memory_space<vmem>> -> memref<1x128xi32, #tpu.memory_space<vmem>>
      %dma_wait3A_179 = tpu.memref_squeeze %dma_wait3A_178 : memref<1x128xi32, #tpu.memory_space<vmem>> -> memref<128xi32, #tpu.memory_space<vmem>>
      %dma_wait3A_180 = arith.constant 10000 : i32
      %dma_wait3A_181 = tpu.memref_slice %arg2[%dma_wait3A_180] : memref<30000xf32, #tpu.memory_space<hbm>> -> memref<10000xf32, #tpu.memory_space<hbm>>
      %dma_wait3A_182 = arith.constant 0 : i32
      %dma_wait3A_183 = tpu.memref_slice %dma_wait3A_181[%dma_wait3A_182] : memref<10000xf32, #tpu.memory_space<hbm>> -> memref<10000xf32, #tpu.memory_space<hbm>>
      tpu.wait_indirect_dma semaphore(%arg12 : memref<!tpu.dma_semaphore, #tpu.memory_space<semaphore_mem>>) src(%dma_wait3A_183 : memref<10000xf32, #tpu.memory_space<hbm>>) dst(%arg9 : memref<128xf32, #tpu.memory_space<vmem>>)
      %run_scoped3A_184 = arith.constant 2 : i32
      "tpu.region"() ({
        %run_scoped3A_457 = tpu.sem_alloc : memref<!tpu.dma_semaphore, #tpu.memory_space<semaphore_mem>>
        %dma_start3A_458 = arith.constant 0 : i32
        %dma_start3A_459 = tpu.memref_slice %arg8[%run_scoped3A_184, %dma_start3A_458] : memref<8x128xi32, #tpu.memory_space<vmem>> -> memref<1x128xi32, #tpu.memory_space<vmem>>
        %dma_start3A_460 = tpu.memref_squeeze %dma_start3A_459 : memref<1x128xi32, #tpu.memory_space<vmem>> -> memref<128xi32, #tpu.memory_space<vmem>>
        %dma_start3A_461 = arith.constant 10240 : i32
        %dma_start3A_462 = tpu.memref_slice %arg11[%dma_start3A_461] : memref<30720xf32, #tpu.memory_space<vmem_shared>> -> memref<10240xf32, #tpu.memory_space<vmem_shared>>
        %dma_start3A_463 = arith.constant 0 : i32
        %dma_start3A_464 = tpu.memref_slice %dma_start3A_462[%dma_start3A_463] : memref<10240xf32, #tpu.memory_space<vmem_shared>> -> memref<10240xf32, #tpu.memory_space<vmem_shared>>
        tpu.enqueue_indirect_dma source(%arg9 : memref<128xf32, #tpu.memory_space<vmem>>) target(%dma_start3A_464 : memref<10240xf32, #tpu.memory_space<vmem_shared>>) offsets(%dma_start3A_460 : memref<128xi32, #tpu.memory_space<vmem>>) semaphore(%run_scoped3A_457 : memref<!tpu.dma_semaphore, #tpu.memory_space<semaphore_mem>>) {add = true}
        %dma_wait3A_465 = arith.constant 0 : i32
        %dma_wait3A_466 = tpu.memref_slice %arg8[%run_scoped3A_184, %dma_wait3A_465] : memref<8x128xi32, #tpu.memory_space<vmem>> -> memref<1x128xi32, #tpu.memory_space<vmem>>
        %dma_wait3A_467 = tpu.memref_squeeze %dma_wait3A_466 : memref<1x128xi32, #tpu.memory_space<vmem>> -> memref<128xi32, #tpu.memory_space<vmem>>
        %dma_wait3A_468 = arith.constant 10240 : i32
        %dma_wait3A_469 = tpu.memref_slice %arg11[%dma_wait3A_468] : memref<30720xf32, #tpu.memory_space<vmem_shared>> -> memref<10240xf32, #tpu.memory_space<vmem_shared>>
        %dma_wait3A_470 = arith.constant 0 : i32
        %dma_wait3A_471 = tpu.memref_slice %dma_wait3A_469[%dma_wait3A_470] : memref<10240xf32, #tpu.memory_space<vmem_shared>> -> memref<10240xf32, #tpu.memory_space<vmem_shared>>
        tpu.wait_indirect_dma semaphore(%run_scoped3A_457 : memref<!tpu.dma_semaphore, #tpu.memory_space<semaphore_mem>>) src(%arg9 : memref<128xf32, #tpu.memory_space<vmem>>) dst(%dma_wait3A_471 : memref<10240xf32, #tpu.memory_space<vmem_shared>>)
        tpu.yield
      }) : () -> ()
      %dma_start3A_185 = arith.constant 2 : i32
      %dma_start3A_186 = arith.constant 0 : i32
      %dma_start3A_187 = tpu.memref_slice %arg7[%dma_start3A_185, %dma_start3A_186] : memref<8x128xi32, #tpu.memory_space<vmem>> -> memref<1x128xi32, #tpu.memory_space<vmem>>
      %dma_start3A_188 = tpu.memref_squeeze %dma_start3A_187 : memref<1x128xi32, #tpu.memory_space<vmem>> -> memref<128xi32, #tpu.memory_space<vmem>>
      %dma_start3A_189 = arith.constant 20000 : i32
      %dma_start3A_190 = tpu.memref_slice %arg2[%dma_start3A_189] : memref<30000xf32, #tpu.memory_space<hbm>> -> memref<10000xf32, #tpu.memory_space<hbm>>
      %dma_start3A_191 = arith.constant 0 : i32
      %dma_start3A_192 = tpu.memref_slice %dma_start3A_190[%dma_start3A_191] : memref<10000xf32, #tpu.memory_space<hbm>> -> memref<10000xf32, #tpu.memory_space<hbm>>
      tpu.enqueue_indirect_dma source(%dma_start3A_192 : memref<10000xf32, #tpu.memory_space<hbm>>) target(%arg9 : memref<128xf32, #tpu.memory_space<vmem>>) offsets(%dma_start3A_188 : memref<128xi32, #tpu.memory_space<vmem>>) semaphore(%arg12 : memref<!tpu.dma_semaphore, #tpu.memory_space<semaphore_mem>>)
      %dma_wait3A_193 = arith.constant 2 : i32
      %dma_wait3A_194 = arith.constant 0 : i32
      %dma_wait3A_195 = tpu.memref_slice %arg7[%dma_wait3A_193, %dma_wait3A_194] : memref<8x128xi32, #tpu.memory_space<vmem>> -> memref<1x128xi32, #tpu.memory_space<vmem>>
      %dma_wait3A_196 = tpu.memref_squeeze %dma_wait3A_195 : memref<1x128xi32, #tpu.memory_space<vmem>> -> memref<128xi32, #tpu.memory_space<vmem>>
      %dma_wait3A_197 = arith.constant 20000 : i32
      %dma_wait3A_198 = tpu.memref_slice %arg2[%dma_wait3A_197] : memref<30000xf32, #tpu.memory_space<hbm>> -> memref<10000xf32, #tpu.memory_space<hbm>>
      %dma_wait3A_199 = arith.constant 0 : i32
      %dma_wait3A_200 = tpu.memref_slice %dma_wait3A_198[%dma_wait3A_199] : memref<10000xf32, #tpu.memory_space<hbm>> -> memref<10000xf32, #tpu.memory_space<hbm>>
      tpu.wait_indirect_dma semaphore(%arg12 : memref<!tpu.dma_semaphore, #tpu.memory_space<semaphore_mem>>) src(%dma_wait3A_200 : memref<10000xf32, #tpu.memory_space<hbm>>) dst(%arg9 : memref<128xf32, #tpu.memory_space<vmem>>)
      %run_scoped3A_201 = arith.constant 2 : i32
      "tpu.region"() ({
        %run_scoped3A_457 = tpu.sem_alloc : memref<!tpu.dma_semaphore, #tpu.memory_space<semaphore_mem>>
        %dma_start3A_458 = arith.constant 0 : i32
        %dma_start3A_459 = tpu.memref_slice %arg8[%run_scoped3A_201, %dma_start3A_458] : memref<8x128xi32, #tpu.memory_space<vmem>> -> memref<1x128xi32, #tpu.memory_space<vmem>>
        %dma_start3A_460 = tpu.memref_squeeze %dma_start3A_459 : memref<1x128xi32, #tpu.memory_space<vmem>> -> memref<128xi32, #tpu.memory_space<vmem>>
        %dma_start3A_461 = arith.constant 20480 : i32
        %dma_start3A_462 = tpu.memref_slice %arg11[%dma_start3A_461] : memref<30720xf32, #tpu.memory_space<vmem_shared>> -> memref<10240xf32, #tpu.memory_space<vmem_shared>>
        %dma_start3A_463 = arith.constant 0 : i32
        %dma_start3A_464 = tpu.memref_slice %dma_start3A_462[%dma_start3A_463] : memref<10240xf32, #tpu.memory_space<vmem_shared>> -> memref<10240xf32, #tpu.memory_space<vmem_shared>>
        tpu.enqueue_indirect_dma source(%arg9 : memref<128xf32, #tpu.memory_space<vmem>>) target(%dma_start3A_464 : memref<10240xf32, #tpu.memory_space<vmem_shared>>) offsets(%dma_start3A_460 : memref<128xi32, #tpu.memory_space<vmem>>) semaphore(%run_scoped3A_457 : memref<!tpu.dma_semaphore, #tpu.memory_space<semaphore_mem>>) {add = true}
        %dma_wait3A_465 = arith.constant 0 : i32
        %dma_wait3A_466 = tpu.memref_slice %arg8[%run_scoped3A_201, %dma_wait3A_465] : memref<8x128xi32, #tpu.memory_space<vmem>> -> memref<1x128xi32, #tpu.memory_space<vmem>>
        %dma_wait3A_467 = tpu.memref_squeeze %dma_wait3A_466 : memref<1x128xi32, #tpu.memory_space<vmem>> -> memref<128xi32, #tpu.memory_space<vmem>>
        %dma_wait3A_468 = arith.constant 20480 : i32
        %dma_wait3A_469 = tpu.memref_slice %arg11[%dma_wait3A_468] : memref<30720xf32, #tpu.memory_space<vmem_shared>> -> memref<10240xf32, #tpu.memory_space<vmem_shared>>
        %dma_wait3A_470 = arith.constant 0 : i32
        %dma_wait3A_471 = tpu.memref_slice %dma_wait3A_469[%dma_wait3A_470] : memref<10240xf32, #tpu.memory_space<vmem_shared>> -> memref<10240xf32, #tpu.memory_space<vmem_shared>>
        tpu.wait_indirect_dma semaphore(%run_scoped3A_457 : memref<!tpu.dma_semaphore, #tpu.memory_space<semaphore_mem>>) src(%arg9 : memref<128xf32, #tpu.memory_space<vmem>>) dst(%dma_wait3A_471 : memref<10240xf32, #tpu.memory_space<vmem_shared>>)
        tpu.yield
      }) : () -> ()
      %dma_start3A_202 = arith.constant 3 : i32
      %dma_start3A_203 = arith.constant 0 : i32
      %dma_start3A_204 = tpu.memref_slice %arg7[%dma_start3A_202, %dma_start3A_203] : memref<8x128xi32, #tpu.memory_space<vmem>> -> memref<1x128xi32, #tpu.memory_space<vmem>>
      %dma_start3A_205 = tpu.memref_squeeze %dma_start3A_204 : memref<1x128xi32, #tpu.memory_space<vmem>> -> memref<128xi32, #tpu.memory_space<vmem>>
      %dma_start3A_206 = arith.constant 0 : i32
      %dma_start3A_207 = tpu.memref_slice %arg2[%dma_start3A_206] : memref<30000xf32, #tpu.memory_space<hbm>> -> memref<10000xf32, #tpu.memory_space<hbm>>
      %dma_start3A_208 = arith.constant 0 : i32
      %dma_start3A_209 = tpu.memref_slice %dma_start3A_207[%dma_start3A_208] : memref<10000xf32, #tpu.memory_space<hbm>> -> memref<10000xf32, #tpu.memory_space<hbm>>
      tpu.enqueue_indirect_dma source(%dma_start3A_209 : memref<10000xf32, #tpu.memory_space<hbm>>) target(%arg9 : memref<128xf32, #tpu.memory_space<vmem>>) offsets(%dma_start3A_205 : memref<128xi32, #tpu.memory_space<vmem>>) semaphore(%arg12 : memref<!tpu.dma_semaphore, #tpu.memory_space<semaphore_mem>>)
      %dma_wait3A_210 = arith.constant 3 : i32
      %dma_wait3A_211 = arith.constant 0 : i32
      %dma_wait3A_212 = tpu.memref_slice %arg7[%dma_wait3A_210, %dma_wait3A_211] : memref<8x128xi32, #tpu.memory_space<vmem>> -> memref<1x128xi32, #tpu.memory_space<vmem>>
      %dma_wait3A_213 = tpu.memref_squeeze %dma_wait3A_212 : memref<1x128xi32, #tpu.memory_space<vmem>> -> memref<128xi32, #tpu.memory_space<vmem>>
      %dma_wait3A_214 = arith.constant 0 : i32
      %dma_wait3A_215 = tpu.memref_slice %arg2[%dma_wait3A_214] : memref<30000xf32, #tpu.memory_space<hbm>> -> memref<10000xf32, #tpu.memory_space<hbm>>
      %dma_wait3A_216 = arith.constant 0 : i32
      %dma_wait3A_217 = tpu.memref_slice %dma_wait3A_215[%dma_wait3A_216] : memref<10000xf32, #tpu.memory_space<hbm>> -> memref<10000xf32, #tpu.memory_space<hbm>>
      tpu.wait_indirect_dma semaphore(%arg12 : memref<!tpu.dma_semaphore, #tpu.memory_space<semaphore_mem>>) src(%dma_wait3A_217 : memref<10000xf32, #tpu.memory_space<hbm>>) dst(%arg9 : memref<128xf32, #tpu.memory_space<vmem>>)
      %run_scoped3A_218 = arith.constant 3 : i32
      "tpu.region"() ({
        %run_scoped3A_457 = tpu.sem_alloc : memref<!tpu.dma_semaphore, #tpu.memory_space<semaphore_mem>>
        %dma_start3A_458 = arith.constant 0 : i32
        %dma_start3A_459 = tpu.memref_slice %arg8[%run_scoped3A_218, %dma_start3A_458] : memref<8x128xi32, #tpu.memory_space<vmem>> -> memref<1x128xi32, #tpu.memory_space<vmem>>
        %dma_start3A_460 = tpu.memref_squeeze %dma_start3A_459 : memref<1x128xi32, #tpu.memory_space<vmem>> -> memref<128xi32, #tpu.memory_space<vmem>>
        %dma_start3A_461 = arith.constant 0 : i32
        %dma_start3A_462 = tpu.memref_slice %arg11[%dma_start3A_461] : memref<30720xf32, #tpu.memory_space<vmem_shared>> -> memref<10240xf32, #tpu.memory_space<vmem_shared>>
        %dma_start3A_463 = arith.constant 0 : i32
        %dma_start3A_464 = tpu.memref_slice %dma_start3A_462[%dma_start3A_463] : memref<10240xf32, #tpu.memory_space<vmem_shared>> -> memref<10240xf32, #tpu.memory_space<vmem_shared>>
        tpu.enqueue_indirect_dma source(%arg9 : memref<128xf32, #tpu.memory_space<vmem>>) target(%dma_start3A_464 : memref<10240xf32, #tpu.memory_space<vmem_shared>>) offsets(%dma_start3A_460 : memref<128xi32, #tpu.memory_space<vmem>>) semaphore(%run_scoped3A_457 : memref<!tpu.dma_semaphore, #tpu.memory_space<semaphore_mem>>) {add = true}
        %dma_wait3A_465 = arith.constant 0 : i32
        %dma_wait3A_466 = tpu.memref_slice %arg8[%run_scoped3A_218, %dma_wait3A_465] : memref<8x128xi32, #tpu.memory_space<vmem>> -> memref<1x128xi32, #tpu.memory_space<vmem>>
        %dma_wait3A_467 = tpu.memref_squeeze %dma_wait3A_466 : memref<1x128xi32, #tpu.memory_space<vmem>> -> memref<128xi32, #tpu.memory_space<vmem>>
        %dma_wait3A_468 = arith.constant 0 : i32
        %dma_wait3A_469 = tpu.memref_slice %arg11[%dma_wait3A_468] : memref<30720xf32, #tpu.memory_space<vmem_shared>> -> memref<10240xf32, #tpu.memory_space<vmem_shared>>
        %dma_wait3A_470 = arith.constant 0 : i32
        %dma_wait3A_471 = tpu.memref_slice %dma_wait3A_469[%dma_wait3A_470] : memref<10240xf32, #tpu.memory_space<vmem_shared>> -> memref<10240xf32, #tpu.memory_space<vmem_shared>>
        tpu.wait_indirect_dma semaphore(%run_scoped3A_457 : memref<!tpu.dma_semaphore, #tpu.memory_space<semaphore_mem>>) src(%arg9 : memref<128xf32, #tpu.memory_space<vmem>>) dst(%dma_wait3A_471 : memref<10240xf32, #tpu.memory_space<vmem_shared>>)
        tpu.yield
      }) : () -> ()
      %dma_start3A_219 = arith.constant 3 : i32
      %dma_start3A_220 = arith.constant 0 : i32
      %dma_start3A_221 = tpu.memref_slice %arg7[%dma_start3A_219, %dma_start3A_220] : memref<8x128xi32, #tpu.memory_space<vmem>> -> memref<1x128xi32, #tpu.memory_space<vmem>>
      %dma_start3A_222 = tpu.memref_squeeze %dma_start3A_221 : memref<1x128xi32, #tpu.memory_space<vmem>> -> memref<128xi32, #tpu.memory_space<vmem>>
      %dma_start3A_223 = arith.constant 10000 : i32
      %dma_start3A_224 = tpu.memref_slice %arg2[%dma_start3A_223] : memref<30000xf32, #tpu.memory_space<hbm>> -> memref<10000xf32, #tpu.memory_space<hbm>>
      %dma_start3A_225 = arith.constant 0 : i32
      %dma_start3A_226 = tpu.memref_slice %dma_start3A_224[%dma_start3A_225] : memref<10000xf32, #tpu.memory_space<hbm>> -> memref<10000xf32, #tpu.memory_space<hbm>>
      tpu.enqueue_indirect_dma source(%dma_start3A_226 : memref<10000xf32, #tpu.memory_space<hbm>>) target(%arg9 : memref<128xf32, #tpu.memory_space<vmem>>) offsets(%dma_start3A_222 : memref<128xi32, #tpu.memory_space<vmem>>) semaphore(%arg12 : memref<!tpu.dma_semaphore, #tpu.memory_space<semaphore_mem>>)
      %dma_wait3A_227 = arith.constant 3 : i32
      %dma_wait3A_228 = arith.constant 0 : i32
      %dma_wait3A_229 = tpu.memref_slice %arg7[%dma_wait3A_227, %dma_wait3A_228] : memref<8x128xi32, #tpu.memory_space<vmem>> -> memref<1x128xi32, #tpu.memory_space<vmem>>
      %dma_wait3A_230 = tpu.memref_squeeze %dma_wait3A_229 : memref<1x128xi32, #tpu.memory_space<vmem>> -> memref<128xi32, #tpu.memory_space<vmem>>
      %dma_wait3A_231 = arith.constant 10000 : i32
      %dma_wait3A_232 = tpu.memref_slice %arg2[%dma_wait3A_231] : memref<30000xf32, #tpu.memory_space<hbm>> -> memref<10000xf32, #tpu.memory_space<hbm>>
      %dma_wait3A_233 = arith.constant 0 : i32
      %dma_wait3A_234 = tpu.memref_slice %dma_wait3A_232[%dma_wait3A_233] : memref<10000xf32, #tpu.memory_space<hbm>> -> memref<10000xf32, #tpu.memory_space<hbm>>
      tpu.wait_indirect_dma semaphore(%arg12 : memref<!tpu.dma_semaphore, #tpu.memory_space<semaphore_mem>>) src(%dma_wait3A_234 : memref<10000xf32, #tpu.memory_space<hbm>>) dst(%arg9 : memref<128xf32, #tpu.memory_space<vmem>>)
      %run_scoped3A_235 = arith.constant 3 : i32
      "tpu.region"() ({
        %run_scoped3A_457 = tpu.sem_alloc : memref<!tpu.dma_semaphore, #tpu.memory_space<semaphore_mem>>
        %dma_start3A_458 = arith.constant 0 : i32
        %dma_start3A_459 = tpu.memref_slice %arg8[%run_scoped3A_235, %dma_start3A_458] : memref<8x128xi32, #tpu.memory_space<vmem>> -> memref<1x128xi32, #tpu.memory_space<vmem>>
        %dma_start3A_460 = tpu.memref_squeeze %dma_start3A_459 : memref<1x128xi32, #tpu.memory_space<vmem>> -> memref<128xi32, #tpu.memory_space<vmem>>
        %dma_start3A_461 = arith.constant 10240 : i32
        %dma_start3A_462 = tpu.memref_slice %arg11[%dma_start3A_461] : memref<30720xf32, #tpu.memory_space<vmem_shared>> -> memref<10240xf32, #tpu.memory_space<vmem_shared>>
        %dma_start3A_463 = arith.constant 0 : i32
        %dma_start3A_464 = tpu.memref_slice %dma_start3A_462[%dma_start3A_463] : memref<10240xf32, #tpu.memory_space<vmem_shared>> -> memref<10240xf32, #tpu.memory_space<vmem_shared>>
        tpu.enqueue_indirect_dma source(%arg9 : memref<128xf32, #tpu.memory_space<vmem>>) target(%dma_start3A_464 : memref<10240xf32, #tpu.memory_space<vmem_shared>>) offsets(%dma_start3A_460 : memref<128xi32, #tpu.memory_space<vmem>>) semaphore(%run_scoped3A_457 : memref<!tpu.dma_semaphore, #tpu.memory_space<semaphore_mem>>) {add = true}
        %dma_wait3A_465 = arith.constant 0 : i32
        %dma_wait3A_466 = tpu.memref_slice %arg8[%run_scoped3A_235, %dma_wait3A_465] : memref<8x128xi32, #tpu.memory_space<vmem>> -> memref<1x128xi32, #tpu.memory_space<vmem>>
        %dma_wait3A_467 = tpu.memref_squeeze %dma_wait3A_466 : memref<1x128xi32, #tpu.memory_space<vmem>> -> memref<128xi32, #tpu.memory_space<vmem>>
        %dma_wait3A_468 = arith.constant 10240 : i32
        %dma_wait3A_469 = tpu.memref_slice %arg11[%dma_wait3A_468] : memref<30720xf32, #tpu.memory_space<vmem_shared>> -> memref<10240xf32, #tpu.memory_space<vmem_shared>>
        %dma_wait3A_470 = arith.constant 0 : i32
        %dma_wait3A_471 = tpu.memref_slice %dma_wait3A_469[%dma_wait3A_470] : memref<10240xf32, #tpu.memory_space<vmem_shared>> -> memref<10240xf32, #tpu.memory_space<vmem_shared>>
        tpu.wait_indirect_dma semaphore(%run_scoped3A_457 : memref<!tpu.dma_semaphore, #tpu.memory_space<semaphore_mem>>) src(%arg9 : memref<128xf32, #tpu.memory_space<vmem>>) dst(%dma_wait3A_471 : memref<10240xf32, #tpu.memory_space<vmem_shared>>)
        tpu.yield
      }) : () -> ()
      %dma_start3A_236 = arith.constant 3 : i32
      %dma_start3A_237 = arith.constant 0 : i32
      %dma_start3A_238 = tpu.memref_slice %arg7[%dma_start3A_236, %dma_start3A_237] : memref<8x128xi32, #tpu.memory_space<vmem>> -> memref<1x128xi32, #tpu.memory_space<vmem>>
      %dma_start3A_239 = tpu.memref_squeeze %dma_start3A_238 : memref<1x128xi32, #tpu.memory_space<vmem>> -> memref<128xi32, #tpu.memory_space<vmem>>
      %dma_start3A_240 = arith.constant 20000 : i32
      %dma_start3A_241 = tpu.memref_slice %arg2[%dma_start3A_240] : memref<30000xf32, #tpu.memory_space<hbm>> -> memref<10000xf32, #tpu.memory_space<hbm>>
      %dma_start3A_242 = arith.constant 0 : i32
      %dma_start3A_243 = tpu.memref_slice %dma_start3A_241[%dma_start3A_242] : memref<10000xf32, #tpu.memory_space<hbm>> -> memref<10000xf32, #tpu.memory_space<hbm>>
      tpu.enqueue_indirect_dma source(%dma_start3A_243 : memref<10000xf32, #tpu.memory_space<hbm>>) target(%arg9 : memref<128xf32, #tpu.memory_space<vmem>>) offsets(%dma_start3A_239 : memref<128xi32, #tpu.memory_space<vmem>>) semaphore(%arg12 : memref<!tpu.dma_semaphore, #tpu.memory_space<semaphore_mem>>)
      %dma_wait3A_244 = arith.constant 3 : i32
      %dma_wait3A_245 = arith.constant 0 : i32
      %dma_wait3A_246 = tpu.memref_slice %arg7[%dma_wait3A_244, %dma_wait3A_245] : memref<8x128xi32, #tpu.memory_space<vmem>> -> memref<1x128xi32, #tpu.memory_space<vmem>>
      %dma_wait3A_247 = tpu.memref_squeeze %dma_wait3A_246 : memref<1x128xi32, #tpu.memory_space<vmem>> -> memref<128xi32, #tpu.memory_space<vmem>>
      %dma_wait3A_248 = arith.constant 20000 : i32
      %dma_wait3A_249 = tpu.memref_slice %arg2[%dma_wait3A_248] : memref<30000xf32, #tpu.memory_space<hbm>> -> memref<10000xf32, #tpu.memory_space<hbm>>
      %dma_wait3A_250 = arith.constant 0 : i32
      %dma_wait3A_251 = tpu.memref_slice %dma_wait3A_249[%dma_wait3A_250] : memref<10000xf32, #tpu.memory_space<hbm>> -> memref<10000xf32, #tpu.memory_space<hbm>>
      tpu.wait_indirect_dma semaphore(%arg12 : memref<!tpu.dma_semaphore, #tpu.memory_space<semaphore_mem>>) src(%dma_wait3A_251 : memref<10000xf32, #tpu.memory_space<hbm>>) dst(%arg9 : memref<128xf32, #tpu.memory_space<vmem>>)
      %run_scoped3A_252 = arith.constant 3 : i32
      "tpu.region"() ({
        %run_scoped3A_457 = tpu.sem_alloc : memref<!tpu.dma_semaphore, #tpu.memory_space<semaphore_mem>>
        %dma_start3A_458 = arith.constant 0 : i32
        %dma_start3A_459 = tpu.memref_slice %arg8[%run_scoped3A_252, %dma_start3A_458] : memref<8x128xi32, #tpu.memory_space<vmem>> -> memref<1x128xi32, #tpu.memory_space<vmem>>
        %dma_start3A_460 = tpu.memref_squeeze %dma_start3A_459 : memref<1x128xi32, #tpu.memory_space<vmem>> -> memref<128xi32, #tpu.memory_space<vmem>>
        %dma_start3A_461 = arith.constant 20480 : i32
        %dma_start3A_462 = tpu.memref_slice %arg11[%dma_start3A_461] : memref<30720xf32, #tpu.memory_space<vmem_shared>> -> memref<10240xf32, #tpu.memory_space<vmem_shared>>
        %dma_start3A_463 = arith.constant 0 : i32
        %dma_start3A_464 = tpu.memref_slice %dma_start3A_462[%dma_start3A_463] : memref<10240xf32, #tpu.memory_space<vmem_shared>> -> memref<10240xf32, #tpu.memory_space<vmem_shared>>
        tpu.enqueue_indirect_dma source(%arg9 : memref<128xf32, #tpu.memory_space<vmem>>) target(%dma_start3A_464 : memref<10240xf32, #tpu.memory_space<vmem_shared>>) offsets(%dma_start3A_460 : memref<128xi32, #tpu.memory_space<vmem>>) semaphore(%run_scoped3A_457 : memref<!tpu.dma_semaphore, #tpu.memory_space<semaphore_mem>>) {add = true}
        %dma_wait3A_465 = arith.constant 0 : i32
        %dma_wait3A_466 = tpu.memref_slice %arg8[%run_scoped3A_252, %dma_wait3A_465] : memref<8x128xi32, #tpu.memory_space<vmem>> -> memref<1x128xi32, #tpu.memory_space<vmem>>
        %dma_wait3A_467 = tpu.memref_squeeze %dma_wait3A_466 : memref<1x128xi32, #tpu.memory_space<vmem>> -> memref<128xi32, #tpu.memory_space<vmem>>
        %dma_wait3A_468 = arith.constant 20480 : i32
        %dma_wait3A_469 = tpu.memref_slice %arg11[%dma_wait3A_468] : memref<30720xf32, #tpu.memory_space<vmem_shared>> -> memref<10240xf32, #tpu.memory_space<vmem_shared>>
        %dma_wait3A_470 = arith.constant 0 : i32
        %dma_wait3A_471 = tpu.memref_slice %dma_wait3A_469[%dma_wait3A_470] : memref<10240xf32, #tpu.memory_space<vmem_shared>> -> memref<10240xf32, #tpu.memory_space<vmem_shared>>
        tpu.wait_indirect_dma semaphore(%run_scoped3A_457 : memref<!tpu.dma_semaphore, #tpu.memory_space<semaphore_mem>>) src(%arg9 : memref<128xf32, #tpu.memory_space<vmem>>) dst(%dma_wait3A_471 : memref<10240xf32, #tpu.memory_space<vmem_shared>>)
        tpu.yield
      }) : () -> ()
      %dma_start3A_253 = arith.constant 4 : i32
      %dma_start3A_254 = arith.constant 0 : i32
      %dma_start3A_255 = tpu.memref_slice %arg7[%dma_start3A_253, %dma_start3A_254] : memref<8x128xi32, #tpu.memory_space<vmem>> -> memref<1x128xi32, #tpu.memory_space<vmem>>
      %dma_start3A_256 = tpu.memref_squeeze %dma_start3A_255 : memref<1x128xi32, #tpu.memory_space<vmem>> -> memref<128xi32, #tpu.memory_space<vmem>>
      %dma_start3A_257 = arith.constant 0 : i32
      %dma_start3A_258 = tpu.memref_slice %arg2[%dma_start3A_257] : memref<30000xf32, #tpu.memory_space<hbm>> -> memref<10000xf32, #tpu.memory_space<hbm>>
      %dma_start3A_259 = arith.constant 0 : i32
      %dma_start3A_260 = tpu.memref_slice %dma_start3A_258[%dma_start3A_259] : memref<10000xf32, #tpu.memory_space<hbm>> -> memref<10000xf32, #tpu.memory_space<hbm>>
      tpu.enqueue_indirect_dma source(%dma_start3A_260 : memref<10000xf32, #tpu.memory_space<hbm>>) target(%arg9 : memref<128xf32, #tpu.memory_space<vmem>>) offsets(%dma_start3A_256 : memref<128xi32, #tpu.memory_space<vmem>>) semaphore(%arg12 : memref<!tpu.dma_semaphore, #tpu.memory_space<semaphore_mem>>)
      %dma_wait3A_261 = arith.constant 4 : i32
      %dma_wait3A_262 = arith.constant 0 : i32
      %dma_wait3A_263 = tpu.memref_slice %arg7[%dma_wait3A_261, %dma_wait3A_262] : memref<8x128xi32, #tpu.memory_space<vmem>> -> memref<1x128xi32, #tpu.memory_space<vmem>>
      %dma_wait3A_264 = tpu.memref_squeeze %dma_wait3A_263 : memref<1x128xi32, #tpu.memory_space<vmem>> -> memref<128xi32, #tpu.memory_space<vmem>>
      %dma_wait3A_265 = arith.constant 0 : i32
      %dma_wait3A_266 = tpu.memref_slice %arg2[%dma_wait3A_265] : memref<30000xf32, #tpu.memory_space<hbm>> -> memref<10000xf32, #tpu.memory_space<hbm>>
      %dma_wait3A_267 = arith.constant 0 : i32
      %dma_wait3A_268 = tpu.memref_slice %dma_wait3A_266[%dma_wait3A_267] : memref<10000xf32, #tpu.memory_space<hbm>> -> memref<10000xf32, #tpu.memory_space<hbm>>
      tpu.wait_indirect_dma semaphore(%arg12 : memref<!tpu.dma_semaphore, #tpu.memory_space<semaphore_mem>>) src(%dma_wait3A_268 : memref<10000xf32, #tpu.memory_space<hbm>>) dst(%arg9 : memref<128xf32, #tpu.memory_space<vmem>>)
      %run_scoped3A_269 = arith.constant 4 : i32
      "tpu.region"() ({
        %run_scoped3A_457 = tpu.sem_alloc : memref<!tpu.dma_semaphore, #tpu.memory_space<semaphore_mem>>
        %dma_start3A_458 = arith.constant 0 : i32
        %dma_start3A_459 = tpu.memref_slice %arg8[%run_scoped3A_269, %dma_start3A_458] : memref<8x128xi32, #tpu.memory_space<vmem>> -> memref<1x128xi32, #tpu.memory_space<vmem>>
        %dma_start3A_460 = tpu.memref_squeeze %dma_start3A_459 : memref<1x128xi32, #tpu.memory_space<vmem>> -> memref<128xi32, #tpu.memory_space<vmem>>
        %dma_start3A_461 = arith.constant 0 : i32
        %dma_start3A_462 = tpu.memref_slice %arg11[%dma_start3A_461] : memref<30720xf32, #tpu.memory_space<vmem_shared>> -> memref<10240xf32, #tpu.memory_space<vmem_shared>>
        %dma_start3A_463 = arith.constant 0 : i32
        %dma_start3A_464 = tpu.memref_slice %dma_start3A_462[%dma_start3A_463] : memref<10240xf32, #tpu.memory_space<vmem_shared>> -> memref<10240xf32, #tpu.memory_space<vmem_shared>>
        tpu.enqueue_indirect_dma source(%arg9 : memref<128xf32, #tpu.memory_space<vmem>>) target(%dma_start3A_464 : memref<10240xf32, #tpu.memory_space<vmem_shared>>) offsets(%dma_start3A_460 : memref<128xi32, #tpu.memory_space<vmem>>) semaphore(%run_scoped3A_457 : memref<!tpu.dma_semaphore, #tpu.memory_space<semaphore_mem>>) {add = true}
        %dma_wait3A_465 = arith.constant 0 : i32
        %dma_wait3A_466 = tpu.memref_slice %arg8[%run_scoped3A_269, %dma_wait3A_465] : memref<8x128xi32, #tpu.memory_space<vmem>> -> memref<1x128xi32, #tpu.memory_space<vmem>>
        %dma_wait3A_467 = tpu.memref_squeeze %dma_wait3A_466 : memref<1x128xi32, #tpu.memory_space<vmem>> -> memref<128xi32, #tpu.memory_space<vmem>>
        %dma_wait3A_468 = arith.constant 0 : i32
        %dma_wait3A_469 = tpu.memref_slice %arg11[%dma_wait3A_468] : memref<30720xf32, #tpu.memory_space<vmem_shared>> -> memref<10240xf32, #tpu.memory_space<vmem_shared>>
        %dma_wait3A_470 = arith.constant 0 : i32
        %dma_wait3A_471 = tpu.memref_slice %dma_wait3A_469[%dma_wait3A_470] : memref<10240xf32, #tpu.memory_space<vmem_shared>> -> memref<10240xf32, #tpu.memory_space<vmem_shared>>
        tpu.wait_indirect_dma semaphore(%run_scoped3A_457 : memref<!tpu.dma_semaphore, #tpu.memory_space<semaphore_mem>>) src(%arg9 : memref<128xf32, #tpu.memory_space<vmem>>) dst(%dma_wait3A_471 : memref<10240xf32, #tpu.memory_space<vmem_shared>>)
        tpu.yield
      }) : () -> ()
      %dma_start3A_270 = arith.constant 4 : i32
      %dma_start3A_271 = arith.constant 0 : i32
      %dma_start3A_272 = tpu.memref_slice %arg7[%dma_start3A_270, %dma_start3A_271] : memref<8x128xi32, #tpu.memory_space<vmem>> -> memref<1x128xi32, #tpu.memory_space<vmem>>
      %dma_start3A_273 = tpu.memref_squeeze %dma_start3A_272 : memref<1x128xi32, #tpu.memory_space<vmem>> -> memref<128xi32, #tpu.memory_space<vmem>>
      %dma_start3A_274 = arith.constant 10000 : i32
      %dma_start3A_275 = tpu.memref_slice %arg2[%dma_start3A_274] : memref<30000xf32, #tpu.memory_space<hbm>> -> memref<10000xf32, #tpu.memory_space<hbm>>
      %dma_start3A_276 = arith.constant 0 : i32
      %dma_start3A_277 = tpu.memref_slice %dma_start3A_275[%dma_start3A_276] : memref<10000xf32, #tpu.memory_space<hbm>> -> memref<10000xf32, #tpu.memory_space<hbm>>
      tpu.enqueue_indirect_dma source(%dma_start3A_277 : memref<10000xf32, #tpu.memory_space<hbm>>) target(%arg9 : memref<128xf32, #tpu.memory_space<vmem>>) offsets(%dma_start3A_273 : memref<128xi32, #tpu.memory_space<vmem>>) semaphore(%arg12 : memref<!tpu.dma_semaphore, #tpu.memory_space<semaphore_mem>>)
      %dma_wait3A_278 = arith.constant 4 : i32
      %dma_wait3A_279 = arith.constant 0 : i32
      %dma_wait3A_280 = tpu.memref_slice %arg7[%dma_wait3A_278, %dma_wait3A_279] : memref<8x128xi32, #tpu.memory_space<vmem>> -> memref<1x128xi32, #tpu.memory_space<vmem>>
      %dma_wait3A_281 = tpu.memref_squeeze %dma_wait3A_280 : memref<1x128xi32, #tpu.memory_space<vmem>> -> memref<128xi32, #tpu.memory_space<vmem>>
      %dma_wait3A_282 = arith.constant 10000 : i32
      %dma_wait3A_283 = tpu.memref_slice %arg2[%dma_wait3A_282] : memref<30000xf32, #tpu.memory_space<hbm>> -> memref<10000xf32, #tpu.memory_space<hbm>>
      %dma_wait3A_284 = arith.constant 0 : i32
      %dma_wait3A_285 = tpu.memref_slice %dma_wait3A_283[%dma_wait3A_284] : memref<10000xf32, #tpu.memory_space<hbm>> -> memref<10000xf32, #tpu.memory_space<hbm>>
      tpu.wait_indirect_dma semaphore(%arg12 : memref<!tpu.dma_semaphore, #tpu.memory_space<semaphore_mem>>) src(%dma_wait3A_285 : memref<10000xf32, #tpu.memory_space<hbm>>) dst(%arg9 : memref<128xf32, #tpu.memory_space<vmem>>)
      %run_scoped3A_286 = arith.constant 4 : i32
      "tpu.region"() ({
        %run_scoped3A_457 = tpu.sem_alloc : memref<!tpu.dma_semaphore, #tpu.memory_space<semaphore_mem>>
        %dma_start3A_458 = arith.constant 0 : i32
        %dma_start3A_459 = tpu.memref_slice %arg8[%run_scoped3A_286, %dma_start3A_458] : memref<8x128xi32, #tpu.memory_space<vmem>> -> memref<1x128xi32, #tpu.memory_space<vmem>>
        %dma_start3A_460 = tpu.memref_squeeze %dma_start3A_459 : memref<1x128xi32, #tpu.memory_space<vmem>> -> memref<128xi32, #tpu.memory_space<vmem>>
        %dma_start3A_461 = arith.constant 10240 : i32
        %dma_start3A_462 = tpu.memref_slice %arg11[%dma_start3A_461] : memref<30720xf32, #tpu.memory_space<vmem_shared>> -> memref<10240xf32, #tpu.memory_space<vmem_shared>>
        %dma_start3A_463 = arith.constant 0 : i32
        %dma_start3A_464 = tpu.memref_slice %dma_start3A_462[%dma_start3A_463] : memref<10240xf32, #tpu.memory_space<vmem_shared>> -> memref<10240xf32, #tpu.memory_space<vmem_shared>>
        tpu.enqueue_indirect_dma source(%arg9 : memref<128xf32, #tpu.memory_space<vmem>>) target(%dma_start3A_464 : memref<10240xf32, #tpu.memory_space<vmem_shared>>) offsets(%dma_start3A_460 : memref<128xi32, #tpu.memory_space<vmem>>) semaphore(%run_scoped3A_457 : memref<!tpu.dma_semaphore, #tpu.memory_space<semaphore_mem>>) {add = true}
        %dma_wait3A_465 = arith.constant 0 : i32
        %dma_wait3A_466 = tpu.memref_slice %arg8[%run_scoped3A_286, %dma_wait3A_465] : memref<8x128xi32, #tpu.memory_space<vmem>> -> memref<1x128xi32, #tpu.memory_space<vmem>>
        %dma_wait3A_467 = tpu.memref_squeeze %dma_wait3A_466 : memref<1x128xi32, #tpu.memory_space<vmem>> -> memref<128xi32, #tpu.memory_space<vmem>>
        %dma_wait3A_468 = arith.constant 10240 : i32
        %dma_wait3A_469 = tpu.memref_slice %arg11[%dma_wait3A_468] : memref<30720xf32, #tpu.memory_space<vmem_shared>> -> memref<10240xf32, #tpu.memory_space<vmem_shared>>
        %dma_wait3A_470 = arith.constant 0 : i32
        %dma_wait3A_471 = tpu.memref_slice %dma_wait3A_469[%dma_wait3A_470] : memref<10240xf32, #tpu.memory_space<vmem_shared>> -> memref<10240xf32, #tpu.memory_space<vmem_shared>>
        tpu.wait_indirect_dma semaphore(%run_scoped3A_457 : memref<!tpu.dma_semaphore, #tpu.memory_space<semaphore_mem>>) src(%arg9 : memref<128xf32, #tpu.memory_space<vmem>>) dst(%dma_wait3A_471 : memref<10240xf32, #tpu.memory_space<vmem_shared>>)
        tpu.yield
      }) : () -> ()
      %dma_start3A_287 = arith.constant 4 : i32
      %dma_start3A_288 = arith.constant 0 : i32
      %dma_start3A_289 = tpu.memref_slice %arg7[%dma_start3A_287, %dma_start3A_288] : memref<8x128xi32, #tpu.memory_space<vmem>> -> memref<1x128xi32, #tpu.memory_space<vmem>>
      %dma_start3A_290 = tpu.memref_squeeze %dma_start3A_289 : memref<1x128xi32, #tpu.memory_space<vmem>> -> memref<128xi32, #tpu.memory_space<vmem>>
      %dma_start3A_291 = arith.constant 20000 : i32
      %dma_start3A_292 = tpu.memref_slice %arg2[%dma_start3A_291] : memref<30000xf32, #tpu.memory_space<hbm>> -> memref<10000xf32, #tpu.memory_space<hbm>>
      %dma_start3A_293 = arith.constant 0 : i32
      %dma_start3A_294 = tpu.memref_slice %dma_start3A_292[%dma_start3A_293] : memref<10000xf32, #tpu.memory_space<hbm>> -> memref<10000xf32, #tpu.memory_space<hbm>>
      tpu.enqueue_indirect_dma source(%dma_start3A_294 : memref<10000xf32, #tpu.memory_space<hbm>>) target(%arg9 : memref<128xf32, #tpu.memory_space<vmem>>) offsets(%dma_start3A_290 : memref<128xi32, #tpu.memory_space<vmem>>) semaphore(%arg12 : memref<!tpu.dma_semaphore, #tpu.memory_space<semaphore_mem>>)
      %dma_wait3A_295 = arith.constant 4 : i32
      %dma_wait3A_296 = arith.constant 0 : i32
      %dma_wait3A_297 = tpu.memref_slice %arg7[%dma_wait3A_295, %dma_wait3A_296] : memref<8x128xi32, #tpu.memory_space<vmem>> -> memref<1x128xi32, #tpu.memory_space<vmem>>
      %dma_wait3A_298 = tpu.memref_squeeze %dma_wait3A_297 : memref<1x128xi32, #tpu.memory_space<vmem>> -> memref<128xi32, #tpu.memory_space<vmem>>
      %dma_wait3A_299 = arith.constant 20000 : i32
      %dma_wait3A_300 = tpu.memref_slice %arg2[%dma_wait3A_299] : memref<30000xf32, #tpu.memory_space<hbm>> -> memref<10000xf32, #tpu.memory_space<hbm>>
      %dma_wait3A_301 = arith.constant 0 : i32
      %dma_wait3A_302 = tpu.memref_slice %dma_wait3A_300[%dma_wait3A_301] : memref<10000xf32, #tpu.memory_space<hbm>> -> memref<10000xf32, #tpu.memory_space<hbm>>
      tpu.wait_indirect_dma semaphore(%arg12 : memref<!tpu.dma_semaphore, #tpu.memory_space<semaphore_mem>>) src(%dma_wait3A_302 : memref<10000xf32, #tpu.memory_space<hbm>>) dst(%arg9 : memref<128xf32, #tpu.memory_space<vmem>>)
      %run_scoped3A_303 = arith.constant 4 : i32
      "tpu.region"() ({
        %run_scoped3A_457 = tpu.sem_alloc : memref<!tpu.dma_semaphore, #tpu.memory_space<semaphore_mem>>
        %dma_start3A_458 = arith.constant 0 : i32
        %dma_start3A_459 = tpu.memref_slice %arg8[%run_scoped3A_303, %dma_start3A_458] : memref<8x128xi32, #tpu.memory_space<vmem>> -> memref<1x128xi32, #tpu.memory_space<vmem>>
        %dma_start3A_460 = tpu.memref_squeeze %dma_start3A_459 : memref<1x128xi32, #tpu.memory_space<vmem>> -> memref<128xi32, #tpu.memory_space<vmem>>
        %dma_start3A_461 = arith.constant 20480 : i32
        %dma_start3A_462 = tpu.memref_slice %arg11[%dma_start3A_461] : memref<30720xf32, #tpu.memory_space<vmem_shared>> -> memref<10240xf32, #tpu.memory_space<vmem_shared>>
        %dma_start3A_463 = arith.constant 0 : i32
        %dma_start3A_464 = tpu.memref_slice %dma_start3A_462[%dma_start3A_463] : memref<10240xf32, #tpu.memory_space<vmem_shared>> -> memref<10240xf32, #tpu.memory_space<vmem_shared>>
        tpu.enqueue_indirect_dma source(%arg9 : memref<128xf32, #tpu.memory_space<vmem>>) target(%dma_start3A_464 : memref<10240xf32, #tpu.memory_space<vmem_shared>>) offsets(%dma_start3A_460 : memref<128xi32, #tpu.memory_space<vmem>>) semaphore(%run_scoped3A_457 : memref<!tpu.dma_semaphore, #tpu.memory_space<semaphore_mem>>) {add = true}
        %dma_wait3A_465 = arith.constant 0 : i32
        %dma_wait3A_466 = tpu.memref_slice %arg8[%run_scoped3A_303, %dma_wait3A_465] : memref<8x128xi32, #tpu.memory_space<vmem>> -> memref<1x128xi32, #tpu.memory_space<vmem>>
        %dma_wait3A_467 = tpu.memref_squeeze %dma_wait3A_466 : memref<1x128xi32, #tpu.memory_space<vmem>> -> memref<128xi32, #tpu.memory_space<vmem>>
        %dma_wait3A_468 = arith.constant 20480 : i32
        %dma_wait3A_469 = tpu.memref_slice %arg11[%dma_wait3A_468] : memref<30720xf32, #tpu.memory_space<vmem_shared>> -> memref<10240xf32, #tpu.memory_space<vmem_shared>>
        %dma_wait3A_470 = arith.constant 0 : i32
        %dma_wait3A_471 = tpu.memref_slice %dma_wait3A_469[%dma_wait3A_470] : memref<10240xf32, #tpu.memory_space<vmem_shared>> -> memref<10240xf32, #tpu.memory_space<vmem_shared>>
        tpu.wait_indirect_dma semaphore(%run_scoped3A_457 : memref<!tpu.dma_semaphore, #tpu.memory_space<semaphore_mem>>) src(%arg9 : memref<128xf32, #tpu.memory_space<vmem>>) dst(%dma_wait3A_471 : memref<10240xf32, #tpu.memory_space<vmem_shared>>)
        tpu.yield
      }) : () -> ()
      %dma_start3A_304 = arith.constant 5 : i32
      %dma_start3A_305 = arith.constant 0 : i32
      %dma_start3A_306 = tpu.memref_slice %arg7[%dma_start3A_304, %dma_start3A_305] : memref<8x128xi32, #tpu.memory_space<vmem>> -> memref<1x128xi32, #tpu.memory_space<vmem>>
      %dma_start3A_307 = tpu.memref_squeeze %dma_start3A_306 : memref<1x128xi32, #tpu.memory_space<vmem>> -> memref<128xi32, #tpu.memory_space<vmem>>
      %dma_start3A_308 = arith.constant 0 : i32
      %dma_start3A_309 = tpu.memref_slice %arg2[%dma_start3A_308] : memref<30000xf32, #tpu.memory_space<hbm>> -> memref<10000xf32, #tpu.memory_space<hbm>>
      %dma_start3A_310 = arith.constant 0 : i32
      %dma_start3A_311 = tpu.memref_slice %dma_start3A_309[%dma_start3A_310] : memref<10000xf32, #tpu.memory_space<hbm>> -> memref<10000xf32, #tpu.memory_space<hbm>>
      tpu.enqueue_indirect_dma source(%dma_start3A_311 : memref<10000xf32, #tpu.memory_space<hbm>>) target(%arg9 : memref<128xf32, #tpu.memory_space<vmem>>) offsets(%dma_start3A_307 : memref<128xi32, #tpu.memory_space<vmem>>) semaphore(%arg12 : memref<!tpu.dma_semaphore, #tpu.memory_space<semaphore_mem>>)
      %dma_wait3A_312 = arith.constant 5 : i32
      %dma_wait3A_313 = arith.constant 0 : i32
      %dma_wait3A_314 = tpu.memref_slice %arg7[%dma_wait3A_312, %dma_wait3A_313] : memref<8x128xi32, #tpu.memory_space<vmem>> -> memref<1x128xi32, #tpu.memory_space<vmem>>
      %dma_wait3A_315 = tpu.memref_squeeze %dma_wait3A_314 : memref<1x128xi32, #tpu.memory_space<vmem>> -> memref<128xi32, #tpu.memory_space<vmem>>
      %dma_wait3A_316 = arith.constant 0 : i32
      %dma_wait3A_317 = tpu.memref_slice %arg2[%dma_wait3A_316] : memref<30000xf32, #tpu.memory_space<hbm>> -> memref<10000xf32, #tpu.memory_space<hbm>>
      %dma_wait3A_318 = arith.constant 0 : i32
      %dma_wait3A_319 = tpu.memref_slice %dma_wait3A_317[%dma_wait3A_318] : memref<10000xf32, #tpu.memory_space<hbm>> -> memref<10000xf32, #tpu.memory_space<hbm>>
      tpu.wait_indirect_dma semaphore(%arg12 : memref<!tpu.dma_semaphore, #tpu.memory_space<semaphore_mem>>) src(%dma_wait3A_319 : memref<10000xf32, #tpu.memory_space<hbm>>) dst(%arg9 : memref<128xf32, #tpu.memory_space<vmem>>)
      %run_scoped3A_320 = arith.constant 5 : i32
      "tpu.region"() ({
        %run_scoped3A_457 = tpu.sem_alloc : memref<!tpu.dma_semaphore, #tpu.memory_space<semaphore_mem>>
        %dma_start3A_458 = arith.constant 0 : i32
        %dma_start3A_459 = tpu.memref_slice %arg8[%run_scoped3A_320, %dma_start3A_458] : memref<8x128xi32, #tpu.memory_space<vmem>> -> memref<1x128xi32, #tpu.memory_space<vmem>>
        %dma_start3A_460 = tpu.memref_squeeze %dma_start3A_459 : memref<1x128xi32, #tpu.memory_space<vmem>> -> memref<128xi32, #tpu.memory_space<vmem>>
        %dma_start3A_461 = arith.constant 0 : i32
        %dma_start3A_462 = tpu.memref_slice %arg11[%dma_start3A_461] : memref<30720xf32, #tpu.memory_space<vmem_shared>> -> memref<10240xf32, #tpu.memory_space<vmem_shared>>
        %dma_start3A_463 = arith.constant 0 : i32
        %dma_start3A_464 = tpu.memref_slice %dma_start3A_462[%dma_start3A_463] : memref<10240xf32, #tpu.memory_space<vmem_shared>> -> memref<10240xf32, #tpu.memory_space<vmem_shared>>
        tpu.enqueue_indirect_dma source(%arg9 : memref<128xf32, #tpu.memory_space<vmem>>) target(%dma_start3A_464 : memref<10240xf32, #tpu.memory_space<vmem_shared>>) offsets(%dma_start3A_460 : memref<128xi32, #tpu.memory_space<vmem>>) semaphore(%run_scoped3A_457 : memref<!tpu.dma_semaphore, #tpu.memory_space<semaphore_mem>>) {add = true}
        %dma_wait3A_465 = arith.constant 0 : i32
        %dma_wait3A_466 = tpu.memref_slice %arg8[%run_scoped3A_320, %dma_wait3A_465] : memref<8x128xi32, #tpu.memory_space<vmem>> -> memref<1x128xi32, #tpu.memory_space<vmem>>
        %dma_wait3A_467 = tpu.memref_squeeze %dma_wait3A_466 : memref<1x128xi32, #tpu.memory_space<vmem>> -> memref<128xi32, #tpu.memory_space<vmem>>
        %dma_wait3A_468 = arith.constant 0 : i32
        %dma_wait3A_469 = tpu.memref_slice %arg11[%dma_wait3A_468] : memref<30720xf32, #tpu.memory_space<vmem_shared>> -> memref<10240xf32, #tpu.memory_space<vmem_shared>>
        %dma_wait3A_470 = arith.constant 0 : i32
        %dma_wait3A_471 = tpu.memref_slice %dma_wait3A_469[%dma_wait3A_470] : memref<10240xf32, #tpu.memory_space<vmem_shared>> -> memref<10240xf32, #tpu.memory_space<vmem_shared>>
        tpu.wait_indirect_dma semaphore(%run_scoped3A_457 : memref<!tpu.dma_semaphore, #tpu.memory_space<semaphore_mem>>) src(%arg9 : memref<128xf32, #tpu.memory_space<vmem>>) dst(%dma_wait3A_471 : memref<10240xf32, #tpu.memory_space<vmem_shared>>)
        tpu.yield
      }) : () -> ()
      %dma_start3A_321 = arith.constant 5 : i32
      %dma_start3A_322 = arith.constant 0 : i32
      %dma_start3A_323 = tpu.memref_slice %arg7[%dma_start3A_321, %dma_start3A_322] : memref<8x128xi32, #tpu.memory_space<vmem>> -> memref<1x128xi32, #tpu.memory_space<vmem>>
      %dma_start3A_324 = tpu.memref_squeeze %dma_start3A_323 : memref<1x128xi32, #tpu.memory_space<vmem>> -> memref<128xi32, #tpu.memory_space<vmem>>
      %dma_start3A_325 = arith.constant 10000 : i32
      %dma_start3A_326 = tpu.memref_slice %arg2[%dma_start3A_325] : memref<30000xf32, #tpu.memory_space<hbm>> -> memref<10000xf32, #tpu.memory_space<hbm>>
      %dma_start3A_327 = arith.constant 0 : i32
      %dma_start3A_328 = tpu.memref_slice %dma_start3A_326[%dma_start3A_327] : memref<10000xf32, #tpu.memory_space<hbm>> -> memref<10000xf32, #tpu.memory_space<hbm>>
      tpu.enqueue_indirect_dma source(%dma_start3A_328 : memref<10000xf32, #tpu.memory_space<hbm>>) target(%arg9 : memref<128xf32, #tpu.memory_space<vmem>>) offsets(%dma_start3A_324 : memref<128xi32, #tpu.memory_space<vmem>>) semaphore(%arg12 : memref<!tpu.dma_semaphore, #tpu.memory_space<semaphore_mem>>)
      %dma_wait3A_329 = arith.constant 5 : i32
      %dma_wait3A_330 = arith.constant 0 : i32
      %dma_wait3A_331 = tpu.memref_slice %arg7[%dma_wait3A_329, %dma_wait3A_330] : memref<8x128xi32, #tpu.memory_space<vmem>> -> memref<1x128xi32, #tpu.memory_space<vmem>>
      %dma_wait3A_332 = tpu.memref_squeeze %dma_wait3A_331 : memref<1x128xi32, #tpu.memory_space<vmem>> -> memref<128xi32, #tpu.memory_space<vmem>>
      %dma_wait3A_333 = arith.constant 10000 : i32
      %dma_wait3A_334 = tpu.memref_slice %arg2[%dma_wait3A_333] : memref<30000xf32, #tpu.memory_space<hbm>> -> memref<10000xf32, #tpu.memory_space<hbm>>
      %dma_wait3A_335 = arith.constant 0 : i32
      %dma_wait3A_336 = tpu.memref_slice %dma_wait3A_334[%dma_wait3A_335] : memref<10000xf32, #tpu.memory_space<hbm>> -> memref<10000xf32, #tpu.memory_space<hbm>>
      tpu.wait_indirect_dma semaphore(%arg12 : memref<!tpu.dma_semaphore, #tpu.memory_space<semaphore_mem>>) src(%dma_wait3A_336 : memref<10000xf32, #tpu.memory_space<hbm>>) dst(%arg9 : memref<128xf32, #tpu.memory_space<vmem>>)
      %run_scoped3A_337 = arith.constant 5 : i32
      "tpu.region"() ({
        %run_scoped3A_457 = tpu.sem_alloc : memref<!tpu.dma_semaphore, #tpu.memory_space<semaphore_mem>>
        %dma_start3A_458 = arith.constant 0 : i32
        %dma_start3A_459 = tpu.memref_slice %arg8[%run_scoped3A_337, %dma_start3A_458] : memref<8x128xi32, #tpu.memory_space<vmem>> -> memref<1x128xi32, #tpu.memory_space<vmem>>
        %dma_start3A_460 = tpu.memref_squeeze %dma_start3A_459 : memref<1x128xi32, #tpu.memory_space<vmem>> -> memref<128xi32, #tpu.memory_space<vmem>>
        %dma_start3A_461 = arith.constant 10240 : i32
        %dma_start3A_462 = tpu.memref_slice %arg11[%dma_start3A_461] : memref<30720xf32, #tpu.memory_space<vmem_shared>> -> memref<10240xf32, #tpu.memory_space<vmem_shared>>
        %dma_start3A_463 = arith.constant 0 : i32
        %dma_start3A_464 = tpu.memref_slice %dma_start3A_462[%dma_start3A_463] : memref<10240xf32, #tpu.memory_space<vmem_shared>> -> memref<10240xf32, #tpu.memory_space<vmem_shared>>
        tpu.enqueue_indirect_dma source(%arg9 : memref<128xf32, #tpu.memory_space<vmem>>) target(%dma_start3A_464 : memref<10240xf32, #tpu.memory_space<vmem_shared>>) offsets(%dma_start3A_460 : memref<128xi32, #tpu.memory_space<vmem>>) semaphore(%run_scoped3A_457 : memref<!tpu.dma_semaphore, #tpu.memory_space<semaphore_mem>>) {add = true}
        %dma_wait3A_465 = arith.constant 0 : i32
        %dma_wait3A_466 = tpu.memref_slice %arg8[%run_scoped3A_337, %dma_wait3A_465] : memref<8x128xi32, #tpu.memory_space<vmem>> -> memref<1x128xi32, #tpu.memory_space<vmem>>
        %dma_wait3A_467 = tpu.memref_squeeze %dma_wait3A_466 : memref<1x128xi32, #tpu.memory_space<vmem>> -> memref<128xi32, #tpu.memory_space<vmem>>
        %dma_wait3A_468 = arith.constant 10240 : i32
        %dma_wait3A_469 = tpu.memref_slice %arg11[%dma_wait3A_468] : memref<30720xf32, #tpu.memory_space<vmem_shared>> -> memref<10240xf32, #tpu.memory_space<vmem_shared>>
        %dma_wait3A_470 = arith.constant 0 : i32
        %dma_wait3A_471 = tpu.memref_slice %dma_wait3A_469[%dma_wait3A_470] : memref<10240xf32, #tpu.memory_space<vmem_shared>> -> memref<10240xf32, #tpu.memory_space<vmem_shared>>
        tpu.wait_indirect_dma semaphore(%run_scoped3A_457 : memref<!tpu.dma_semaphore, #tpu.memory_space<semaphore_mem>>) src(%arg9 : memref<128xf32, #tpu.memory_space<vmem>>) dst(%dma_wait3A_471 : memref<10240xf32, #tpu.memory_space<vmem_shared>>)
        tpu.yield
      }) : () -> ()
      %dma_start3A_338 = arith.constant 5 : i32
      %dma_start3A_339 = arith.constant 0 : i32
      %dma_start3A_340 = tpu.memref_slice %arg7[%dma_start3A_338, %dma_start3A_339] : memref<8x128xi32, #tpu.memory_space<vmem>> -> memref<1x128xi32, #tpu.memory_space<vmem>>
      %dma_start3A_341 = tpu.memref_squeeze %dma_start3A_340 : memref<1x128xi32, #tpu.memory_space<vmem>> -> memref<128xi32, #tpu.memory_space<vmem>>
      %dma_start3A_342 = arith.constant 20000 : i32
      %dma_start3A_343 = tpu.memref_slice %arg2[%dma_start3A_342] : memref<30000xf32, #tpu.memory_space<hbm>> -> memref<10000xf32, #tpu.memory_space<hbm>>
      %dma_start3A_344 = arith.constant 0 : i32
      %dma_start3A_345 = tpu.memref_slice %dma_start3A_343[%dma_start3A_344] : memref<10000xf32, #tpu.memory_space<hbm>> -> memref<10000xf32, #tpu.memory_space<hbm>>
      tpu.enqueue_indirect_dma source(%dma_start3A_345 : memref<10000xf32, #tpu.memory_space<hbm>>) target(%arg9 : memref<128xf32, #tpu.memory_space<vmem>>) offsets(%dma_start3A_341 : memref<128xi32, #tpu.memory_space<vmem>>) semaphore(%arg12 : memref<!tpu.dma_semaphore, #tpu.memory_space<semaphore_mem>>)
      %dma_wait3A_346 = arith.constant 5 : i32
      %dma_wait3A_347 = arith.constant 0 : i32
      %dma_wait3A_348 = tpu.memref_slice %arg7[%dma_wait3A_346, %dma_wait3A_347] : memref<8x128xi32, #tpu.memory_space<vmem>> -> memref<1x128xi32, #tpu.memory_space<vmem>>
      %dma_wait3A_349 = tpu.memref_squeeze %dma_wait3A_348 : memref<1x128xi32, #tpu.memory_space<vmem>> -> memref<128xi32, #tpu.memory_space<vmem>>
      %dma_wait3A_350 = arith.constant 20000 : i32
      %dma_wait3A_351 = tpu.memref_slice %arg2[%dma_wait3A_350] : memref<30000xf32, #tpu.memory_space<hbm>> -> memref<10000xf32, #tpu.memory_space<hbm>>
      %dma_wait3A_352 = arith.constant 0 : i32
      %dma_wait3A_353 = tpu.memref_slice %dma_wait3A_351[%dma_wait3A_352] : memref<10000xf32, #tpu.memory_space<hbm>> -> memref<10000xf32, #tpu.memory_space<hbm>>
      tpu.wait_indirect_dma semaphore(%arg12 : memref<!tpu.dma_semaphore, #tpu.memory_space<semaphore_mem>>) src(%dma_wait3A_353 : memref<10000xf32, #tpu.memory_space<hbm>>) dst(%arg9 : memref<128xf32, #tpu.memory_space<vmem>>)
      %run_scoped3A_354 = arith.constant 5 : i32
      "tpu.region"() ({
        %run_scoped3A_457 = tpu.sem_alloc : memref<!tpu.dma_semaphore, #tpu.memory_space<semaphore_mem>>
        %dma_start3A_458 = arith.constant 0 : i32
        %dma_start3A_459 = tpu.memref_slice %arg8[%run_scoped3A_354, %dma_start3A_458] : memref<8x128xi32, #tpu.memory_space<vmem>> -> memref<1x128xi32, #tpu.memory_space<vmem>>
        %dma_start3A_460 = tpu.memref_squeeze %dma_start3A_459 : memref<1x128xi32, #tpu.memory_space<vmem>> -> memref<128xi32, #tpu.memory_space<vmem>>
        %dma_start3A_461 = arith.constant 20480 : i32
        %dma_start3A_462 = tpu.memref_slice %arg11[%dma_start3A_461] : memref<30720xf32, #tpu.memory_space<vmem_shared>> -> memref<10240xf32, #tpu.memory_space<vmem_shared>>
        %dma_start3A_463 = arith.constant 0 : i32
        %dma_start3A_464 = tpu.memref_slice %dma_start3A_462[%dma_start3A_463] : memref<10240xf32, #tpu.memory_space<vmem_shared>> -> memref<10240xf32, #tpu.memory_space<vmem_shared>>
        tpu.enqueue_indirect_dma source(%arg9 : memref<128xf32, #tpu.memory_space<vmem>>) target(%dma_start3A_464 : memref<10240xf32, #tpu.memory_space<vmem_shared>>) offsets(%dma_start3A_460 : memref<128xi32, #tpu.memory_space<vmem>>) semaphore(%run_scoped3A_457 : memref<!tpu.dma_semaphore, #tpu.memory_space<semaphore_mem>>) {add = true}
        %dma_wait3A_465 = arith.constant 0 : i32
        %dma_wait3A_466 = tpu.memref_slice %arg8[%run_scoped3A_354, %dma_wait3A_465] : memref<8x128xi32, #tpu.memory_space<vmem>> -> memref<1x128xi32, #tpu.memory_space<vmem>>
        %dma_wait3A_467 = tpu.memref_squeeze %dma_wait3A_466 : memref<1x128xi32, #tpu.memory_space<vmem>> -> memref<128xi32, #tpu.memory_space<vmem>>
        %dma_wait3A_468 = arith.constant 20480 : i32
        %dma_wait3A_469 = tpu.memref_slice %arg11[%dma_wait3A_468] : memref<30720xf32, #tpu.memory_space<vmem_shared>> -> memref<10240xf32, #tpu.memory_space<vmem_shared>>
        %dma_wait3A_470 = arith.constant 0 : i32
        %dma_wait3A_471 = tpu.memref_slice %dma_wait3A_469[%dma_wait3A_470] : memref<10240xf32, #tpu.memory_space<vmem_shared>> -> memref<10240xf32, #tpu.memory_space<vmem_shared>>
        tpu.wait_indirect_dma semaphore(%run_scoped3A_457 : memref<!tpu.dma_semaphore, #tpu.memory_space<semaphore_mem>>) src(%arg9 : memref<128xf32, #tpu.memory_space<vmem>>) dst(%dma_wait3A_471 : memref<10240xf32, #tpu.memory_space<vmem_shared>>)
        tpu.yield
      }) : () -> ()
      %dma_start3A_355 = arith.constant 6 : i32
      %dma_start3A_356 = arith.constant 0 : i32
      %dma_start3A_357 = tpu.memref_slice %arg7[%dma_start3A_355, %dma_start3A_356] : memref<8x128xi32, #tpu.memory_space<vmem>> -> memref<1x128xi32, #tpu.memory_space<vmem>>
      %dma_start3A_358 = tpu.memref_squeeze %dma_start3A_357 : memref<1x128xi32, #tpu.memory_space<vmem>> -> memref<128xi32, #tpu.memory_space<vmem>>
      %dma_start3A_359 = arith.constant 0 : i32
      %dma_start3A_360 = tpu.memref_slice %arg2[%dma_start3A_359] : memref<30000xf32, #tpu.memory_space<hbm>> -> memref<10000xf32, #tpu.memory_space<hbm>>
      %dma_start3A_361 = arith.constant 0 : i32
      %dma_start3A_362 = tpu.memref_slice %dma_start3A_360[%dma_start3A_361] : memref<10000xf32, #tpu.memory_space<hbm>> -> memref<10000xf32, #tpu.memory_space<hbm>>
      tpu.enqueue_indirect_dma source(%dma_start3A_362 : memref<10000xf32, #tpu.memory_space<hbm>>) target(%arg9 : memref<128xf32, #tpu.memory_space<vmem>>) offsets(%dma_start3A_358 : memref<128xi32, #tpu.memory_space<vmem>>) semaphore(%arg12 : memref<!tpu.dma_semaphore, #tpu.memory_space<semaphore_mem>>)
      %dma_wait3A_363 = arith.constant 6 : i32
      %dma_wait3A_364 = arith.constant 0 : i32
      %dma_wait3A_365 = tpu.memref_slice %arg7[%dma_wait3A_363, %dma_wait3A_364] : memref<8x128xi32, #tpu.memory_space<vmem>> -> memref<1x128xi32, #tpu.memory_space<vmem>>
      %dma_wait3A_366 = tpu.memref_squeeze %dma_wait3A_365 : memref<1x128xi32, #tpu.memory_space<vmem>> -> memref<128xi32, #tpu.memory_space<vmem>>
      %dma_wait3A_367 = arith.constant 0 : i32
      %dma_wait3A_368 = tpu.memref_slice %arg2[%dma_wait3A_367] : memref<30000xf32, #tpu.memory_space<hbm>> -> memref<10000xf32, #tpu.memory_space<hbm>>
      %dma_wait3A_369 = arith.constant 0 : i32
      %dma_wait3A_370 = tpu.memref_slice %dma_wait3A_368[%dma_wait3A_369] : memref<10000xf32, #tpu.memory_space<hbm>> -> memref<10000xf32, #tpu.memory_space<hbm>>
      tpu.wait_indirect_dma semaphore(%arg12 : memref<!tpu.dma_semaphore, #tpu.memory_space<semaphore_mem>>) src(%dma_wait3A_370 : memref<10000xf32, #tpu.memory_space<hbm>>) dst(%arg9 : memref<128xf32, #tpu.memory_space<vmem>>)
      %run_scoped3A_371 = arith.constant 6 : i32
      "tpu.region"() ({
        %run_scoped3A_457 = tpu.sem_alloc : memref<!tpu.dma_semaphore, #tpu.memory_space<semaphore_mem>>
        %dma_start3A_458 = arith.constant 0 : i32
        %dma_start3A_459 = tpu.memref_slice %arg8[%run_scoped3A_371, %dma_start3A_458] : memref<8x128xi32, #tpu.memory_space<vmem>> -> memref<1x128xi32, #tpu.memory_space<vmem>>
        %dma_start3A_460 = tpu.memref_squeeze %dma_start3A_459 : memref<1x128xi32, #tpu.memory_space<vmem>> -> memref<128xi32, #tpu.memory_space<vmem>>
        %dma_start3A_461 = arith.constant 0 : i32
        %dma_start3A_462 = tpu.memref_slice %arg11[%dma_start3A_461] : memref<30720xf32, #tpu.memory_space<vmem_shared>> -> memref<10240xf32, #tpu.memory_space<vmem_shared>>
        %dma_start3A_463 = arith.constant 0 : i32
        %dma_start3A_464 = tpu.memref_slice %dma_start3A_462[%dma_start3A_463] : memref<10240xf32, #tpu.memory_space<vmem_shared>> -> memref<10240xf32, #tpu.memory_space<vmem_shared>>
        tpu.enqueue_indirect_dma source(%arg9 : memref<128xf32, #tpu.memory_space<vmem>>) target(%dma_start3A_464 : memref<10240xf32, #tpu.memory_space<vmem_shared>>) offsets(%dma_start3A_460 : memref<128xi32, #tpu.memory_space<vmem>>) semaphore(%run_scoped3A_457 : memref<!tpu.dma_semaphore, #tpu.memory_space<semaphore_mem>>) {add = true}
        %dma_wait3A_465 = arith.constant 0 : i32
        %dma_wait3A_466 = tpu.memref_slice %arg8[%run_scoped3A_371, %dma_wait3A_465] : memref<8x128xi32, #tpu.memory_space<vmem>> -> memref<1x128xi32, #tpu.memory_space<vmem>>
        %dma_wait3A_467 = tpu.memref_squeeze %dma_wait3A_466 : memref<1x128xi32, #tpu.memory_space<vmem>> -> memref<128xi32, #tpu.memory_space<vmem>>
        %dma_wait3A_468 = arith.constant 0 : i32
        %dma_wait3A_469 = tpu.memref_slice %arg11[%dma_wait3A_468] : memref<30720xf32, #tpu.memory_space<vmem_shared>> -> memref<10240xf32, #tpu.memory_space<vmem_shared>>
        %dma_wait3A_470 = arith.constant 0 : i32
        %dma_wait3A_471 = tpu.memref_slice %dma_wait3A_469[%dma_wait3A_470] : memref<10240xf32, #tpu.memory_space<vmem_shared>> -> memref<10240xf32, #tpu.memory_space<vmem_shared>>
        tpu.wait_indirect_dma semaphore(%run_scoped3A_457 : memref<!tpu.dma_semaphore, #tpu.memory_space<semaphore_mem>>) src(%arg9 : memref<128xf32, #tpu.memory_space<vmem>>) dst(%dma_wait3A_471 : memref<10240xf32, #tpu.memory_space<vmem_shared>>)
        tpu.yield
      }) : () -> ()
      %dma_start3A_372 = arith.constant 6 : i32
      %dma_start3A_373 = arith.constant 0 : i32
      %dma_start3A_374 = tpu.memref_slice %arg7[%dma_start3A_372, %dma_start3A_373] : memref<8x128xi32, #tpu.memory_space<vmem>> -> memref<1x128xi32, #tpu.memory_space<vmem>>
      %dma_start3A_375 = tpu.memref_squeeze %dma_start3A_374 : memref<1x128xi32, #tpu.memory_space<vmem>> -> memref<128xi32, #tpu.memory_space<vmem>>
      %dma_start3A_376 = arith.constant 10000 : i32
      %dma_start3A_377 = tpu.memref_slice %arg2[%dma_start3A_376] : memref<30000xf32, #tpu.memory_space<hbm>> -> memref<10000xf32, #tpu.memory_space<hbm>>
      %dma_start3A_378 = arith.constant 0 : i32
      %dma_start3A_379 = tpu.memref_slice %dma_start3A_377[%dma_start3A_378] : memref<10000xf32, #tpu.memory_space<hbm>> -> memref<10000xf32, #tpu.memory_space<hbm>>
      tpu.enqueue_indirect_dma source(%dma_start3A_379 : memref<10000xf32, #tpu.memory_space<hbm>>) target(%arg9 : memref<128xf32, #tpu.memory_space<vmem>>) offsets(%dma_start3A_375 : memref<128xi32, #tpu.memory_space<vmem>>) semaphore(%arg12 : memref<!tpu.dma_semaphore, #tpu.memory_space<semaphore_mem>>)
      %dma_wait3A_380 = arith.constant 6 : i32
      %dma_wait3A_381 = arith.constant 0 : i32
      %dma_wait3A_382 = tpu.memref_slice %arg7[%dma_wait3A_380, %dma_wait3A_381] : memref<8x128xi32, #tpu.memory_space<vmem>> -> memref<1x128xi32, #tpu.memory_space<vmem>>
      %dma_wait3A_383 = tpu.memref_squeeze %dma_wait3A_382 : memref<1x128xi32, #tpu.memory_space<vmem>> -> memref<128xi32, #tpu.memory_space<vmem>>
      %dma_wait3A_384 = arith.constant 10000 : i32
      %dma_wait3A_385 = tpu.memref_slice %arg2[%dma_wait3A_384] : memref<30000xf32, #tpu.memory_space<hbm>> -> memref<10000xf32, #tpu.memory_space<hbm>>
      %dma_wait3A_386 = arith.constant 0 : i32
      %dma_wait3A_387 = tpu.memref_slice %dma_wait3A_385[%dma_wait3A_386] : memref<10000xf32, #tpu.memory_space<hbm>> -> memref<10000xf32, #tpu.memory_space<hbm>>
      tpu.wait_indirect_dma semaphore(%arg12 : memref<!tpu.dma_semaphore, #tpu.memory_space<semaphore_mem>>) src(%dma_wait3A_387 : memref<10000xf32, #tpu.memory_space<hbm>>) dst(%arg9 : memref<128xf32, #tpu.memory_space<vmem>>)
      %run_scoped3A_388 = arith.constant 6 : i32
      "tpu.region"() ({
        %run_scoped3A_457 = tpu.sem_alloc : memref<!tpu.dma_semaphore, #tpu.memory_space<semaphore_mem>>
        %dma_start3A_458 = arith.constant 0 : i32
        %dma_start3A_459 = tpu.memref_slice %arg8[%run_scoped3A_388, %dma_start3A_458] : memref<8x128xi32, #tpu.memory_space<vmem>> -> memref<1x128xi32, #tpu.memory_space<vmem>>
        %dma_start3A_460 = tpu.memref_squeeze %dma_start3A_459 : memref<1x128xi32, #tpu.memory_space<vmem>> -> memref<128xi32, #tpu.memory_space<vmem>>
        %dma_start3A_461 = arith.constant 10240 : i32
        %dma_start3A_462 = tpu.memref_slice %arg11[%dma_start3A_461] : memref<30720xf32, #tpu.memory_space<vmem_shared>> -> memref<10240xf32, #tpu.memory_space<vmem_shared>>
        %dma_start3A_463 = arith.constant 0 : i32
        %dma_start3A_464 = tpu.memref_slice %dma_start3A_462[%dma_start3A_463] : memref<10240xf32, #tpu.memory_space<vmem_shared>> -> memref<10240xf32, #tpu.memory_space<vmem_shared>>
        tpu.enqueue_indirect_dma source(%arg9 : memref<128xf32, #tpu.memory_space<vmem>>) target(%dma_start3A_464 : memref<10240xf32, #tpu.memory_space<vmem_shared>>) offsets(%dma_start3A_460 : memref<128xi32, #tpu.memory_space<vmem>>) semaphore(%run_scoped3A_457 : memref<!tpu.dma_semaphore, #tpu.memory_space<semaphore_mem>>) {add = true}
        %dma_wait3A_465 = arith.constant 0 : i32
        %dma_wait3A_466 = tpu.memref_slice %arg8[%run_scoped3A_388, %dma_wait3A_465] : memref<8x128xi32, #tpu.memory_space<vmem>> -> memref<1x128xi32, #tpu.memory_space<vmem>>
        %dma_wait3A_467 = tpu.memref_squeeze %dma_wait3A_466 : memref<1x128xi32, #tpu.memory_space<vmem>> -> memref<128xi32, #tpu.memory_space<vmem>>
        %dma_wait3A_468 = arith.constant 10240 : i32
        %dma_wait3A_469 = tpu.memref_slice %arg11[%dma_wait3A_468] : memref<30720xf32, #tpu.memory_space<vmem_shared>> -> memref<10240xf32, #tpu.memory_space<vmem_shared>>
        %dma_wait3A_470 = arith.constant 0 : i32
        %dma_wait3A_471 = tpu.memref_slice %dma_wait3A_469[%dma_wait3A_470] : memref<10240xf32, #tpu.memory_space<vmem_shared>> -> memref<10240xf32, #tpu.memory_space<vmem_shared>>
        tpu.wait_indirect_dma semaphore(%run_scoped3A_457 : memref<!tpu.dma_semaphore, #tpu.memory_space<semaphore_mem>>) src(%arg9 : memref<128xf32, #tpu.memory_space<vmem>>) dst(%dma_wait3A_471 : memref<10240xf32, #tpu.memory_space<vmem_shared>>)
        tpu.yield
      }) : () -> ()
      %dma_start3A_389 = arith.constant 6 : i32
      %dma_start3A_390 = arith.constant 0 : i32
      %dma_start3A_391 = tpu.memref_slice %arg7[%dma_start3A_389, %dma_start3A_390] : memref<8x128xi32, #tpu.memory_space<vmem>> -> memref<1x128xi32, #tpu.memory_space<vmem>>
      %dma_start3A_392 = tpu.memref_squeeze %dma_start3A_391 : memref<1x128xi32, #tpu.memory_space<vmem>> -> memref<128xi32, #tpu.memory_space<vmem>>
      %dma_start3A_393 = arith.constant 20000 : i32
      %dma_start3A_394 = tpu.memref_slice %arg2[%dma_start3A_393] : memref<30000xf32, #tpu.memory_space<hbm>> -> memref<10000xf32, #tpu.memory_space<hbm>>
      %dma_start3A_395 = arith.constant 0 : i32
      %dma_start3A_396 = tpu.memref_slice %dma_start3A_394[%dma_start3A_395] : memref<10000xf32, #tpu.memory_space<hbm>> -> memref<10000xf32, #tpu.memory_space<hbm>>
      tpu.enqueue_indirect_dma source(%dma_start3A_396 : memref<10000xf32, #tpu.memory_space<hbm>>) target(%arg9 : memref<128xf32, #tpu.memory_space<vmem>>) offsets(%dma_start3A_392 : memref<128xi32, #tpu.memory_space<vmem>>) semaphore(%arg12 : memref<!tpu.dma_semaphore, #tpu.memory_space<semaphore_mem>>)
      %dma_wait3A_397 = arith.constant 6 : i32
      %dma_wait3A_398 = arith.constant 0 : i32
      %dma_wait3A_399 = tpu.memref_slice %arg7[%dma_wait3A_397, %dma_wait3A_398] : memref<8x128xi32, #tpu.memory_space<vmem>> -> memref<1x128xi32, #tpu.memory_space<vmem>>
      %dma_wait3A_400 = tpu.memref_squeeze %dma_wait3A_399 : memref<1x128xi32, #tpu.memory_space<vmem>> -> memref<128xi32, #tpu.memory_space<vmem>>
      %dma_wait3A_401 = arith.constant 20000 : i32
      %dma_wait3A_402 = tpu.memref_slice %arg2[%dma_wait3A_401] : memref<30000xf32, #tpu.memory_space<hbm>> -> memref<10000xf32, #tpu.memory_space<hbm>>
      %dma_wait3A_403 = arith.constant 0 : i32
      %dma_wait3A_404 = tpu.memref_slice %dma_wait3A_402[%dma_wait3A_403] : memref<10000xf32, #tpu.memory_space<hbm>> -> memref<10000xf32, #tpu.memory_space<hbm>>
      tpu.wait_indirect_dma semaphore(%arg12 : memref<!tpu.dma_semaphore, #tpu.memory_space<semaphore_mem>>) src(%dma_wait3A_404 : memref<10000xf32, #tpu.memory_space<hbm>>) dst(%arg9 : memref<128xf32, #tpu.memory_space<vmem>>)
      %run_scoped3A_405 = arith.constant 6 : i32
      "tpu.region"() ({
        %run_scoped3A_457 = tpu.sem_alloc : memref<!tpu.dma_semaphore, #tpu.memory_space<semaphore_mem>>
        %dma_start3A_458 = arith.constant 0 : i32
        %dma_start3A_459 = tpu.memref_slice %arg8[%run_scoped3A_405, %dma_start3A_458] : memref<8x128xi32, #tpu.memory_space<vmem>> -> memref<1x128xi32, #tpu.memory_space<vmem>>
        %dma_start3A_460 = tpu.memref_squeeze %dma_start3A_459 : memref<1x128xi32, #tpu.memory_space<vmem>> -> memref<128xi32, #tpu.memory_space<vmem>>
        %dma_start3A_461 = arith.constant 20480 : i32
        %dma_start3A_462 = tpu.memref_slice %arg11[%dma_start3A_461] : memref<30720xf32, #tpu.memory_space<vmem_shared>> -> memref<10240xf32, #tpu.memory_space<vmem_shared>>
        %dma_start3A_463 = arith.constant 0 : i32
        %dma_start3A_464 = tpu.memref_slice %dma_start3A_462[%dma_start3A_463] : memref<10240xf32, #tpu.memory_space<vmem_shared>> -> memref<10240xf32, #tpu.memory_space<vmem_shared>>
        tpu.enqueue_indirect_dma source(%arg9 : memref<128xf32, #tpu.memory_space<vmem>>) target(%dma_start3A_464 : memref<10240xf32, #tpu.memory_space<vmem_shared>>) offsets(%dma_start3A_460 : memref<128xi32, #tpu.memory_space<vmem>>) semaphore(%run_scoped3A_457 : memref<!tpu.dma_semaphore, #tpu.memory_space<semaphore_mem>>) {add = true}
        %dma_wait3A_465 = arith.constant 0 : i32
        %dma_wait3A_466 = tpu.memref_slice %arg8[%run_scoped3A_405, %dma_wait3A_465] : memref<8x128xi32, #tpu.memory_space<vmem>> -> memref<1x128xi32, #tpu.memory_space<vmem>>
        %dma_wait3A_467 = tpu.memref_squeeze %dma_wait3A_466 : memref<1x128xi32, #tpu.memory_space<vmem>> -> memref<128xi32, #tpu.memory_space<vmem>>
        %dma_wait3A_468 = arith.constant 20480 : i32
        %dma_wait3A_469 = tpu.memref_slice %arg11[%dma_wait3A_468] : memref<30720xf32, #tpu.memory_space<vmem_shared>> -> memref<10240xf32, #tpu.memory_space<vmem_shared>>
        %dma_wait3A_470 = arith.constant 0 : i32
        %dma_wait3A_471 = tpu.memref_slice %dma_wait3A_469[%dma_wait3A_470] : memref<10240xf32, #tpu.memory_space<vmem_shared>> -> memref<10240xf32, #tpu.memory_space<vmem_shared>>
        tpu.wait_indirect_dma semaphore(%run_scoped3A_457 : memref<!tpu.dma_semaphore, #tpu.memory_space<semaphore_mem>>) src(%arg9 : memref<128xf32, #tpu.memory_space<vmem>>) dst(%dma_wait3A_471 : memref<10240xf32, #tpu.memory_space<vmem_shared>>)
        tpu.yield
      }) : () -> ()
      %dma_start3A_406 = arith.constant 7 : i32
      %dma_start3A_407 = arith.constant 0 : i32
      %dma_start3A_408 = tpu.memref_slice %arg7[%dma_start3A_406, %dma_start3A_407] : memref<8x128xi32, #tpu.memory_space<vmem>> -> memref<1x128xi32, #tpu.memory_space<vmem>>
      %dma_start3A_409 = tpu.memref_squeeze %dma_start3A_408 : memref<1x128xi32, #tpu.memory_space<vmem>> -> memref<128xi32, #tpu.memory_space<vmem>>
      %dma_start3A_410 = arith.constant 0 : i32
      %dma_start3A_411 = tpu.memref_slice %arg2[%dma_start3A_410] : memref<30000xf32, #tpu.memory_space<hbm>> -> memref<10000xf32, #tpu.memory_space<hbm>>
      %dma_start3A_412 = arith.constant 0 : i32
      %dma_start3A_413 = tpu.memref_slice %dma_start3A_411[%dma_start3A_412] : memref<10000xf32, #tpu.memory_space<hbm>> -> memref<10000xf32, #tpu.memory_space<hbm>>
      tpu.enqueue_indirect_dma source(%dma_start3A_413 : memref<10000xf32, #tpu.memory_space<hbm>>) target(%arg9 : memref<128xf32, #tpu.memory_space<vmem>>) offsets(%dma_start3A_409 : memref<128xi32, #tpu.memory_space<vmem>>) semaphore(%arg12 : memref<!tpu.dma_semaphore, #tpu.memory_space<semaphore_mem>>)
      %dma_wait3A_414 = arith.constant 7 : i32
      %dma_wait3A_415 = arith.constant 0 : i32
      %dma_wait3A_416 = tpu.memref_slice %arg7[%dma_wait3A_414, %dma_wait3A_415] : memref<8x128xi32, #tpu.memory_space<vmem>> -> memref<1x128xi32, #tpu.memory_space<vmem>>
      %dma_wait3A_417 = tpu.memref_squeeze %dma_wait3A_416 : memref<1x128xi32, #tpu.memory_space<vmem>> -> memref<128xi32, #tpu.memory_space<vmem>>
      %dma_wait3A_418 = arith.constant 0 : i32
      %dma_wait3A_419 = tpu.memref_slice %arg2[%dma_wait3A_418] : memref<30000xf32, #tpu.memory_space<hbm>> -> memref<10000xf32, #tpu.memory_space<hbm>>
      %dma_wait3A_420 = arith.constant 0 : i32
      %dma_wait3A_421 = tpu.memref_slice %dma_wait3A_419[%dma_wait3A_420] : memref<10000xf32, #tpu.memory_space<hbm>> -> memref<10000xf32, #tpu.memory_space<hbm>>
      tpu.wait_indirect_dma semaphore(%arg12 : memref<!tpu.dma_semaphore, #tpu.memory_space<semaphore_mem>>) src(%dma_wait3A_421 : memref<10000xf32, #tpu.memory_space<hbm>>) dst(%arg9 : memref<128xf32, #tpu.memory_space<vmem>>)
      %run_scoped3A_422 = arith.constant 7 : i32
      "tpu.region"() ({
        %run_scoped3A_457 = tpu.sem_alloc : memref<!tpu.dma_semaphore, #tpu.memory_space<semaphore_mem>>
        %dma_start3A_458 = arith.constant 0 : i32
        %dma_start3A_459 = tpu.memref_slice %arg8[%run_scoped3A_422, %dma_start3A_458] : memref<8x128xi32, #tpu.memory_space<vmem>> -> memref<1x128xi32, #tpu.memory_space<vmem>>
        %dma_start3A_460 = tpu.memref_squeeze %dma_start3A_459 : memref<1x128xi32, #tpu.memory_space<vmem>> -> memref<128xi32, #tpu.memory_space<vmem>>
        %dma_start3A_461 = arith.constant 0 : i32
        %dma_start3A_462 = tpu.memref_slice %arg11[%dma_start3A_461] : memref<30720xf32, #tpu.memory_space<vmem_shared>> -> memref<10240xf32, #tpu.memory_space<vmem_shared>>
        %dma_start3A_463 = arith.constant 0 : i32
        %dma_start3A_464 = tpu.memref_slice %dma_start3A_462[%dma_start3A_463] : memref<10240xf32, #tpu.memory_space<vmem_shared>> -> memref<10240xf32, #tpu.memory_space<vmem_shared>>
        tpu.enqueue_indirect_dma source(%arg9 : memref<128xf32, #tpu.memory_space<vmem>>) target(%dma_start3A_464 : memref<10240xf32, #tpu.memory_space<vmem_shared>>) offsets(%dma_start3A_460 : memref<128xi32, #tpu.memory_space<vmem>>) semaphore(%run_scoped3A_457 : memref<!tpu.dma_semaphore, #tpu.memory_space<semaphore_mem>>) {add = true}
        %dma_wait3A_465 = arith.constant 0 : i32
        %dma_wait3A_466 = tpu.memref_slice %arg8[%run_scoped3A_422, %dma_wait3A_465] : memref<8x128xi32, #tpu.memory_space<vmem>> -> memref<1x128xi32, #tpu.memory_space<vmem>>
        %dma_wait3A_467 = tpu.memref_squeeze %dma_wait3A_466 : memref<1x128xi32, #tpu.memory_space<vmem>> -> memref<128xi32, #tpu.memory_space<vmem>>
        %dma_wait3A_468 = arith.constant 0 : i32
        %dma_wait3A_469 = tpu.memref_slice %arg11[%dma_wait3A_468] : memref<30720xf32, #tpu.memory_space<vmem_shared>> -> memref<10240xf32, #tpu.memory_space<vmem_shared>>
        %dma_wait3A_470 = arith.constant 0 : i32
        %dma_wait3A_471 = tpu.memref_slice %dma_wait3A_469[%dma_wait3A_470] : memref<10240xf32, #tpu.memory_space<vmem_shared>> -> memref<10240xf32, #tpu.memory_space<vmem_shared>>
        tpu.wait_indirect_dma semaphore(%run_scoped3A_457 : memref<!tpu.dma_semaphore, #tpu.memory_space<semaphore_mem>>) src(%arg9 : memref<128xf32, #tpu.memory_space<vmem>>) dst(%dma_wait3A_471 : memref<10240xf32, #tpu.memory_space<vmem_shared>>)
        tpu.yield
      }) : () -> ()
      %dma_start3A_423 = arith.constant 7 : i32
      %dma_start3A_424 = arith.constant 0 : i32
      %dma_start3A_425 = tpu.memref_slice %arg7[%dma_start3A_423, %dma_start3A_424] : memref<8x128xi32, #tpu.memory_space<vmem>> -> memref<1x128xi32, #tpu.memory_space<vmem>>
      %dma_start3A_426 = tpu.memref_squeeze %dma_start3A_425 : memref<1x128xi32, #tpu.memory_space<vmem>> -> memref<128xi32, #tpu.memory_space<vmem>>
      %dma_start3A_427 = arith.constant 10000 : i32
      %dma_start3A_428 = tpu.memref_slice %arg2[%dma_start3A_427] : memref<30000xf32, #tpu.memory_space<hbm>> -> memref<10000xf32, #tpu.memory_space<hbm>>
      %dma_start3A_429 = arith.constant 0 : i32
      %dma_start3A_430 = tpu.memref_slice %dma_start3A_428[%dma_start3A_429] : memref<10000xf32, #tpu.memory_space<hbm>> -> memref<10000xf32, #tpu.memory_space<hbm>>
      tpu.enqueue_indirect_dma source(%dma_start3A_430 : memref<10000xf32, #tpu.memory_space<hbm>>) target(%arg9 : memref<128xf32, #tpu.memory_space<vmem>>) offsets(%dma_start3A_426 : memref<128xi32, #tpu.memory_space<vmem>>) semaphore(%arg12 : memref<!tpu.dma_semaphore, #tpu.memory_space<semaphore_mem>>)
      %dma_wait3A_431 = arith.constant 7 : i32
      %dma_wait3A_432 = arith.constant 0 : i32
      %dma_wait3A_433 = tpu.memref_slice %arg7[%dma_wait3A_431, %dma_wait3A_432] : memref<8x128xi32, #tpu.memory_space<vmem>> -> memref<1x128xi32, #tpu.memory_space<vmem>>
      %dma_wait3A_434 = tpu.memref_squeeze %dma_wait3A_433 : memref<1x128xi32, #tpu.memory_space<vmem>> -> memref<128xi32, #tpu.memory_space<vmem>>
      %dma_wait3A_435 = arith.constant 10000 : i32
      %dma_wait3A_436 = tpu.memref_slice %arg2[%dma_wait3A_435] : memref<30000xf32, #tpu.memory_space<hbm>> -> memref<10000xf32, #tpu.memory_space<hbm>>
      %dma_wait3A_437 = arith.constant 0 : i32
      %dma_wait3A_438 = tpu.memref_slice %dma_wait3A_436[%dma_wait3A_437] : memref<10000xf32, #tpu.memory_space<hbm>> -> memref<10000xf32, #tpu.memory_space<hbm>>
      tpu.wait_indirect_dma semaphore(%arg12 : memref<!tpu.dma_semaphore, #tpu.memory_space<semaphore_mem>>) src(%dma_wait3A_438 : memref<10000xf32, #tpu.memory_space<hbm>>) dst(%arg9 : memref<128xf32, #tpu.memory_space<vmem>>)
      %run_scoped3A_439 = arith.constant 7 : i32
      "tpu.region"() ({
        %run_scoped3A_457 = tpu.sem_alloc : memref<!tpu.dma_semaphore, #tpu.memory_space<semaphore_mem>>
        %dma_start3A_458 = arith.constant 0 : i32
        %dma_start3A_459 = tpu.memref_slice %arg8[%run_scoped3A_439, %dma_start3A_458] : memref<8x128xi32, #tpu.memory_space<vmem>> -> memref<1x128xi32, #tpu.memory_space<vmem>>
        %dma_start3A_460 = tpu.memref_squeeze %dma_start3A_459 : memref<1x128xi32, #tpu.memory_space<vmem>> -> memref<128xi32, #tpu.memory_space<vmem>>
        %dma_start3A_461 = arith.constant 10240 : i32
        %dma_start3A_462 = tpu.memref_slice %arg11[%dma_start3A_461] : memref<30720xf32, #tpu.memory_space<vmem_shared>> -> memref<10240xf32, #tpu.memory_space<vmem_shared>>
        %dma_start3A_463 = arith.constant 0 : i32
        %dma_start3A_464 = tpu.memref_slice %dma_start3A_462[%dma_start3A_463] : memref<10240xf32, #tpu.memory_space<vmem_shared>> -> memref<10240xf32, #tpu.memory_space<vmem_shared>>
        tpu.enqueue_indirect_dma source(%arg9 : memref<128xf32, #tpu.memory_space<vmem>>) target(%dma_start3A_464 : memref<10240xf32, #tpu.memory_space<vmem_shared>>) offsets(%dma_start3A_460 : memref<128xi32, #tpu.memory_space<vmem>>) semaphore(%run_scoped3A_457 : memref<!tpu.dma_semaphore, #tpu.memory_space<semaphore_mem>>) {add = true}
        %dma_wait3A_465 = arith.constant 0 : i32
        %dma_wait3A_466 = tpu.memref_slice %arg8[%run_scoped3A_439, %dma_wait3A_465] : memref<8x128xi32, #tpu.memory_space<vmem>> -> memref<1x128xi32, #tpu.memory_space<vmem>>
        %dma_wait3A_467 = tpu.memref_squeeze %dma_wait3A_466 : memref<1x128xi32, #tpu.memory_space<vmem>> -> memref<128xi32, #tpu.memory_space<vmem>>
        %dma_wait3A_468 = arith.constant 10240 : i32
        %dma_wait3A_469 = tpu.memref_slice %arg11[%dma_wait3A_468] : memref<30720xf32, #tpu.memory_space<vmem_shared>> -> memref<10240xf32, #tpu.memory_space<vmem_shared>>
        %dma_wait3A_470 = arith.constant 0 : i32
        %dma_wait3A_471 = tpu.memref_slice %dma_wait3A_469[%dma_wait3A_470] : memref<10240xf32, #tpu.memory_space<vmem_shared>> -> memref<10240xf32, #tpu.memory_space<vmem_shared>>
        tpu.wait_indirect_dma semaphore(%run_scoped3A_457 : memref<!tpu.dma_semaphore, #tpu.memory_space<semaphore_mem>>) src(%arg9 : memref<128xf32, #tpu.memory_space<vmem>>) dst(%dma_wait3A_471 : memref<10240xf32, #tpu.memory_space<vmem_shared>>)
        tpu.yield
      }) : () -> ()
      %dma_start3A_440 = arith.constant 7 : i32
      %dma_start3A_441 = arith.constant 0 : i32
      %dma_start3A_442 = tpu.memref_slice %arg7[%dma_start3A_440, %dma_start3A_441] : memref<8x128xi32, #tpu.memory_space<vmem>> -> memref<1x128xi32, #tpu.memory_space<vmem>>
      %dma_start3A_443 = tpu.memref_squeeze %dma_start3A_442 : memref<1x128xi32, #tpu.memory_space<vmem>> -> memref<128xi32, #tpu.memory_space<vmem>>
      %dma_start3A_444 = arith.constant 20000 : i32
      %dma_start3A_445 = tpu.memref_slice %arg2[%dma_start3A_444] : memref<30000xf32, #tpu.memory_space<hbm>> -> memref<10000xf32, #tpu.memory_space<hbm>>
      %dma_start3A_446 = arith.constant 0 : i32
      %dma_start3A_447 = tpu.memref_slice %dma_start3A_445[%dma_start3A_446] : memref<10000xf32, #tpu.memory_space<hbm>> -> memref<10000xf32, #tpu.memory_space<hbm>>
      tpu.enqueue_indirect_dma source(%dma_start3A_447 : memref<10000xf32, #tpu.memory_space<hbm>>) target(%arg9 : memref<128xf32, #tpu.memory_space<vmem>>) offsets(%dma_start3A_443 : memref<128xi32, #tpu.memory_space<vmem>>) semaphore(%arg12 : memref<!tpu.dma_semaphore, #tpu.memory_space<semaphore_mem>>)
      %dma_wait3A_448 = arith.constant 7 : i32
      %dma_wait3A_449 = arith.constant 0 : i32
      %dma_wait3A_450 = tpu.memref_slice %arg7[%dma_wait3A_448, %dma_wait3A_449] : memref<8x128xi32, #tpu.memory_space<vmem>> -> memref<1x128xi32, #tpu.memory_space<vmem>>
      %dma_wait3A_451 = tpu.memref_squeeze %dma_wait3A_450 : memref<1x128xi32, #tpu.memory_space<vmem>> -> memref<128xi32, #tpu.memory_space<vmem>>
      %dma_wait3A_452 = arith.constant 20000 : i32
      %dma_wait3A_453 = tpu.memref_slice %arg2[%dma_wait3A_452] : memref<30000xf32, #tpu.memory_space<hbm>> -> memref<10000xf32, #tpu.memory_space<hbm>>
      %dma_wait3A_454 = arith.constant 0 : i32
      %dma_wait3A_455 = tpu.memref_slice %dma_wait3A_453[%dma_wait3A_454] : memref<10000xf32, #tpu.memory_space<hbm>> -> memref<10000xf32, #tpu.memory_space<hbm>>
      tpu.wait_indirect_dma semaphore(%arg12 : memref<!tpu.dma_semaphore, #tpu.memory_space<semaphore_mem>>) src(%dma_wait3A_455 : memref<10000xf32, #tpu.memory_space<hbm>>) dst(%arg9 : memref<128xf32, #tpu.memory_space<vmem>>)
      %run_scoped3A_456 = arith.constant 7 : i32
      "tpu.region"() ({
        %run_scoped3A_457 = tpu.sem_alloc : memref<!tpu.dma_semaphore, #tpu.memory_space<semaphore_mem>>
        %dma_start3A_458 = arith.constant 0 : i32
        %dma_start3A_459 = tpu.memref_slice %arg8[%run_scoped3A_456, %dma_start3A_458] : memref<8x128xi32, #tpu.memory_space<vmem>> -> memref<1x128xi32, #tpu.memory_space<vmem>>
        %dma_start3A_460 = tpu.memref_squeeze %dma_start3A_459 : memref<1x128xi32, #tpu.memory_space<vmem>> -> memref<128xi32, #tpu.memory_space<vmem>>
        %dma_start3A_461 = arith.constant 20480 : i32
        %dma_start3A_462 = tpu.memref_slice %arg11[%dma_start3A_461] : memref<30720xf32, #tpu.memory_space<vmem_shared>> -> memref<10240xf32, #tpu.memory_space<vmem_shared>>
        %dma_start3A_463 = arith.constant 0 : i32
        %dma_start3A_464 = tpu.memref_slice %dma_start3A_462[%dma_start3A_463] : memref<10240xf32, #tpu.memory_space<vmem_shared>> -> memref<10240xf32, #tpu.memory_space<vmem_shared>>
        tpu.enqueue_indirect_dma source(%arg9 : memref<128xf32, #tpu.memory_space<vmem>>) target(%dma_start3A_464 : memref<10240xf32, #tpu.memory_space<vmem_shared>>) offsets(%dma_start3A_460 : memref<128xi32, #tpu.memory_space<vmem>>) semaphore(%run_scoped3A_457 : memref<!tpu.dma_semaphore, #tpu.memory_space<semaphore_mem>>) {add = true}
        %dma_wait3A_465 = arith.constant 0 : i32
        %dma_wait3A_466 = tpu.memref_slice %arg8[%run_scoped3A_456, %dma_wait3A_465] : memref<8x128xi32, #tpu.memory_space<vmem>> -> memref<1x128xi32, #tpu.memory_space<vmem>>
        %dma_wait3A_467 = tpu.memref_squeeze %dma_wait3A_466 : memref<1x128xi32, #tpu.memory_space<vmem>> -> memref<128xi32, #tpu.memory_space<vmem>>
        %dma_wait3A_468 = arith.constant 20480 : i32
        %dma_wait3A_469 = tpu.memref_slice %arg11[%dma_wait3A_468] : memref<30720xf32, #tpu.memory_space<vmem_shared>> -> memref<10240xf32, #tpu.memory_space<vmem_shared>>
        %dma_wait3A_470 = arith.constant 0 : i32
        %dma_wait3A_471 = tpu.memref_slice %dma_wait3A_469[%dma_wait3A_470] : memref<10240xf32, #tpu.memory_space<vmem_shared>> -> memref<10240xf32, #tpu.memory_space<vmem_shared>>
        tpu.wait_indirect_dma semaphore(%run_scoped3A_457 : memref<!tpu.dma_semaphore, #tpu.memory_space<semaphore_mem>>) src(%arg9 : memref<128xf32, #tpu.memory_space<vmem>>) dst(%dma_wait3A_471 : memref<10240xf32, #tpu.memory_space<vmem_shared>>)
        tpu.yield
      }) : () -> ()
    }
    %scan3A_14 = arith.constant 10 : i32
    %barrier3A_15 = arith.constant 0 : index
    tpu.barrier barrier_id(%barrier3A_15)
    %mul3A_16 = arith.constant 640 : i32
    %mul3A_17 = arith.muli %arg1, %mul3A_16 : i32
    %add3A_18 = arith.constant 0 : i32
    %add3A_19 = arith.addi %add3A_18, %mul3A_17 : i32
    %mul3A_20 = arith.constant 3 : i32
    %mul3A_21 = arith.muli %arg0, %mul3A_20 : i32
    %mul3A_22 = arith.constant 10240 : i32
    %mul3A_23 = arith.muli %mul3A_21, %mul3A_22 : i32
    %add3A_24 = arith.addi %mul3A_23, %add3A_19 : i32
    "tpu.region"() ({
      %run_scoped3A = tpu.sem_alloc : memref<!tpu.dma_semaphore, #tpu.memory_space<semaphore_mem>>
      %dma_start3A = tpu.memref_slice %arg6[%add3A_24] : memref<61440xf32, #tpu.memory_space<hbm>> -> memref<640xf32, #tpu.memory_space<hbm>>
      %dma_start3A_43 = tpu.memref_slice %arg11[%add3A_19] : memref<30720xf32, #tpu.memory_space<vmem_shared>> -> memref<640xf32, #tpu.memory_space<vmem_shared>>
      tpu.enqueue_dma source(%dma_start3A_43 : memref<640xf32, #tpu.memory_space<vmem_shared>>) target(%dma_start3A : memref<640xf32, #tpu.memory_space<hbm>>) target_semaphore(%run_scoped3A : memref<!tpu.dma_semaphore, #tpu.memory_space<semaphore_mem>>)
      %dma_wait3A = tpu.memref_slice %arg6[%add3A_24] : memref<61440xf32, #tpu.memory_space<hbm>> -> memref<640xf32, #tpu.memory_space<hbm>>
      %dma_wait3A_44 = tpu.memref_slice %arg11[%add3A_19] : memref<30720xf32, #tpu.memory_space<vmem_shared>> -> memref<640xf32, #tpu.memory_space<vmem_shared>>
      tpu.wait_dma2 semaphore(%run_scoped3A : memref<!tpu.dma_semaphore, #tpu.memory_space<semaphore_mem>>) src(%dma_wait3A_44 : memref<640xf32, #tpu.memory_space<vmem_shared>>) dst(%dma_wait3A : memref<640xf32, #tpu.memory_space<hbm>>)
      tpu.yield
    }) : () -> ()
    %mul3A_25 = arith.constant 640 : i32
    %mul3A_26 = arith.muli %arg1, %mul3A_25 : i32
    %add3A_27 = arith.constant 10240 : i32
    %add3A_28 = arith.addi %add3A_27, %mul3A_26 : i32
    %mul3A_29 = arith.constant 3 : i32
    %mul3A_30 = arith.muli %arg0, %mul3A_29 : i32
    %mul3A_31 = arith.constant 10240 : i32
    %mul3A_32 = arith.muli %mul3A_30, %mul3A_31 : i32
    %add3A_33 = arith.addi %mul3A_32, %add3A_28 : i32
    "tpu.region"() ({
      %run_scoped3A = tpu.sem_alloc : memref<!tpu.dma_semaphore, #tpu.memory_space<semaphore_mem>>
      %dma_start3A = tpu.memref_slice %arg6[%add3A_33] : memref<61440xf32, #tpu.memory_space<hbm>> -> memref<640xf32, #tpu.memory_space<hbm>>
      %dma_start3A_43 = tpu.memref_slice %arg11[%add3A_28] : memref<30720xf32, #tpu.memory_space<vmem_shared>> -> memref<640xf32, #tpu.memory_space<vmem_shared>>
      tpu.enqueue_dma source(%dma_start3A_43 : memref<640xf32, #tpu.memory_space<vmem_shared>>) target(%dma_start3A : memref<640xf32, #tpu.memory_space<hbm>>) target_semaphore(%run_scoped3A : memref<!tpu.dma_semaphore, #tpu.memory_space<semaphore_mem>>)
      %dma_wait3A = tpu.memref_slice %arg6[%add3A_33] : memref<61440xf32, #tpu.memory_space<hbm>> -> memref<640xf32, #tpu.memory_space<hbm>>
      %dma_wait3A_44 = tpu.memref_slice %arg11[%add3A_28] : memref<30720xf32, #tpu.memory_space<vmem_shared>> -> memref<640xf32, #tpu.memory_space<vmem_shared>>
      tpu.wait_dma2 semaphore(%run_scoped3A : memref<!tpu.dma_semaphore, #tpu.memory_space<semaphore_mem>>) src(%dma_wait3A_44 : memref<640xf32, #tpu.memory_space<vmem_shared>>) dst(%dma_wait3A : memref<640xf32, #tpu.memory_space<hbm>>)
      tpu.yield
    }) : () -> ()
    %mul3A_34 = arith.constant 640 : i32
    %mul3A_35 = arith.muli %arg1, %mul3A_34 : i32
    %add3A_36 = arith.constant 20480 : i32
    %add3A_37 = arith.addi %add3A_36, %mul3A_35 : i32
    %mul3A_38 = arith.constant 3 : i32
    %mul3A_39 = arith.muli %arg0, %mul3A_38 : i32
    %mul3A_40 = arith.constant 10240 : i32
    %mul3A_41 = arith.muli %mul3A_39, %mul3A_40 : i32
    %add3A_42 = arith.addi %mul3A_41, %add3A_37 : i32
    "tpu.region"() ({
      %run_scoped3A = tpu.sem_alloc : memref<!tpu.dma_semaphore, #tpu.memory_space<semaphore_mem>>
      %dma_start3A = tpu.memref_slice %arg6[%add3A_42] : memref<61440xf32, #tpu.memory_space<hbm>> -> memref<640xf32, #tpu.memory_space<hbm>>
      %dma_start3A_43 = tpu.memref_slice %arg11[%add3A_37] : memref<30720xf32, #tpu.memory_space<vmem_shared>> -> memref<640xf32, #tpu.memory_space<vmem_shared>>
      tpu.enqueue_dma source(%dma_start3A_43 : memref<640xf32, #tpu.memory_space<vmem_shared>>) target(%dma_start3A : memref<640xf32, #tpu.memory_space<hbm>>) target_semaphore(%run_scoped3A : memref<!tpu.dma_semaphore, #tpu.memory_space<semaphore_mem>>)
      %dma_wait3A = tpu.memref_slice %arg6[%add3A_42] : memref<61440xf32, #tpu.memory_space<hbm>> -> memref<640xf32, #tpu.memory_space<hbm>>
      %dma_wait3A_44 = tpu.memref_slice %arg11[%add3A_37] : memref<30720xf32, #tpu.memory_space<vmem_shared>> -> memref<640xf32, #tpu.memory_space<vmem_shared>>
      tpu.wait_dma2 semaphore(%run_scoped3A : memref<!tpu.dma_semaphore, #tpu.memory_space<semaphore_mem>>) src(%dma_wait3A_44 : memref<640xf32, #tpu.memory_space<vmem_shared>>) dst(%dma_wait3A : memref<640xf32, #tpu.memory_space<hbm>>)
      tpu.yield
    }) : () -> ()
    return
  }
}

module attributes {stable_mosaic.version = 14 : i64} {
  func.func @body(%arg0: i32, %arg1: memref<1000x128xf32, #tpu.memory_space<vmem>>, %arg2: memref<1x128x128xf32, #tpu.memory_space<vmem>>, %arg3: memref<1000x128xf32, #tpu.memory_space<vmem>>) attributes {dimension_semantics = [#tpu.dimension_semantics<arbitrary>], iteration_bounds = array<i64: 20>, scalar_prefetch = 0 : i64, scratch_operands = 0 : i64, tpu.core_type = #tpu.core_type<tc>, window_params = [{transform_indices = @transform_0, window_bounds = array<i64: 1000, 128>}, {transform_indices = @transform_1, window_bounds = array<i64: 1, 128, 128>}, {transform_indices = @transform_2, window_bounds = array<i64: 1000, 128>}]} {
    %get3A = arith.constant 0 : index
    %get3A_0 = arith.constant 0 : index
    %get3A_1 = vector.load %arg1[%get3A, %get3A_0] : memref<1000x128xf32, #tpu.memory_space<vmem>>, vector<1000x128xf32>
    %get3A_2 = arith.constant 0 : index
    %get3A_3 = arith.constant 0 : index
    %get3A_4 = arith.constant 0 : index
    %get3A_5 = vector.load %arg2[%get3A_2, %get3A_3, %get3A_4] : memref<1x128x128xf32, #tpu.memory_space<vmem>>, vector<1x128x128xf32>
    %get3A_6 = vector.shape_cast %get3A_5 : vector<1x128x128xf32> to vector<128x128xf32>
    %dot_general3A = arith.constant dense<0.000000e+00> : vector<1000x128xf32>
    %dot_general3A_7 = tpu.matmul %get3A_1, %get3A_6, %dot_general3A {dimension_numbers = #tpu.dot_dimension_numbers<[1], [0], [0], [1], [0, 0, 1, 1], [], []>, transpose_lhs_hint = false} : vector<1000x128xf32>, vector<128x128xf32>, vector<1000x128xf32> -> vector<1000x128xf32>
    %swap3A = arith.constant 0 : index
    %swap3A_8 = arith.constant 0 : index
    %swap3A_9 = vector.load %arg3[%swap3A, %swap3A_8] : memref<1000x128xf32, #tpu.memory_space<vmem>>, vector<1000x128xf32>
    tpu.vector_store %arg3[%swap3A, %swap3A_8], %dot_general3A_7 {strides = array<i32>} : memref<1000x128xf32, #tpu.memory_space<vmem>>, vector<1000x128xf32>,
    return
  }
  func.func @transform_0(%arg0: i32) -> (i32, i32) {
    %c0_i32 = arith.constant 0 : i32
    %c0_i32_0 = arith.constant 0 : i32
    return %arg0, %c0_i32 : i32, i32
  }
  func.func @transform_1(%arg0: i32) -> (i32, i32, i32) {
    %jit3A = arith.constant 10 : i32
    %div3A = arith.divsi %arg0, %jit3A : i32
    %sign3A = arith.constant 0 : i32
    %sign3A_0 = arith.cmpi sgt, %arg0, %sign3A : i32
    %sign3A_1 = arith.extui %sign3A_0 : i1 to i32
    %sign3A_2 = arith.constant 0 : i32
    %sign3A_3 = arith.cmpi slt, %arg0, %sign3A_2 : i32
    %sign3A_4 = arith.extui %sign3A_3 : i1 to i32
    %sign3A_5 = arith.subi %sign3A_1, %sign3A_4 : i32
    %sign3A_6 = arith.constant 0 : i32
    %sign3A_7 = arith.cmpi sgt, %jit3A, %sign3A_6 : i32
    %sign3A_8 = arith.extui %sign3A_7 : i1 to i32
    %sign3A_9 = arith.constant 0 : i32
    %sign3A_10 = arith.cmpi slt, %jit3A, %sign3A_9 : i32
    %sign3A_11 = arith.extui %sign3A_10 : i1 to i32
    %sign3A_12 = arith.subi %sign3A_8, %sign3A_11 : i32
    %ne3A = arith.cmpi ne, %sign3A_5, %sign3A_12 : i32
    %rem3A = arith.remsi %arg0, %jit3A : i32
    %ne3A_13 = arith.constant 0 : i32
    %ne3A_14 = arith.cmpi ne, %rem3A, %ne3A_13 : i32
    %and3A = arith.andi %ne3A, %ne3A_14 : i1
    %sub3A = arith.constant 1 : i32
    %sub3A_15 = arith.subi %div3A, %sub3A : i32
    %select_n3A = arith.select %and3A, %sub3A_15, %div3A : i32
    %c0_i32 = arith.constant 0 : i32
    %c0_i32_16 = arith.constant 0 : i32
    %c0_i32_17 = arith.constant 0 : i32
    return %select_n3A, %c0_i32, %c0_i32_16 : i32, i32, i32
  }
  func.func @transform_2(%arg0: i32) -> (i32, i32) {
    %c0_i32 = arith.constant 0 : i32
    %c0_i32_0 = arith.constant 0 : i32
    return %arg0, %c0_i32 : i32, i32
  }
}

module attributes {stable_mosaic.version = 14 : i64} {
  func.func @body(%arg0: i32, %arg1: memref<1000x128xf32, #tpu.memory_space<vmem>>, %arg2: memref<1000x128xf32, #tpu.memory_space<vmem>>, %arg3: memref<128x128xf32, #tpu.memory_space<vmem>>, %arg4: memref<1x128xf32, #tpu.memory_space<vmem>>, %arg5: memref<128x128xf32, #tpu.memory_space<vmem>>, %arg6: memref<1x128xf32, #tpu.memory_space<vmem>>, %arg7: memref<128x128xf32, #tpu.memory_space<vmem>>, %arg8: memref<1x128xf32, #tpu.memory_space<vmem>>, %arg9: memref<128x128xf32, #tpu.memory_space<vmem>>, %arg10: memref<1x128xf32, #tpu.memory_space<vmem>>, %arg11: memref<128x128xf32, #tpu.memory_space<vmem>>, %arg12: memref<1x128xf32, #tpu.memory_space<vmem>>, %arg13: memref<128x16xf32, #tpu.memory_space<vmem>>, %arg14: memref<1x16xf32, #tpu.memory_space<vmem>>, %arg15: memref<1000x128xf32, #tpu.memory_space<vmem>>, %arg16: memref<1000x128xf32, #tpu.memory_space<vmem>>, %arg17: memref<1000x128xf32, #tpu.memory_space<vmem>>, %arg18: memref<1000x128xf32, #tpu.memory_space<vmem>>, %arg19: memref<1000x16xf32, #tpu.memory_space<vmem>>) attributes {dimension_semantics = [#tpu.dimension_semantics<arbitrary>], iteration_bounds = array<i64: 10>, scalar_prefetch = 0 : i64, scratch_operands = 0 : i64, tpu.core_type = #tpu.core_type<tc>, window_params = [{transform_indices = @transform_0, window_bounds = array<i64: 1000, 128>}, {transform_indices = @transform_1, window_bounds = array<i64: 1000, 128>}, {pipeline_mode = #tpu.pipeline_mode<synchronous>, transform_indices = @transform_2, window_bounds = array<i64: 128, 128>}, {pipeline_mode = #tpu.pipeline_mode<synchronous>, transform_indices = @transform_3, window_bounds = array<i64: 1, 128>}, {pipeline_mode = #tpu.pipeline_mode<synchronous>, transform_indices = @transform_4, window_bounds = array<i64: 128, 128>}, {pipeline_mode = #tpu.pipeline_mode<synchronous>, transform_indices = @transform_5, window_bounds = array<i64: 1, 128>}, {pipeline_mode = #tpu.pipeline_mode<synchronous>, transform_indices = @transform_6, window_bounds = array<i64: 128, 128>}, {pipeline_mode = #tpu.pipeline_mode<synchronous>, transform_indices = @transform_7, window_bounds = array<i64: 1, 128>}, {pipeline_mode = #tpu.pipeline_mode<synchronous>, transform_indices = @transform_8, window_bounds = array<i64: 128, 128>}, {pipeline_mode = #tpu.pipeline_mode<synchronous>, transform_indices = @transform_9, window_bounds = array<i64: 1, 128>}, {pipeline_mode = #tpu.pipeline_mode<synchronous>, transform_indices = @transform_10, window_bounds = array<i64: 128, 128>}, {pipeline_mode = #tpu.pipeline_mode<synchronous>, transform_indices = @transform_11, window_bounds = array<i64: 1, 128>}, {pipeline_mode = #tpu.pipeline_mode<synchronous>, transform_indices = @transform_12, window_bounds = array<i64: 128, 16>}, {pipeline_mode = #tpu.pipeline_mode<synchronous>, transform_indices = @transform_13, window_bounds = array<i64: 1, 16>}, {transform_indices = @transform_14, window_bounds = array<i64: 1000, 128>}, {transform_indices = @transform_15, window_bounds = array<i64: 1000, 128>}, {transform_indices = @transform_16, window_bounds = array<i64: 1000, 128>}, {transform_indices = @transform_17, window_bounds = array<i64: 1000, 128>}, {transform_indices = @transform_18, window_bounds = array<i64: 1000, 16>}]} {
    %get3A = arith.constant 0 : index
    %get3A_0 = arith.constant 0 : index
    %get3A_1 = vector.load %arg1[%get3A, %get3A_0] : memref<1000x128xf32, #tpu.memory_space<vmem>>, vector<1000x128xf32>
    %get3A_2 = arith.constant 0 : index
    %get3A_3 = arith.constant 0 : index
    %get3A_4 = vector.load %arg2[%get3A_2, %get3A_3] : memref<1000x128xf32, #tpu.memory_space<vmem>>, vector<1000x128xf32>
    %get3A_5 = arith.constant 0 : index
    %get3A_6 = arith.constant 0 : index
    %get3A_7 = vector.load %arg3[%get3A_5, %get3A_6] : memref<128x128xf32, #tpu.memory_space<vmem>>, vector<128x128xf32>
    %dot_general3A = arith.constant dense<0.000000e+00> : vector<1000x128xf32>
    %dot_general3A_8 = tpu.matmul %get3A_1, %get3A_7, %dot_general3A {dimension_numbers = #tpu.dot_dimension_numbers<[1], [0], [0], [1], [0, 0, 1, 1], [], []>, transpose_lhs_hint = false} : vector<1000x128xf32>, vector<128x128xf32>, vector<1000x128xf32> -> vector<1000x128xf32>
    %get3A_9 = arith.constant 0 : index
    %get3A_10 = arith.constant 0 : index
    %get3A_11 = vector.load %arg4[%get3A_9, %get3A_10] : memref<1x128xf32, #tpu.memory_space<vmem>>, vector<1x128xf32>
    %add3A = vector.broadcast %get3A_11 : vector<1x128xf32> to vector<1000x128xf32>
    %add3A_12 = arith.addf %dot_general3A_8, %add3A : vector<1000x128xf32>
    %get3A_13 = arith.constant 0 : index
    %get3A_14 = arith.constant 0 : index
    %get3A_15 = vector.load %arg5[%get3A_13, %get3A_14] : memref<128x128xf32, #tpu.memory_space<vmem>>, vector<128x128xf32>
    %dot_general3A_16 = arith.constant dense<0.000000e+00> : vector<1000x128xf32>
    %dot_general3A_17 = tpu.matmul %get3A_1, %get3A_15, %dot_general3A_16 {dimension_numbers = #tpu.dot_dimension_numbers<[1], [0], [0], [1], [0, 0, 1, 1], [], []>, transpose_lhs_hint = false} : vector<1000x128xf32>, vector<128x128xf32>, vector<1000x128xf32> -> vector<1000x128xf32>
    %get3A_18 = arith.constant 0 : index
    %get3A_19 = arith.constant 0 : index
    %get3A_20 = vector.load %arg6[%get3A_18, %get3A_19] : memref<1x128xf32, #tpu.memory_space<vmem>>, vector<1x128xf32>
    %add3A_21 = vector.broadcast %get3A_20 : vector<1x128xf32> to vector<1000x128xf32>
    %add3A_22 = arith.addf %dot_general3A_17, %add3A_21 : vector<1000x128xf32>
    %get3A_23 = arith.constant 0 : index
    %get3A_24 = arith.constant 0 : index
    %get3A_25 = vector.load %arg7[%get3A_23, %get3A_24] : memref<128x128xf32, #tpu.memory_space<vmem>>, vector<128x128xf32>
    %dot_general3A_26 = arith.constant dense<0.000000e+00> : vector<1000x128xf32>
    %dot_general3A_27 = tpu.matmul %get3A_4, %get3A_25, %dot_general3A_26 {dimension_numbers = #tpu.dot_dimension_numbers<[1], [0], [0], [1], [0, 0, 1, 1], [], []>, transpose_lhs_hint = false} : vector<1000x128xf32>, vector<128x128xf32>, vector<1000x128xf32> -> vector<1000x128xf32>
    %get3A_28 = arith.constant 0 : index
    %get3A_29 = arith.constant 0 : index
    %get3A_30 = vector.load %arg8[%get3A_28, %get3A_29] : memref<1x128xf32, #tpu.memory_space<vmem>>, vector<1x128xf32>
    %add3A_31 = vector.broadcast %get3A_30 : vector<1x128xf32> to vector<1000x128xf32>
    %add3A_32 = arith.addf %dot_general3A_27, %add3A_31 : vector<1000x128xf32>
    %get3A_33 = arith.constant 0 : index
    %get3A_34 = arith.constant 0 : index
    %get3A_35 = vector.load %arg9[%get3A_33, %get3A_34] : memref<128x128xf32, #tpu.memory_space<vmem>>, vector<128x128xf32>
    %dot_general3A_36 = arith.constant dense<0.000000e+00> : vector<1000x128xf32>
    %dot_general3A_37 = tpu.matmul %get3A_4, %get3A_35, %dot_general3A_36 {dimension_numbers = #tpu.dot_dimension_numbers<[1], [0], [0], [1], [0, 0, 1, 1], [], []>, transpose_lhs_hint = false} : vector<1000x128xf32>, vector<128x128xf32>, vector<1000x128xf32> -> vector<1000x128xf32>
    %get3A_38 = arith.constant 0 : index
    %get3A_39 = arith.constant 0 : index
    %get3A_40 = vector.load %arg10[%get3A_38, %get3A_39] : memref<1x128xf32, #tpu.memory_space<vmem>>, vector<1x128xf32>
    %add3A_41 = vector.broadcast %get3A_40 : vector<1x128xf32> to vector<1000x128xf32>
    %add3A_42 = arith.addf %dot_general3A_37, %add3A_41 : vector<1000x128xf32>
    %exp3A = math.exp %add3A_22 : vector<1000x128xf32>
    %exp3A_43 = math.exp %add3A_42 : vector<1000x128xf32>
    %max3A = arith.maximumf %exp3A, %exp3A_43 : vector<1000x128xf32>
    %sub3A = arith.subf %exp3A, %max3A : vector<1000x128xf32>
    %exp3A_44 = math.exp %sub3A : vector<1000x128xf32>
    %sub3A_45 = arith.subf %exp3A_43, %max3A : vector<1000x128xf32>
    %exp3A_46 = math.exp %sub3A_45 : vector<1000x128xf32>
    %mul3A = arith.mulf %add3A_12, %exp3A_44 : vector<1000x128xf32>
    %mul3A_47 = arith.mulf %add3A_32, %exp3A_46 : vector<1000x128xf32>
    %add3A_48 = arith.addf %mul3A, %mul3A_47 : vector<1000x128xf32>
    %mul3A_49 = arith.constant 5.000000e-01 : f32
    %mul3A_50 = vector.broadcast %mul3A_49 : f32 to vector<1000x128xf32>
    %mul3A_51 = arith.mulf %mul3A_50, %add3A_48 : vector<1000x128xf32>
    %add3A_52 = arith.addf %exp3A_44, %exp3A_46 : vector<1000x128xf32>
    %div3A = arith.divf %mul3A_51, %add3A_52 : vector<1000x128xf32>
    %get3A_53 = arith.constant 0 : index
    %get3A_54 = arith.constant 0 : index
    %get3A_55 = vector.load %arg11[%get3A_53, %get3A_54] : memref<128x128xf32, #tpu.memory_space<vmem>>, vector<128x128xf32>
    %dot_general3A_56 = arith.constant dense<0.000000e+00> : vector<1000x128xf32>
    %dot_general3A_57 = tpu.matmul %div3A, %get3A_55, %dot_general3A_56 {dimension_numbers = #tpu.dot_dimension_numbers<[1], [0], [0], [1], [0, 0, 1, 1], [], []>, transpose_lhs_hint = false} : vector<1000x128xf32>, vector<128x128xf32>, vector<1000x128xf32> -> vector<1000x128xf32>
    %get3A_58 = arith.constant 0 : index
    %get3A_59 = arith.constant 0 : index
    %get3A_60 = vector.load %arg12[%get3A_58, %get3A_59] : memref<1x128xf32, #tpu.memory_space<vmem>>, vector<1x128xf32>
    %add3A_61 = vector.broadcast %get3A_60 : vector<1x128xf32> to vector<1000x128xf32>
    %add3A_62 = arith.addf %dot_general3A_57, %add3A_61 : vector<1000x128xf32>
    %get3A_63 = arith.constant 0 : index
    %get3A_64 = arith.constant 0 : index
    %get3A_65 = vector.load %arg13[%get3A_63, %get3A_64] : memref<128x16xf32, #tpu.memory_space<vmem>>, vector<128x16xf32>
    %dot_general3A_66 = arith.constant dense<0.000000e+00> : vector<1000x16xf32>
    %dot_general3A_67 = tpu.matmul %add3A_62, %get3A_65, %dot_general3A_66 {dimension_numbers = #tpu.dot_dimension_numbers<[1], [0], [0], [1], [0, 0, 1, 1], [], []>, transpose_lhs_hint = false} : vector<1000x128xf32>, vector<128x16xf32>, vector<1000x16xf32> -> vector<1000x16xf32>
    %get3A_68 = arith.constant 0 : index
    %get3A_69 = arith.constant 0 : index
    %get3A_70 = vector.load %arg14[%get3A_68, %get3A_69] : memref<1x16xf32, #tpu.memory_space<vmem>>, vector<1x16xf32>
    %add3A_71 = vector.broadcast %get3A_70 : vector<1x16xf32> to vector<1000x16xf32>
    %add3A_72 = arith.addf %dot_general3A_67, %add3A_71 : vector<1000x16xf32>
    %swap3A = arith.constant 0 : index
    %swap3A_73 = arith.constant 0 : index
    %swap3A_74 = vector.load %arg15[%swap3A, %swap3A_73] : memref<1000x128xf32, #tpu.memory_space<vmem>>, vector<1000x128xf32>
    tpu.vector_store %arg15[%swap3A, %swap3A_73], %add3A_12 {strides = array<i32>} : memref<1000x128xf32, #tpu.memory_space<vmem>>, vector<1000x128xf32>,
    %swap3A_75 = arith.constant 0 : index
    %swap3A_76 = arith.constant 0 : index
    %swap3A_77 = vector.load %arg16[%swap3A_75, %swap3A_76] : memref<1000x128xf32, #tpu.memory_space<vmem>>, vector<1000x128xf32>
    tpu.vector_store %arg16[%swap3A_75, %swap3A_76], %add3A_22 {strides = array<i32>} : memref<1000x128xf32, #tpu.memory_space<vmem>>, vector<1000x128xf32>,
    %swap3A_78 = arith.constant 0 : index
    %swap3A_79 = arith.constant 0 : index
    %swap3A_80 = vector.load %arg17[%swap3A_78, %swap3A_79] : memref<1000x128xf32, #tpu.memory_space<vmem>>, vector<1000x128xf32>
    tpu.vector_store %arg17[%swap3A_78, %swap3A_79], %add3A_32 {strides = array<i32>} : memref<1000x128xf32, #tpu.memory_space<vmem>>, vector<1000x128xf32>,
    %swap3A_81 = arith.constant 0 : index
    %swap3A_82 = arith.constant 0 : index
    %swap3A_83 = vector.load %arg18[%swap3A_81, %swap3A_82] : memref<1000x128xf32, #tpu.memory_space<vmem>>, vector<1000x128xf32>
    tpu.vector_store %arg18[%swap3A_81, %swap3A_82], %add3A_42 {strides = array<i32>} : memref<1000x128xf32, #tpu.memory_space<vmem>>, vector<1000x128xf32>,
    %swap3A_84 = arith.constant 0 : index
    %swap3A_85 = arith.constant 0 : index
    %swap3A_86 = vector.load %arg19[%swap3A_84, %swap3A_85] : memref<1000x16xf32, #tpu.memory_space<vmem>>, vector<1000x16xf32>
    tpu.vector_store %arg19[%swap3A_84, %swap3A_85], %add3A_72 {strides = array<i32>} : memref<1000x16xf32, #tpu.memory_space<vmem>>, vector<1000x16xf32>,
    return
  }
  func.func @transform_0(%arg0: i32) -> (i32, i32) {
    %c0_i32 = arith.constant 0 : i32
    %c0_i32_0 = arith.constant 0 : i32
    return %arg0, %c0_i32 : i32, i32
  }
  func.func @transform_1(%arg0: i32) -> (i32, i32) {
    %c0_i32 = arith.constant 0 : i32
    %c0_i32_0 = arith.constant 0 : i32
    return %arg0, %c0_i32 : i32, i32
  }
  func.func @transform_2(%arg0: i32) -> (i32, i32) {
    %c0_i32 = arith.constant 0 : i32
    %c0_i32_0 = arith.constant 0 : i32
    %c0_i32_1 = arith.constant 0 : i32
    return %c0_i32, %c0_i32_0 : i32, i32
  }
  func.func @transform_3(%arg0: i32) -> (i32, i32) {
    %c0_i32 = arith.constant 0 : i32
    %c0_i32_0 = arith.constant 0 : i32
    %c0_i32_1 = arith.constant 0 : i32
    return %c0_i32, %c0_i32_0 : i32, i32
  }
  func.func @transform_4(%arg0: i32) -> (i32, i32) {
    %c0_i32 = arith.constant 0 : i32
    %c0_i32_0 = arith.constant 0 : i32
    %c0_i32_1 = arith.constant 0 : i32
    return %c0_i32, %c0_i32_0 : i32, i32
  }
  func.func @transform_5(%arg0: i32) -> (i32, i32) {
    %c0_i32 = arith.constant 0 : i32
    %c0_i32_0 = arith.constant 0 : i32
    %c0_i32_1 = arith.constant 0 : i32
    return %c0_i32, %c0_i32_0 : i32, i32
  }
  func.func @transform_6(%arg0: i32) -> (i32, i32) {
    %c0_i32 = arith.constant 0 : i32
    %c0_i32_0 = arith.constant 0 : i32
    %c0_i32_1 = arith.constant 0 : i32
    return %c0_i32, %c0_i32_0 : i32, i32
  }
  func.func @transform_7(%arg0: i32) -> (i32, i32) {
    %c0_i32 = arith.constant 0 : i32
    %c0_i32_0 = arith.constant 0 : i32
    %c0_i32_1 = arith.constant 0 : i32
    return %c0_i32, %c0_i32_0 : i32, i32
  }
  func.func @transform_8(%arg0: i32) -> (i32, i32) {
    %c0_i32 = arith.constant 0 : i32
    %c0_i32_0 = arith.constant 0 : i32
    %c0_i32_1 = arith.constant 0 : i32
    return %c0_i32, %c0_i32_0 : i32, i32
  }
  func.func @transform_9(%arg0: i32) -> (i32, i32) {
    %c0_i32 = arith.constant 0 : i32
    %c0_i32_0 = arith.constant 0 : i32
    %c0_i32_1 = arith.constant 0 : i32
    return %c0_i32, %c0_i32_0 : i32, i32
  }
  func.func @transform_10(%arg0: i32) -> (i32, i32) {
    %c0_i32 = arith.constant 0 : i32
    %c0_i32_0 = arith.constant 0 : i32
    %c0_i32_1 = arith.constant 0 : i32
    return %c0_i32, %c0_i32_0 : i32, i32
  }
  func.func @transform_11(%arg0: i32) -> (i32, i32) {
    %c0_i32 = arith.constant 0 : i32
    %c0_i32_0 = arith.constant 0 : i32
    %c0_i32_1 = arith.constant 0 : i32
    return %c0_i32, %c0_i32_0 : i32, i32
  }
  func.func @transform_12(%arg0: i32) -> (i32, i32) {
    %c0_i32 = arith.constant 0 : i32
    %c0_i32_0 = arith.constant 0 : i32
    %c0_i32_1 = arith.constant 0 : i32
    return %c0_i32, %c0_i32_0 : i32, i32
  }
  func.func @transform_13(%arg0: i32) -> (i32, i32) {
    %c0_i32 = arith.constant 0 : i32
    %c0_i32_0 = arith.constant 0 : i32
    %c0_i32_1 = arith.constant 0 : i32
    return %c0_i32, %c0_i32_0 : i32, i32
  }
  func.func @transform_14(%arg0: i32) -> (i32, i32) {
    %c0_i32 = arith.constant 0 : i32
    %c0_i32_0 = arith.constant 0 : i32
    return %arg0, %c0_i32 : i32, i32
  }
  func.func @transform_15(%arg0: i32) -> (i32, i32) {
    %c0_i32 = arith.constant 0 : i32
    %c0_i32_0 = arith.constant 0 : i32
    return %arg0, %c0_i32 : i32, i32
  }
  func.func @transform_16(%arg0: i32) -> (i32, i32) {
    %c0_i32 = arith.constant 0 : i32
    %c0_i32_0 = arith.constant 0 : i32
    return %arg0, %c0_i32 : i32, i32
  }
  func.func @transform_17(%arg0: i32) -> (i32, i32) {
    %c0_i32 = arith.constant 0 : i32
    %c0_i32_0 = arith.constant 0 : i32
    return %arg0, %c0_i32 : i32, i32
  }
  func.func @transform_18(%arg0: i32) -> (i32, i32) {
    %c0_i32 = arith.constant 0 : i32
    %c0_i32_0 = arith.constant 0 : i32
    return %arg0, %c0_i32 : i32, i32
  }
}

module attributes {stable_mosaic.version = 14 : i64} {
  func.func @body(%arg0: i32, %arg1: memref<1000x16xf32, #tpu.memory_space<vmem>>, %arg2: memref<1000x16xf32, #tpu.memory_space<vmem>>, %arg3: memref<16x128xf32, #tpu.memory_space<vmem>>, %arg4: memref<16x128xf32, #tpu.memory_space<vmem>>, %arg5: memref<1000x128xf32, #tpu.memory_space<vmem>>, %arg6: memref<1000x128xf32, #tpu.memory_space<vmem>>) attributes {dimension_semantics = [#tpu.dimension_semantics<arbitrary>], iteration_bounds = array<i64: 10>, scalar_prefetch = 0 : i64, scratch_operands = 0 : i64, tpu.core_type = #tpu.core_type<tc>, window_params = [{transform_indices = @transform_0, window_bounds = array<i64: 1000, 16>}, {transform_indices = @transform_1, window_bounds = array<i64: 1000, 16>}, {pipeline_mode = #tpu.pipeline_mode<synchronous>, transform_indices = @transform_2, window_bounds = array<i64: 16, 128>}, {pipeline_mode = #tpu.pipeline_mode<synchronous>, transform_indices = @transform_3, window_bounds = array<i64: 16, 128>}, {transform_indices = @transform_4, window_bounds = array<i64: 1000, 128>}, {transform_indices = @transform_5, window_bounds = array<i64: 1000, 128>}]} {
    %get3A = arith.constant 0 : index
    %get3A_0 = arith.constant 0 : index
    %get3A_1 = vector.load %arg1[%get3A, %get3A_0] : memref<1000x16xf32, #tpu.memory_space<vmem>>, vector<1000x16xf32>
    %get3A_2 = arith.constant 0 : index
    %get3A_3 = arith.constant 0 : index
    %get3A_4 = vector.load %arg2[%get3A_2, %get3A_3] : memref<1000x16xf32, #tpu.memory_space<vmem>>, vector<1000x16xf32>
    %add3A = arith.addf %get3A_1, %get3A_4 : vector<1000x16xf32>
    %get3A_5 = arith.constant 0 : index
    %get3A_6 = arith.constant 0 : index
    %get3A_7 = vector.load %arg3[%get3A_5, %get3A_6] : memref<16x128xf32, #tpu.memory_space<vmem>>, vector<16x128xf32>
    %dot_general3A = arith.constant dense<0.000000e+00> : vector<1000x128xf32>
    %dot_general3A_8 = tpu.matmul %add3A, %get3A_7, %dot_general3A {dimension_numbers = #tpu.dot_dimension_numbers<[1], [0], [0], [1], [0, 0, 1, 1], [], []>, precision = #tpu.contract_precision<fp32>, transpose_lhs_hint = false} : vector<1000x16xf32>, vector<16x128xf32>, vector<1000x128xf32> -> vector<1000x128xf32>
    %swap3A = arith.constant 0 : index
    %swap3A_9 = arith.constant 0 : index
    %swap3A_10 = vector.load %arg5[%swap3A, %swap3A_9] : memref<1000x128xf32, #tpu.memory_space<vmem>>, vector<1000x128xf32>
    tpu.vector_store %arg5[%swap3A, %swap3A_9], %dot_general3A_8 {strides = array<i32>} : memref<1000x128xf32, #tpu.memory_space<vmem>>, vector<1000x128xf32>,
    %get3A_11 = arith.constant 0 : index
    %get3A_12 = arith.constant 0 : index
    %get3A_13 = vector.load %arg4[%get3A_11, %get3A_12] : memref<16x128xf32, #tpu.memory_space<vmem>>, vector<16x128xf32>
    %dot_general3A_14 = arith.constant dense<0.000000e+00> : vector<1000x128xf32>
    %dot_general3A_15 = tpu.matmul %add3A, %get3A_13, %dot_general3A_14 {dimension_numbers = #tpu.dot_dimension_numbers<[1], [0], [0], [1], [0, 0, 1, 1], [], []>, precision = #tpu.contract_precision<fp32>, transpose_lhs_hint = false} : vector<1000x16xf32>, vector<16x128xf32>, vector<1000x128xf32> -> vector<1000x128xf32>
    %swap3A_16 = arith.constant 0 : index
    %swap3A_17 = arith.constant 0 : index
    %swap3A_18 = vector.load %arg6[%swap3A_16, %swap3A_17] : memref<1000x128xf32, #tpu.memory_space<vmem>>, vector<1000x128xf32>
    tpu.vector_store %arg6[%swap3A_16, %swap3A_17], %dot_general3A_15 {strides = array<i32>} : memref<1000x128xf32, #tpu.memory_space<vmem>>, vector<1000x128xf32>,
    return
  }
  func.func @transform_0(%arg0: i32) -> (i32, i32) {
    %c0_i32 = arith.constant 0 : i32
    %c0_i32_0 = arith.constant 0 : i32
    return %arg0, %c0_i32 : i32, i32
  }
  func.func @transform_1(%arg0: i32) -> (i32, i32) {
    %c0_i32 = arith.constant 0 : i32
    %c0_i32_0 = arith.constant 0 : i32
    return %arg0, %c0_i32 : i32, i32
  }
  func.func @transform_2(%arg0: i32) -> (i32, i32) {
    %c0_i32 = arith.constant 0 : i32
    %c0_i32_0 = arith.constant 0 : i32
    %c0_i32_1 = arith.constant 0 : i32
    return %c0_i32, %c0_i32_0 : i32, i32
  }
  func.func @transform_3(%arg0: i32) -> (i32, i32) {
    %c0_i32 = arith.constant 0 : i32
    %c0_i32_0 = arith.constant 0 : i32
    %c0_i32_1 = arith.constant 0 : i32
    return %c0_i32, %c0_i32_0 : i32, i32
  }
  func.func @transform_4(%arg0: i32) -> (i32, i32) {
    %c0_i32 = arith.constant 0 : i32
    %c0_i32_0 = arith.constant 0 : i32
    return %arg0, %c0_i32 : i32, i32
  }
  func.func @transform_5(%arg0: i32) -> (i32, i32) {
    %c0_i32 = arith.constant 0 : i32
    %c0_i32_0 = arith.constant 0 : i32
    return %arg0, %c0_i32 : i32, i32
  }
}

</mosaic_0001>

<sc_bundles>
// kernel: kernel.10.cloned.1.call-start
scs
__scs_entry_jumppad:
0x0: {  	(pc) =	sbr.rel $0x88, $3  }
0x1: {  	(tag) =	ssettag $0x0;
	lr =	simm.s32 $0x1  }
0x2: {  	[smem:$0x3F8E] =	sst lr;
	_ =	strace $0xD0000000  }
0x3: {  	_ = 	snop  }
0x4: {  	_ = 	snop  }
0x5: {  	_ = 	snop  }
0x6: {  	_ = 	snop  }
0x7: {  	_ = 	snop  }
__scs_overlays_trampoline_lowered:
0x8: {  	[smem:$0x3F9D] =	sst s0  }
0x9: {  	[smem:$0x3F9E] =	sst s1  }
0xa: {  	[smem:$0x3F9F] =	sst s2  }
0xb: {  	[smem:$0x3FA0] =	sst s3  }
0xc: {  	[smem:$0x3FA1] =	sst s4  }
0xd: {  	[smem:$0x3FA2] =	sst s5  }
0xe: {  	[smem:$0x3FA3] =	sst s6  }
0xf: {  	[smem:$0x3FA4] =	sst s7  }
0x10: {  	[smem:$0x3FA5] =	sst s8  }
0x11: {  	[smem:$0x3FA6] =	sst s9;
	s0 =	simm.s32 @!p0 $0x0  }
0x12: {  	s1 =	sld [smem:$0x3F8C];
	s0 =	simm.s32 @p0 $0x1  }
0x13: {  	[smem:$0x3FA7] =	sst s0;
	s0 =	simm.s32 @!p1 $0x0  }
0x14: {  	s2 =	sld [smem:$0x3F8B];
	s0 =	simm.s32 @p1 $0x1  }
0x15: {  	[smem:$0x3FA8] =	sst s0;
	s0 =	simm.s32 @!p2 $0x0  }
0x16: {  	s3 =	sld [smem:$0x3FDB];
	s0 =	simm.s32 @p2 $0x1  }
0x17: {  	s4 =	simm.s32 $0x1BF5;
	[smem:$0x3FAA] =	sst s0  }
0x18: {  	s0 =	sld [smem:$0x3F8D];
	_ =	swait.ge [sflag:s4], $0x0  }
0x19: {  	s7 =	sld [smem:$0x3F8E]  }
0x1a: {  	s8 =	sadd.s32 $0xFFFFE003, lr  }
0x1b: {  	s9 =	sadd.s32 $0xFFFFFEF7, lr;
	s5 =	simm.s32 $0xFFFFFFFF;
	p2 =	slt.u32 s8, $0xFFFFF086  }
0x1c: {  	p1 =	slt.u32 s9, $0xF7A;
	s5 =	simm.s32 @!p2 $0x0  }
0x1d: {  	s5 =	simm.s32 @p1 $0x1;
	p0 =	seq.s32 s7, s2  }
0x1e: {  	s7 =	smul.u32 @!p0 $0xF7A, s2;
	p2 =	seq.s32 @!p0 s5, $0x0  }
0x1f: {  	s9 =	smul.u32 $0xF7A, s1;
	s8 =	simm.s32 @!p0 $0x1BF5;
	p2 =	por !p2, p0  }
0x20: {  	[sflag:s8] =	ssyncset.s32 @!p0 $0xFFFFF086;
	s6 =	sadd.s32 @!p0 s3, s7;
	s7 =	simm.s32 @!p0 $0x108  }
0x21: {  	s3 =	sadd.s32 s3, s9;
	s6 =	sadd.s32 @!p0 $0x88, s6;
	s7 =	simm.s32 @p2 $0x1082  }
0x22: {  	[simem:s7], [sflag:s8] =	dma.local @!p0 [hbm:s6], $0xF7A  }
0x23: {  	s9 =	sor.u32 $0xD0000000, s2;
	s6 =	simm.s32 $0x108;
	_ =	swait.ge @!p0 [sflag:s8], $0x0  }
0x24: {  	s3 =	sadd.s32 $0x88, s3;
	s6 =	simm.s32 @!p1 $0x1082;
	[sflag:s4] =	ssyncset.s32 $0xFFFFF086  }
0x25: {  	[simem:s6], [sflag:s4] =	dma.local [hbm:s3], $0xF7A  }
0x26: {  	[smem:$0x3F8E] =	sst s1;
	(tag) =	ssettag s2;
	_ =	strace s9  }
0x27: {  	s1 =	sld [smem:$0x3F9E]  }
0x28: {  	s2 =	sld [smem:$0x3F9F]  }
0x29: {  	s4 =	sld [smem:$0x3FA1]  }
0x2a: {  	p0 =	seq.s32 s5, $0x0;
	s5 =	sld [smem:$0x3FA2]  }
0x2b: {  	s6 =	sld [smem:$0x3FA3]  }
0x2c: {  	s7 =	sld [smem:$0x3FA4]  }
0x2d: {  	s3 =	simm.s32 $0x108;
	s8 =	sld [smem:$0x3FA5]  }
0x2e: {  	s3 =	simm.s32 @!p0 $0x1082;
	s9 =	sld [smem:$0x3FA6]  }
0x2f: {  	lr =	sadd.s32 s0, s3;
	s0 =	sld [smem:$0x3F9D]  }
0x30: {  	s3 =	sld [smem:$0x3FA0]  }
0x31: {  	[smem:$0x3FA9] =	sst s10  }
0x32: {  	s10 =	sld [smem:$0x3FA7];
	_ =	sdelay $0x3  }
0x33: {  	p0 =	seq.s32 s10, $0x1;
	s10 =	sld [smem:$0x3FA9];
	_ =	sdelay $0x3  }
0x34: {  	[smem:$0x3FA9] =	sst s10  }
0x35: {  	s10 =	sld [smem:$0x3FA8];
	_ =	sdelay $0x3  }
0x36: {  	p1 =	seq.s32 s10, $0x1;
	s10 =	sld [smem:$0x3FA9];
	_ =	sdelay $0x3  }
0x37: {  	[smem:$0x3FA9] =	sst s10  }
0x38: {  	s10 =	sld [smem:$0x3FAA]  }
0x39: {  	_ = 	snop;
	(pc) =	sbr.ind lr, $3  }
0x3a: {  	_ = 	snop  }
0x3b: {  	_ = 	snop  }
0x3c: {  	p2 =	seq.s32 s10, $0x1;
	s10 =	sld [smem:$0x3FA9]  }
0x3d: {  	_ =	shalt  }
0x3e: {  	_ =	shalt  }
0x3f: {  	_ =	shalt  }
0x40: {  	_ =	shalt  }
0x41: {  	_ =	shalt  }
0x42: {  	_ =	shalt  }
0x43: {  	_ =	shalt  }
0x44: {  	_ =	shalt  }
0x45: {  	_ =	shalt  }
0x46: {  	_ =	shalt  }
0x47: {  	_ =	shalt  }
0x48: {  	_ =	shalt  }
0x49: {  	_ =	shalt  }
0x4a: {  	_ =	shalt  }
0x4b: {  	_ =	shalt  }
0x4c: {  	_ =	shalt  }
0x4d: {  	_ =	shalt  }
0x4e: {  	_ =	shalt  }
0x4f: {  	_ =	shalt  }
0x50: {  	_ =	shalt  }
0x51: {  	_ =	shalt  }
0x52: {  	_ =	shalt  }
0x53: {  	_ =	shalt  }
0x54: {  	_ =	shalt  }
0x55: {  	_ =	shalt  }
0x56: {  	_ =	shalt  }
0x57: {  	_ =	shalt  }
0x58: {  	_ =	shalt  }
0x59: {  	_ =	shalt  }
0x5a: {  	_ =	shalt  }
0x5b: {  	_ =	shalt  }
0x5c: {  	_ =	shalt  }
0x5d: {  	_ =	shalt  }
0x5e: {  	_ =	shalt  }
0x5f: {  	_ =	shalt  }
0x60: {  	_ =	shalt  }
0x61: {  	_ =	shalt  }
0x62: {  	_ =	shalt  }
0x63: {  	_ =	shalt  }
0x64: {  	_ =	shalt  }
0x65: {  	_ =	shalt  }
0x66: {  	_ =	shalt  }
0x67: {  	_ =	shalt  }
0x68: {  	_ =	shalt  }
0x69: {  	_ =	shalt  }
0x6a: {  	_ =	shalt  }
0x6b: {  	_ =	shalt  }
0x6c: {  	_ =	shalt  }
0x6d: {  	_ =	shalt  }
0x6e: {  	_ =	shalt  }
0x6f: {  	_ =	shalt  }
0x70: {  	_ =	shalt  }
0x71: {  	_ =	shalt  }
0x72: {  	_ =	shalt  }
0x73: {  	_ =	shalt  }
0x74: {  	_ =	shalt  }
0x75: {  	_ =	shalt  }
0x76: {  	_ =	shalt  }
0x77: {  	_ =	shalt  }
0x78: {  	_ =	shalt  }
0x79: {  	_ =	shalt  }
0x7a: {  	_ =	shalt  }
0x7b: {  	_ =	shalt  }
0x7c: {  	_ =	shalt  }
0x7d: {  	_ =	shalt  }
0x7e: {  	_ =	shalt  }
0x7f: {  	_ =	shalt  }
0x80: {  	_ =	shalt  }
0x81: {  	_ =	shalt  }
0x82: {  	_ =	shalt  }
0x83: {  	_ =	shalt  }
0x84: {  	_ =	shalt  }
0x85: {  	_ =	shalt  }
0x86: {  	_ =	shalt  }
0x87: {  	_ =	shalt  }
.Lfunc_end0:
.L_simem_size_0:
called_computation.1_lowered:
.L_overlay_start_0:
0x88: {  	s2 =	sld [smem:$0x3FD9]  }
0x89: {  	s3 =	sld [smem:$0x3FFE];
	_ =	sdelay $0x1  }
0x8a: {  	s1 =	srdreg.scid  }
0x8b: {  	s0 =	sand.u32 $0x1, s1  }
0x8c: {  	s14 =	sshll.u32 s0, $0xA;
	s2 =	sadd.s32 s3, s2  }
0x8d: {  	s2 =	sadd.s32 s2, s14  }
0x8e: {  	[smem:$0x3FB5] =	sst s2  }
0x8f: {  	_ = 	snop  }
0x90: {  	s2 =	sld [smem:$0x3FD0];
	_ =	sdelay $0x2  }
0x91: {  	s15 =	simm.s32 $0xA;
	s4 =	simm.s32 $0x10  }
0x92: {  	[smem:s4], [sflag:s15] =	dma.local [hbm:s2], $0x1  }
0x93: {  	_ =	swait.eq [sflag:s15], $0x1  }
0x94: {  	[sflag:s15] =	ssyncset.done $0x0  }
0x95: {  	s16 =	sld [smem:$0x14];
	[sflag:s15] =	ssyncadd.s32 $0xFFFFFFFF  }
0x96: {  	s17 =	sld [smem:$0x15];
	(tm) =	ssettm $0x1  }
0x97: {  	s18 =	sld [smem:$0x3FFB];
	_ =	sdelay $0x3  }
0x98: {  	_ =	strace s18  }
0x99: {  	s4 =	sld [smem:$0x3FFC];
	_ =	sdelay $0x3  }
0x9a: {  	_ =	strace s4  }
0x9b: {  	s4 =	sld [smem:$0x3FFD];
	_ =	sdelay $0x3  }
0x9c: {  	_ =	strace s4  }
0x9d: {  	_ =	strace $0x8FFFFFFF  }
0x9e: {  	s19 =	sld [smem:$0x3FDB];
	_ =	sdelay $0x1  }
0x9f: {  	s5 =	simm.s32 $_scs_section_size  }
0xa0: {  	s6 =	simm.s32 $_size__tile_overlayer_lowered;
	s7 =	simm.s32 $_tile_overlayer_lowered  }
0xa1: {  	s22 =	simm.s32 $0x1BFF;
	s21 =	sshll.u32 s7, $0x1;
	s4 =	sadd.s32 s5, s19  }
0xa2: {  	s8 =	simm.s32 $0x0;
	s20 =	sshll.u32 s6, $0x1;
	s6 =	sadd.s32 s21, s4  }
0xa3: {  	[timem:s8], [sflag:s22] =	dma.local [hbm:s6], s20  }
0xa4: {  	_ =	swait.ge [sflag:s22], s20  }
0xa5: {  	s5 =	ssub.s32 $0x0, s20;
	[sflag:s22] =	ssyncset.done $0x0  }
0xa6: {  	[sflag:s22] =	ssyncadd.s32 s5;
	_ =	sdelay $0x1  }
0xa7: {  	s23 =	simm.s32 $0x1B8B  }
0xa8: {  	_ =	swait.ge [sflag:s23], $0x1  }
0xa9: {  	[sflag:s23] =	ssyncset.done $0x0  }
0xaa: {  	s25 =	simm.s32 $0x1B8E;
	s24 =	sld [smem:$0x3FFE];
	[sflag:s23] =	ssyncadd.s32 $0xFFFFFFFF  }
0xab: {  	s26 =	simm.s32 $execute0_lowered;
	[smem:$0x3FD2] =	sst s25  }
0xac: {  	s6 =	sshll.u32 s26, $0x1;
	_ =	strace $0x80000049;
	[dreg:$0x1] =	wrdreg $0xFFFFFFFF  }
0xad: {  	s28 =	simm.s32 $_size_execute0_lowered;
	s4 =	sadd.s32 s4, s6;
	[dreg:$0x0] =	wrdreg $0x0  }
0xae: {  	s6 =	sshll.u32 s28, $0x1;
	[dreg:$0x2] =	wrdreg s4  }
0xaf: {  	[dreg:$0x3] =	wrdreg s6  }
0xb0: {  	[dreg:$0x4] =	wrdreg $0xC0  }
0xb1: {  	_ =	task [dreg:s8], $0x5FFFF  }
0xb2: {  	[dreg:$0x1] =	wrdreg $0xFFFFFFFF  }
0xb3: {  	[dreg:$0x0] =	wrdreg $0x60  }
0xb4: {  	[dreg:$0x2] =	wrdreg s24  }
0xb5: {  	[dreg:$0x3] =	wrdreg s16  }
0xb6: {  	[dreg:$0x4] =	wrdreg s17  }
0xb7: {  	[dreg:$0x5] =	wrdreg $0xB000  }
0xb8: {  	[dreg:$0x6] =	wrdreg $0x9  }
0xb9: {  	_ =	task.clear_ibuf [dreg:s8], $0x7FFFF;
	_ =	strace $0x90000049  }
0xba: {  	s29 =	simm.s32 $0x9;
	_ =	strace $0x8000004B  }
0xbb: {  	_ =	swait.ge [sflag:s29], $0x1  }
0xbc: {  	[sflag:s29] =	ssyncadd.s32 $0xFFFFFFFF  }
0xbd: {  	_ =	strace $0x9000004B  }
0xbe: {  	_ =	sfence  }
0xbf: {  	s30 =	sld [smem:$0x0];
	_ =	sdelay $0x2  }
0xc0: {  	s31 =	sshll.u32 s1, $0xD;
	s1 =	sshrl.u32 s1, $0x2  }
0xc1: {  	s3 =	sand.u32 $0x4000, s31;
	s1 =	sadd.s32 s1, s30  }
0xc2: {  	s0 =	sor.u32 s3, s0;
	s1 =	sshll.u32 s1, $0x11  }
0xc3: {  	s0 =	sor.u32 s1, s0  }
0xc4: {  	s0 =	sadd.s32 $0x8F2B, s0  }
0xc5: {  	[sflag:s0] =	ssyncadd.remote.s32 $0x1  }
0xc6: {  	_ =	sfence.sel $0xFFFF  }
0xc7: {  	[dreg:$0x0] =	wrdreg $0xFFFFFFFF;
	(pc) =	sbr.abs _section_cstart, $3  }
0xc8: {  	[dreg:$0x1] =	wrdreg $0xFFFFFFFF  }
0xc9: {  	_ =	task.clear_ibuf [dreg:s8], $0x2FFFF;
	_ =	strace $0x9FFFFFFF  }
0xca: {  	(tm) =	ssettm $0x7FFFFFFF  }
0xcb: {  	_ =	shalt  }
tec
execute0_lowered:
.L_overlay_start_1:
0x0: {  	(tag) =	ssettag $0x1  }
0x1: {  	s0 =	rddreg [dreg:$0x0]  }
0x2: {  	s1 =	rddreg [dreg:$0x1]  }
0x3: {  	s5 =	rddreg [dreg:$0x2];
	s3 =	srdreg.scid  }
0x4: {  	s2 =	rddreg [dreg:$0x3];
	s9 =	stileid.u32  }
0x5: {  	s19 =	simm.s32 $0x2;
	s20 =	simm.s32 $0x400;
	s21 =	simm.s32 $0x80  }
0x6: {  	s28 =	simm.s32 $0x180;
	s29 =	simm.s32 $0x580;
	s30 =	simm.s32 $0x200  }
0x7: {  	s31 =	simm.s32 $0x600;
	s6 =	sand.u32 $0x1, s3;
	s7 =	smul.u32 $0x50, s9  }
0x8: {  	s3 =	simm.s32 $0x0;
	s12 =	smul.u32 $0x280, s9;
	s10 =	sadd.s32 $0xE800, s0  }
0x9: {  	s9 =	sadd.s32 $0xDCE2, s0;
	s11 =	sadd.s32 $0xE1C4, s0;
	s4 =	smul.u32 $0x500, s6  }
0xa: {  	[smem:$0x7FF] =	sst s3;
	s8 =	ssub.s32 $0x2, s6;
	s6 =	smul.u32 $0x7800, s6  }
0xb: {  	_ =	strace $0x8000004A;
	s22 =	sshrl.u32 s8, $0x1;
	[dreg:$0x6] =	wrdreg s10  }
0xc: {  	s16 =	sadd.s32 s12, s2;
	s14 =	sadd.s32 $0x2800, s12;
	s15 =	sadd.s32 $0x5000, s12  }
0xd: {  	s10 =	sadd.s32 $0x2800, s2;
	s4 =	sadd.s32 s7, s4;
	s8 =	ssub.s32 s8, s22  }
0xe: {  	s18 =	sadd.s32 s14, s2;
	s17 =	sadd.s32 s15, s2;
	s23 =	sadd.s32 s12, s6  }
0xf: {  	s12 =	sadd.s32 $0x5000, s2;
	s14 =	sadd.s32 s6, s14;
	s6 =	sadd.s32 s6, s15  }
0x10: {  	s22 =	simm.s32 $0x800;
	s15 =	simm.s32 $0x780;
	[dreg:$0x7] =	wrdreg s16  }
0x11: {  	s7 =	sshll.u32 s4, $0x4;
	s4 =	sadd.s32 $0xD800, s0;
	s24 =	sshrl.u32 s14, $0x3  }
0x12: {  	s25 =	sshrl.u32 s6, $0x3;
	s26 =	smax.u32 s8, $0x1;
	s8 =	smov.u32 s17  }
0x13: {  	s14 =	simm.s32 $0x380;
	[dreg:$0x8] =	wrdreg s18;
	s13 =	sadd.s32 s7, s0  }
0x14: {  	s0 =	sshrl.u32 s23, $0x3;
	s1 =	sadd.s32 s7, s1;
	[dreg:$0xd] =	wrdreg s26  }
0x15: {  	s23 =	simm.s32 $0x1;
	s26 =	simm.s32 $0x500;
	[dreg:$0x9] =	wrdreg s8  }
0x16: {  	s7 =	simm.s32 $0x0;
	s0 =	sadd.s32 s5, s0;
	[dreg:$0x5] =	wrdreg s1  }
0x17: {  	s17 =	sadd.s32 $0x3800, s13;
	s1 =	simm.s32 $0x680;
	s13 =	simm.s32 $0x700  }
0x18: {  	[dreg:$0xa] =	wrdreg s0;
	s0 =	sadd.s32 s5, s24;
	s24 =	simm.s32 $0x480  }
0x19: {  	[dreg:$0xb] =	wrdreg s0;
	s0 =	sadd.s32 s5, s25;
	s25 =	simm.s32 $0x100  }
0x1a: {  	s5 =	simm.s32 $0x300;
	[dreg:$0xc] =	wrdreg s0;
	s0 =	simm.s32 $0x280  }
.LBB2_1:
0x1b: {  	[dreg:$0xe] =	wrdreg s7  }
0x1c: {  	s6 =	rddreg [dreg:$0x6];
	s7 =	simm.s32 $0x880  }
0x1d: {  	[tilespmem:s7], [sflag:$0x2] =	stream.linear.gather [hbm4b:s6+s3], $0x280, $0x38;
	[tilespmem:$0x1280] =	vst v63  }
0x1e: {  	_ =	swait.ge [sflag:s19], $0x280  }
0x1f: {  	[sflag:s19] =	ssyncset.done $0x0  }
0x20: {  	[sflag:s19] =	ssyncadd.s32 $0xFFFFFD80  }
0x21: {  	[spmem:s16] =	stream.linear.scatter [tilespmem:s7], [sflag:$0x2], $0x280, $0x38;
	[tilespmem:$0x1280] =	vst v63  }
0x22: {  	_ =	swait.ge [sflag:s19], $0x280  }
0x23: {  	[sflag:s19] =	ssyncset.done $0x0  }
0x24: {  	[sflag:s19] =	ssyncadd.s32 $0xFFFFFD80  }
0x25: {  	[spmem:s18] =	stream.linear.scatter [tilespmem:s7], [sflag:$0x2], $0x280, $0x38;
	[tilespmem:$0x1280] =	vst v63  }
0x26: {  	_ =	swait.ge [sflag:s19], $0x280  }
0x27: {  	[sflag:s19] =	ssyncset.done $0x0  }
0x28: {  	[sflag:s19] =	ssyncadd.s32 $0xFFFFFD80  }
0x29: {  	[spmem:s8] =	stream.linear.scatter [tilespmem:s7], [sflag:$0x2], $0x280, $0x38;
	[tilespmem:$0x1280] =	vst v63  }
0x2a: {  	_ =	swait.ge [sflag:s19], $0x280  }
0x2b: {  	[sflag:s19] =	ssyncset.done $0x0  }
0x2c: {  	[sflag:s19] =	ssyncadd.s32 $0xFFFFFD80  }
0x2d: {  	s16 =	sadd.s32 $0x0, s17;
	[bflag:$0x0] =	sbarrier.arrive $0xFFFF  }
0x2e: {  	[tilespmem:s3], [sflag:$0x2] =	stream.linear.gather [hbm4b:s16+s3], $0x400, $0x38;
	[tilespmem:$0x1280] =	vst v63  }
0x2f: {  	_ =	swait.ge [sflag:s19], $0x400  }
0x30: {  	s18 =	rddreg [dreg:$0x5];
	[sflag:s19] =	ssyncset.done $0x0  }
0x31: {  	[sflag:s19] =	ssyncadd.s32 $0xFFFFFC00;
	s6 =	sadd.s32 $0x0, s18  }
0x32: {  	[tilespmem:s20], [sflag:$0x2] =	stream.linear.gather [hbm4b:s6+s3], $0x400, $0x38;
	[tilespmem:$0x1280] =	vst v63  }
0x33: {  	_ =	swait.ge [sflag:s19], $0x400  }
0x34: {  	[sflag:s19] =	ssyncset.done $0x0  }
0x35: {  	[sflag:s19] =	ssyncadd.s32 $0xFFFFFC00  }
0x36: {  	[tilespmem:s22], [sflag:$0x1] =	stream.indirect.gather [hbm4b:s4+s21], $0x1, s3, s21, $0xb8;
	[tilespmem:$0x1280] =	vst v63  }
0x37: {  	_ =	swait.ge [sflag:s23], $0x80  }
0x38: {  	[sflag:s23] =	ssyncset.done $0x0  }
0x39: {  	[sflag:s23] =	ssyncadd.s32 $0xFFFFFF80  }
0x3a: {  	[spmem:s2] =	stream.indirect.scatter.add.f32 [tilespmem:s22], [sflag:$0x2], $0x1, s20, s21, $0xb8;
	[tilespmem:$0x1280] =	vst v63  }
0x3b: {  	_ =	swait.ge [sflag:s19], $0x80  }
0x3c: {  	[sflag:s19] =	ssyncset.done $0x0  }
0x3d: {  	[sflag:s19] =	ssyncadd.s32 $0xFFFFFF80  }
0x3e: {  	[tilespmem:s22], [sflag:$0x1] =	stream.indirect.gather [hbm4b:s9+s21], $0x1, s3, s21, $0xb8;
	[tilespmem:$0x1280] =	vst v63  }
0x3f: {  	_ =	swait.ge [sflag:s23], $0x80  }
0x40: {  	[sflag:s23] =	ssyncset.done $0x0  }
0x41: {  	[sflag:s23] =	ssyncadd.s32 $0xFFFFFF80  }
0x42: {  	[spmem:s10] =	stream.indirect.scatter.add.f32 [tilespmem:s22], [sflag:$0x2], $0x1, s20, s21, $0xb8;
	[tilespmem:$0x1280] =	vst v63  }
0x43: {  	_ =	swait.ge [sflag:s19], $0x80  }
0x44: {  	[sflag:s19] =	ssyncset.done $0x0  }
0x45: {  	[sflag:s19] =	ssyncadd.s32 $0xFFFFFF80  }
0x46: {  	[tilespmem:s22], [sflag:$0x1] =	stream.indirect.gather [hbm4b:s11+s21], $0x1, s3, s21, $0xb8;
	[tilespmem:$0x1280] =	vst v63  }
0x47: {  	_ =	swait.ge [sflag:s23], $0x80  }
0x48: {  	[sflag:s23] =	ssyncset.done $0x0  }
0x49: {  	[sflag:s23] =	ssyncadd.s32 $0xFFFFFF80  }
0x4a: {  	[spmem:s12] =	stream.indirect.scatter.add.f32 [tilespmem:s22], [sflag:$0x2], $0x1, s20, s21, $0xb8;
	[tilespmem:$0x1280] =	vst v63  }
0x4b: {  	_ =	swait.ge [sflag:s19], $0x80  }
0x4c: {  	[sflag:s19] =	ssyncset.done $0x0  }
0x4d: {  	[sflag:s19] =	ssyncadd.s32 $0xFFFFFF80  }
0x4e: {  	[tilespmem:s22], [sflag:$0x1] =	stream.indirect.gather [hbm4b:s4+s21], $0x1, s21, s21, $0xb8;
	[tilespmem:$0x1280] =	vst v63  }
0x4f: {  	_ =	swait.ge [sflag:s23], $0x80  }
0x50: {  	[sflag:s23] =	ssyncset.done $0x0  }
0x51: {  	[sflag:s23] =	ssyncadd.s32 $0xFFFFFF80  }
0x52: {  	[spmem:s2] =	stream.indirect.scatter.add.f32 [tilespmem:s22], [sflag:$0x2], $0x1, s24, s21, $0xb8;
	[tilespmem:$0x1280] =	vst v63  }
0x53: {  	_ =	swait.ge [sflag:s19], $0x80  }
0x54: {  	[sflag:s19] =	ssyncset.done $0x0  }
0x55: {  	[sflag:s19] =	ssyncadd.s32 $0xFFFFFF80  }
0x56: {  	[tilespmem:s22], [sflag:$0x1] =	stream.indirect.gather [hbm4b:s9+s21], $0x1, s21, s21, $0xb8;
	[tilespmem:$0x1280] =	vst v63  }
0x57: {  	_ =	swait.ge [sflag:s23], $0x80  }
0x58: {  	[sflag:s23] =	ssyncset.done $0x0  }
0x59: {  	[sflag:s23] =	ssyncadd.s32 $0xFFFFFF80  }
0x5a: {  	[spmem:s10] =	stream.indirect.scatter.add.f32 [tilespmem:s22], [sflag:$0x2], $0x1, s24, s21, $0xb8;
	[tilespmem:$0x1280] =	vst v63  }
0x5b: {  	_ =	swait.ge [sflag:s19], $0x80  }
0x5c: {  	[sflag:s19] =	ssyncset.done $0x0  }
0x5d: {  	[sflag:s19] =	ssyncadd.s32 $0xFFFFFF80  }
0x5e: {  	[tilespmem:s22], [sflag:$0x1] =	stream.indirect.gather [hbm4b:s11+s21], $0x1, s21, s21, $0xb8;
	[tilespmem:$0x1280] =	vst v63  }
0x5f: {  	_ =	swait.ge [sflag:s23], $0x80  }
0x60: {  	[sflag:s23] =	ssyncset.done $0x0  }
0x61: {  	[sflag:s23] =	ssyncadd.s32 $0xFFFFFF80  }
0x62: {  	[spmem:s12] =	stream.indirect.scatter.add.f32 [tilespmem:s22], [sflag:$0x2], $0x1, s24, s21, $0xb8;
	[tilespmem:$0x1280] =	vst v63  }
0x63: {  	_ =	swait.ge [sflag:s19], $0x80  }
0x64: {  	[sflag:s19] =	ssyncset.done $0x0  }
0x65: {  	[sflag:s19] =	ssyncadd.s32 $0xFFFFFF80  }
0x66: {  	[tilespmem:s22], [sflag:$0x1] =	stream.indirect.gather [hbm4b:s4+s21], $0x1, s25, s21, $0xb8;
	[tilespmem:$0x1280] =	vst v63  }
0x67: {  	_ =	swait.ge [sflag:s23], $0x80  }
0x68: {  	[sflag:s23] =	ssyncset.done $0x0  }
0x69: {  	[sflag:s23] =	ssyncadd.s32 $0xFFFFFF80  }
0x6a: {  	[spmem:s2] =	stream.indirect.scatter.add.f32 [tilespmem:s22], [sflag:$0x2], $0x1, s26, s21, $0xb8;
	[tilespmem:$0x1280] =	vst v63  }
0x6b: {  	_ =	swait.ge [sflag:s19], $0x80  }
0x6c: {  	[sflag:s19] =	ssyncset.done $0x0  }
0x6d: {  	[sflag:s19] =	ssyncadd.s32 $0xFFFFFF80  }
0x6e: {  	[tilespmem:s22], [sflag:$0x1] =	stream.indirect.gather [hbm4b:s9+s21], $0x1, s25, s21, $0xb8;
	[tilespmem:$0x1280] =	vst v63  }
0x6f: {  	_ =	swait.ge [sflag:s23], $0x80  }
0x70: {  	[sflag:s23] =	ssyncset.done $0x0  }
0x71: {  	[sflag:s23] =	ssyncadd.s32 $0xFFFFFF80  }
0x72: {  	[spmem:s10] =	stream.indirect.scatter.add.f32 [tilespmem:s22], [sflag:$0x2], $0x1, s26, s21, $0xb8;
	[tilespmem:$0x1280] =	vst v63  }
0x73: {  	_ =	swait.ge [sflag:s19], $0x80  }
0x74: {  	[sflag:s19] =	ssyncset.done $0x0  }
0x75: {  	[sflag:s19] =	ssyncadd.s32 $0xFFFFFF80  }
0x76: {  	[tilespmem:s22], [sflag:$0x1] =	stream.indirect.gather [hbm4b:s11+s21], $0x1, s25, s21, $0xb8;
	[tilespmem:$0x1280] =	vst v63  }
0x77: {  	_ =	swait.ge [sflag:s23], $0x80  }
0x78: {  	[sflag:s23] =	ssyncset.done $0x0  }
0x79: {  	[sflag:s23] =	ssyncadd.s32 $0xFFFFFF80  }
0x7a: {  	[spmem:s12] =	stream.indirect.scatter.add.f32 [tilespmem:s22], [sflag:$0x2], $0x1, s26, s21, $0xb8;
	[tilespmem:$0x1280] =	vst v63  }
0x7b: {  	_ =	swait.ge [sflag:s19], $0x80  }
0x7c: {  	[sflag:s19] =	ssyncset.done $0x0  }
0x7d: {  	[sflag:s19] =	ssyncadd.s32 $0xFFFFFF80  }
0x7e: {  	[tilespmem:s22], [sflag:$0x1] =	stream.indirect.gather [hbm4b:s4+s21], $0x1, s28, s21, $0xb8;
	[tilespmem:$0x1280] =	vst v63  }
0x7f: {  	_ =	swait.ge [sflag:s23], $0x80  }
0x80: {  	[sflag:s23] =	ssyncset.done $0x0  }
0x81: {  	[sflag:s23] =	ssyncadd.s32 $0xFFFFFF80  }
0x82: {  	[spmem:s2] =	stream.indirect.scatter.add.f32 [tilespmem:s22], [sflag:$0x2], $0x1, s29, s21, $0xb8;
	[tilespmem:$0x1280] =	vst v63  }
0x83: {  	_ =	swait.ge [sflag:s19], $0x80  }
0x84: {  	[sflag:s19] =	ssyncset.done $0x0  }
0x85: {  	[sflag:s19] =	ssyncadd.s32 $0xFFFFFF80  }
0x86: {  	[tilespmem:s22], [sflag:$0x1] =	stream.indirect.gather [hbm4b:s9+s21], $0x1, s28, s21, $0xb8;
	[tilespmem:$0x1280] =	vst v63  }
0x87: {  	_ =	swait.ge [sflag:s23], $0x80  }
0x88: {  	[sflag:s23] =	ssyncset.done $0x0  }
0x89: {  	[sflag:s23] =	ssyncadd.s32 $0xFFFFFF80  }
0x8a: {  	[spmem:s10] =	stream.indirect.scatter.add.f32 [tilespmem:s22], [sflag:$0x2], $0x1, s29, s21, $0xb8;
	[tilespmem:$0x1280] =	vst v63  }
0x8b: {  	_ =	swait.ge [sflag:s19], $0x80  }
0x8c: {  	[sflag:s19] =	ssyncset.done $0x0  }
0x8d: {  	[sflag:s19] =	ssyncadd.s32 $0xFFFFFF80  }
0x8e: {  	[tilespmem:s22], [sflag:$0x1] =	stream.indirect.gather [hbm4b:s11+s21], $0x1, s28, s21, $0xb8;
	[tilespmem:$0x1280] =	vst v63  }
0x8f: {  	_ =	swait.ge [sflag:s23], $0x80  }
0x90: {  	[sflag:s23] =	ssyncset.done $0x0  }
0x91: {  	[sflag:s23] =	ssyncadd.s32 $0xFFFFFF80  }
0x92: {  	[spmem:s12] =	stream.indirect.scatter.add.f32 [tilespmem:s22], [sflag:$0x2], $0x1, s29, s21, $0xb8;
	[tilespmem:$0x1280] =	vst v63  }
0x93: {  	_ =	swait.ge [sflag:s19], $0x80  }
0x94: {  	[sflag:s19] =	ssyncset.done $0x0  }
0x95: {  	[sflag:s19] =	ssyncadd.s32 $0xFFFFFF80  }
0x96: {  	[tilespmem:s22], [sflag:$0x1] =	stream.indirect.gather [hbm4b:s4+s21], $0x1, s30, s21, $0xb8;
	[tilespmem:$0x1280] =	vst v63  }
0x97: {  	_ =	swait.ge [sflag:s23], $0x80  }
0x98: {  	[sflag:s23] =	ssyncset.done $0x0  }
0x99: {  	[sflag:s23] =	ssyncadd.s32 $0xFFFFFF80  }
0x9a: {  	[spmem:s2] =	stream.indirect.scatter.add.f32 [tilespmem:s22], [sflag:$0x2], $0x1, s31, s21, $0xb8;
	[tilespmem:$0x1280] =	vst v63  }
0x9b: {  	_ =	swait.ge [sflag:s19], $0x80  }
0x9c: {  	[sflag:s19] =	ssyncset.done $0x0  }
0x9d: {  	[sflag:s19] =	ssyncadd.s32 $0xFFFFFF80  }
0x9e: {  	[tilespmem:s22], [sflag:$0x1] =	stream.indirect.gather [hbm4b:s9+s21], $0x1, s30, s21, $0xb8;
	[tilespmem:$0x1280] =	vst v63  }
0x9f: {  	_ =	swait.ge [sflag:s23], $0x80  }
0xa0: {  	[sflag:s23] =	ssyncset.done $0x0  }
0xa1: {  	[sflag:s23] =	ssyncadd.s32 $0xFFFFFF80  }
0xa2: {  	[spmem:s10] =	stream.indirect.scatter.add.f32 [tilespmem:s22], [sflag:$0x2], $0x1, s31, s21, $0xb8;
	[tilespmem:$0x1280] =	vst v63  }
0xa3: {  	_ =	swait.ge [sflag:s19], $0x80  }
0xa4: {  	[sflag:s19] =	ssyncset.done $0x0  }
0xa5: {  	[sflag:s19] =	ssyncadd.s32 $0xFFFFFF80  }
0xa6: {  	[tilespmem:s22], [sflag:$0x1] =	stream.indirect.gather [hbm4b:s11+s21], $0x1, s30, s21, $0xb8;
	[tilespmem:$0x1280] =	vst v63  }
0xa7: {  	_ =	swait.ge [sflag:s23], $0x80  }
0xa8: {  	[sflag:s23] =	ssyncset.done $0x0  }
0xa9: {  	[sflag:s23] =	ssyncadd.s32 $0xFFFFFF80  }
0xaa: {  	[spmem:s12] =	stream.indirect.scatter.add.f32 [tilespmem:s22], [sflag:$0x2], $0x1, s31, s21, $0xb8;
	[tilespmem:$0x1280] =	vst v63  }
0xab: {  	_ =	swait.ge [sflag:s19], $0x80  }
0xac: {  	[sflag:s19] =	ssyncset.done $0x0  }
0xad: {  	[sflag:s19] =	ssyncadd.s32 $0xFFFFFF80  }
0xae: {  	[tilespmem:s22], [sflag:$0x1] =	stream.indirect.gather [hbm4b:s4+s21], $0x1, s0, s21, $0xb8;
	[tilespmem:$0x1280] =	vst v63  }
0xaf: {  	_ =	swait.ge [sflag:s23], $0x80  }
0xb0: {  	[sflag:s23] =	ssyncset.done $0x0  }
0xb1: {  	[sflag:s23] =	ssyncadd.s32 $0xFFFFFF80  }
0xb2: {  	[spmem:s2] =	stream.indirect.scatter.add.f32 [tilespmem:s22], [sflag:$0x2], $0x1, s1, s21, $0xb8;
	[tilespmem:$0x1280] =	vst v63  }
0xb3: {  	_ =	swait.ge [sflag:s19], $0x80  }
0xb4: {  	[sflag:s19] =	ssyncset.done $0x0  }
0xb5: {  	[sflag:s19] =	ssyncadd.s32 $0xFFFFFF80  }
0xb6: {  	[tilespmem:s22], [sflag:$0x1] =	stream.indirect.gather [hbm4b:s9+s21], $0x1, s0, s21, $0xb8;
	[tilespmem:$0x1280] =	vst v63  }
0xb7: {  	_ =	swait.ge [sflag:s23], $0x80  }
0xb8: {  	[sflag:s23] =	ssyncset.done $0x0  }
0xb9: {  	[sflag:s23] =	ssyncadd.s32 $0xFFFFFF80  }
0xba: {  	[spmem:s10] =	stream.indirect.scatter.add.f32 [tilespmem:s22], [sflag:$0x2], $0x1, s1, s21, $0xb8;
	[tilespmem:$0x1280] =	vst v63  }
0xbb: {  	_ =	swait.ge [sflag:s19], $0x80  }
0xbc: {  	[sflag:s19] =	ssyncset.done $0x0  }
0xbd: {  	[sflag:s19] =	ssyncadd.s32 $0xFFFFFF80  }
0xbe: {  	[tilespmem:s22], [sflag:$0x1] =	stream.indirect.gather [hbm4b:s11+s21], $0x1, s0, s21, $0xb8;
	[tilespmem:$0x1280] =	vst v63  }
0xbf: {  	_ =	swait.ge [sflag:s23], $0x80  }
0xc0: {  	[sflag:s23] =	ssyncset.done $0x0  }
0xc1: {  	[sflag:s23] =	ssyncadd.s32 $0xFFFFFF80  }
0xc2: {  	[spmem:s12] =	stream.indirect.scatter.add.f32 [tilespmem:s22], [sflag:$0x2], $0x1, s1, s21, $0xb8;
	[tilespmem:$0x1280] =	vst v63  }
0xc3: {  	_ =	swait.ge [sflag:s19], $0x80  }
0xc4: {  	[sflag:s19] =	ssyncset.done $0x0  }
0xc5: {  	[sflag:s19] =	ssyncadd.s32 $0xFFFFFF80  }
0xc6: {  	[tilespmem:s22], [sflag:$0x1] =	stream.indirect.gather [hbm4b:s4+s21], $0x1, s5, s21, $0xb8;
	[tilespmem:$0x1280] =	vst v63  }
0xc7: {  	_ =	swait.ge [sflag:s23], $0x80  }
0xc8: {  	[sflag:s23] =	ssyncset.done $0x0  }
0xc9: {  	[sflag:s23] =	ssyncadd.s32 $0xFFFFFF80  }
0xca: {  	[spmem:s2] =	stream.indirect.scatter.add.f32 [tilespmem:s22], [sflag:$0x2], $0x1, s13, s21, $0xb8;
	[tilespmem:$0x1280] =	vst v63  }
0xcb: {  	_ =	swait.ge [sflag:s19], $0x80  }
0xcc: {  	[sflag:s19] =	ssyncset.done $0x0  }
0xcd: {  	[sflag:s19] =	ssyncadd.s32 $0xFFFFFF80  }
0xce: {  	[tilespmem:s22], [sflag:$0x1] =	stream.indirect.gather [hbm4b:s9+s21], $0x1, s5, s21, $0xb8;
	[tilespmem:$0x1280] =	vst v63  }
0xcf: {  	_ =	swait.ge [sflag:s23], $0x80  }
0xd0: {  	[sflag:s23] =	ssyncset.done $0x0  }
0xd1: {  	[sflag:s23] =	ssyncadd.s32 $0xFFFFFF80  }
0xd2: {  	[spmem:s10] =	stream.indirect.scatter.add.f32 [tilespmem:s22], [sflag:$0x2], $0x1, s13, s21, $0xb8;
	[tilespmem:$0x1280] =	vst v63  }
0xd3: {  	_ =	swait.ge [sflag:s19], $0x80  }
0xd4: {  	[sflag:s19] =	ssyncset.done $0x0  }
0xd5: {  	[sflag:s19] =	ssyncadd.s32 $0xFFFFFF80  }
0xd6: {  	[tilespmem:s22], [sflag:$0x1] =	stream.indirect.gather [hbm4b:s11+s21], $0x1, s5, s21, $0xb8;
	[tilespmem:$0x1280] =	vst v63  }
0xd7: {  	_ =	swait.ge [sflag:s23], $0x80  }
0xd8: {  	[sflag:s23] =	ssyncset.done $0x0  }
0xd9: {  	[sflag:s23] =	ssyncadd.s32 $0xFFFFFF80  }
0xda: {  	[spmem:s12] =	stream.indirect.scatter.add.f32 [tilespmem:s22], [sflag:$0x2], $0x1, s13, s21, $0xb8;
	[tilespmem:$0x1280] =	vst v63  }
0xdb: {  	_ =	swait.ge [sflag:s19], $0x80  }
0xdc: {  	[sflag:s19] =	ssyncset.done $0x0  }
0xdd: {  	[sflag:s19] =	ssyncadd.s32 $0xFFFFFF80  }
0xde: {  	[tilespmem:s22], [sflag:$0x1] =	stream.indirect.gather [hbm4b:s4+s21], $0x1, s14, s21, $0xb8;
	[tilespmem:$0x1280] =	vst v63  }
0xdf: {  	_ =	swait.ge [sflag:s23], $0x80  }
0xe0: {  	[sflag:s23] =	ssyncset.done $0x0  }
0xe1: {  	[sflag:s23] =	ssyncadd.s32 $0xFFFFFF80  }
0xe2: {  	[spmem:s2] =	stream.indirect.scatter.add.f32 [tilespmem:s22], [sflag:$0x2], $0x1, s15, s21, $0xb8;
	[tilespmem:$0x1280] =	vst v63  }
0xe3: {  	_ =	swait.ge [sflag:s19], $0x80  }
0xe4: {  	[sflag:s19] =	ssyncset.done $0x0  }
0xe5: {  	[sflag:s19] =	ssyncadd.s32 $0xFFFFFF80  }
0xe6: {  	[tilespmem:s22], [sflag:$0x1] =	stream.indirect.gather [hbm4b:s9+s21], $0x1, s14, s21, $0xb8;
	[tilespmem:$0x1280] =	vst v63  }
0xe7: {  	_ =	swait.ge [sflag:s23], $0x80  }
0xe8: {  	[sflag:s23] =	ssyncset.done $0x0  }
0xe9: {  	[sflag:s23] =	ssyncadd.s32 $0xFFFFFF80  }
0xea: {  	[spmem:s10] =	stream.indirect.scatter.add.f32 [tilespmem:s22], [sflag:$0x2], $0x1, s15, s21, $0xb8;
	[tilespmem:$0x1280] =	vst v63  }
0xeb: {  	_ =	swait.ge [sflag:s19], $0x80  }
0xec: {  	[sflag:s19] =	ssyncset.done $0x0  }
0xed: {  	[sflag:s19] =	ssyncadd.s32 $0xFFFFFF80  }
0xee: {  	[tilespmem:s22], [sflag:$0x1] =	stream.indirect.gather [hbm4b:s11+s21], $0x1, s14, s21, $0xb8;
	[tilespmem:$0x1280] =	vst v63  }
0xef: {  	_ =	swait.ge [sflag:s23], $0x80  }
0xf0: {  	[sflag:s23] =	ssyncset.done $0x0  }
0xf1: {  	[sflag:s23] =	ssyncadd.s32 $0xFFFFFF80  }
0xf2: {  	[spmem:s12] =	stream.indirect.scatter.add.f32 [tilespmem:s22], [sflag:$0x2], $0x1, s15, s21, $0xb8;
	[tilespmem:$0x1280] =	vst v63  }
0xf3: {  	_ =	swait.ge [sflag:s19], $0x80  }
0xf4: {  	s7 =	simm.s32 $0x100;
	s6 =	simm.s32 $0x80;
	[sflag:s19] =	ssyncset.done $0x0  }
.LBB2_2:
0xf5: {  	s18 =	sadd.s32 s6, s17;
	[sflag:s19] =	ssyncadd.s32 $0xFFFFFF80  }
0xf6: {  	[tilespmem:s3], [sflag:$0x2] =	stream.linear.gather [hbm4b:s18+s3], $0x400, $0x38;
	[tilespmem:$0x1280] =	vst v63  }
0xf7: {  	s16 =	smov.u32 s7;
	_ =	swait.ge [sflag:s19], $0x400  }
0xf8: {  	s8 =	sadd.s32 $0x80, s7;
	s18 =	rddreg [dreg:$0x5];
	[sflag:s19] =	ssyncset.done $0x0  }
0xf9: {  	p0 =	sne.s32 s7, $0x480;
	[sflag:s19] =	ssyncadd.s32 $0xFFFFFC00;
	s7 =	sadd.s32 s6, s18  }
0xfa: {  	[tilespmem:s20], [sflag:$0x2] =	stream.linear.gather [hbm4b:s7+s3], $0x400, $0x38;
	[tilespmem:$0x1280] =	vst v63  }
0xfb: {  	_ =	swait.ge [sflag:s19], $0x400  }
0xfc: {  	[sflag:s19] =	ssyncset.done $0x0  }
0xfd: {  	[sflag:s19] =	ssyncadd.s32 $0xFFFFFC00  }
0xfe: {  	[tilespmem:s22], [sflag:$0x1] =	stream.indirect.gather [hbm4b:s4+s21], $0x1, s3, s21, $0xb8;
	[tilespmem:$0x1280] =	vst v63  }
0xff: {  	_ =	swait.ge [sflag:s23], $0x80  }
0x100: {  	[sflag:s23] =	ssyncset.done $0x0  }
0x101: {  	[sflag:s23] =	ssyncadd.s32 $0xFFFFFF80  }
0x102: {  	[spmem:s2] =	stream.indirect.scatter.add.f32 [tilespmem:s22], [sflag:$0x2], $0x1, s20, s21, $0xb8;
	[tilespmem:$0x1280] =	vst v63  }
0x103: {  	_ =	swait.ge [sflag:s19], $0x80  }
0x104: {  	[sflag:s19] =	ssyncset.done $0x0  }
0x105: {  	[sflag:s19] =	ssyncadd.s32 $0xFFFFFF80  }
0x106: {  	[tilespmem:s22], [sflag:$0x1] =	stream.indirect.gather [hbm4b:s9+s21], $0x1, s3, s21, $0xb8;
	[tilespmem:$0x1280] =	vst v63  }
0x107: {  	_ =	swait.ge [sflag:s23], $0x80  }
0x108: {  	[sflag:s23] =	ssyncset.done $0x0  }
0x109: {  	[sflag:s23] =	ssyncadd.s32 $0xFFFFFF80  }
0x10a: {  	[spmem:s10] =	stream.indirect.scatter.add.f32 [tilespmem:s22], [sflag:$0x2], $0x1, s20, s21, $0xb8;
	[tilespmem:$0x1280] =	vst v63  }
0x10b: {  	_ =	swait.ge [sflag:s19], $0x80  }
0x10c: {  	[sflag:s19] =	ssyncset.done $0x0  }
0x10d: {  	[sflag:s19] =	ssyncadd.s32 $0xFFFFFF80  }
0x10e: {  	[tilespmem:s22], [sflag:$0x1] =	stream.indirect.gather [hbm4b:s11+s21], $0x1, s3, s21, $0xb8;
	[tilespmem:$0x1280] =	vst v63  }
0x10f: {  	_ =	swait.ge [sflag:s23], $0x80  }
0x110: {  	[sflag:s23] =	ssyncset.done $0x0  }
0x111: {  	[sflag:s23] =	ssyncadd.s32 $0xFFFFFF80  }
0x112: {  	[spmem:s12] =	stream.indirect.scatter.add.f32 [tilespmem:s22], [sflag:$0x2], $0x1, s20, s21, $0xb8;
	[tilespmem:$0x1280] =	vst v63  }
0x113: {  	_ =	swait.ge [sflag:s19], $0x80  }
0x114: {  	[sflag:s19] =	ssyncset.done $0x0  }
0x115: {  	[sflag:s19] =	ssyncadd.s32 $0xFFFFFF80  }
0x116: {  	[tilespmem:s22], [sflag:$0x1] =	stream.indirect.gather [hbm4b:s4+s21], $0x1, s21, s21, $0xb8;
	[tilespmem:$0x1280] =	vst v63  }
0x117: {  	_ =	swait.ge [sflag:s23], $0x80  }
0x118: {  	[sflag:s23] =	ssyncset.done $0x0  }
0x119: {  	[sflag:s23] =	ssyncadd.s32 $0xFFFFFF80  }
0x11a: {  	[spmem:s2] =	stream.indirect.scatter.add.f32 [tilespmem:s22], [sflag:$0x2], $0x1, s24, s21, $0xb8;
	[tilespmem:$0x1280] =	vst v63  }
0x11b: {  	_ =	swait.ge [sflag:s19], $0x80  }
0x11c: {  	[sflag:s19] =	ssyncset.done $0x0  }
0x11d: {  	[sflag:s19] =	ssyncadd.s32 $0xFFFFFF80  }
0x11e: {  	[tilespmem:s22], [sflag:$0x1] =	stream.indirect.gather [hbm4b:s9+s21], $0x1, s21, s21, $0xb8;
	[tilespmem:$0x1280] =	vst v63  }
0x11f: {  	_ =	swait.ge [sflag:s23], $0x80  }
0x120: {  	[sflag:s23] =	ssyncset.done $0x0  }
0x121: {  	[sflag:s23] =	ssyncadd.s32 $0xFFFFFF80  }
0x122: {  	[spmem:s10] =	stream.indirect.scatter.add.f32 [tilespmem:s22], [sflag:$0x2], $0x1, s24, s21, $0xb8;
	[tilespmem:$0x1280] =	vst v63  }
0x123: {  	_ =	swait.ge [sflag:s19], $0x80  }
0x124: {  	[sflag:s19] =	ssyncset.done $0x0  }
0x125: {  	[sflag:s19] =	ssyncadd.s32 $0xFFFFFF80  }
0x126: {  	[tilespmem:s22], [sflag:$0x1] =	stream.indirect.gather [hbm4b:s11+s21], $0x1, s21, s21, $0xb8;
	[tilespmem:$0x1280] =	vst v63  }
0x127: {  	_ =	swait.ge [sflag:s23], $0x80  }
0x128: {  	[sflag:s23] =	ssyncset.done $0x0  }
0x129: {  	[sflag:s23] =	ssyncadd.s32 $0xFFFFFF80  }
0x12a: {  	[spmem:s12] =	stream.indirect.scatter.add.f32 [tilespmem:s22], [sflag:$0x2], $0x1, s24, s21, $0xb8;
	[tilespmem:$0x1280] =	vst v63  }
0x12b: {  	_ =	swait.ge [sflag:s19], $0x80  }
0x12c: {  	[sflag:s19] =	ssyncset.done $0x0  }
0x12d: {  	[sflag:s19] =	ssyncadd.s32 $0xFFFFFF80  }
0x12e: {  	[tilespmem:s22], [sflag:$0x1] =	stream.indirect.gather [hbm4b:s4+s21], $0x1, s25, s21, $0xb8;
	[tilespmem:$0x1280] =	vst v63  }
0x12f: {  	_ =	swait.ge [sflag:s23], $0x80  }
0x130: {  	[sflag:s23] =	ssyncset.done $0x0  }
0x131: {  	[sflag:s23] =	ssyncadd.s32 $0xFFFFFF80  }
0x132: {  	[spmem:s2] =	stream.indirect.scatter.add.f32 [tilespmem:s22], [sflag:$0x2], $0x1, s26, s21, $0xb8;
	[tilespmem:$0x1280] =	vst v63  }
0x133: {  	_ =	swait.ge [sflag:s19], $0x80  }
0x134: {  	[sflag:s19] =	ssyncset.done $0x0  }
0x135: {  	[sflag:s19] =	ssyncadd.s32 $0xFFFFFF80  }
0x136: {  	[tilespmem:s22], [sflag:$0x1] =	stream.indirect.gather [hbm4b:s9+s21], $0x1, s25, s21, $0xb8;
	[tilespmem:$0x1280] =	vst v63  }
0x137: {  	_ =	swait.ge [sflag:s23], $0x80  }
0x138: {  	[sflag:s23] =	ssyncset.done $0x0  }
0x139: {  	[sflag:s23] =	ssyncadd.s32 $0xFFFFFF80  }
0x13a: {  	[spmem:s10] =	stream.indirect.scatter.add.f32 [tilespmem:s22], [sflag:$0x2], $0x1, s26, s21, $0xb8;
	[tilespmem:$0x1280] =	vst v63  }
0x13b: {  	_ =	swait.ge [sflag:s19], $0x80  }
0x13c: {  	[sflag:s19] =	ssyncset.done $0x0  }
0x13d: {  	[sflag:s19] =	ssyncadd.s32 $0xFFFFFF80  }
0x13e: {  	[tilespmem:s22], [sflag:$0x1] =	stream.indirect.gather [hbm4b:s11+s21], $0x1, s25, s21, $0xb8;
	[tilespmem:$0x1280] =	vst v63  }
0x13f: {  	_ =	swait.ge [sflag:s23], $0x80  }
0x140: {  	[sflag:s23] =	ssyncset.done $0x0  }
0x141: {  	[sflag:s23] =	ssyncadd.s32 $0xFFFFFF80  }
0x142: {  	[spmem:s12] =	stream.indirect.scatter.add.f32 [tilespmem:s22], [sflag:$0x2], $0x1, s26, s21, $0xb8;
	[tilespmem:$0x1280] =	vst v63  }
0x143: {  	_ =	swait.ge [sflag:s19], $0x80  }
0x144: {  	[sflag:s19] =	ssyncset.done $0x0  }
0x145: {  	[sflag:s19] =	ssyncadd.s32 $0xFFFFFF80  }
0x146: {  	[tilespmem:s22], [sflag:$0x1] =	stream.indirect.gather [hbm4b:s4+s21], $0x1, s28, s21, $0xb8;
	[tilespmem:$0x1280] =	vst v63  }
0x147: {  	_ =	swait.ge [sflag:s23], $0x80  }
0x148: {  	[sflag:s23] =	ssyncset.done $0x0  }
0x149: {  	[sflag:s23] =	ssyncadd.s32 $0xFFFFFF80  }
0x14a: {  	[spmem:s2] =	stream.indirect.scatter.add.f32 [tilespmem:s22], [sflag:$0x2], $0x1, s29, s21, $0xb8;
	[tilespmem:$0x1280] =	vst v63  }
0x14b: {  	_ =	swait.ge [sflag:s19], $0x80  }
0x14c: {  	[sflag:s19] =	ssyncset.done $0x0  }
0x14d: {  	[sflag:s19] =	ssyncadd.s32 $0xFFFFFF80  }
0x14e: {  	[tilespmem:s22], [sflag:$0x1] =	stream.indirect.gather [hbm4b:s9+s21], $0x1, s28, s21, $0xb8;
	[tilespmem:$0x1280] =	vst v63  }
0x14f: {  	_ =	swait.ge [sflag:s23], $0x80  }
0x150: {  	[sflag:s23] =	ssyncset.done $0x0  }
0x151: {  	[sflag:s23] =	ssyncadd.s32 $0xFFFFFF80  }
0x152: {  	[spmem:s10] =	stream.indirect.scatter.add.f32 [tilespmem:s22], [sflag:$0x2], $0x1, s29, s21, $0xb8;
	[tilespmem:$0x1280] =	vst v63  }
0x153: {  	_ =	swait.ge [sflag:s19], $0x80  }
0x154: {  	[sflag:s19] =	ssyncset.done $0x0  }
0x155: {  	[sflag:s19] =	ssyncadd.s32 $0xFFFFFF80  }
0x156: {  	[tilespmem:s22], [sflag:$0x1] =	stream.indirect.gather [hbm4b:s11+s21], $0x1, s28, s21, $0xb8;
	[tilespmem:$0x1280] =	vst v63  }
0x157: {  	_ =	swait.ge [sflag:s23], $0x80  }
0x158: {  	[sflag:s23] =	ssyncset.done $0x0  }
0x159: {  	[sflag:s23] =	ssyncadd.s32 $0xFFFFFF80  }
0x15a: {  	[spmem:s12] =	stream.indirect.scatter.add.f32 [tilespmem:s22], [sflag:$0x2], $0x1, s29, s21, $0xb8;
	[tilespmem:$0x1280] =	vst v63  }
0x15b: {  	_ =	swait.ge [sflag:s19], $0x80  }
0x15c: {  	[sflag:s19] =	ssyncset.done $0x0  }
0x15d: {  	[sflag:s19] =	ssyncadd.s32 $0xFFFFFF80  }
0x15e: {  	[tilespmem:s22], [sflag:$0x1] =	stream.indirect.gather [hbm4b:s4+s21], $0x1, s30, s21, $0xb8;
	[tilespmem:$0x1280] =	vst v63  }
0x15f: {  	_ =	swait.ge [sflag:s23], $0x80  }
0x160: {  	[sflag:s23] =	ssyncset.done $0x0  }
0x161: {  	[sflag:s23] =	ssyncadd.s32 $0xFFFFFF80  }
0x162: {  	[spmem:s2] =	stream.indirect.scatter.add.f32 [tilespmem:s22], [sflag:$0x2], $0x1, s31, s21, $0xb8;
	[tilespmem:$0x1280] =	vst v63  }
0x163: {  	_ =	swait.ge [sflag:s19], $0x80  }
0x164: {  	[sflag:s19] =	ssyncset.done $0x0  }
0x165: {  	[sflag:s19] =	ssyncadd.s32 $0xFFFFFF80  }
0x166: {  	[tilespmem:s22], [sflag:$0x1] =	stream.indirect.gather [hbm4b:s9+s21], $0x1, s30, s21, $0xb8;
	[tilespmem:$0x1280] =	vst v63  }
0x167: {  	_ =	swait.ge [sflag:s23], $0x80  }
0x168: {  	[sflag:s23] =	ssyncset.done $0x0  }
0x169: {  	[sflag:s23] =	ssyncadd.s32 $0xFFFFFF80  }
0x16a: {  	[spmem:s10] =	stream.indirect.scatter.add.f32 [tilespmem:s22], [sflag:$0x2], $0x1, s31, s21, $0xb8;
	[tilespmem:$0x1280] =	vst v63  }
0x16b: {  	_ =	swait.ge [sflag:s19], $0x80  }
0x16c: {  	[sflag:s19] =	ssyncset.done $0x0  }
0x16d: {  	[sflag:s19] =	ssyncadd.s32 $0xFFFFFF80  }
0x16e: {  	[tilespmem:s22], [sflag:$0x1] =	stream.indirect.gather [hbm4b:s11+s21], $0x1, s30, s21, $0xb8;
	[tilespmem:$0x1280] =	vst v63  }
0x16f: {  	_ =	swait.ge [sflag:s23], $0x80  }
0x170: {  	[sflag:s23] =	ssyncset.done $0x0  }
0x171: {  	[sflag:s23] =	ssyncadd.s32 $0xFFFFFF80  }
0x172: {  	[spmem:s12] =	stream.indirect.scatter.add.f32 [tilespmem:s22], [sflag:$0x2], $0x1, s31, s21, $0xb8;
	[tilespmem:$0x1280] =	vst v63  }
0x173: {  	_ =	swait.ge [sflag:s19], $0x80  }
0x174: {  	[sflag:s19] =	ssyncset.done $0x0  }
0x175: {  	[sflag:s19] =	ssyncadd.s32 $0xFFFFFF80  }
0x176: {  	[tilespmem:s22], [sflag:$0x1] =	stream.indirect.gather [hbm4b:s4+s21], $0x1, s0, s21, $0xb8;
	[tilespmem:$0x1280] =	vst v63  }
0x177: {  	_ =	swait.ge [sflag:s23], $0x80  }
0x178: {  	[sflag:s23] =	ssyncset.done $0x0  }
0x179: {  	[sflag:s23] =	ssyncadd.s32 $0xFFFFFF80  }
0x17a: {  	[spmem:s2] =	stream.indirect.scatter.add.f32 [tilespmem:s22], [sflag:$0x2], $0x1, s1, s21, $0xb8;
	[tilespmem:$0x1280] =	vst v63  }
0x17b: {  	_ =	swait.ge [sflag:s19], $0x80  }
0x17c: {  	[sflag:s19] =	ssyncset.done $0x0  }
0x17d: {  	[sflag:s19] =	ssyncadd.s32 $0xFFFFFF80  }
0x17e: {  	[tilespmem:s22], [sflag:$0x1] =	stream.indirect.gather [hbm4b:s9+s21], $0x1, s0, s21, $0xb8;
	[tilespmem:$0x1280] =	vst v63  }
0x17f: {  	_ =	swait.ge [sflag:s23], $0x80  }
0x180: {  	[sflag:s23] =	ssyncset.done $0x0  }
0x181: {  	[sflag:s23] =	ssyncadd.s32 $0xFFFFFF80  }
0x182: {  	[spmem:s10] =	stream.indirect.scatter.add.f32 [tilespmem:s22], [sflag:$0x2], $0x1, s1, s21, $0xb8;
	[tilespmem:$0x1280] =	vst v63  }
0x183: {  	_ =	swait.ge [sflag:s19], $0x80  }
0x184: {  	[sflag:s19] =	ssyncset.done $0x0  }
0x185: {  	[sflag:s19] =	ssyncadd.s32 $0xFFFFFF80  }
0x186: {  	[tilespmem:s22], [sflag:$0x1] =	stream.indirect.gather [hbm4b:s11+s21], $0x1, s0, s21, $0xb8;
	[tilespmem:$0x1280] =	vst v63  }
0x187: {  	_ =	swait.ge [sflag:s23], $0x80  }
0x188: {  	[sflag:s23] =	ssyncset.done $0x0  }
0x189: {  	[sflag:s23] =	ssyncadd.s32 $0xFFFFFF80  }
0x18a: {  	[spmem:s12] =	stream.indirect.scatter.add.f32 [tilespmem:s22], [sflag:$0x2], $0x1, s1, s21, $0xb8;
	[tilespmem:$0x1280] =	vst v63  }
0x18b: {  	_ =	swait.ge [sflag:s19], $0x80  }
0x18c: {  	[sflag:s19] =	ssyncset.done $0x0  }
0x18d: {  	[sflag:s19] =	ssyncadd.s32 $0xFFFFFF80  }
0x18e: {  	[tilespmem:s22], [sflag:$0x1] =	stream.indirect.gather [hbm4b:s4+s21], $0x1, s5, s21, $0xb8;
	[tilespmem:$0x1280] =	vst v63  }
0x18f: {  	_ =	swait.ge [sflag:s23], $0x80  }
0x190: {  	[sflag:s23] =	ssyncset.done $0x0  }
0x191: {  	[sflag:s23] =	ssyncadd.s32 $0xFFFFFF80  }
0x192: {  	[spmem:s2] =	stream.indirect.scatter.add.f32 [tilespmem:s22], [sflag:$0x2], $0x1, s13, s21, $0xb8;
	[tilespmem:$0x1280] =	vst v63  }
0x193: {  	_ =	swait.ge [sflag:s19], $0x80  }
0x194: {  	[sflag:s19] =	ssyncset.done $0x0  }
0x195: {  	[sflag:s19] =	ssyncadd.s32 $0xFFFFFF80  }
0x196: {  	[tilespmem:s22], [sflag:$0x1] =	stream.indirect.gather [hbm4b:s9+s21], $0x1, s5, s21, $0xb8;
	[tilespmem:$0x1280] =	vst v63  }
0x197: {  	_ =	swait.ge [sflag:s23], $0x80  }
0x198: {  	[sflag:s23] =	ssyncset.done $0x0  }
0x199: {  	[sflag:s23] =	ssyncadd.s32 $0xFFFFFF80  }
0x19a: {  	[spmem:s10] =	stream.indirect.scatter.add.f32 [tilespmem:s22], [sflag:$0x2], $0x1, s13, s21, $0xb8;
	[tilespmem:$0x1280] =	vst v63  }
0x19b: {  	_ =	swait.ge [sflag:s19], $0x80  }
0x19c: {  	[sflag:s19] =	ssyncset.done $0x0  }
0x19d: {  	[sflag:s19] =	ssyncadd.s32 $0xFFFFFF80  }
0x19e: {  	[tilespmem:s22], [sflag:$0x1] =	stream.indirect.gather [hbm4b:s11+s21], $0x1, s5, s21, $0xb8;
	[tilespmem:$0x1280] =	vst v63  }
0x19f: {  	_ =	swait.ge [sflag:s23], $0x80  }
0x1a0: {  	[sflag:s23] =	ssyncset.done $0x0  }
0x1a1: {  	[sflag:s23] =	ssyncadd.s32 $0xFFFFFF80  }
0x1a2: {  	[spmem:s12] =	stream.indirect.scatter.add.f32 [tilespmem:s22], [sflag:$0x2], $0x1, s13, s21, $0xb8;
	[tilespmem:$0x1280] =	vst v63  }
0x1a3: {  	_ =	swait.ge [sflag:s19], $0x80  }
0x1a4: {  	[sflag:s19] =	ssyncset.done $0x0  }
0x1a5: {  	[sflag:s19] =	ssyncadd.s32 $0xFFFFFF80  }
0x1a6: {  	[tilespmem:s22], [sflag:$0x1] =	stream.indirect.gather [hbm4b:s4+s21], $0x1, s14, s21, $0xb8;
	[tilespmem:$0x1280] =	vst v63  }
0x1a7: {  	_ =	swait.ge [sflag:s23], $0x80  }
0x1a8: {  	[sflag:s23] =	ssyncset.done $0x0  }
0x1a9: {  	[sflag:s23] =	ssyncadd.s32 $0xFFFFFF80  }
0x1aa: {  	[spmem:s2] =	stream.indirect.scatter.add.f32 [tilespmem:s22], [sflag:$0x2], $0x1, s15, s21, $0xb8;
	[tilespmem:$0x1280] =	vst v63  }
0x1ab: {  	_ =	swait.ge [sflag:s19], $0x80  }
0x1ac: {  	[sflag:s19] =	ssyncset.done $0x0  }
0x1ad: {  	[sflag:s19] =	ssyncadd.s32 $0xFFFFFF80  }
0x1ae: {  	[tilespmem:s22], [sflag:$0x1] =	stream.indirect.gather [hbm4b:s9+s21], $0x1, s14, s21, $0xb8;
	[tilespmem:$0x1280] =	vst v63  }
0x1af: {  	_ =	swait.ge [sflag:s23], $0x80  }
0x1b0: {  	[sflag:s23] =	ssyncset.done $0x0  }
0x1b1: {  	[sflag:s23] =	ssyncadd.s32 $0xFFFFFF80  }
0x1b2: {  	[spmem:s10] =	stream.indirect.scatter.add.f32 [tilespmem:s22], [sflag:$0x2], $0x1, s15, s21, $0xb8;
	[tilespmem:$0x1280] =	vst v63  }
0x1b3: {  	_ =	swait.ge [sflag:s19], $0x80  }
0x1b4: {  	[sflag:s19] =	ssyncset.done $0x0  }
0x1b5: {  	[sflag:s19] =	ssyncadd.s32 $0xFFFFFF80  }
0x1b6: {  	[tilespmem:s22], [sflag:$0x1] =	stream.indirect.gather [hbm4b:s11+s21], $0x1, s14, s21, $0xb8;
	[tilespmem:$0x1280] =	vst v63  }
0x1b7: {  	_ =	swait.ge [sflag:s23], $0x80  }
.Ltmp0:
0x1b8: {  	[sflag:s23] =	ssyncset.done $0x0;
	(pc) =	sbr.rel @p0 .LBB2_2-.Ltmp0, $4  }
0x1b9: {  	[sflag:s23] =	ssyncadd.s32 $0xFFFFFF80  }
0x1ba: {  	[spmem:s12] =	stream.indirect.scatter.add.f32 [tilespmem:s22], [sflag:$0x2], $0x1, s15, s21, $0xb8;
	[tilespmem:$0x1280] =	vst v63  }
0x1bb: {  	_ =	swait.ge [sflag:s19], $0x80  }
0x1bc: {  	s6 =	smov.u32 s16;
	s7 =	smov.u32 s8;
	[sflag:s19] =	ssyncset.done $0x0  }
0x1bd: {  	s7 =	sadd.s32 s6, s17;
	[sflag:s19] =	ssyncadd.s32 $0xFFFFFF80  }
0x1be: {  	[tilespmem:s3], [sflag:$0x2] =	stream.linear.gather [hbm4b:s7+s3], $0x400, $0x38;
	[tilespmem:$0x1280] =	vst v63  }
0x1bf: {  	_ =	swait.ge [sflag:s19], $0x400  }
0x1c0: {  	s18 =	rddreg [dreg:$0x5];
	[sflag:s19] =	ssyncset.done $0x0  }
0x1c1: {  	[sflag:s19] =	ssyncadd.s32 $0xFFFFFC00;
	s8 =	sadd.s32 s6, s18  }
0x1c2: {  	[tilespmem:s20], [sflag:$0x2] =	stream.linear.gather [hbm4b:s8+s3], $0x400, $0x38;
	[tilespmem:$0x1280] =	vst v63  }
0x1c3: {  	_ =	swait.ge [sflag:s19], $0x400  }
0x1c4: {  	[sflag:s19] =	ssyncset.done $0x0  }
0x1c5: {  	[sflag:s19] =	ssyncadd.s32 $0xFFFFFC00  }
0x1c6: {  	[tilespmem:s22], [sflag:$0x1] =	stream.indirect.gather [hbm4b:s4+s21], $0x1, s3, s21, $0xb8;
	[tilespmem:$0x1280] =	vst v63  }
0x1c7: {  	_ =	swait.ge [sflag:s23], $0x80  }
0x1c8: {  	[sflag:s23] =	ssyncset.done $0x0  }
0x1c9: {  	[sflag:s23] =	ssyncadd.s32 $0xFFFFFF80  }
0x1ca: {  	[spmem:s2] =	stream.indirect.scatter.add.f32 [tilespmem:s22], [sflag:$0x2], $0x1, s20, s21, $0xb8;
	[tilespmem:$0x1280] =	vst v63  }
0x1cb: {  	_ =	swait.ge [sflag:s19], $0x80  }
0x1cc: {  	[sflag:s19] =	ssyncset.done $0x0  }
0x1cd: {  	[sflag:s19] =	ssyncadd.s32 $0xFFFFFF80  }
0x1ce: {  	[tilespmem:s22], [sflag:$0x1] =	stream.indirect.gather [hbm4b:s9+s21], $0x1, s3, s21, $0xb8;
	[tilespmem:$0x1280] =	vst v63  }
0x1cf: {  	_ =	swait.ge [sflag:s23], $0x80  }
0x1d0: {  	[sflag:s23] =	ssyncset.done $0x0  }
0x1d1: {  	[sflag:s23] =	ssyncadd.s32 $0xFFFFFF80  }
0x1d2: {  	[spmem:s10] =	stream.indirect.scatter.add.f32 [tilespmem:s22], [sflag:$0x2], $0x1, s20, s21, $0xb8;
	[tilespmem:$0x1280] =	vst v63  }
0x1d3: {  	_ =	swait.ge [sflag:s19], $0x80  }
0x1d4: {  	[sflag:s19] =	ssyncset.done $0x0  }
0x1d5: {  	[sflag:s19] =	ssyncadd.s32 $0xFFFFFF80  }
0x1d6: {  	[tilespmem:s22], [sflag:$0x1] =	stream.indirect.gather [hbm4b:s11+s21], $0x1, s3, s21, $0xb8;
	[tilespmem:$0x1280] =	vst v63  }
0x1d7: {  	_ =	swait.ge [sflag:s23], $0x80  }
0x1d8: {  	[sflag:s23] =	ssyncset.done $0x0  }
0x1d9: {  	[sflag:s23] =	ssyncadd.s32 $0xFFFFFF80  }
0x1da: {  	[spmem:s12] =	stream.indirect.scatter.add.f32 [tilespmem:s22], [sflag:$0x2], $0x1, s20, s21, $0xb8;
	[tilespmem:$0x1280] =	vst v63  }
0x1db: {  	_ =	swait.ge [sflag:s19], $0x80  }
0x1dc: {  	[sflag:s19] =	ssyncset.done $0x0  }
0x1dd: {  	[sflag:s19] =	ssyncadd.s32 $0xFFFFFF80  }
0x1de: {  	[tilespmem:s22], [sflag:$0x1] =	stream.indirect.gather [hbm4b:s4+s21], $0x1, s21, s21, $0xb8;
	[tilespmem:$0x1280] =	vst v63  }
0x1df: {  	_ =	swait.ge [sflag:s23], $0x80  }
0x1e0: {  	[sflag:s23] =	ssyncset.done $0x0  }
0x1e1: {  	[sflag:s23] =	ssyncadd.s32 $0xFFFFFF80  }
0x1e2: {  	[spmem:s2] =	stream.indirect.scatter.add.f32 [tilespmem:s22], [sflag:$0x2], $0x1, s24, s21, $0xb8;
	[tilespmem:$0x1280] =	vst v63  }
0x1e3: {  	_ =	swait.ge [sflag:s19], $0x80  }
0x1e4: {  	[sflag:s19] =	ssyncset.done $0x0  }
0x1e5: {  	[sflag:s19] =	ssyncadd.s32 $0xFFFFFF80  }
0x1e6: {  	[tilespmem:s22], [sflag:$0x1] =	stream.indirect.gather [hbm4b:s9+s21], $0x1, s21, s21, $0xb8;
	[tilespmem:$0x1280] =	vst v63  }
0x1e7: {  	_ =	swait.ge [sflag:s23], $0x80  }
0x1e8: {  	[sflag:s23] =	ssyncset.done $0x0  }
0x1e9: {  	[sflag:s23] =	ssyncadd.s32 $0xFFFFFF80  }
0x1ea: {  	[spmem:s10] =	stream.indirect.scatter.add.f32 [tilespmem:s22], [sflag:$0x2], $0x1, s24, s21, $0xb8;
	[tilespmem:$0x1280] =	vst v63  }
0x1eb: {  	_ =	swait.ge [sflag:s19], $0x80  }
0x1ec: {  	[sflag:s19] =	ssyncset.done $0x0  }
0x1ed: {  	[sflag:s19] =	ssyncadd.s32 $0xFFFFFF80  }
0x1ee: {  	[tilespmem:s22], [sflag:$0x1] =	stream.indirect.gather [hbm4b:s11+s21], $0x1, s21, s21, $0xb8;
	[tilespmem:$0x1280] =	vst v63  }
0x1ef: {  	_ =	swait.ge [sflag:s23], $0x80  }
0x1f0: {  	[sflag:s23] =	ssyncset.done $0x0  }
0x1f1: {  	[sflag:s23] =	ssyncadd.s32 $0xFFFFFF80  }
0x1f2: {  	[spmem:s12] =	stream.indirect.scatter.add.f32 [tilespmem:s22], [sflag:$0x2], $0x1, s24, s21, $0xb8;
	[tilespmem:$0x1280] =	vst v63  }
0x1f3: {  	_ =	swait.ge [sflag:s19], $0x80  }
0x1f4: {  	[sflag:s19] =	ssyncset.done $0x0  }
0x1f5: {  	[sflag:s19] =	ssyncadd.s32 $0xFFFFFF80  }
0x1f6: {  	[tilespmem:s22], [sflag:$0x1] =	stream.indirect.gather [hbm4b:s4+s21], $0x1, s25, s21, $0xb8;
	[tilespmem:$0x1280] =	vst v63  }
0x1f7: {  	_ =	swait.ge [sflag:s23], $0x80  }
0x1f8: {  	[sflag:s23] =	ssyncset.done $0x0  }
0x1f9: {  	[sflag:s23] =	ssyncadd.s32 $0xFFFFFF80  }
0x1fa: {  	[spmem:s2] =	stream.indirect.scatter.add.f32 [tilespmem:s22], [sflag:$0x2], $0x1, s26, s21, $0xb8;
	[tilespmem:$0x1280] =	vst v63  }
0x1fb: {  	_ =	swait.ge [sflag:s19], $0x80  }
0x1fc: {  	[sflag:s19] =	ssyncset.done $0x0  }
0x1fd: {  	[sflag:s19] =	ssyncadd.s32 $0xFFFFFF80  }
0x1fe: {  	[tilespmem:s22], [sflag:$0x1] =	stream.indirect.gather [hbm4b:s9+s21], $0x1, s25, s21, $0xb8;
	[tilespmem:$0x1280] =	vst v63  }
0x1ff: {  	_ =	swait.ge [sflag:s23], $0x80  }
0x200: {  	[sflag:s23] =	ssyncset.done $0x0  }
0x201: {  	[sflag:s23] =	ssyncadd.s32 $0xFFFFFF80  }
0x202: {  	[spmem:s10] =	stream.indirect.scatter.add.f32 [tilespmem:s22], [sflag:$0x2], $0x1, s26, s21, $0xb8;
	[tilespmem:$0x1280] =	vst v63  }
0x203: {  	_ =	swait.ge [sflag:s19], $0x80  }
0x204: {  	[sflag:s19] =	ssyncset.done $0x0  }
0x205: {  	[sflag:s19] =	ssyncadd.s32 $0xFFFFFF80  }
0x206: {  	[tilespmem:s22], [sflag:$0x1] =	stream.indirect.gather [hbm4b:s11+s21], $0x1, s25, s21, $0xb8;
	[tilespmem:$0x1280] =	vst v63  }
0x207: {  	_ =	swait.ge [sflag:s23], $0x80  }
0x208: {  	[sflag:s23] =	ssyncset.done $0x0  }
0x209: {  	[sflag:s23] =	ssyncadd.s32 $0xFFFFFF80  }
0x20a: {  	[spmem:s12] =	stream.indirect.scatter.add.f32 [tilespmem:s22], [sflag:$0x2], $0x1, s26, s21, $0xb8;
	[tilespmem:$0x1280] =	vst v63  }
0x20b: {  	_ =	swait.ge [sflag:s19], $0x80  }
0x20c: {  	[sflag:s19] =	ssyncset.done $0x0  }
0x20d: {  	[sflag:s19] =	ssyncadd.s32 $0xFFFFFF80  }
0x20e: {  	[tilespmem:s22], [sflag:$0x1] =	stream.indirect.gather [hbm4b:s4+s21], $0x1, s28, s21, $0xb8;
	[tilespmem:$0x1280] =	vst v63  }
0x20f: {  	_ =	swait.ge [sflag:s23], $0x80  }
0x210: {  	[sflag:s23] =	ssyncset.done $0x0  }
0x211: {  	[sflag:s23] =	ssyncadd.s32 $0xFFFFFF80  }
0x212: {  	[spmem:s2] =	stream.indirect.scatter.add.f32 [tilespmem:s22], [sflag:$0x2], $0x1, s29, s21, $0xb8;
	[tilespmem:$0x1280] =	vst v63  }
0x213: {  	_ =	swait.ge [sflag:s19], $0x80  }
0x214: {  	[sflag:s19] =	ssyncset.done $0x0  }
0x215: {  	[sflag:s19] =	ssyncadd.s32 $0xFFFFFF80  }
0x216: {  	[tilespmem:s22], [sflag:$0x1] =	stream.indirect.gather [hbm4b:s9+s21], $0x1, s28, s21, $0xb8;
	[tilespmem:$0x1280] =	vst v63  }
0x217: {  	_ =	swait.ge [sflag:s23], $0x80  }
0x218: {  	[sflag:s23] =	ssyncset.done $0x0  }
0x219: {  	[sflag:s23] =	ssyncadd.s32 $0xFFFFFF80  }
0x21a: {  	[spmem:s10] =	stream.indirect.scatter.add.f32 [tilespmem:s22], [sflag:$0x2], $0x1, s29, s21, $0xb8;
	[tilespmem:$0x1280] =	vst v63  }
0x21b: {  	_ =	swait.ge [sflag:s19], $0x80  }
0x21c: {  	[sflag:s19] =	ssyncset.done $0x0  }
0x21d: {  	[sflag:s19] =	ssyncadd.s32 $0xFFFFFF80  }
0x21e: {  	[tilespmem:s22], [sflag:$0x1] =	stream.indirect.gather [hbm4b:s11+s21], $0x1, s28, s21, $0xb8;
	[tilespmem:$0x1280] =	vst v63  }
0x21f: {  	_ =	swait.ge [sflag:s23], $0x80  }
0x220: {  	[sflag:s23] =	ssyncset.done $0x0  }
0x221: {  	[sflag:s23] =	ssyncadd.s32 $0xFFFFFF80  }
0x222: {  	[spmem:s12] =	stream.indirect.scatter.add.f32 [tilespmem:s22], [sflag:$0x2], $0x1, s29, s21, $0xb8;
	[tilespmem:$0x1280] =	vst v63  }
0x223: {  	_ =	swait.ge [sflag:s19], $0x80  }
0x224: {  	[sflag:s19] =	ssyncset.done $0x0  }
0x225: {  	[sflag:s19] =	ssyncadd.s32 $0xFFFFFF80  }
0x226: {  	[tilespmem:s22], [sflag:$0x1] =	stream.indirect.gather [hbm4b:s4+s21], $0x1, s30, s21, $0xb8;
	[tilespmem:$0x1280] =	vst v63  }
0x227: {  	_ =	swait.ge [sflag:s23], $0x80  }
0x228: {  	[sflag:s23] =	ssyncset.done $0x0  }
0x229: {  	[sflag:s23] =	ssyncadd.s32 $0xFFFFFF80  }
0x22a: {  	[spmem:s2] =	stream.indirect.scatter.add.f32 [tilespmem:s22], [sflag:$0x2], $0x1, s31, s21, $0xb8;
	[tilespmem:$0x1280] =	vst v63  }
0x22b: {  	_ =	swait.ge [sflag:s19], $0x80  }
0x22c: {  	[sflag:s19] =	ssyncset.done $0x0  }
0x22d: {  	[sflag:s19] =	ssyncadd.s32 $0xFFFFFF80  }
0x22e: {  	[tilespmem:s22], [sflag:$0x1] =	stream.indirect.gather [hbm4b:s9+s21], $0x1, s30, s21, $0xb8;
	[tilespmem:$0x1280] =	vst v63  }
0x22f: {  	_ =	swait.ge [sflag:s23], $0x80  }
0x230: {  	[sflag:s23] =	ssyncset.done $0x0  }
0x231: {  	[sflag:s23] =	ssyncadd.s32 $0xFFFFFF80  }
0x232: {  	[spmem:s10] =	stream.indirect.scatter.add.f32 [tilespmem:s22], [sflag:$0x2], $0x1, s31, s21, $0xb8;
	[tilespmem:$0x1280] =	vst v63  }
0x233: {  	_ =	swait.ge [sflag:s19], $0x80  }
0x234: {  	[sflag:s19] =	ssyncset.done $0x0  }
0x235: {  	[sflag:s19] =	ssyncadd.s32 $0xFFFFFF80  }
0x236: {  	[tilespmem:s22], [sflag:$0x1] =	stream.indirect.gather [hbm4b:s11+s21], $0x1, s30, s21, $0xb8;
	[tilespmem:$0x1280] =	vst v63  }
0x237: {  	_ =	swait.ge [sflag:s23], $0x80  }
0x238: {  	[sflag:s23] =	ssyncset.done $0x0  }
0x239: {  	[sflag:s23] =	ssyncadd.s32 $0xFFFFFF80  }
0x23a: {  	[spmem:s12] =	stream.indirect.scatter.add.f32 [tilespmem:s22], [sflag:$0x2], $0x1, s31, s21, $0xb8;
	[tilespmem:$0x1280] =	vst v63  }
0x23b: {  	_ =	swait.ge [sflag:s19], $0x80  }
0x23c: {  	[sflag:s19] =	ssyncset.done $0x0  }
0x23d: {  	[sflag:s19] =	ssyncadd.s32 $0xFFFFFF80  }
0x23e: {  	[tilespmem:s22], [sflag:$0x1] =	stream.indirect.gather [hbm4b:s4+s21], $0x1, s0, s21, $0xb8;
	[tilespmem:$0x1280] =	vst v63  }
0x23f: {  	_ =	swait.ge [sflag:s23], $0x80  }
0x240: {  	[sflag:s23] =	ssyncset.done $0x0  }
0x241: {  	[sflag:s23] =	ssyncadd.s32 $0xFFFFFF80  }
0x242: {  	[spmem:s2] =	stream.indirect.scatter.add.f32 [tilespmem:s22], [sflag:$0x2], $0x1, s1, s21, $0xb8;
	[tilespmem:$0x1280] =	vst v63  }
0x243: {  	_ =	swait.ge [sflag:s19], $0x80  }
0x244: {  	[sflag:s19] =	ssyncset.done $0x0  }
0x245: {  	[sflag:s19] =	ssyncadd.s32 $0xFFFFFF80  }
0x246: {  	[tilespmem:s22], [sflag:$0x1] =	stream.indirect.gather [hbm4b:s9+s21], $0x1, s0, s21, $0xb8;
	[tilespmem:$0x1280] =	vst v63  }
0x247: {  	_ =	swait.ge [sflag:s23], $0x80  }
0x248: {  	[sflag:s23] =	ssyncset.done $0x0  }
0x249: {  	[sflag:s23] =	ssyncadd.s32 $0xFFFFFF80  }
0x24a: {  	[spmem:s10] =	stream.indirect.scatter.add.f32 [tilespmem:s22], [sflag:$0x2], $0x1, s1, s21, $0xb8;
	[tilespmem:$0x1280] =	vst v63  }
0x24b: {  	_ =	swait.ge [sflag:s19], $0x80  }
0x24c: {  	[sflag:s19] =	ssyncset.done $0x0  }
0x24d: {  	[sflag:s19] =	ssyncadd.s32 $0xFFFFFF80  }
0x24e: {  	[tilespmem:s22], [sflag:$0x1] =	stream.indirect.gather [hbm4b:s11+s21], $0x1, s0, s21, $0xb8;
	[tilespmem:$0x1280] =	vst v63  }
0x24f: {  	_ =	swait.ge [sflag:s23], $0x80  }
0x250: {  	[sflag:s23] =	ssyncset.done $0x0  }
0x251: {  	[sflag:s23] =	ssyncadd.s32 $0xFFFFFF80  }
0x252: {  	[spmem:s12] =	stream.indirect.scatter.add.f32 [tilespmem:s22], [sflag:$0x2], $0x1, s1, s21, $0xb8;
	[tilespmem:$0x1280] =	vst v63  }
0x253: {  	_ =	swait.ge [sflag:s19], $0x80  }
0x254: {  	[sflag:s19] =	ssyncset.done $0x0  }
0x255: {  	[sflag:s19] =	ssyncadd.s32 $0xFFFFFF80  }
0x256: {  	[tilespmem:s22], [sflag:$0x1] =	stream.indirect.gather [hbm4b:s4+s21], $0x1, s5, s21, $0xb8;
	[tilespmem:$0x1280] =	vst v63  }
0x257: {  	_ =	swait.ge [sflag:s23], $0x80  }
0x258: {  	[sflag:s23] =	ssyncset.done $0x0  }
0x259: {  	[sflag:s23] =	ssyncadd.s32 $0xFFFFFF80  }
0x25a: {  	[spmem:s2] =	stream.indirect.scatter.add.f32 [tilespmem:s22], [sflag:$0x2], $0x1, s13, s21, $0xb8;
	[tilespmem:$0x1280] =	vst v63  }
0x25b: {  	_ =	swait.ge [sflag:s19], $0x80  }
0x25c: {  	[sflag:s19] =	ssyncset.done $0x0  }
0x25d: {  	[sflag:s19] =	ssyncadd.s32 $0xFFFFFF80  }
0x25e: {  	[tilespmem:s22], [sflag:$0x1] =	stream.indirect.gather [hbm4b:s9+s21], $0x1, s5, s21, $0xb8;
	[tilespmem:$0x1280] =	vst v63  }
0x25f: {  	_ =	swait.ge [sflag:s23], $0x80  }
0x260: {  	[sflag:s23] =	ssyncset.done $0x0  }
0x261: {  	[sflag:s23] =	ssyncadd.s32 $0xFFFFFF80  }
0x262: {  	[spmem:s10] =	stream.indirect.scatter.add.f32 [tilespmem:s22], [sflag:$0x2], $0x1, s13, s21, $0xb8;
	[tilespmem:$0x1280] =	vst v63  }
0x263: {  	_ =	swait.ge [sflag:s19], $0x80  }
0x264: {  	[sflag:s19] =	ssyncset.done $0x0  }
0x265: {  	[sflag:s19] =	ssyncadd.s32 $0xFFFFFF80  }
0x266: {  	[tilespmem:s22], [sflag:$0x1] =	stream.indirect.gather [hbm4b:s11+s21], $0x1, s5, s21, $0xb8;
	[tilespmem:$0x1280] =	vst v63  }
0x267: {  	_ =	swait.ge [sflag:s23], $0x80  }
0x268: {  	[sflag:s23] =	ssyncset.done $0x0  }
0x269: {  	[sflag:s23] =	ssyncadd.s32 $0xFFFFFF80  }
0x26a: {  	[spmem:s12] =	stream.indirect.scatter.add.f32 [tilespmem:s22], [sflag:$0x2], $0x1, s13, s21, $0xb8;
	[tilespmem:$0x1280] =	vst v63  }
0x26b: {  	_ =	swait.ge [sflag:s19], $0x80  }
0x26c: {  	[sflag:s19] =	ssyncset.done $0x0  }
0x26d: {  	[sflag:s19] =	ssyncadd.s32 $0xFFFFFF80  }
0x26e: {  	[tilespmem:s22], [sflag:$0x1] =	stream.indirect.gather [hbm4b:s4+s21], $0x1, s14, s21, $0xb8;
	[tilespmem:$0x1280] =	vst v63  }
0x26f: {  	_ =	swait.ge [sflag:s23], $0x80  }
0x270: {  	[sflag:s23] =	ssyncset.done $0x0  }
0x271: {  	[sflag:s23] =	ssyncadd.s32 $0xFFFFFF80  }
0x272: {  	[spmem:s2] =	stream.indirect.scatter.add.f32 [tilespmem:s22], [sflag:$0x2], $0x1, s15, s21, $0xb8;
	[tilespmem:$0x1280] =	vst v63  }
0x273: {  	_ =	swait.ge [sflag:s19], $0x80  }
0x274: {  	[sflag:s19] =	ssyncset.done $0x0  }
0x275: {  	[sflag:s19] =	ssyncadd.s32 $0xFFFFFF80  }
0x276: {  	[tilespmem:s22], [sflag:$0x1] =	stream.indirect.gather [hbm4b:s9+s21], $0x1, s14, s21, $0xb8;
	[tilespmem:$0x1280] =	vst v63  }
0x277: {  	_ =	swait.ge [sflag:s23], $0x80  }
0x278: {  	[sflag:s23] =	ssyncset.done $0x0  }
0x279: {  	[sflag:s23] =	ssyncadd.s32 $0xFFFFFF80  }
0x27a: {  	[spmem:s10] =	stream.indirect.scatter.add.f32 [tilespmem:s22], [sflag:$0x2], $0x1, s15, s21, $0xb8;
	[tilespmem:$0x1280] =	vst v63  }
0x27b: {  	_ =	swait.ge [sflag:s19], $0x80  }
0x27c: {  	[sflag:s19] =	ssyncset.done $0x0  }
0x27d: {  	[sflag:s19] =	ssyncadd.s32 $0xFFFFFF80  }
0x27e: {  	[tilespmem:s22], [sflag:$0x1] =	stream.indirect.gather [hbm4b:s11+s21], $0x1, s14, s21, $0xb8;
	[tilespmem:$0x1280] =	vst v63  }
0x27f: {  	_ =	swait.ge [sflag:s23], $0x80  }
0x280: {  	[sflag:s23] =	ssyncset.done $0x0  }
0x281: {  	[sflag:s23] =	ssyncadd.s32 $0xFFFFFF80  }
0x282: {  	[spmem:s12] =	stream.indirect.scatter.add.f32 [tilespmem:s22], [sflag:$0x2], $0x1, s15, s21, $0xb8;
	[tilespmem:$0x1280] =	vst v63  }
0x283: {  	_ =	swait.ge [sflag:s19], $0x80  }
0x284: {  	[sflag:s19] =	ssyncset.done $0x0  }
0x285: {  	[sflag:s19] =	ssyncadd.s32 $0xFFFFFF80  }
0x286: {  	s16 =	stileid.u32;
	[bflag:$0x0] =	sbarrier.arrive $0xFFFF  }
0x287: {  	s6 =	sshll.u32 s16, $0x6;
	s18 =	rddreg [dreg:$0x7]  }
0x288: {  	s6 =	sor.u32 $0x1C02, s6;
	s8 =	rddreg [dreg:$0xa];
	s7 =	sshrl.u32 s18, $0x3  }
0x289: {  	[hbm:s8], [sflag:s6] =	dma.local [spmem:s7], $0x50  }
0x28a: {  	_ =	swait.ge [sflag:s19], $0x50  }
0x28b: {  	[sflag:s19] =	ssyncset.done $0x0;
	s18 =	rddreg [dreg:$0x8]  }
0x28c: {  	s16 =	rddreg [dreg:$0xb];
	[sflag:s19] =	ssyncadd.s32 $0xFFFFFFB0;
	s8 =	sshrl.u32 s18, $0x3  }
0x28d: {  	[hbm:s16], [sflag:s6] =	dma.local [spmem:s8], $0x50  }
0x28e: {  	_ =	swait.ge [sflag:s19], $0x50  }
0x28f: {  	[sflag:s19] =	ssyncset.done $0x0;
	s8 =	rddreg [dreg:$0x9]  }
0x290: {  	s16 =	rddreg [dreg:$0xc];
	[sflag:s19] =	ssyncadd.s32 $0xFFFFFFB0;
	s7 =	sshrl.u32 s8, $0x3  }
0x291: {  	[hbm:s16], [sflag:s6] =	dma.local [spmem:s7], $0x50  }
0x292: {  	s16 =	rddreg [dreg:$0x7];
	_ =	swait.ge [sflag:s19], $0x50  }
0x293: {  	s6 =	rddreg [dreg:$0xe]  }
0x294: {  	s7 =	sadd.s32 $0x1, s6;
	s6 =	rddreg [dreg:$0xd]  }
0x295: {  	p0 =	sne.s32 s7, s6  }
.Ltmp1:
0x296: {  	_ = 	snop;
	(pc) =	sbr.rel @p0 .LBB2_1-.Ltmp1, $3  }
0x297: {  	_ =	sdelay $0x1  }
0x298: {  	[sflag:s19] =	ssyncset.done $0x0  }
0x299: {  	[sflag:s19] =	ssyncadd.s32 $0xFFFFFFB0  }
0x29a: {  	_ =	sfence.sel $0x180000  }
0x29b: {  	[bflag:$0x0] =	sbarrier.arrive $0xFFFF  }
0x29c: {  	_ =	strace $0x9000004A  }
0x29d: {  	s0 =	stileid.u32;
	[bflag:$0x2] =	sbarrier.arrive $0xFFFF  }
0x29e: {  	p0 =	sne.s32 s0, $0x0;
	s0 =	rddreg [dreg:$0x4]  }
0x29f: {  	s0 =	sadd.s32 @!p0 $0x100000, s0  }
0x2a0: {  	[sflag:s0] =	ssyncadd.tile.s32 @!p0 $0x1;
	_ =	shalt  }
.Lfunc_end2:
_tile_overlayer_lowered:
.L_overlay_start_2:
0x2a1: {  	(tag) =	ssettag $0x2  }
0x2a2: {  	s0 =	rddreg [dreg:$0x0];
	s2 =	stileid.u32  }
0x2a3: {  	s1 =	rddreg [dreg:$0x1];
	p0 =	sne.s32 s2, $0x0  }
0x2a4: {  	s3 =	rddreg [dreg:$0x2];
	[bflag:$0x3] =	sbarrier.arrive $0xFFFF;
	s2 =	simm.s32 @!p0 $0x1C02  }
0x2a5: {  	[timem:s3], [sflag:s2] =	dma.local @!p0 [hbm:s0], s1  }
0x2a6: {  	s0 =	simm.s32 @!p0 $0x2  }
0x2a7: {  	_ =	swait.ge @!p0 [sflag:s0], s1  }
0x2a8: {  	s1 =	ssub.s32 @!p0 $0x0, s1;
	[sflag:s0] =	ssyncset.done @!p0 $0x0  }
0x2a9: {  	[sflag:s0] =	ssyncadd.s32 @!p0 s1  }
0x2aa: {  	[bflag:$0x3] =	sbarrier.arrive $0xFFFF  }
0x2ab: {  	_ =	shalt  }

// kernel: kernel.7.cloned.1.call-start
scs
__scs_entry_jumppad:
0x0: {  	(pc) =	sbr.rel $0x88, $3  }
0x1: {  	(tag) =	ssettag $0x0;
	lr =	simm.s32 $0x1  }
0x2: {  	[smem:$0x3F8E] =	sst lr;
	_ =	strace $0xD0000000  }
0x3: {  	_ = 	snop  }
0x4: {  	_ = 	snop  }
0x5: {  	_ = 	snop  }
0x6: {  	_ = 	snop  }
0x7: {  	_ = 	snop  }
__scs_overlays_trampoline_lowered:
0x8: {  	[smem:$0x3F9D] =	sst s0  }
0x9: {  	[smem:$0x3F9E] =	sst s1  }
0xa: {  	[smem:$0x3F9F] =	sst s2  }
0xb: {  	[smem:$0x3FA0] =	sst s3  }
0xc: {  	[smem:$0x3FA1] =	sst s4  }
0xd: {  	[smem:$0x3FA2] =	sst s5  }
0xe: {  	[smem:$0x3FA3] =	sst s6  }
0xf: {  	[smem:$0x3FA4] =	sst s7  }
0x10: {  	[smem:$0x3FA5] =	sst s8  }
0x11: {  	[smem:$0x3FA6] =	sst s9;
	s0 =	simm.s32 @!p0 $0x0  }
0x12: {  	s1 =	sld [smem:$0x3F8C];
	s0 =	simm.s32 @p0 $0x1  }
0x13: {  	[smem:$0x3FA7] =	sst s0;
	s0 =	simm.s32 @!p1 $0x0  }
0x14: {  	s2 =	sld [smem:$0x3F8B];
	s0 =	simm.s32 @p1 $0x1  }
0x15: {  	[smem:$0x3FA8] =	sst s0;
	s0 =	simm.s32 @!p2 $0x0  }
0x16: {  	s3 =	sld [smem:$0x3FDB];
	s0 =	simm.s32 @p2 $0x1  }
0x17: {  	s4 =	simm.s32 $0x1BF5;
	[smem:$0x3FAA] =	sst s0  }
0x18: {  	s0 =	sld [smem:$0x3F8D];
	_ =	swait.ge [sflag:s4], $0x0  }
0x19: {  	s7 =	sld [smem:$0x3F8E]  }
0x1a: {  	s8 =	sadd.s32 $0xFFFFE003, lr  }
0x1b: {  	s9 =	sadd.s32 $0xFFFFFEF7, lr;
	s5 =	simm.s32 $0xFFFFFFFF;
	p2 =	slt.u32 s8, $0xFFFFF086  }
0x1c: {  	p1 =	slt.u32 s9, $0xF7A;
	s5 =	simm.s32 @!p2 $0x0  }
0x1d: {  	s5 =	simm.s32 @p1 $0x1;
	p0 =	seq.s32 s7, s2  }
0x1e: {  	s7 =	smul.u32 @!p0 $0xF7A, s2;
	p2 =	seq.s32 @!p0 s5, $0x0  }
0x1f: {  	s9 =	smul.u32 $0xF7A, s1;
	s8 =	simm.s32 @!p0 $0x1BF5;
	p2 =	por !p2, p0  }
0x20: {  	[sflag:s8] =	ssyncset.s32 @!p0 $0xFFFFF086;
	s6 =	sadd.s32 @!p0 s3, s7;
	s7 =	simm.s32 @!p0 $0x108  }
0x21: {  	s3 =	sadd.s32 s3, s9;
	s6 =	sadd.s32 @!p0 $0x88, s6;
	s7 =	simm.s32 @p2 $0x1082  }
0x22: {  	[simem:s7], [sflag:s8] =	dma.local @!p0 [hbm:s6], $0xF7A  }
0x23: {  	s9 =	sor.u32 $0xD0000000, s2;
	s6 =	simm.s32 $0x108;
	_ =	swait.ge @!p0 [sflag:s8], $0x0  }
0x24: {  	s3 =	sadd.s32 $0x88, s3;
	s6 =	simm.s32 @!p1 $0x1082;
	[sflag:s4] =	ssyncset.s32 $0xFFFFF086  }
0x25: {  	[simem:s6], [sflag:s4] =	dma.local [hbm:s3], $0xF7A  }
0x26: {  	[smem:$0x3F8E] =	sst s1;
	(tag) =	ssettag s2;
	_ =	strace s9  }
0x27: {  	s1 =	sld [smem:$0x3F9E]  }
0x28: {  	s2 =	sld [smem:$0x3F9F]  }
0x29: {  	s4 =	sld [smem:$0x3FA1]  }
0x2a: {  	p0 =	seq.s32 s5, $0x0;
	s5 =	sld [smem:$0x3FA2]  }
0x2b: {  	s6 =	sld [smem:$0x3FA3]  }
0x2c: {  	s7 =	sld [smem:$0x3FA4]  }
0x2d: {  	s3 =	simm.s32 $0x108;
	s8 =	sld [smem:$0x3FA5]  }
0x2e: {  	s3 =	simm.s32 @!p0 $0x1082;
	s9 =	sld [smem:$0x3FA6]  }
0x2f: {  	lr =	sadd.s32 s0, s3;
	s0 =	sld [smem:$0x3F9D]  }
0x30: {  	s3 =	sld [smem:$0x3FA0]  }
0x31: {  	[smem:$0x3FA9] =	sst s10  }
0x32: {  	s10 =	sld [smem:$0x3FA7];
	_ =	sdelay $0x3  }
0x33: {  	p0 =	seq.s32 s10, $0x1;
	s10 =	sld [smem:$0x3FA9];
	_ =	sdelay $0x3  }
0x34: {  	[smem:$0x3FA9] =	sst s10  }
0x35: {  	s10 =	sld [smem:$0x3FA8];
	_ =	sdelay $0x3  }
0x36: {  	p1 =	seq.s32 s10, $0x1;
	s10 =	sld [smem:$0x3FA9];
	_ =	sdelay $0x3  }
0x37: {  	[smem:$0x3FA9] =	sst s10  }
0x38: {  	s10 =	sld [smem:$0x3FAA]  }
0x39: {  	_ = 	snop;
	(pc) =	sbr.ind lr, $3  }
0x3a: {  	_ = 	snop  }
0x3b: {  	_ = 	snop  }
0x3c: {  	p2 =	seq.s32 s10, $0x1;
	s10 =	sld [smem:$0x3FA9]  }
0x3d: {  	_ =	shalt  }
0x3e: {  	_ =	shalt  }
0x3f: {  	_ =	shalt  }
0x40: {  	_ =	shalt  }
0x41: {  	_ =	shalt  }
0x42: {  	_ =	shalt  }
0x43: {  	_ =	shalt  }
0x44: {  	_ =	shalt  }
0x45: {  	_ =	shalt  }
0x46: {  	_ =	shalt  }
0x47: {  	_ =	shalt  }
0x48: {  	_ =	shalt  }
0x49: {  	_ =	shalt  }
0x4a: {  	_ =	shalt  }
0x4b: {  	_ =	shalt  }
0x4c: {  	_ =	shalt  }
0x4d: {  	_ =	shalt  }
0x4e: {  	_ =	shalt  }
0x4f: {  	_ =	shalt  }
0x50: {  	_ =	shalt  }
0x51: {  	_ =	shalt  }
0x52: {  	_ =	shalt  }
0x53: {  	_ =	shalt  }
0x54: {  	_ =	shalt  }
0x55: {  	_ =	shalt  }
0x56: {  	_ =	shalt  }
0x57: {  	_ =	shalt  }
0x58: {  	_ =	shalt  }
0x59: {  	_ =	shalt  }
0x5a: {  	_ =	shalt  }
0x5b: {  	_ =	shalt  }
0x5c: {  	_ =	shalt  }
0x5d: {  	_ =	shalt  }
0x5e: {  	_ =	shalt  }
0x5f: {  	_ =	shalt  }
0x60: {  	_ =	shalt  }
0x61: {  	_ =	shalt  }
0x62: {  	_ =	shalt  }
0x63: {  	_ =	shalt  }
0x64: {  	_ =	shalt  }
0x65: {  	_ =	shalt  }
0x66: {  	_ =	shalt  }
0x67: {  	_ =	shalt  }
0x68: {  	_ =	shalt  }
0x69: {  	_ =	shalt  }
0x6a: {  	_ =	shalt  }
0x6b: {  	_ =	shalt  }
0x6c: {  	_ =	shalt  }
0x6d: {  	_ =	shalt  }
0x6e: {  	_ =	shalt  }
0x6f: {  	_ =	shalt  }
0x70: {  	_ =	shalt  }
0x71: {  	_ =	shalt  }
0x72: {  	_ =	shalt  }
0x73: {  	_ =	shalt  }
0x74: {  	_ =	shalt  }
0x75: {  	_ =	shalt  }
0x76: {  	_ =	shalt  }
0x77: {  	_ =	shalt  }
0x78: {  	_ =	shalt  }
0x79: {  	_ =	shalt  }
0x7a: {  	_ =	shalt  }
0x7b: {  	_ =	shalt  }
0x7c: {  	_ =	shalt  }
0x7d: {  	_ =	shalt  }
0x7e: {  	_ =	shalt  }
0x7f: {  	_ =	shalt  }
0x80: {  	_ =	shalt  }
0x81: {  	_ =	shalt  }
0x82: {  	_ =	shalt  }
0x83: {  	_ =	shalt  }
0x84: {  	_ =	shalt  }
0x85: {  	_ =	shalt  }
0x86: {  	_ =	shalt  }
0x87: {  	_ =	shalt  }
.Lfunc_end0:
.L_simem_size_0:
called_computation_lowered:
.L_overlay_start_0:
0x88: {  	s2 =	sld [smem:$0x3FD9]  }
0x89: {  	s3 =	sld [smem:$0x3FFE];
	_ =	sdelay $0x1  }
0x8a: {  	s1 =	srdreg.scid  }
0x8b: {  	s0 =	sand.u32 $0x1, s1  }
0x8c: {  	s14 =	sshll.u32 s0, $0xA;
	s2 =	sadd.s32 s3, s2  }
0x8d: {  	s2 =	sadd.s32 s2, s14  }
0x8e: {  	[smem:$0x3FB5] =	sst s2  }
0x8f: {  	_ = 	snop  }
0x90: {  	s2 =	sld [smem:$0x3FD0];
	_ =	sdelay $0x2  }
0x91: {  	s15 =	simm.s32 $0xA;
	s4 =	simm.s32 $0x10  }
0x92: {  	[smem:s4], [sflag:s15] =	dma.local [hbm:s2], $0x1  }
0x93: {  	_ =	swait.eq [sflag:s15], $0x1  }
0x94: {  	s16 =	sld [smem:$0x13];
	[sflag:s15] =	ssyncset.done $0x0  }
0x95: {  	s17 =	sld [smem:$0x14];
	[sflag:s15] =	ssyncadd.s32 $0xFFFFFFFF  }
0x96: {  	s18 =	sld [smem:$0x15];
	(tm) =	ssettm $0x1  }
0x97: {  	s5 =	sld [smem:$0x3FFB];
	_ =	sdelay $0x3  }
0x98: {  	_ =	strace s5  }
0x99: {  	s5 =	sld [smem:$0x3FFC];
	_ =	sdelay $0x3  }
0x9a: {  	_ =	strace s5  }
0x9b: {  	s5 =	sld [smem:$0x3FFD];
	_ =	sdelay $0x3  }
0x9c: {  	_ =	strace s5  }
0x9d: {  	_ =	strace $0x8FFFFFFF  }
0x9e: {  	s19 =	sld [smem:$0x3FDB];
	_ =	sdelay $0x1  }
0x9f: {  	s6 =	simm.s32 $_scs_section_size  }
0xa0: {  	s7 =	simm.s32 $_size__tile_overlayer_lowered;
	s8 =	simm.s32 $_tile_overlayer_lowered  }
0xa1: {  	s22 =	simm.s32 $0x1BFF;
	s21 =	sshll.u32 s8, $0x1;
	s5 =	sadd.s32 s6, s19  }
0xa2: {  	s9 =	simm.s32 $0x0;
	s20 =	sshll.u32 s7, $0x1;
	s7 =	sadd.s32 s21, s5  }
0xa3: {  	[timem:s9], [sflag:s22] =	dma.local [hbm:s7], s20  }
0xa4: {  	_ =	swait.ge [sflag:s22], s20  }
0xa5: {  	s6 =	ssub.s32 $0x0, s20;
	[sflag:s22] =	ssyncset.done $0x0  }
0xa6: {  	[sflag:s22] =	ssyncadd.s32 s6;
	_ =	sdelay $0x1  }
0xa7: {  	s23 =	simm.s32 $0x1B8B  }
0xa8: {  	_ =	swait.ge [sflag:s23], $0x1  }
0xa9: {  	[sflag:s23] =	ssyncset.done $0x0  }
0xaa: {  	s25 =	simm.s32 $0x1B8E;
	s24 =	sld [smem:$0x3FFE];
	[sflag:s23] =	ssyncadd.s32 $0xFFFFFFFF  }
0xab: {  	s26 =	simm.s32 $execute0_lowered;
	[smem:$0x3FD2] =	sst s25  }
0xac: {  	s7 =	sshll.u32 s26, $0x1;
	_ =	strace $0x80000046;
	[dreg:$0x1] =	wrdreg $0xFFFFFFFF  }
0xad: {  	s28 =	simm.s32 $_size_execute0_lowered;
	s5 =	sadd.s32 s5, s7;
	[dreg:$0x0] =	wrdreg $0x0  }
0xae: {  	s7 =	sshll.u32 s28, $0x1;
	[dreg:$0x2] =	wrdreg s5  }
0xaf: {  	[dreg:$0x3] =	wrdreg s7  }
0xb0: {  	[dreg:$0x4] =	wrdreg $0xC0  }
0xb1: {  	_ =	task [dreg:s9], $0x5FFFF  }
0xb2: {  	[dreg:$0x1] =	wrdreg $0xFFFFFFFF  }
0xb3: {  	[dreg:$0x0] =	wrdreg $0x60  }
0xb4: {  	[dreg:$0x2] =	wrdreg s24  }
0xb5: {  	[dreg:$0x3] =	wrdreg s18  }
0xb6: {  	[dreg:$0x4] =	wrdreg s17  }
0xb7: {  	[dreg:$0x5] =	wrdreg s16  }
0xb8: {  	[dreg:$0x6] =	wrdreg $0x70000  }
0xb9: {  	[dreg:$0x7] =	wrdreg $0x9  }
0xba: {  	_ =	task.clear_ibuf [dreg:s9], $0x8FFFF;
	_ =	strace $0x90000046  }
0xbb: {  	s29 =	simm.s32 $0x9;
	_ =	strace $0x80000048  }
0xbc: {  	_ =	swait.ge [sflag:s29], $0x1  }
0xbd: {  	[sflag:s29] =	ssyncadd.s32 $0xFFFFFFFF  }
0xbe: {  	_ =	strace $0x90000048  }
0xbf: {  	_ =	sfence  }
0xc0: {  	s30 =	sld [smem:$0x0];
	_ =	sdelay $0x2  }
0xc1: {  	s31 =	sshll.u32 s1, $0xD;
	s1 =	sshrl.u32 s1, $0x2  }
0xc2: {  	s3 =	sand.u32 $0x4000, s31;
	s1 =	sadd.s32 s1, s30  }
0xc3: {  	s0 =	sor.u32 s3, s0;
	s1 =	sshll.u32 s1, $0x11  }
0xc4: {  	s0 =	sor.u32 s1, s0  }
0xc5: {  	s0 =	sadd.s32 $0x8F2B, s0  }
0xc6: {  	[sflag:s0] =	ssyncadd.remote.s32 $0x1  }
0xc7: {  	_ =	sfence.sel $0xFFFF  }
0xc8: {  	[dreg:$0x0] =	wrdreg $0xFFFFFFFF;
	(pc) =	sbr.abs _section_cstart, $3  }
0xc9: {  	[dreg:$0x1] =	wrdreg $0xFFFFFFFF  }
0xca: {  	_ =	task.clear_ibuf [dreg:s9], $0x2FFFF;
	_ =	strace $0x9FFFFFFF  }
0xcb: {  	(tm) =	ssettm $0x7FFFFFFF  }
tec
execute0_lowered:
.L_overlay_start_1:
0x0: {  	(tag) =	ssettag $0x1  }
0x1: {  	s0 =	rddreg [dreg:$0x0]  }
0x2: {  	s1 =	rddreg [dreg:$0x1]  }
0x3: {  	s2 =	rddreg [dreg:$0x2]  }
0x4: {  	s3 =	rddreg [dreg:$0x4]  }
0x5: {  	s12 =	stileid.u32;
	s4 =	simm.s32 $0x0;
	s5 =	srdreg.scid  }
0x6: {  	s28 =	simm.s32 $0x180;
	s29 =	simm.s32 $0x580;
	s6 =	smul.u32 $0x2800, s12  }
0x7: {  	s30 =	simm.s32 $0x200;
	s31 =	simm.s32 $0x600;
	s8 =	smul.u32 $0x50000, s12  }
0x8: {  	[smem:$0x7FF] =	sst s4;
	s7 =	sand.u32 $0x1, s5;
	s20 =	smul.u32 $0xA00, s12  }
0x9: {  	s5 =	sadd.s32 $0xD800, s0;
	_ =	strace $0x80000047;
	s9 =	smul.u32 $0x28000, s7  }
0xa: {  	s10 =	ssub.s32 $0x2, s7;
	s7 =	smul.u32 $0xA000, s7;
	s8 =	sshrl.u32 s8, $0x2  }
0xb: {  	s11 =	sshrl.u32 s10, $0x1;
	s9 =	sadd.s32 s6, s9;
	s6 =	sadd.s32 s8, s3  }
0xc: {  	s16 =	ssub.s32 s10, s11;
	s26 =	sadd.s32 s7, s1;
	s17 =	sadd.s32 $0x2800, s6  }
0xd: {  	s1 =	simm.s32 $0x300;
	s18 =	sadd.s32 $0x5000, s6;
	[dreg:$0x6] =	wrdreg s17  }
0xe: {  	s7 =	simm.s32 $0x700;
	s19 =	sadd.s32 $0x7800, s6;
	[dreg:$0x7] =	wrdreg s18  }
0xf: {  	s8 =	simm.s32 $0x380;
	s21 =	sadd.s32 $0xA000, s6;
	[dreg:$0x8] =	wrdreg s19  }
0x10: {  	s10 =	simm.s32 $0x0;
	s22 =	sadd.s32 $0xC800, s6;
	[dreg:$0x9] =	wrdreg s21  }
0x11: {  	s0 =	sadd.s32 s9, s0;
	s23 =	sadd.s32 $0xF000, s6;
	[dreg:$0xa] =	wrdreg s22  }
0x12: {  	s24 =	sadd.s32 $0x11800, s6;
	s25 =	smax.u32 s16, $0x1;
	[dreg:$0xb] =	wrdreg s23  }
0x13: {  	s16 =	sadd.s32 s20, s2;
	s2 =	simm.s32 $0x680;
	[dreg:$0xc] =	wrdreg s24  }
0x14: {  	s9 =	simm.s32 $0x780;
	s0 =	sadd.s32 $0x5BA00, s0;
	[dreg:$0xe] =	wrdreg s25  }
0x15: {  	s17 =	sadd.s32 s20, s26;
	s18 =	simm.s32 $0x4800;
	s19 =	simm.s32 $0x2  }
0x16: {  	s20 =	simm.s32 $0x400;
	s21 =	simm.s32 $0x80;
	s22 =	simm.s32 $0x800  }
0x17: {  	s23 =	simm.s32 $0x1;
	s24 =	simm.s32 $0x480;
	s25 =	simm.s32 $0x100  }
0x18: {  	s26 =	simm.s32 $0x500;
	[dreg:$0xd] =	wrdreg s0;
	s0 =	simm.s32 $0x280  }
.LBB2_1:
0x19: {  	s11 =	rddreg [dreg:$0x3]  }
0x1a: {  	[tilespmem:s18], [sflag:$0x2] =	stream.linear.gather [hbm4b:s11+s4], $0x2800, $0x38;
	[tilespmem:$0x1B000] =	vst v63  }
0x1b: {  	_ =	swait.ge [sflag:s19], $0x2800  }
0x1c: {  	[sflag:s19] =	ssyncset.done $0x0  }
0x1d: {  	[sflag:s19] =	ssyncadd.s32 $0xFFFFD800  }
0x1e: {  	[spmem:s6] =	stream.linear.scatter [tilespmem:s18], [sflag:$0x2], $0x2800, $0x38;
	[tilespmem:$0x1B000] =	vst v63  }
0x1f: {  	_ =	swait.ge [sflag:s19], $0x2800  }
0x20: {  	[sflag:s19] =	ssyncset.done $0x0  }
0x21: {  	s15 =	rddreg [dreg:$0x6];
	[sflag:s19] =	ssyncadd.s32 $0xFFFFD800  }
0x22: {  	[spmem:s15] =	stream.linear.scatter [tilespmem:s18], [sflag:$0x2], $0x2800, $0x38;
	[tilespmem:$0x1B000] =	vst v63  }
0x23: {  	_ =	swait.ge [sflag:s19], $0x2800  }
0x24: {  	[sflag:s19] =	ssyncset.done $0x0  }
0x25: {  	s12 =	rddreg [dreg:$0x7];
	[sflag:s19] =	ssyncadd.s32 $0xFFFFD800  }
0x26: {  	[spmem:s12] =	stream.linear.scatter [tilespmem:s18], [sflag:$0x2], $0x2800, $0x38;
	[tilespmem:$0x1B000] =	vst v63  }
0x27: {  	_ =	swait.ge [sflag:s19], $0x2800  }
0x28: {  	[sflag:s19] =	ssyncset.done $0x0  }
0x29: {  	s13 =	rddreg [dreg:$0x8];
	[sflag:s19] =	ssyncadd.s32 $0xFFFFD800  }
0x2a: {  	[spmem:s13] =	stream.linear.scatter [tilespmem:s18], [sflag:$0x2], $0x2800, $0x38;
	[tilespmem:$0x1B000] =	vst v63  }
0x2b: {  	_ =	swait.ge [sflag:s19], $0x2800  }
0x2c: {  	[sflag:s19] =	ssyncset.done $0x0  }
0x2d: {  	s14 =	rddreg [dreg:$0x9];
	[sflag:s19] =	ssyncadd.s32 $0xFFFFD800  }
0x2e: {  	[spmem:s14] =	stream.linear.scatter [tilespmem:s18], [sflag:$0x2], $0x2800, $0x38;
	[tilespmem:$0x1B000] =	vst v63  }
0x2f: {  	_ =	swait.ge [sflag:s19], $0x2800  }
0x30: {  	[sflag:s19] =	ssyncset.done $0x0  }
0x31: {  	s15 =	rddreg [dreg:$0xa];
	[sflag:s19] =	ssyncadd.s32 $0xFFFFD800  }
0x32: {  	[spmem:s15] =	stream.linear.scatter [tilespmem:s18], [sflag:$0x2], $0x2800, $0x38;
	[tilespmem:$0x1B000] =	vst v63  }
0x33: {  	_ =	swait.ge [sflag:s19], $0x2800  }
0x34: {  	[sflag:s19] =	ssyncset.done $0x0  }
0x35: {  	s12 =	rddreg [dreg:$0xb];
	[sflag:s19] =	ssyncadd.s32 $0xFFFFD800  }
0x36: {  	[spmem:s12] =	stream.linear.scatter [tilespmem:s18], [sflag:$0x2], $0x2800, $0x38;
	[tilespmem:$0x1B000] =	vst v63  }
0x37: {  	_ =	swait.ge [sflag:s19], $0x2800  }
0x38: {  	[sflag:s19] =	ssyncset.done $0x0  }
0x39: {  	s13 =	rddreg [dreg:$0xc];
	[sflag:s19] =	ssyncadd.s32 $0xFFFFD800  }
0x3a: {  	[spmem:s13] =	stream.linear.scatter [tilespmem:s18], [sflag:$0x2], $0x2800, $0x38;
	[tilespmem:$0x1B000] =	vst v63  }
0x3b: {  	_ =	swait.ge [sflag:s19], $0x2800  }
0x3c: {  	[sflag:s19] =	ssyncset.done $0x0  }
0x3d: {  	[sflag:s19] =	ssyncadd.s32 $0xFFFFD800  }
0x3e: {  	s14 =	sadd.s32 $0x0, s17;
	[bflag:$0x0] =	sbarrier.arrive $0xFFFF  }
0x3f: {  	[tilespmem:s4], [sflag:$0x2] =	stream.linear.gather [hbm4b:s14+s4], $0x400, $0x38;
	[tilespmem:$0x1B000] =	vst v63  }
0x40: {  	_ =	swait.ge [sflag:s19], $0x400  }
0x41: {  	[sflag:s19] =	ssyncset.done $0x0  }
0x42: {  	s15 =	sadd.s32 $0x0, s16;
	[sflag:s19] =	ssyncadd.s32 $0xFFFFFC00  }
0x43: {  	[tilespmem:s20], [sflag:$0x2] =	stream.linear.gather [hbm4b:s15+s4], $0x400, $0x38;
	[tilespmem:$0x1B000] =	vst v63  }
0x44: {  	_ =	swait.ge [sflag:s19], $0x400  }
0x45: {  	[sflag:s19] =	ssyncset.done $0x0  }
0x46: {  	[sflag:s19] =	ssyncadd.s32 $0xFFFFFC00  }
0x47: {  	[tilespmem:s22], [sflag:$0x1] =	stream.indirect.gather [hbm4b:s5+s21], $0x80, s4, s21, $0xb8;
	[tilespmem:$0x1B000] =	vst v63  }
0x48: {  	_ =	swait.ge [sflag:s23], $0x4000  }
0x49: {  	[sflag:s23] =	ssyncset.done $0x0  }
0x4a: {  	[sflag:s23] =	ssyncadd.s32 $0xFFFFC000  }
0x4b: {  	[spmem:s3] =	stream.indirect.scatter.add.f32 [tilespmem:s22], [sflag:$0x2], $0x80, s20, s21, $0xb8;
	[tilespmem:$0x1B000] =	vst v63  }
0x4c: {  	_ =	swait.ge [sflag:s19], $0x4000  }
0x4d: {  	[sflag:s19] =	ssyncset.done $0x0  }
0x4e: {  	[sflag:s19] =	ssyncadd.s32 $0xFFFFC000  }
0x4f: {  	[tilespmem:s22], [sflag:$0x1] =	stream.indirect.gather [hbm4b:s5+s21], $0x80, s21, s21, $0xb8;
	[tilespmem:$0x1B000] =	vst v63  }
0x50: {  	_ =	swait.ge [sflag:s23], $0x4000  }
0x51: {  	[sflag:s23] =	ssyncset.done $0x0  }
0x52: {  	[sflag:s23] =	ssyncadd.s32 $0xFFFFC000  }
0x53: {  	[spmem:s3] =	stream.indirect.scatter.add.f32 [tilespmem:s22], [sflag:$0x2], $0x80, s24, s21, $0xb8;
	[tilespmem:$0x1B000] =	vst v63  }
0x54: {  	_ =	swait.ge [sflag:s19], $0x4000  }
0x55: {  	[sflag:s19] =	ssyncset.done $0x0  }
0x56: {  	[sflag:s19] =	ssyncadd.s32 $0xFFFFC000  }
0x57: {  	[tilespmem:s22], [sflag:$0x1] =	stream.indirect.gather [hbm4b:s5+s21], $0x80, s25, s21, $0xb8;
	[tilespmem:$0x1B000] =	vst v63  }
0x58: {  	_ =	swait.ge [sflag:s23], $0x4000  }
0x59: {  	[sflag:s23] =	ssyncset.done $0x0  }
0x5a: {  	[sflag:s23] =	ssyncadd.s32 $0xFFFFC000  }
0x5b: {  	[spmem:s3] =	stream.indirect.scatter.add.f32 [tilespmem:s22], [sflag:$0x2], $0x80, s26, s21, $0xb8;
	[tilespmem:$0x1B000] =	vst v63  }
0x5c: {  	_ =	swait.ge [sflag:s19], $0x4000  }
0x5d: {  	[sflag:s19] =	ssyncset.done $0x0  }
0x5e: {  	[sflag:s19] =	ssyncadd.s32 $0xFFFFC000  }
0x5f: {  	[tilespmem:s22], [sflag:$0x1] =	stream.indirect.gather [hbm4b:s5+s21], $0x80, s28, s21, $0xb8;
	[tilespmem:$0x1B000] =	vst v63  }
0x60: {  	_ =	swait.ge [sflag:s23], $0x4000  }
0x61: {  	[sflag:s23] =	ssyncset.done $0x0  }
0x62: {  	[sflag:s23] =	ssyncadd.s32 $0xFFFFC000  }
0x63: {  	[spmem:s3] =	stream.indirect.scatter.add.f32 [tilespmem:s22], [sflag:$0x2], $0x80, s29, s21, $0xb8;
	[tilespmem:$0x1B000] =	vst v63  }
0x64: {  	_ =	swait.ge [sflag:s19], $0x4000  }
0x65: {  	[sflag:s19] =	ssyncset.done $0x0  }
0x66: {  	[sflag:s19] =	ssyncadd.s32 $0xFFFFC000  }
0x67: {  	[tilespmem:s22], [sflag:$0x1] =	stream.indirect.gather [hbm4b:s5+s21], $0x80, s30, s21, $0xb8;
	[tilespmem:$0x1B000] =	vst v63  }
0x68: {  	_ =	swait.ge [sflag:s23], $0x4000  }
0x69: {  	[sflag:s23] =	ssyncset.done $0x0  }
0x6a: {  	[sflag:s23] =	ssyncadd.s32 $0xFFFFC000  }
0x6b: {  	[spmem:s3] =	stream.indirect.scatter.add.f32 [tilespmem:s22], [sflag:$0x2], $0x80, s31, s21, $0xb8;
	[tilespmem:$0x1B000] =	vst v63  }
0x6c: {  	_ =	swait.ge [sflag:s19], $0x4000  }
0x6d: {  	[sflag:s19] =	ssyncset.done $0x0  }
0x6e: {  	[sflag:s19] =	ssyncadd.s32 $0xFFFFC000  }
0x6f: {  	[tilespmem:s22], [sflag:$0x1] =	stream.indirect.gather [hbm4b:s5+s21], $0x80, s0, s21, $0xb8;
	[tilespmem:$0x1B000] =	vst v63  }
0x70: {  	_ =	swait.ge [sflag:s23], $0x4000  }
0x71: {  	[sflag:s23] =	ssyncset.done $0x0  }
0x72: {  	[sflag:s23] =	ssyncadd.s32 $0xFFFFC000  }
0x73: {  	[spmem:s3] =	stream.indirect.scatter.add.f32 [tilespmem:s22], [sflag:$0x2], $0x80, s2, s21, $0xb8;
	[tilespmem:$0x1B000] =	vst v63  }
0x74: {  	_ =	swait.ge [sflag:s19], $0x4000  }
0x75: {  	[sflag:s19] =	ssyncset.done $0x0  }
0x76: {  	[sflag:s19] =	ssyncadd.s32 $0xFFFFC000  }
0x77: {  	[tilespmem:s22], [sflag:$0x1] =	stream.indirect.gather [hbm4b:s5+s21], $0x80, s1, s21, $0xb8;
	[tilespmem:$0x1B000] =	vst v63  }
0x78: {  	_ =	swait.ge [sflag:s23], $0x4000  }
0x79: {  	[sflag:s23] =	ssyncset.done $0x0  }
0x7a: {  	[sflag:s23] =	ssyncadd.s32 $0xFFFFC000  }
0x7b: {  	[spmem:s3] =	stream.indirect.scatter.add.f32 [tilespmem:s22], [sflag:$0x2], $0x80, s7, s21, $0xb8;
	[tilespmem:$0x1B000] =	vst v63  }
0x7c: {  	_ =	swait.ge [sflag:s19], $0x4000  }
0x7d: {  	[sflag:s19] =	ssyncset.done $0x0  }
0x7e: {  	[sflag:s19] =	ssyncadd.s32 $0xFFFFC000  }
0x7f: {  	[tilespmem:s22], [sflag:$0x1] =	stream.indirect.gather [hbm4b:s5+s21], $0x80, s8, s21, $0xb8;
	[tilespmem:$0x1B000] =	vst v63  }
0x80: {  	_ =	swait.ge [sflag:s23], $0x4000  }
0x81: {  	[sflag:s23] =	ssyncset.done $0x0  }
0x82: {  	[sflag:s23] =	ssyncadd.s32 $0xFFFFC000  }
0x83: {  	[spmem:s3] =	stream.indirect.scatter.add.f32 [tilespmem:s22], [sflag:$0x2], $0x80, s9, s21, $0xb8;
	[tilespmem:$0x1B000] =	vst v63  }
0x84: {  	_ =	swait.ge [sflag:s19], $0x4000  }
0x85: {  	s11 =	simm.s32 $0x80;
	s12 =	simm.s32 $0x100;
	[sflag:s19] =	ssyncset.done $0x0  }
.LBB2_2:
0x86: {  	s14 =	sadd.s32 s11, s17  }
0x87: {  	[sflag:s19] =	ssyncadd.s32 $0xFFFFC000;
	s15 =	smov.u32 s12;
	s13 =	sadd.s32 $0x80, s12  }
0x88: {  	[tilespmem:s4], [sflag:$0x2] =	stream.linear.gather [hbm4b:s14+s4], $0x400, $0x38;
	[tilespmem:$0x1B000] =	vst v63  }
0x89: {  	p0 =	sne.s32 s12, $0x980;
	_ =	swait.ge [sflag:s19], $0x400  }
0x8a: {  	[sflag:s19] =	ssyncset.done $0x0  }
0x8b: {  	s12 =	sadd.s32 s11, s16;
	s11 =	smov.u32 s15;
	[sflag:s19] =	ssyncadd.s32 $0xFFFFFC00  }
0x8c: {  	[tilespmem:s20], [sflag:$0x2] =	stream.linear.gather [hbm4b:s12+s4], $0x400, $0x38;
	[tilespmem:$0x1B000] =	vst v63  }
0x8d: {  	_ =	swait.ge [sflag:s19], $0x400  }
0x8e: {  	[sflag:s19] =	ssyncset.done $0x0  }
0x8f: {  	[sflag:s19] =	ssyncadd.s32 $0xFFFFFC00  }
0x90: {  	[tilespmem:s22], [sflag:$0x1] =	stream.indirect.gather [hbm4b:s5+s21], $0x80, s4, s21, $0xb8;
	[tilespmem:$0x1B000] =	vst v63  }
0x91: {  	_ =	swait.ge [sflag:s23], $0x4000  }
0x92: {  	[sflag:s23] =	ssyncset.done $0x0  }
0x93: {  	[sflag:s23] =	ssyncadd.s32 $0xFFFFC000  }
0x94: {  	[spmem:s3] =	stream.indirect.scatter.add.f32 [tilespmem:s22], [sflag:$0x2], $0x80, s20, s21, $0xb8;
	[tilespmem:$0x1B000] =	vst v63  }
0x95: {  	_ =	swait.ge [sflag:s19], $0x4000  }
0x96: {  	[sflag:s19] =	ssyncset.done $0x0  }
0x97: {  	[sflag:s19] =	ssyncadd.s32 $0xFFFFC000  }
0x98: {  	[tilespmem:s22], [sflag:$0x1] =	stream.indirect.gather [hbm4b:s5+s21], $0x80, s21, s21, $0xb8;
	[tilespmem:$0x1B000] =	vst v63  }
0x99: {  	_ =	swait.ge [sflag:s23], $0x4000  }
0x9a: {  	[sflag:s23] =	ssyncset.done $0x0  }
0x9b: {  	[sflag:s23] =	ssyncadd.s32 $0xFFFFC000  }
0x9c: {  	[spmem:s3] =	stream.indirect.scatter.add.f32 [tilespmem:s22], [sflag:$0x2], $0x80, s24, s21, $0xb8;
	[tilespmem:$0x1B000] =	vst v63  }
0x9d: {  	_ =	swait.ge [sflag:s19], $0x4000  }
0x9e: {  	[sflag:s19] =	ssyncset.done $0x0  }
0x9f: {  	[sflag:s19] =	ssyncadd.s32 $0xFFFFC000  }
0xa0: {  	[tilespmem:s22], [sflag:$0x1] =	stream.indirect.gather [hbm4b:s5+s21], $0x80, s25, s21, $0xb8;
	[tilespmem:$0x1B000] =	vst v63  }
0xa1: {  	_ =	swait.ge [sflag:s23], $0x4000  }
0xa2: {  	[sflag:s23] =	ssyncset.done $0x0  }
0xa3: {  	[sflag:s23] =	ssyncadd.s32 $0xFFFFC000  }
0xa4: {  	[spmem:s3] =	stream.indirect.scatter.add.f32 [tilespmem:s22], [sflag:$0x2], $0x80, s26, s21, $0xb8;
	[tilespmem:$0x1B000] =	vst v63  }
0xa5: {  	_ =	swait.ge [sflag:s19], $0x4000  }
0xa6: {  	[sflag:s19] =	ssyncset.done $0x0  }
0xa7: {  	[sflag:s19] =	ssyncadd.s32 $0xFFFFC000  }
0xa8: {  	[tilespmem:s22], [sflag:$0x1] =	stream.indirect.gather [hbm4b:s5+s21], $0x80, s28, s21, $0xb8;
	[tilespmem:$0x1B000] =	vst v63  }
0xa9: {  	_ =	swait.ge [sflag:s23], $0x4000  }
0xaa: {  	[sflag:s23] =	ssyncset.done $0x0  }
0xab: {  	[sflag:s23] =	ssyncadd.s32 $0xFFFFC000  }
0xac: {  	[spmem:s3] =	stream.indirect.scatter.add.f32 [tilespmem:s22], [sflag:$0x2], $0x80, s29, s21, $0xb8;
	[tilespmem:$0x1B000] =	vst v63  }
0xad: {  	_ =	swait.ge [sflag:s19], $0x4000  }
0xae: {  	[sflag:s19] =	ssyncset.done $0x0  }
0xaf: {  	[sflag:s19] =	ssyncadd.s32 $0xFFFFC000  }
0xb0: {  	[tilespmem:s22], [sflag:$0x1] =	stream.indirect.gather [hbm4b:s5+s21], $0x80, s30, s21, $0xb8;
	[tilespmem:$0x1B000] =	vst v63  }
0xb1: {  	_ =	swait.ge [sflag:s23], $0x4000  }
0xb2: {  	[sflag:s23] =	ssyncset.done $0x0  }
0xb3: {  	[sflag:s23] =	ssyncadd.s32 $0xFFFFC000  }
0xb4: {  	[spmem:s3] =	stream.indirect.scatter.add.f32 [tilespmem:s22], [sflag:$0x2], $0x80, s31, s21, $0xb8;
	[tilespmem:$0x1B000] =	vst v63  }
0xb5: {  	_ =	swait.ge [sflag:s19], $0x4000  }
0xb6: {  	[sflag:s19] =	ssyncset.done $0x0  }
0xb7: {  	[sflag:s19] =	ssyncadd.s32 $0xFFFFC000  }
0xb8: {  	[tilespmem:s22], [sflag:$0x1] =	stream.indirect.gather [hbm4b:s5+s21], $0x80, s0, s21, $0xb8;
	[tilespmem:$0x1B000] =	vst v63  }
0xb9: {  	_ =	swait.ge [sflag:s23], $0x4000  }
0xba: {  	[sflag:s23] =	ssyncset.done $0x0  }
0xbb: {  	[sflag:s23] =	ssyncadd.s32 $0xFFFFC000  }
0xbc: {  	[spmem:s3] =	stream.indirect.scatter.add.f32 [tilespmem:s22], [sflag:$0x2], $0x80, s2, s21, $0xb8;
	[tilespmem:$0x1B000] =	vst v63  }
0xbd: {  	_ =	swait.ge [sflag:s19], $0x4000  }
0xbe: {  	[sflag:s19] =	ssyncset.done $0x0  }
0xbf: {  	[sflag:s19] =	ssyncadd.s32 $0xFFFFC000  }
0xc0: {  	[tilespmem:s22], [sflag:$0x1] =	stream.indirect.gather [hbm4b:s5+s21], $0x80, s1, s21, $0xb8;
	[tilespmem:$0x1B000] =	vst v63  }
0xc1: {  	_ =	swait.ge [sflag:s23], $0x4000  }
0xc2: {  	[sflag:s23] =	ssyncset.done $0x0  }
0xc3: {  	[sflag:s23] =	ssyncadd.s32 $0xFFFFC000  }
0xc4: {  	[spmem:s3] =	stream.indirect.scatter.add.f32 [tilespmem:s22], [sflag:$0x2], $0x80, s7, s21, $0xb8;
	[tilespmem:$0x1B000] =	vst v63  }
0xc5: {  	_ =	swait.ge [sflag:s19], $0x4000  }
0xc6: {  	[sflag:s19] =	ssyncset.done $0x0  }
0xc7: {  	[sflag:s19] =	ssyncadd.s32 $0xFFFFC000  }
0xc8: {  	[tilespmem:s22], [sflag:$0x1] =	stream.indirect.gather [hbm4b:s5+s21], $0x80, s8, s21, $0xb8;
	[tilespmem:$0x1B000] =	vst v63  }
0xc9: {  	_ =	swait.ge [sflag:s23], $0x4000  }
.Ltmp0:
0xca: {  	[sflag:s23] =	ssyncset.done $0x0;
	(pc) =	sbr.rel @p0 .LBB2_2-.Ltmp0, $4  }
0xcb: {  	[sflag:s23] =	ssyncadd.s32 $0xFFFFC000  }
0xcc: {  	[spmem:s3] =	stream.indirect.scatter.add.f32 [tilespmem:s22], [sflag:$0x2], $0x80, s9, s21, $0xb8;
	[tilespmem:$0x1B000] =	vst v63  }
0xcd: {  	_ =	swait.ge [sflag:s19], $0x4000  }
0xce: {  	s12 =	smov.u32 s13;
	[sflag:s19] =	ssyncset.done $0x0  }
0xcf: {  	s12 =	sadd.s32 s11, s17;
	[sflag:s19] =	ssyncadd.s32 $0xFFFFC000  }
0xd0: {  	[tilespmem:s4], [sflag:$0x2] =	stream.linear.gather [hbm4b:s12+s4], $0x400, $0x38;
	[tilespmem:$0x1B000] =	vst v63  }
0xd1: {  	_ =	swait.ge [sflag:s19], $0x400  }
0xd2: {  	[sflag:s19] =	ssyncset.done $0x0  }
0xd3: {  	s12 =	sadd.s32 s11, s16;
	[sflag:s19] =	ssyncadd.s32 $0xFFFFFC00  }
0xd4: {  	[tilespmem:s20], [sflag:$0x2] =	stream.linear.gather [hbm4b:s12+s4], $0x400, $0x38;
	[tilespmem:$0x1B000] =	vst v63  }
0xd5: {  	_ =	swait.ge [sflag:s19], $0x400  }
0xd6: {  	[sflag:s19] =	ssyncset.done $0x0  }
0xd7: {  	[sflag:s19] =	ssyncadd.s32 $0xFFFFFC00  }
0xd8: {  	[tilespmem:s22], [sflag:$0x1] =	stream.indirect.gather [hbm4b:s5+s21], $0x80, s4, s21, $0xb8;
	[tilespmem:$0x1B000] =	vst v63  }
0xd9: {  	_ =	swait.ge [sflag:s23], $0x4000  }
0xda: {  	[sflag:s23] =	ssyncset.done $0x0  }
0xdb: {  	[sflag:s23] =	ssyncadd.s32 $0xFFFFC000  }
0xdc: {  	[spmem:s3] =	stream.indirect.scatter.add.f32 [tilespmem:s22], [sflag:$0x2], $0x80, s20, s21, $0xb8;
	[tilespmem:$0x1B000] =	vst v63  }
0xdd: {  	_ =	swait.ge [sflag:s19], $0x4000  }
0xde: {  	[sflag:s19] =	ssyncset.done $0x0  }
0xdf: {  	[sflag:s19] =	ssyncadd.s32 $0xFFFFC000  }
0xe0: {  	[tilespmem:s22], [sflag:$0x1] =	stream.indirect.gather [hbm4b:s5+s21], $0x80, s21, s21, $0xb8;
	[tilespmem:$0x1B000] =	vst v63  }
0xe1: {  	_ =	swait.ge [sflag:s23], $0x4000  }
0xe2: {  	[sflag:s23] =	ssyncset.done $0x0  }
0xe3: {  	[sflag:s23] =	ssyncadd.s32 $0xFFFFC000  }
0xe4: {  	[spmem:s3] =	stream.indirect.scatter.add.f32 [tilespmem:s22], [sflag:$0x2], $0x80, s24, s21, $0xb8;
	[tilespmem:$0x1B000] =	vst v63  }
0xe5: {  	_ =	swait.ge [sflag:s19], $0x4000  }
0xe6: {  	[sflag:s19] =	ssyncset.done $0x0  }
0xe7: {  	[sflag:s19] =	ssyncadd.s32 $0xFFFFC000  }
0xe8: {  	[tilespmem:s22], [sflag:$0x1] =	stream.indirect.gather [hbm4b:s5+s21], $0x80, s25, s21, $0xb8;
	[tilespmem:$0x1B000] =	vst v63  }
0xe9: {  	_ =	swait.ge [sflag:s23], $0x4000  }
0xea: {  	[sflag:s23] =	ssyncset.done $0x0  }
0xeb: {  	[sflag:s23] =	ssyncadd.s32 $0xFFFFC000  }
0xec: {  	[spmem:s3] =	stream.indirect.scatter.add.f32 [tilespmem:s22], [sflag:$0x2], $0x80, s26, s21, $0xb8;
	[tilespmem:$0x1B000] =	vst v63  }
0xed: {  	_ =	swait.ge [sflag:s19], $0x4000  }
0xee: {  	[sflag:s19] =	ssyncset.done $0x0  }
0xef: {  	[sflag:s19] =	ssyncadd.s32 $0xFFFFC000  }
0xf0: {  	[tilespmem:s22], [sflag:$0x1] =	stream.indirect.gather [hbm4b:s5+s21], $0x80, s28, s21, $0xb8;
	[tilespmem:$0x1B000] =	vst v63  }
0xf1: {  	_ =	swait.ge [sflag:s23], $0x4000  }
0xf2: {  	[sflag:s23] =	ssyncset.done $0x0  }
0xf3: {  	[sflag:s23] =	ssyncadd.s32 $0xFFFFC000  }
0xf4: {  	[spmem:s3] =	stream.indirect.scatter.add.f32 [tilespmem:s22], [sflag:$0x2], $0x80, s29, s21, $0xb8;
	[tilespmem:$0x1B000] =	vst v63  }
0xf5: {  	_ =	swait.ge [sflag:s19], $0x4000  }
0xf6: {  	[sflag:s19] =	ssyncset.done $0x0  }
0xf7: {  	[sflag:s19] =	ssyncadd.s32 $0xFFFFC000  }
0xf8: {  	[tilespmem:s22], [sflag:$0x1] =	stream.indirect.gather [hbm4b:s5+s21], $0x80, s30, s21, $0xb8;
	[tilespmem:$0x1B000] =	vst v63  }
0xf9: {  	_ =	swait.ge [sflag:s23], $0x4000  }
0xfa: {  	[sflag:s23] =	ssyncset.done $0x0  }
0xfb: {  	[sflag:s23] =	ssyncadd.s32 $0xFFFFC000  }
0xfc: {  	[spmem:s3] =	stream.indirect.scatter.add.f32 [tilespmem:s22], [sflag:$0x2], $0x80, s31, s21, $0xb8;
	[tilespmem:$0x1B000] =	vst v63  }
0xfd: {  	_ =	swait.ge [sflag:s19], $0x4000  }
0xfe: {  	[sflag:s19] =	ssyncset.done $0x0  }
0xff: {  	[sflag:s19] =	ssyncadd.s32 $0xFFFFC000  }
0x100: {  	[tilespmem:s22], [sflag:$0x1] =	stream.indirect.gather [hbm4b:s5+s21], $0x80, s0, s21, $0xb8;
	[tilespmem:$0x1B000] =	vst v63  }
0x101: {  	_ =	swait.ge [sflag:s23], $0x4000  }
0x102: {  	[sflag:s23] =	ssyncset.done $0x0  }
0x103: {  	[sflag:s23] =	ssyncadd.s32 $0xFFFFC000  }
0x104: {  	[spmem:s3] =	stream.indirect.scatter.add.f32 [tilespmem:s22], [sflag:$0x2], $0x80, s2, s21, $0xb8;
	[tilespmem:$0x1B000] =	vst v63  }
0x105: {  	_ =	swait.ge [sflag:s19], $0x4000  }
0x106: {  	[sflag:s19] =	ssyncset.done $0x0  }
0x107: {  	[sflag:s19] =	ssyncadd.s32 $0xFFFFC000  }
0x108: {  	[tilespmem:s22], [sflag:$0x1] =	stream.indirect.gather [hbm4b:s5+s21], $0x80, s1, s21, $0xb8;
	[tilespmem:$0x1B000] =	vst v63  }
0x109: {  	_ =	swait.ge [sflag:s23], $0x4000  }
0x10a: {  	[sflag:s23] =	ssyncset.done $0x0  }
0x10b: {  	[sflag:s23] =	ssyncadd.s32 $0xFFFFC000  }
0x10c: {  	[spmem:s3] =	stream.indirect.scatter.add.f32 [tilespmem:s22], [sflag:$0x2], $0x80, s7, s21, $0xb8;
	[tilespmem:$0x1B000] =	vst v63  }
0x10d: {  	_ =	swait.ge [sflag:s19], $0x4000  }
0x10e: {  	[sflag:s19] =	ssyncset.done $0x0  }
0x10f: {  	[sflag:s19] =	ssyncadd.s32 $0xFFFFC000  }
0x110: {  	[tilespmem:s22], [sflag:$0x1] =	stream.indirect.gather [hbm4b:s5+s21], $0x80, s8, s21, $0xb8;
	[tilespmem:$0x1B000] =	vst v63  }
0x111: {  	_ =	swait.ge [sflag:s23], $0x4000  }
0x112: {  	[sflag:s23] =	ssyncset.done $0x0  }
0x113: {  	[sflag:s23] =	ssyncadd.s32 $0xFFFFC000  }
0x114: {  	[spmem:s3] =	stream.indirect.scatter.add.f32 [tilespmem:s22], [sflag:$0x2], $0x80, s9, s21, $0xb8;
	[tilespmem:$0x1B000] =	vst v63  }
0x115: {  	_ =	swait.ge [sflag:s19], $0x4000  }
0x116: {  	[sflag:s19] =	ssyncset.done $0x0  }
0x117: {  	s13 =	stileid.u32;
	[sflag:s19] =	ssyncadd.s32 $0xFFFFC000  }
0x118: {  	s11 =	sshll.u32 s13, $0x6;
	[bflag:$0x0] =	sbarrier.arrive $0xFFFF  }
0x119: {  	s14 =	sshrl.u32 s6, $0x3;
	s11 =	sor.u32 $0x1C02, s11;
	s13 =	rddreg [dreg:$0xd]  }
0x11a: {  	[hbm:s13], [sflag:s11] =	dma.local [spmem:s14], $0x2800  }
0x11b: {  	_ =	swait.ge [sflag:s19], $0x2800  }
0x11c: {  	s10 =	sadd.s32 $0x1, s10;
	s15 =	rddreg [dreg:$0xe]  }
0x11d: {  	p0 =	sne.s32 s10, s15  }
.Ltmp1:
0x11e: {  	_ = 	snop;
	(pc) =	sbr.rel @p0 .LBB2_1-.Ltmp1, $3  }
0x11f: {  	_ =	sdelay $0x1  }
0x120: {  	[sflag:s19] =	ssyncset.done $0x0  }
0x121: {  	[sflag:s19] =	ssyncadd.s32 $0xFFFFD800  }
0x122: {  	_ =	sfence.sel $0x180000  }
0x123: {  	[bflag:$0x0] =	sbarrier.arrive $0xFFFF  }
0x124: {  	_ =	strace $0x90000047  }
0x125: {  	s0 =	stileid.u32;
	[bflag:$0x2] =	sbarrier.arrive $0xFFFF  }
0x126: {  	p0 =	sne.s32 s0, $0x0;
	s0 =	rddreg [dreg:$0x5]  }
0x127: {  	s0 =	sadd.s32 @!p0 $0x100000, s0  }
0x128: {  	[sflag:s0] =	ssyncadd.tile.s32 @!p0 $0x1;
	_ =	shalt  }
.Lfunc_end2:
_tile_overlayer_lowered:
.L_overlay_start_2:
0x129: {  	(tag) =	ssettag $0x2  }
0x12a: {  	s0 =	rddreg [dreg:$0x0];
	s2 =	stileid.u32  }
0x12b: {  	s1 =	rddreg [dreg:$0x1];
	p0 =	sne.s32 s2, $0x0  }
0x12c: {  	s3 =	rddreg [dreg:$0x2];
	[bflag:$0x3] =	sbarrier.arrive $0xFFFF;
	s2 =	simm.s32 @!p0 $0x1C02  }
0x12d: {  	[timem:s3], [sflag:s2] =	dma.local @!p0 [hbm:s0], s1  }
0x12e: {  	s0 =	simm.s32 @!p0 $0x2  }
0x12f: {  	_ =	swait.ge @!p0 [sflag:s0], s1  }
0x130: {  	s1 =	ssub.s32 @!p0 $0x0, s1;
	[sflag:s0] =	ssyncset.done @!p0 $0x0  }
0x131: {  	[sflag:s0] =	ssyncadd.s32 @!p0 s1  }
0x132: {  	[bflag:$0x3] =	sbarrier.arrive $0xFFFF  }
0x133: {  	_ =	shalt  }

</sc_bundles>
